<compile_context>
chip_gen: v7x
topology: tpu7x:2x2x1
jax: 0.10.2.dev20260603
libtpu: 0.0.44.dev20260713+nightly
codegen_flags: <defaults>
</compile_context>

<pallas_src>
import functools

import jax
import jax.numpy as jnp
from jax import lax
from jax.experimental import pallas as pl
from jax.experimental.pallas import tpu as pltpu
from jax.experimental.pallas import tpu_sc as plsc

N = 10000
E = 320000
D = 128
H = 64
G = 100
NPG = 100
EPS = 1e-3

NUM_CORES = 2
NUM_SUBCORES = 16
CH = 128
NROWS = E // CH
NCF = 80
NCL = NROWS - 31 * NCF
ZR = N // NUM_SUBCORES
ZRC = ZR // 5


NBUF = 4


def _pipe(h_hbm, a_hbm, src2_v, dst2_v, rows, gsem, ssem,
          acc_sh, base, nchunk):
    pltpu.sync_copy(a_hbm.at[0, pl.ds(base, nchunk)],
                    src2_v.at[pl.ds(0, nchunk)])
    pltpu.sync_copy(a_hbm.at[1, pl.ds(base, nchunk)],
                    dst2_v.at[pl.ds(0, nchunk)])
    for b in range(NBUF):
        pltpu.async_copy(h_hbm.at[src2_v.at[b]], rows[b], gsem[b])

    def body(k, carry):
        j0 = NBUF * k
        for b in range(NBUF):
            j = j0 + b
            pltpu.make_async_copy(h_hbm.at[src2_v.at[j]], rows[b],
                                  gsem[b]).wait()
            pltpu.async_copy(rows[b], acc_sh.at[dst2_v.at[j]], ssem[b],
                             add=True)
        for b in range(NBUF):
            j = j0 + b

            @pl.when(j + NBUF < nchunk)
            def _():
                pltpu.make_async_copy(rows[b], acc_sh.at[dst2_v.at[j]],
                                      ssem[b]).wait()
                pltpu.async_copy(h_hbm.at[src2_v.at[j + NBUF]], rows[b],
                                 gsem[b])
        return carry

    lax.fori_loop(0, nchunk // NBUF, body, 0)

    for b in range(NBUF):
        j = nchunk - NBUF + b
        pltpu.make_async_copy(rows[b], acc_sh.at[dst2_v.at[j]],
                              ssem[b]).wait()


def _edge_agg_body(h_hbm, a_hbm, zero_hbm, out_hbm,
                   src2_v, dst2_v, r0, r1, r2, r3, wb_v, acc_sh,
                   g0, g1, g2, g3, s0, s1, s2, s3):
    rows = (r0, r1, r2, r3)
    gsem = (g0, g1, g2, g3)
    ssem = (s0, s1, s2, s3)
    c = lax.axis_index("c")
    s = lax.axis_index("s")

    pltpu.sync_copy(zero_hbm, wb_v)
    for t in range(5):
        pltpu.sync_copy(wb_v, acc_sh.at[pl.ds(s * ZR + t * ZRC, ZRC)])
    plsc.subcore_barrier()

    @pl.when(c == 0)
    def _():
        _pipe(h_hbm, a_hbm, src2_v, dst2_v, rows, gsem, ssem,
              acc_sh, s * NCF, NCF)

    @pl.when(jnp.logical_and(c == 1, s < NUM_SUBCORES - 1))
    def _():
        _pipe(h_hbm, a_hbm, src2_v, dst2_v, rows, gsem, ssem,
              acc_sh, (NUM_SUBCORES + s) * NCF, NCF)

    @pl.when(jnp.logical_and(c == 1, s == NUM_SUBCORES - 1))
    def _():
        _pipe(h_hbm, a_hbm, src2_v, dst2_v, rows, gsem, ssem,
              acc_sh, 31 * NCF, NCL)

    plsc.subcore_barrier()

    for t in range(5):
        wsl = pl.ds(s * ZR + t * ZRC, ZRC)
        pltpu.sync_copy(acc_sh.at[wsl], wb_v)
        pltpu.sync_copy(wb_v, out_hbm.at[c, wsl])


@functools.cache
def _build_edge_agg():
    return pl.kernel(
        _edge_agg_body,
        mesh=plsc.VectorSubcoreMesh(core_axis_name="c", subcore_axis_name="s"),
        out_type=jax.ShapeDtypeStruct((NUM_CORES, N, H), jnp.float32),
        scratch_types=[
            pltpu.VMEM((NCF, CH), jnp.int32),
            pltpu.VMEM((NCF, CH), jnp.int32),
            pltpu.VMEM((CH, H), jnp.float32),
            pltpu.VMEM((CH, H), jnp.float32),
            pltpu.VMEM((CH, H), jnp.float32),
            pltpu.VMEM((CH, H), jnp.float32),
            pltpu.VMEM((ZRC, H), jnp.float32),
            pltpu.VMEM_SHARED((N, H), jnp.float32),
        ] + [pltpu.SemaphoreType.DMA] * 8,
        compiler_params=pltpu.CompilerParams(use_tc_tiling_on_sc=False),
    )


def _edge_agg(h, a3, zeros):
    return _build_edge_agg()(h, a3, zeros)


def _elu(x):
    return jnp.where(x > 0, x, jnp.exp(jnp.minimum(x, 0.0)) - 1.0)


def _dense1_body(x_ref, w_ref, c_ref, o_ref):
    o_ref[...] = jnp.dot(x_ref[...], w_ref[...],
                         preferred_element_type=jnp.float32) + c_ref[...]


def _dense2_body(p_ref, w_ref, c_ref, o_ref):
    t = _elu(p_ref[0] + p_ref[1])
    o_ref[...] = jnp.dot(t, w_ref[...],
                         preferred_element_type=jnp.float32) + c_ref[...]


def _combine_body(p_ref, o_ref):
    o_ref[...] = _elu(p_ref[0] + p_ref[1])


def _head_body(g_ref, w1_ref, b1_ref, w2_ref, b2_ref, w3_ref, b3_ref, o_ref):
    t = jax.nn.relu(jnp.dot(g_ref[...], w1_ref[...],
                            preferred_element_type=jnp.float32) + b1_ref[...])
    t = jax.nn.relu(jnp.dot(t, w2_ref[...],
                            preferred_element_type=jnp.float32) + b2_ref[...])
    o_ref[...] = jax.nn.sigmoid(jnp.dot(t, w3_ref[...],
                                        preferred_element_type=jnp.float32)
                                + b3_ref[...])


def _dense1(x, w, c):
    return pl.pallas_call(
        _dense1_body,
        out_shape=jax.ShapeDtypeStruct((N, H), jnp.float32),
    )(x, w, c)


def _dense2(p, w, c):
    return pl.pallas_call(
        _dense2_body,
        out_shape=jax.ShapeDtypeStruct((N, H), jnp.float32),
    )(p, w, c)


def _combine(p):
    return pl.pallas_call(
        _combine_body,
        out_shape=jax.ShapeDtypeStruct((N, H), jnp.float32),
    )(p)


def _head(g, w1, b1, w2, b2, w3, b3):
    return pl.pallas_call(
        _head_body,
        out_shape=jax.ShapeDtypeStruct((G, 1), jnp.float32),
    )(g, w1, b1, w2, b2, w3, b3)


def kernel(x, a, i, W1, b1, g1, be1, m1, v1, W2, b2, g2, be2, m2, v2,
           Wd1, bd1, Wd2, bd2, Wd3, bd3):
    inv1 = g1 / jnp.sqrt(v1 + EPS)
    W1f = W1 * inv1[None, :]
    c1 = ((b1 - m1) * inv1 + be1)[None, :]
    inv2 = g2 / jnp.sqrt(v2 + EPS)
    W2f = W2 * inv2[None, :]
    c2 = ((b2 - m2) * inv2 + be2)[None, :]

    a3 = a.reshape(2, NROWS, CH)
    zeros = jnp.zeros((ZRC, H), jnp.float32)

    h1 = _dense1(x, W1f, c1)
    p1 = _edge_agg(h1, a3, zeros)
    h2 = _dense2(p1, W2f, c2)
    p2 = _edge_agg(h2, a3, zeros)
    e2 = _combine(p2)
    g = e2.reshape(G, NPG * H)
    return _head(g, Wd1, bd1[None, :], Wd2, bd2[None, :], Wd3, bd3[None, :])

# --- scband reference (transcript-rebuilt; emitter-appended) ---
"""Pipeline reference for scband-net-49005576847636 (READ-ONLY COPY).

The authoritative reference and input builder live on the scoring server;
editing this copy changes nothing except your own understanding.
"""

import jax, jax.numpy as jnp
import numpy as np

N = 10000
E = 320000
D = 128
H = 64
G = 100
NPG = 100
EPS = 1e-3


def setup_inputs(seed: int = 0) -> dict:
    key = jax.random.key(seed)
    ks = jax.random.split(key, 24)
    x = jax.random.normal(ks[0], (N, D), dtype=jnp.float32)
    a = jax.random.randint(ks[1], (2, E), 0, N, dtype=jnp.int32)
    i = jnp.sort(jax.random.randint(ks[2], (N,), 0, G, dtype=jnp.int32))
    inp = {"x": x, "a": a, "i": i}
    # GeneralConv 1: Dense(128->64) + BN + sum-aggregate + elu
    inp["W1"] = jax.random.normal(ks[3], (D, H), dtype=jnp.float32) * 0.05
    inp["b1"] = jnp.zeros((H,), dtype=jnp.float32)
    inp["g1"] = jnp.ones((H,), dtype=jnp.float32)
    inp["be1"] = jnp.zeros((H,), dtype=jnp.float32)
    inp["m1"] = jnp.zeros((H,), dtype=jnp.float32)
    inp["v1"] = jnp.ones((H,), dtype=jnp.float32)
    # GeneralConv 2: Dense(64->64) + BN + sum-aggregate + elu
    inp["W2"] = jax.random.normal(ks[4], (H, H), dtype=jnp.float32) * 0.05
    inp["b2"] = jnp.zeros((H,), dtype=jnp.float32)
    inp["g2"] = jnp.ones((H,), dtype=jnp.float32)
    inp["be2"] = jnp.zeros((H,), dtype=jnp.float32)
    inp["m2"] = jnp.zeros((H,), dtype=jnp.float32)
    inp["v2"] = jnp.ones((H,), dtype=jnp.float32)
    # Dense head
    inp["Wd1"] = jax.random.normal(ks[5], (NPG * H, 64), dtype=jnp.float32) * 0.02
    inp["bd1"] = jnp.zeros((64,), dtype=jnp.float32)
    inp["Wd2"] = jax.random.normal(ks[6], (64, 32), dtype=jnp.float32) * 0.05
    inp["bd2"] = jnp.zeros((32,), dtype=jnp.float32)
    inp["Wd3"] = jax.random.normal(ks[7], (32, 1), dtype=jnp.float32) * 0.05
    inp["bd3"] = jnp.zeros((1,), dtype=jnp.float32)
    return inp


def _general_conv(x, ei, W, b, g, be, m, v):
    # Spektral GeneralConv: dropout(identity at inference) -> dense -> batch_norm
    # -> sum-aggregate over incoming edges -> elu
    h = x @ W + b
    h = (h - m) / jnp.sqrt(v + EPS) * g + be
    msg = h[ei[0]]
    agg = jax.ops.segment_sum(msg, ei[1], num_segments=x.shape[0])
    return jax.nn.elu(agg)


def reference(x, a, i, W1, b1, g1, be1, m1, v1, W2, b2, g2, be2, m2, v2, Wd1, bd1, Wd2, bd2, Wd3, bd3):
    h = _general_conv(x, a, W1, b1, g1, be1, m1, v1)
    h = _general_conv(h, a, W2, b2, g2, be2, m2, v2)
    h = h.reshape(G, NPG * H)  # reshape [N/100, 100, 64] then Flatten
    h = jax.nn.relu(h @ Wd1 + bd1)
    h = jax.nn.relu(h @ Wd2 + bd2)
    # dropout is identity at inference
    out = jax.nn.sigmoid(h @ Wd3 + bd3)
    return out

if __name__ == "__main__":
    import jax
    _d = setup_inputs()
    print(jax.jit(kernel)(*tuple(_d.values())))

</pallas_src>

<mosaic_0001>
#map = affine_map<(d0, d1) -> (0, 0)>
#map1 = affine_map<(d0, d1) -> (0, 0, 0)>
module attributes {stable_mosaic.version = 14 : i64} {
  func.func @_edge_agg_body(%arg0: i32, %arg1: i32, %arg2: memref<10000x64xf32, #tpu.memory_space<hbm>>, %arg3: memref<2x2500x128xi32, #tpu.memory_space<hbm>>, %arg4: memref<125x64xf32, #tpu.memory_space<hbm>>, %arg5: memref<2x10000x64xf32, #tpu.memory_space<hbm>>, %arg6: memref<80x128xi32, #tpu.memory_space<vmem>>, %arg7: memref<80x128xi32, #tpu.memory_space<vmem>>, %arg8: memref<128x64xf32, #tpu.memory_space<vmem>>, %arg9: memref<128x64xf32, #tpu.memory_space<vmem>>, %arg10: memref<128x64xf32, #tpu.memory_space<vmem>>, %arg11: memref<128x64xf32, #tpu.memory_space<vmem>>, %arg12: memref<125x64xf32, #tpu.memory_space<vmem>>, %arg13: memref<10000x64xf32, #tpu.memory_space<vmem_shared>>, %arg14: memref<!tpu.dma_semaphore, #tpu.memory_space<semaphore_mem>>, %arg15: memref<!tpu.dma_semaphore, #tpu.memory_space<semaphore_mem>>, %arg16: memref<!tpu.dma_semaphore, #tpu.memory_space<semaphore_mem>>, %arg17: memref<!tpu.dma_semaphore, #tpu.memory_space<semaphore_mem>>, %arg18: memref<!tpu.dma_semaphore, #tpu.memory_space<semaphore_mem>>, %arg19: memref<!tpu.dma_semaphore, #tpu.memory_space<semaphore_mem>>, %arg20: memref<!tpu.dma_semaphore, #tpu.memory_space<semaphore_mem>>, %arg21: memref<!tpu.dma_semaphore, #tpu.memory_space<semaphore_mem>>) attributes {dimension_semantics = [#tpu.dimension_semantics<core_parallel>, #tpu.dimension_semantics<subcore_parallel>], iteration_bounds = array<i64: 2, 16>, scalar_prefetch = 0 : i64, scratch_operands = 16 : i64, tpu.core_type = #tpu.core_type<sc_vector_subcore>, window_params = [{transform_indices = #map}, {transform_indices = #map1}, {transform_indices = #map}, {transform_indices = #map1}]} {
    "tpu.region"() ({
      %run_scoped3A = tpu.sem_alloc : memref<!tpu.dma_semaphore, #tpu.memory_space<semaphore_mem>>
      tpu.enqueue_dma source(%arg4 : memref<125x64xf32, #tpu.memory_space<hbm>>) target(%arg12 : memref<125x64xf32, #tpu.memory_space<vmem>>) target_semaphore(%run_scoped3A : memref<!tpu.dma_semaphore, #tpu.memory_space<semaphore_mem>>)
      tpu.wait_dma2 semaphore(%run_scoped3A : memref<!tpu.dma_semaphore, #tpu.memory_space<semaphore_mem>>) src(%arg4 : memref<125x64xf32, #tpu.memory_space<hbm>>) dst(%arg12 : memref<125x64xf32, #tpu.memory_space<vmem>>)
      tpu.yield
    }) : () -> ()
    %mul3A = arith.constant 625 : i32
    %mul3A_0 = arith.muli %arg1, %mul3A : i32
    %add3A = arith.constant 0 : i32
    %add3A_1 = arith.addi %mul3A_0, %add3A : i32
    "tpu.region"() ({
      %run_scoped3A = tpu.sem_alloc : memref<!tpu.dma_semaphore, #tpu.memory_space<semaphore_mem>>
      %dma_start3A = arith.constant 0 : i32
      %dma_start3A_55 = tpu.memref_slice %arg13[%add3A_1, %dma_start3A] : memref<10000x64xf32, #tpu.memory_space<vmem_shared>> -> memref<125x64xf32, #tpu.memory_space<vmem_shared>>
      %dma_start3A_56 = arith.constant 0 : i32
      %dma_start3A_57 = tpu.memref_slice %arg13[%add3A_1, %dma_start3A_56] : memref<10000x64xf32, #tpu.memory_space<vmem_shared>> -> memref<125x64xf32, #tpu.memory_space<vmem_shared>>
      tpu.enqueue_dma source(%arg12 : memref<125x64xf32, #tpu.memory_space<vmem>>) target(%dma_start3A_57 : memref<125x64xf32, #tpu.memory_space<vmem_shared>>) target_semaphore(%run_scoped3A : memref<!tpu.dma_semaphore, #tpu.memory_space<semaphore_mem>>)
      %dma_wait3A = arith.constant 0 : i32
      %dma_wait3A_58 = tpu.memref_slice %arg13[%add3A_1, %dma_wait3A] : memref<10000x64xf32, #tpu.memory_space<vmem_shared>> -> memref<125x64xf32, #tpu.memory_space<vmem_shared>>
      %dma_wait3A_59 = arith.constant 0 : i32
      %dma_wait3A_60 = tpu.memref_slice %arg13[%add3A_1, %dma_wait3A_59] : memref<10000x64xf32, #tpu.memory_space<vmem_shared>> -> memref<125x64xf32, #tpu.memory_space<vmem_shared>>
      tpu.wait_dma2 semaphore(%run_scoped3A : memref<!tpu.dma_semaphore, #tpu.memory_space<semaphore_mem>>) src(%arg12 : memref<125x64xf32, #tpu.memory_space<vmem>>) dst(%dma_wait3A_60 : memref<125x64xf32, #tpu.memory_space<vmem_shared>>)
      tpu.yield
    }) : () -> ()
    %mul3A_2 = arith.constant 625 : i32
    %mul3A_3 = arith.muli %arg1, %mul3A_2 : i32
    %add3A_4 = arith.constant 125 : i32
    %add3A_5 = arith.addi %mul3A_3, %add3A_4 : i32
    "tpu.region"() ({
      %run_scoped3A = tpu.sem_alloc : memref<!tpu.dma_semaphore, #tpu.memory_space<semaphore_mem>>
      %dma_start3A = arith.constant 0 : i32
      %dma_start3A_55 = tpu.memref_slice %arg13[%add3A_5, %dma_start3A] : memref<10000x64xf32, #tpu.memory_space<vmem_shared>> -> memref<125x64xf32, #tpu.memory_space<vmem_shared>>
      %dma_start3A_56 = arith.constant 0 : i32
      %dma_start3A_57 = tpu.memref_slice %arg13[%add3A_5, %dma_start3A_56] : memref<10000x64xf32, #tpu.memory_space<vmem_shared>> -> memref<125x64xf32, #tpu.memory_space<vmem_shared>>
      tpu.enqueue_dma source(%arg12 : memref<125x64xf32, #tpu.memory_space<vmem>>) target(%dma_start3A_57 : memref<125x64xf32, #tpu.memory_space<vmem_shared>>) target_semaphore(%run_scoped3A : memref<!tpu.dma_semaphore, #tpu.memory_space<semaphore_mem>>)
      %dma_wait3A = arith.constant 0 : i32
      %dma_wait3A_58 = tpu.memref_slice %arg13[%add3A_5, %dma_wait3A] : memref<10000x64xf32, #tpu.memory_space<vmem_shared>> -> memref<125x64xf32, #tpu.memory_space<vmem_shared>>
      %dma_wait3A_59 = arith.constant 0 : i32
      %dma_wait3A_60 = tpu.memref_slice %arg13[%add3A_5, %dma_wait3A_59] : memref<10000x64xf32, #tpu.memory_space<vmem_shared>> -> memref<125x64xf32, #tpu.memory_space<vmem_shared>>
      tpu.wait_dma2 semaphore(%run_scoped3A : memref<!tpu.dma_semaphore, #tpu.memory_space<semaphore_mem>>) src(%arg12 : memref<125x64xf32, #tpu.memory_space<vmem>>) dst(%dma_wait3A_60 : memref<125x64xf32, #tpu.memory_space<vmem_shared>>)
      tpu.yield
    }) : () -> ()
    %mul3A_6 = arith.constant 625 : i32
    %mul3A_7 = arith.muli %arg1, %mul3A_6 : i32
    %add3A_8 = arith.constant 250 : i32
    %add3A_9 = arith.addi %mul3A_7, %add3A_8 : i32
    "tpu.region"() ({
      %run_scoped3A = tpu.sem_alloc : memref<!tpu.dma_semaphore, #tpu.memory_space<semaphore_mem>>
      %dma_start3A = arith.constant 0 : i32
      %dma_start3A_55 = tpu.memref_slice %arg13[%add3A_9, %dma_start3A] : memref<10000x64xf32, #tpu.memory_space<vmem_shared>> -> memref<125x64xf32, #tpu.memory_space<vmem_shared>>
      %dma_start3A_56 = arith.constant 0 : i32
      %dma_start3A_57 = tpu.memref_slice %arg13[%add3A_9, %dma_start3A_56] : memref<10000x64xf32, #tpu.memory_space<vmem_shared>> -> memref<125x64xf32, #tpu.memory_space<vmem_shared>>
      tpu.enqueue_dma source(%arg12 : memref<125x64xf32, #tpu.memory_space<vmem>>) target(%dma_start3A_57 : memref<125x64xf32, #tpu.memory_space<vmem_shared>>) target_semaphore(%run_scoped3A : memref<!tpu.dma_semaphore, #tpu.memory_space<semaphore_mem>>)
      %dma_wait3A = arith.constant 0 : i32
      %dma_wait3A_58 = tpu.memref_slice %arg13[%add3A_9, %dma_wait3A] : memref<10000x64xf32, #tpu.memory_space<vmem_shared>> -> memref<125x64xf32, #tpu.memory_space<vmem_shared>>
      %dma_wait3A_59 = arith.constant 0 : i32
      %dma_wait3A_60 = tpu.memref_slice %arg13[%add3A_9, %dma_wait3A_59] : memref<10000x64xf32, #tpu.memory_space<vmem_shared>> -> memref<125x64xf32, #tpu.memory_space<vmem_shared>>
      tpu.wait_dma2 semaphore(%run_scoped3A : memref<!tpu.dma_semaphore, #tpu.memory_space<semaphore_mem>>) src(%arg12 : memref<125x64xf32, #tpu.memory_space<vmem>>) dst(%dma_wait3A_60 : memref<125x64xf32, #tpu.memory_space<vmem_shared>>)
      tpu.yield
    }) : () -> ()
    %mul3A_10 = arith.constant 625 : i32
    %mul3A_11 = arith.muli %arg1, %mul3A_10 : i32
    %add3A_12 = arith.constant 375 : i32
    %add3A_13 = arith.addi %mul3A_11, %add3A_12 : i32
    "tpu.region"() ({
      %run_scoped3A = tpu.sem_alloc : memref<!tpu.dma_semaphore, #tpu.memory_space<semaphore_mem>>
      %dma_start3A = arith.constant 0 : i32
      %dma_start3A_55 = tpu.memref_slice %arg13[%add3A_13, %dma_start3A] : memref<10000x64xf32, #tpu.memory_space<vmem_shared>> -> memref<125x64xf32, #tpu.memory_space<vmem_shared>>
      %dma_start3A_56 = arith.constant 0 : i32
      %dma_start3A_57 = tpu.memref_slice %arg13[%add3A_13, %dma_start3A_56] : memref<10000x64xf32, #tpu.memory_space<vmem_shared>> -> memref<125x64xf32, #tpu.memory_space<vmem_shared>>
      tpu.enqueue_dma source(%arg12 : memref<125x64xf32, #tpu.memory_space<vmem>>) target(%dma_start3A_57 : memref<125x64xf32, #tpu.memory_space<vmem_shared>>) target_semaphore(%run_scoped3A : memref<!tpu.dma_semaphore, #tpu.memory_space<semaphore_mem>>)
      %dma_wait3A = arith.constant 0 : i32
      %dma_wait3A_58 = tpu.memref_slice %arg13[%add3A_13, %dma_wait3A] : memref<10000x64xf32, #tpu.memory_space<vmem_shared>> -> memref<125x64xf32, #tpu.memory_space<vmem_shared>>
      %dma_wait3A_59 = arith.constant 0 : i32
      %dma_wait3A_60 = tpu.memref_slice %arg13[%add3A_13, %dma_wait3A_59] : memref<10000x64xf32, #tpu.memory_space<vmem_shared>> -> memref<125x64xf32, #tpu.memory_space<vmem_shared>>
      tpu.wait_dma2 semaphore(%run_scoped3A : memref<!tpu.dma_semaphore, #tpu.memory_space<semaphore_mem>>) src(%arg12 : memref<125x64xf32, #tpu.memory_space<vmem>>) dst(%dma_wait3A_60 : memref<125x64xf32, #tpu.memory_space<vmem_shared>>)
      tpu.yield
    }) : () -> ()
    %mul3A_14 = arith.constant 625 : i32
    %mul3A_15 = arith.muli %arg1, %mul3A_14 : i32
    %add3A_16 = arith.constant 500 : i32
    %add3A_17 = arith.addi %mul3A_15, %add3A_16 : i32
    "tpu.region"() ({
      %run_scoped3A = tpu.sem_alloc : memref<!tpu.dma_semaphore, #tpu.memory_space<semaphore_mem>>
      %dma_start3A = arith.constant 0 : i32
      %dma_start3A_55 = tpu.memref_slice %arg13[%add3A_17, %dma_start3A] : memref<10000x64xf32, #tpu.memory_space<vmem_shared>> -> memref<125x64xf32, #tpu.memory_space<vmem_shared>>
      %dma_start3A_56 = arith.constant 0 : i32
      %dma_start3A_57 = tpu.memref_slice %arg13[%add3A_17, %dma_start3A_56] : memref<10000x64xf32, #tpu.memory_space<vmem_shared>> -> memref<125x64xf32, #tpu.memory_space<vmem_shared>>
      tpu.enqueue_dma source(%arg12 : memref<125x64xf32, #tpu.memory_space<vmem>>) target(%dma_start3A_57 : memref<125x64xf32, #tpu.memory_space<vmem_shared>>) target_semaphore(%run_scoped3A : memref<!tpu.dma_semaphore, #tpu.memory_space<semaphore_mem>>)
      %dma_wait3A = arith.constant 0 : i32
      %dma_wait3A_58 = tpu.memref_slice %arg13[%add3A_17, %dma_wait3A] : memref<10000x64xf32, #tpu.memory_space<vmem_shared>> -> memref<125x64xf32, #tpu.memory_space<vmem_shared>>
      %dma_wait3A_59 = arith.constant 0 : i32
      %dma_wait3A_60 = tpu.memref_slice %arg13[%add3A_17, %dma_wait3A_59] : memref<10000x64xf32, #tpu.memory_space<vmem_shared>> -> memref<125x64xf32, #tpu.memory_space<vmem_shared>>
      tpu.wait_dma2 semaphore(%run_scoped3A : memref<!tpu.dma_semaphore, #tpu.memory_space<semaphore_mem>>) src(%arg12 : memref<125x64xf32, #tpu.memory_space<vmem>>) dst(%dma_wait3A_60 : memref<125x64xf32, #tpu.memory_space<vmem_shared>>)
      tpu.yield
    }) : () -> ()
    %barrier3A = arith.constant 0 : index
    tpu.barrier barrier_id(%barrier3A)
    %eq3A = arith.constant 0 : i32
    %eq3A_18 = arith.cmpi eq, %arg0, %eq3A : i32
    %convert_element_type3A = arith.extui %eq3A_18 : i1 to i32
    %cond3A = arith.constant 0 : i32
    %cond3A_19 = arith.cmpi ne, %convert_element_type3A, %cond3A : i32
    scf.if %cond3A_19 {
      %mul3A_55 = arith.constant 80 : i32
      %mul3A_56 = arith.muli %arg1, %mul3A_55 : i32
      %run_scoped3A = arith.constant 0 : i32
      "tpu.region"() ({
        %run_scoped3A_117 = tpu.sem_alloc : memref<!tpu.dma_semaphore, #tpu.memory_space<semaphore_mem>>
        %dma_start3A_118 = arith.constant 0 : i32
        %dma_start3A_119 = arith.constant 0 : i32
        %dma_start3A_120 = tpu.memref_slice %arg6[%dma_start3A_118, %dma_start3A_119] : memref<80x128xi32, #tpu.memory_space<vmem>> -> memref<80x128xi32, #tpu.memory_space<vmem>>
        %dma_start3A_121 = arith.constant 0 : i32
        %dma_start3A_122 = tpu.memref_slice %arg3[%run_scoped3A, %mul3A_56, %dma_start3A_121] : memref<2x2500x128xi32, #tpu.memory_space<hbm>> -> memref<1x80x128xi32, #tpu.memory_space<hbm>>
        %dma_start3A_123 = tpu.memref_squeeze %dma_start3A_122 : memref<1x80x128xi32, #tpu.memory_space<hbm>> -> memref<80x128xi32, #tpu.memory_space<hbm>>
        %dma_start3A_124 = arith.constant 0 : i32
        %dma_start3A_125 = arith.constant 0 : i32
        %dma_start3A_126 = tpu.memref_slice %arg6[%dma_start3A_124, %dma_start3A_125] : memref<80x128xi32, #tpu.memory_space<vmem>> -> memref<80x128xi32, #tpu.memory_space<vmem>>
        %dma_start3A_127 = arith.constant 0 : i32
        %dma_start3A_128 = tpu.memref_slice %arg3[%run_scoped3A, %mul3A_56, %dma_start3A_127] : memref<2x2500x128xi32, #tpu.memory_space<hbm>> -> memref<1x80x128xi32, #tpu.memory_space<hbm>>
        %dma_start3A_129 = tpu.memref_squeeze %dma_start3A_128 : memref<1x80x128xi32, #tpu.memory_space<hbm>> -> memref<80x128xi32, #tpu.memory_space<hbm>>
        tpu.enqueue_dma source(%dma_start3A_129 : memref<80x128xi32, #tpu.memory_space<hbm>>) target(%dma_start3A_126 : memref<80x128xi32, #tpu.memory_space<vmem>>) target_semaphore(%run_scoped3A_117 : memref<!tpu.dma_semaphore, #tpu.memory_space<semaphore_mem>>)
        %dma_wait3A_130 = arith.constant 0 : i32
        %dma_wait3A_131 = arith.constant 0 : i32
        %dma_wait3A_132 = tpu.memref_slice %arg6[%dma_wait3A_130, %dma_wait3A_131] : memref<80x128xi32, #tpu.memory_space<vmem>> -> memref<80x128xi32, #tpu.memory_space<vmem>>
        %dma_wait3A_133 = arith.constant 0 : i32
        %dma_wait3A_134 = tpu.memref_slice %arg3[%run_scoped3A, %mul3A_56, %dma_wait3A_133] : memref<2x2500x128xi32, #tpu.memory_space<hbm>> -> memref<1x80x128xi32, #tpu.memory_space<hbm>>
        %dma_wait3A_135 = tpu.memref_squeeze %dma_wait3A_134 : memref<1x80x128xi32, #tpu.memory_space<hbm>> -> memref<80x128xi32, #tpu.memory_space<hbm>>
        %dma_wait3A_136 = arith.constant 0 : i32
        %dma_wait3A_137 = arith.constant 0 : i32
        %dma_wait3A_138 = tpu.memref_slice %arg6[%dma_wait3A_136, %dma_wait3A_137] : memref<80x128xi32, #tpu.memory_space<vmem>> -> memref<80x128xi32, #tpu.memory_space<vmem>>
        %dma_wait3A_139 = arith.constant 0 : i32
        %dma_wait3A_140 = tpu.memref_slice %arg3[%run_scoped3A, %mul3A_56, %dma_wait3A_139] : memref<2x2500x128xi32, #tpu.memory_space<hbm>> -> memref<1x80x128xi32, #tpu.memory_space<hbm>>
        %dma_wait3A_141 = tpu.memref_squeeze %dma_wait3A_140 : memref<1x80x128xi32, #tpu.memory_space<hbm>> -> memref<80x128xi32, #tpu.memory_space<hbm>>
        tpu.wait_dma2 semaphore(%run_scoped3A_117 : memref<!tpu.dma_semaphore, #tpu.memory_space<semaphore_mem>>) src(%dma_wait3A_141 : memref<80x128xi32, #tpu.memory_space<hbm>>) dst(%dma_wait3A_138 : memref<80x128xi32, #tpu.memory_space<vmem>>)
        tpu.yield
      }) : () -> ()
      %run_scoped3A_57 = arith.constant 1 : i32
      "tpu.region"() ({
        %run_scoped3A_117 = tpu.sem_alloc : memref<!tpu.dma_semaphore, #tpu.memory_space<semaphore_mem>>
        %dma_start3A_118 = arith.constant 0 : i32
        %dma_start3A_119 = arith.constant 0 : i32
        %dma_start3A_120 = tpu.memref_slice %arg7[%dma_start3A_118, %dma_start3A_119] : memref<80x128xi32, #tpu.memory_space<vmem>> -> memref<80x128xi32, #tpu.memory_space<vmem>>
        %dma_start3A_121 = arith.constant 0 : i32
        %dma_start3A_122 = tpu.memref_slice %arg3[%run_scoped3A_57, %mul3A_56, %dma_start3A_121] : memref<2x2500x128xi32, #tpu.memory_space<hbm>> -> memref<1x80x128xi32, #tpu.memory_space<hbm>>
        %dma_start3A_123 = tpu.memref_squeeze %dma_start3A_122 : memref<1x80x128xi32, #tpu.memory_space<hbm>> -> memref<80x128xi32, #tpu.memory_space<hbm>>
        %dma_start3A_124 = arith.constant 0 : i32
        %dma_start3A_125 = arith.constant 0 : i32
        %dma_start3A_126 = tpu.memref_slice %arg7[%dma_start3A_124, %dma_start3A_125] : memref<80x128xi32, #tpu.memory_space<vmem>> -> memref<80x128xi32, #tpu.memory_space<vmem>>
        %dma_start3A_127 = arith.constant 0 : i32
        %dma_start3A_128 = tpu.memref_slice %arg3[%run_scoped3A_57, %mul3A_56, %dma_start3A_127] : memref<2x2500x128xi32, #tpu.memory_space<hbm>> -> memref<1x80x128xi32, #tpu.memory_space<hbm>>
        %dma_start3A_129 = tpu.memref_squeeze %dma_start3A_128 : memref<1x80x128xi32, #tpu.memory_space<hbm>> -> memref<80x128xi32, #tpu.memory_space<hbm>>
        tpu.enqueue_dma source(%dma_start3A_129 : memref<80x128xi32, #tpu.memory_space<hbm>>) target(%dma_start3A_126 : memref<80x128xi32, #tpu.memory_space<vmem>>) target_semaphore(%run_scoped3A_117 : memref<!tpu.dma_semaphore, #tpu.memory_space<semaphore_mem>>)
        %dma_wait3A_130 = arith.constant 0 : i32
        %dma_wait3A_131 = arith.constant 0 : i32
        %dma_wait3A_132 = tpu.memref_slice %arg7[%dma_wait3A_130, %dma_wait3A_131] : memref<80x128xi32, #tpu.memory_space<vmem>> -> memref<80x128xi32, #tpu.memory_space<vmem>>
        %dma_wait3A_133 = arith.constant 0 : i32
        %dma_wait3A_134 = tpu.memref_slice %arg3[%run_scoped3A_57, %mul3A_56, %dma_wait3A_133] : memref<2x2500x128xi32, #tpu.memory_space<hbm>> -> memref<1x80x128xi32, #tpu.memory_space<hbm>>
        %dma_wait3A_135 = tpu.memref_squeeze %dma_wait3A_134 : memref<1x80x128xi32, #tpu.memory_space<hbm>> -> memref<80x128xi32, #tpu.memory_space<hbm>>
        %dma_wait3A_136 = arith.constant 0 : i32
        %dma_wait3A_137 = arith.constant 0 : i32
        %dma_wait3A_138 = tpu.memref_slice %arg7[%dma_wait3A_136, %dma_wait3A_137] : memref<80x128xi32, #tpu.memory_space<vmem>> -> memref<80x128xi32, #tpu.memory_space<vmem>>
        %dma_wait3A_139 = arith.constant 0 : i32
        %dma_wait3A_140 = tpu.memref_slice %arg3[%run_scoped3A_57, %mul3A_56, %dma_wait3A_139] : memref<2x2500x128xi32, #tpu.memory_space<hbm>> -> memref<1x80x128xi32, #tpu.memory_space<hbm>>
        %dma_wait3A_141 = tpu.memref_squeeze %dma_wait3A_140 : memref<1x80x128xi32, #tpu.memory_space<hbm>> -> memref<80x128xi32, #tpu.memory_space<hbm>>
        tpu.wait_dma2 semaphore(%run_scoped3A_117 : memref<!tpu.dma_semaphore, #tpu.memory_space<semaphore_mem>>) src(%dma_wait3A_141 : memref<80x128xi32, #tpu.memory_space<hbm>>) dst(%dma_wait3A_138 : memref<80x128xi32, #tpu.memory_space<vmem>>)
        tpu.yield
      }) : () -> ()
      %dma_start3A = arith.constant 0 : i32
      %dma_start3A_58 = arith.constant 0 : i32
      %dma_start3A_59 = tpu.memref_slice %arg6[%dma_start3A, %dma_start3A_58] : memref<80x128xi32, #tpu.memory_space<vmem>> -> memref<1x128xi32, #tpu.memory_space<vmem>>
      %dma_start3A_60 = tpu.memref_squeeze %dma_start3A_59 : memref<1x128xi32, #tpu.memory_space<vmem>> -> memref<128xi32, #tpu.memory_space<vmem>>
      %dma_start3A_61 = arith.constant 0 : i32
      %dma_start3A_62 = arith.constant 0 : i32
      %dma_start3A_63 = tpu.memref_slice %arg2[%dma_start3A_61, %dma_start3A_62] : memref<10000x64xf32, #tpu.memory_space<hbm>> -> memref<10000x64xf32, #tpu.memory_space<hbm>>
      tpu.enqueue_indirect_dma source(%dma_start3A_63 : memref<10000x64xf32, #tpu.memory_space<hbm>>) target(%arg8 : memref<128x64xf32, #tpu.memory_space<vmem>>) offsets(%dma_start3A_60 : memref<128xi32, #tpu.memory_space<vmem>>) semaphore(%arg14 : memref<!tpu.dma_semaphore, #tpu.memory_space<semaphore_mem>>)
      %dma_start3A_64 = arith.constant 1 : i32
      %dma_start3A_65 = arith.constant 0 : i32
      %dma_start3A_66 = tpu.memref_slice %arg6[%dma_start3A_64, %dma_start3A_65] : memref<80x128xi32, #tpu.memory_space<vmem>> -> memref<1x128xi32, #tpu.memory_space<vmem>>
      %dma_start3A_67 = tpu.memref_squeeze %dma_start3A_66 : memref<1x128xi32, #tpu.memory_space<vmem>> -> memref<128xi32, #tpu.memory_space<vmem>>
      %dma_start3A_68 = arith.constant 0 : i32
      %dma_start3A_69 = arith.constant 0 : i32
      %dma_start3A_70 = tpu.memref_slice %arg2[%dma_start3A_68, %dma_start3A_69] : memref<10000x64xf32, #tpu.memory_space<hbm>> -> memref<10000x64xf32, #tpu.memory_space<hbm>>
      tpu.enqueue_indirect_dma source(%dma_start3A_70 : memref<10000x64xf32, #tpu.memory_space<hbm>>) target(%arg9 : memref<128x64xf32, #tpu.memory_space<vmem>>) offsets(%dma_start3A_67 : memref<128xi32, #tpu.memory_space<vmem>>) semaphore(%arg15 : memref<!tpu.dma_semaphore, #tpu.memory_space<semaphore_mem>>)
      %dma_start3A_71 = arith.constant 2 : i32
      %dma_start3A_72 = arith.constant 0 : i32
      %dma_start3A_73 = tpu.memref_slice %arg6[%dma_start3A_71, %dma_start3A_72] : memref<80x128xi32, #tpu.memory_space<vmem>> -> memref<1x128xi32, #tpu.memory_space<vmem>>
      %dma_start3A_74 = tpu.memref_squeeze %dma_start3A_73 : memref<1x128xi32, #tpu.memory_space<vmem>> -> memref<128xi32, #tpu.memory_space<vmem>>
      %dma_start3A_75 = arith.constant 0 : i32
      %dma_start3A_76 = arith.constant 0 : i32
      %dma_start3A_77 = tpu.memref_slice %arg2[%dma_start3A_75, %dma_start3A_76] : memref<10000x64xf32, #tpu.memory_space<hbm>> -> memref<10000x64xf32, #tpu.memory_space<hbm>>
      tpu.enqueue_indirect_dma source(%dma_start3A_77 : memref<10000x64xf32, #tpu.memory_space<hbm>>) target(%arg10 : memref<128x64xf32, #tpu.memory_space<vmem>>) offsets(%dma_start3A_74 : memref<128xi32, #tpu.memory_space<vmem>>) semaphore(%arg16 : memref<!tpu.dma_semaphore, #tpu.memory_space<semaphore_mem>>)
      %dma_start3A_78 = arith.constant 3 : i32
      %dma_start3A_79 = arith.constant 0 : i32
      %dma_start3A_80 = tpu.memref_slice %arg6[%dma_start3A_78, %dma_start3A_79] : memref<80x128xi32, #tpu.memory_space<vmem>> -> memref<1x128xi32, #tpu.memory_space<vmem>>
      %dma_start3A_81 = tpu.memref_squeeze %dma_start3A_80 : memref<1x128xi32, #tpu.memory_space<vmem>> -> memref<128xi32, #tpu.memory_space<vmem>>
      %dma_start3A_82 = arith.constant 0 : i32
      %dma_start3A_83 = arith.constant 0 : i32
      %dma_start3A_84 = tpu.memref_slice %arg2[%dma_start3A_82, %dma_start3A_83] : memref<10000x64xf32, #tpu.memory_space<hbm>> -> memref<10000x64xf32, #tpu.memory_space<hbm>>
      tpu.enqueue_indirect_dma source(%dma_start3A_84 : memref<10000x64xf32, #tpu.memory_space<hbm>>) target(%arg11 : memref<128x64xf32, #tpu.memory_space<vmem>>) offsets(%dma_start3A_81 : memref<128xi32, #tpu.memory_space<vmem>>) semaphore(%arg17 : memref<!tpu.dma_semaphore, #tpu.memory_space<semaphore_mem>>)
      %scan3A = arith.constant 0 : i32
      %scan3A_85 = arith.constant 0 : i32
      %scan3A_86 = arith.constant 20 : i32
      %scan3A_87 = arith.addi %scan3A_85, %scan3A_86 : i32
      %scan3A_88 = arith.constant 1 : i32
      scf.for %scan3A_117 = %scan3A_85 to %scan3A_87 step %scan3A_88  : i32 {
        %mul3A_118 = arith.constant 4 : i32
        %mul3A_119 = arith.muli %mul3A_118, %scan3A_117 : i32
        %add3A_120 = arith.constant 0 : i32
        %add3A_121 = arith.addi %mul3A_119, %add3A_120 : i32
        %dma_wait3A_122 = arith.constant 0 : i32
        %dma_wait3A_123 = tpu.memref_slice %arg6[%add3A_121, %dma_wait3A_122] : memref<80x128xi32, #tpu.memory_space<vmem>> -> memref<1x128xi32, #tpu.memory_space<vmem>>
        %dma_wait3A_124 = tpu.memref_squeeze %dma_wait3A_123 : memref<1x128xi32, #tpu.memory_space<vmem>> -> memref<128xi32, #tpu.memory_space<vmem>>
        %dma_wait3A_125 = arith.constant 0 : i32
        %dma_wait3A_126 = arith.constant 0 : i32
        %dma_wait3A_127 = tpu.memref_slice %arg2[%dma_wait3A_125, %dma_wait3A_126] : memref<10000x64xf32, #tpu.memory_space<hbm>> -> memref<10000x64xf32, #tpu.memory_space<hbm>>
        tpu.wait_indirect_dma semaphore(%arg14 : memref<!tpu.dma_semaphore, #tpu.memory_space<semaphore_mem>>) src(%dma_wait3A_127 : memref<10000x64xf32, #tpu.memory_space<hbm>>) dst(%arg8 : memref<128x64xf32, #tpu.memory_space<vmem>>)
        %dma_start3A_128 = arith.constant 0 : i32
        %dma_start3A_129 = tpu.memref_slice %arg7[%add3A_121, %dma_start3A_128] : memref<80x128xi32, #tpu.memory_space<vmem>> -> memref<1x128xi32, #tpu.memory_space<vmem>>
        %dma_start3A_130 = tpu.memref_squeeze %dma_start3A_129 : memref<1x128xi32, #tpu.memory_space<vmem>> -> memref<128xi32, #tpu.memory_space<vmem>>
        %dma_start3A_131 = arith.constant 0 : i32
        %dma_start3A_132 = arith.constant 0 : i32
        %dma_start3A_133 = tpu.memref_slice %arg13[%dma_start3A_131, %dma_start3A_132] : memref<10000x64xf32, #tpu.memory_space<vmem_shared>> -> memref<10000x64xf32, #tpu.memory_space<vmem_shared>>
        tpu.enqueue_indirect_dma source(%arg8 : memref<128x64xf32, #tpu.memory_space<vmem>>) target(%dma_start3A_133 : memref<10000x64xf32, #tpu.memory_space<vmem_shared>>) offsets(%dma_start3A_130 : memref<128xi32, #tpu.memory_space<vmem>>) semaphore(%arg18 : memref<!tpu.dma_semaphore, #tpu.memory_space<semaphore_mem>>) {add = true}
        %add3A_134 = arith.constant 1 : i32
        %add3A_135 = arith.addi %mul3A_119, %add3A_134 : i32
        %dma_wait3A_136 = arith.constant 0 : i32
        %dma_wait3A_137 = tpu.memref_slice %arg6[%add3A_135, %dma_wait3A_136] : memref<80x128xi32, #tpu.memory_space<vmem>> -> memref<1x128xi32, #tpu.memory_space<vmem>>
        %dma_wait3A_138 = tpu.memref_squeeze %dma_wait3A_137 : memref<1x128xi32, #tpu.memory_space<vmem>> -> memref<128xi32, #tpu.memory_space<vmem>>
        %dma_wait3A_139 = arith.constant 0 : i32
        %dma_wait3A_140 = arith.constant 0 : i32
        %dma_wait3A_141 = tpu.memref_slice %arg2[%dma_wait3A_139, %dma_wait3A_140] : memref<10000x64xf32, #tpu.memory_space<hbm>> -> memref<10000x64xf32, #tpu.memory_space<hbm>>
        tpu.wait_indirect_dma semaphore(%arg15 : memref<!tpu.dma_semaphore, #tpu.memory_space<semaphore_mem>>) src(%dma_wait3A_141 : memref<10000x64xf32, #tpu.memory_space<hbm>>) dst(%arg9 : memref<128x64xf32, #tpu.memory_space<vmem>>)
        %dma_start3A_142 = arith.constant 0 : i32
        %dma_start3A_143 = tpu.memref_slice %arg7[%add3A_135, %dma_start3A_142] : memref<80x128xi32, #tpu.memory_space<vmem>> -> memref<1x128xi32, #tpu.memory_space<vmem>>
        %dma_start3A_144 = tpu.memref_squeeze %dma_start3A_143 : memref<1x128xi32, #tpu.memory_space<vmem>> -> memref<128xi32, #tpu.memory_space<vmem>>
        %dma_start3A_145 = arith.constant 0 : i32
        %dma_start3A_146 = arith.constant 0 : i32
        %dma_start3A_147 = tpu.memref_slice %arg13[%dma_start3A_145, %dma_start3A_146] : memref<10000x64xf32, #tpu.memory_space<vmem_shared>> -> memref<10000x64xf32, #tpu.memory_space<vmem_shared>>
        tpu.enqueue_indirect_dma source(%arg9 : memref<128x64xf32, #tpu.memory_space<vmem>>) target(%dma_start3A_147 : memref<10000x64xf32, #tpu.memory_space<vmem_shared>>) offsets(%dma_start3A_144 : memref<128xi32, #tpu.memory_space<vmem>>) semaphore(%arg19 : memref<!tpu.dma_semaphore, #tpu.memory_space<semaphore_mem>>) {add = true}
        %add3A_148 = arith.constant 2 : i32
        %add3A_149 = arith.addi %mul3A_119, %add3A_148 : i32
        %dma_wait3A_150 = arith.constant 0 : i32
        %dma_wait3A_151 = tpu.memref_slice %arg6[%add3A_149, %dma_wait3A_150] : memref<80x128xi32, #tpu.memory_space<vmem>> -> memref<1x128xi32, #tpu.memory_space<vmem>>
        %dma_wait3A_152 = tpu.memref_squeeze %dma_wait3A_151 : memref<1x128xi32, #tpu.memory_space<vmem>> -> memref<128xi32, #tpu.memory_space<vmem>>
        %dma_wait3A_153 = arith.constant 0 : i32
        %dma_wait3A_154 = arith.constant 0 : i32
        %dma_wait3A_155 = tpu.memref_slice %arg2[%dma_wait3A_153, %dma_wait3A_154] : memref<10000x64xf32, #tpu.memory_space<hbm>> -> memref<10000x64xf32, #tpu.memory_space<hbm>>
        tpu.wait_indirect_dma semaphore(%arg16 : memref<!tpu.dma_semaphore, #tpu.memory_space<semaphore_mem>>) src(%dma_wait3A_155 : memref<10000x64xf32, #tpu.memory_space<hbm>>) dst(%arg10 : memref<128x64xf32, #tpu.memory_space<vmem>>)
        %dma_start3A_156 = arith.constant 0 : i32
        %dma_start3A_157 = tpu.memref_slice %arg7[%add3A_149, %dma_start3A_156] : memref<80x128xi32, #tpu.memory_space<vmem>> -> memref<1x128xi32, #tpu.memory_space<vmem>>
        %dma_start3A_158 = tpu.memref_squeeze %dma_start3A_157 : memref<1x128xi32, #tpu.memory_space<vmem>> -> memref<128xi32, #tpu.memory_space<vmem>>
        %dma_start3A_159 = arith.constant 0 : i32
        %dma_start3A_160 = arith.constant 0 : i32
        %dma_start3A_161 = tpu.memref_slice %arg13[%dma_start3A_159, %dma_start3A_160] : memref<10000x64xf32, #tpu.memory_space<vmem_shared>> -> memref<10000x64xf32, #tpu.memory_space<vmem_shared>>
        tpu.enqueue_indirect_dma source(%arg10 : memref<128x64xf32, #tpu.memory_space<vmem>>) target(%dma_start3A_161 : memref<10000x64xf32, #tpu.memory_space<vmem_shared>>) offsets(%dma_start3A_158 : memref<128xi32, #tpu.memory_space<vmem>>) semaphore(%arg20 : memref<!tpu.dma_semaphore, #tpu.memory_space<semaphore_mem>>) {add = true}
        %add3A_162 = arith.constant 3 : i32
        %add3A_163 = arith.addi %mul3A_119, %add3A_162 : i32
        %dma_wait3A_164 = arith.constant 0 : i32
        %dma_wait3A_165 = tpu.memref_slice %arg6[%add3A_163, %dma_wait3A_164] : memref<80x128xi32, #tpu.memory_space<vmem>> -> memref<1x128xi32, #tpu.memory_space<vmem>>
        %dma_wait3A_166 = tpu.memref_squeeze %dma_wait3A_165 : memref<1x128xi32, #tpu.memory_space<vmem>> -> memref<128xi32, #tpu.memory_space<vmem>>
        %dma_wait3A_167 = arith.constant 0 : i32
        %dma_wait3A_168 = arith.constant 0 : i32
        %dma_wait3A_169 = tpu.memref_slice %arg2[%dma_wait3A_167, %dma_wait3A_168] : memref<10000x64xf32, #tpu.memory_space<hbm>> -> memref<10000x64xf32, #tpu.memory_space<hbm>>
        tpu.wait_indirect_dma semaphore(%arg17 : memref<!tpu.dma_semaphore, #tpu.memory_space<semaphore_mem>>) src(%dma_wait3A_169 : memref<10000x64xf32, #tpu.memory_space<hbm>>) dst(%arg11 : memref<128x64xf32, #tpu.memory_space<vmem>>)
        %dma_start3A_170 = arith.constant 0 : i32
        %dma_start3A_171 = tpu.memref_slice %arg7[%add3A_163, %dma_start3A_170] : memref<80x128xi32, #tpu.memory_space<vmem>> -> memref<1x128xi32, #tpu.memory_space<vmem>>
        %dma_start3A_172 = tpu.memref_squeeze %dma_start3A_171 : memref<1x128xi32, #tpu.memory_space<vmem>> -> memref<128xi32, #tpu.memory_space<vmem>>
        %dma_start3A_173 = arith.constant 0 : i32
        %dma_start3A_174 = arith.constant 0 : i32
        %dma_start3A_175 = tpu.memref_slice %arg13[%dma_start3A_173, %dma_start3A_174] : memref<10000x64xf32, #tpu.memory_space<vmem_shared>> -> memref<10000x64xf32, #tpu.memory_space<vmem_shared>>
        tpu.enqueue_indirect_dma source(%arg11 : memref<128x64xf32, #tpu.memory_space<vmem>>) target(%dma_start3A_175 : memref<10000x64xf32, #tpu.memory_space<vmem_shared>>) offsets(%dma_start3A_172 : memref<128xi32, #tpu.memory_space<vmem>>) semaphore(%arg21 : memref<!tpu.dma_semaphore, #tpu.memory_space<semaphore_mem>>) {add = true}
        %add3A_176 = arith.constant 0 : i32
        %add3A_177 = arith.addi %mul3A_119, %add3A_176 : i32
        %add3A_178 = arith.constant 4 : i32
        %add3A_179 = arith.addi %add3A_177, %add3A_178 : i32
        %lt3A_180 = arith.constant 80 : i32
        %lt3A_181 = arith.cmpi slt, %add3A_179, %lt3A_180 : i32
        %convert_element_type3A_182 = arith.extui %lt3A_181 : i1 to i32
        %cond3A_183 = arith.constant 0 : i32
        %cond3A_184 = arith.cmpi ne, %convert_element_type3A_182, %cond3A_183 : i32
        scf.if %cond3A_184 {
          %dma_wait3A_212 = arith.constant 0 : i32
          %dma_wait3A_213 = tpu.memref_slice %arg7[%add3A_177, %dma_wait3A_212] : memref<80x128xi32, #tpu.memory_space<vmem>> -> memref<1x128xi32, #tpu.memory_space<vmem>>
          %dma_wait3A_214 = tpu.memref_squeeze %dma_wait3A_213 : memref<1x128xi32, #tpu.memory_space<vmem>> -> memref<128xi32, #tpu.memory_space<vmem>>
          %dma_wait3A_215 = arith.constant 0 : i32
          %dma_wait3A_216 = arith.constant 0 : i32
          %dma_wait3A_217 = tpu.memref_slice %arg13[%dma_wait3A_215, %dma_wait3A_216] : memref<10000x64xf32, #tpu.memory_space<vmem_shared>> -> memref<10000x64xf32, #tpu.memory_space<vmem_shared>>
          tpu.wait_indirect_dma semaphore(%arg18 : memref<!tpu.dma_semaphore, #tpu.memory_space<semaphore_mem>>) src(%arg8 : memref<128x64xf32, #tpu.memory_space<vmem>>) dst(%dma_wait3A_217 : memref<10000x64xf32, #tpu.memory_space<vmem_shared>>)
          %add3A_218 = arith.constant 4 : i32
          %add3A_219 = arith.addi %add3A_177, %add3A_218 : i32
          %dma_start3A_220 = arith.constant 0 : i32
          %dma_start3A_221 = tpu.memref_slice %arg6[%add3A_219, %dma_start3A_220] : memref<80x128xi32, #tpu.memory_space<vmem>> -> memref<1x128xi32, #tpu.memory_space<vmem>>
          %dma_start3A_222 = tpu.memref_squeeze %dma_start3A_221 : memref<1x128xi32, #tpu.memory_space<vmem>> -> memref<128xi32, #tpu.memory_space<vmem>>
          %dma_start3A_223 = arith.constant 0 : i32
          %dma_start3A_224 = arith.constant 0 : i32
          %dma_start3A_225 = tpu.memref_slice %arg2[%dma_start3A_223, %dma_start3A_224] : memref<10000x64xf32, #tpu.memory_space<hbm>> -> memref<10000x64xf32, #tpu.memory_space<hbm>>
          tpu.enqueue_indirect_dma source(%dma_start3A_225 : memref<10000x64xf32, #tpu.memory_space<hbm>>) target(%arg8 : memref<128x64xf32, #tpu.memory_space<vmem>>) offsets(%dma_start3A_222 : memref<128xi32, #tpu.memory_space<vmem>>) semaphore(%arg14 : memref<!tpu.dma_semaphore, #tpu.memory_space<semaphore_mem>>)
        } else {
        }
        %add3A_185 = arith.constant 1 : i32
        %add3A_186 = arith.addi %mul3A_119, %add3A_185 : i32
        %add3A_187 = arith.constant 4 : i32
        %add3A_188 = arith.addi %add3A_186, %add3A_187 : i32
        %lt3A_189 = arith.constant 80 : i32
        %lt3A_190 = arith.cmpi slt, %add3A_188, %lt3A_189 : i32
        %convert_element_type3A_191 = arith.extui %lt3A_190 : i1 to i32
        %cond3A_192 = arith.constant 0 : i32
        %cond3A_193 = arith.cmpi ne, %convert_element_type3A_191, %cond3A_192 : i32
        scf.if %cond3A_193 {
          %dma_wait3A_212 = arith.constant 0 : i32
          %dma_wait3A_213 = tpu.memref_slice %arg7[%add3A_186, %dma_wait3A_212] : memref<80x128xi32, #tpu.memory_space<vmem>> -> memref<1x128xi32, #tpu.memory_space<vmem>>
          %dma_wait3A_214 = tpu.memref_squeeze %dma_wait3A_213 : memref<1x128xi32, #tpu.memory_space<vmem>> -> memref<128xi32, #tpu.memory_space<vmem>>
          %dma_wait3A_215 = arith.constant 0 : i32
          %dma_wait3A_216 = arith.constant 0 : i32
          %dma_wait3A_217 = tpu.memref_slice %arg13[%dma_wait3A_215, %dma_wait3A_216] : memref<10000x64xf32, #tpu.memory_space<vmem_shared>> -> memref<10000x64xf32, #tpu.memory_space<vmem_shared>>
          tpu.wait_indirect_dma semaphore(%arg19 : memref<!tpu.dma_semaphore, #tpu.memory_space<semaphore_mem>>) src(%arg9 : memref<128x64xf32, #tpu.memory_space<vmem>>) dst(%dma_wait3A_217 : memref<10000x64xf32, #tpu.memory_space<vmem_shared>>)
          %add3A_218 = arith.constant 4 : i32
          %add3A_219 = arith.addi %add3A_186, %add3A_218 : i32
          %dma_start3A_220 = arith.constant 0 : i32
          %dma_start3A_221 = tpu.memref_slice %arg6[%add3A_219, %dma_start3A_220] : memref<80x128xi32, #tpu.memory_space<vmem>> -> memref<1x128xi32, #tpu.memory_space<vmem>>
          %dma_start3A_222 = tpu.memref_squeeze %dma_start3A_221 : memref<1x128xi32, #tpu.memory_space<vmem>> -> memref<128xi32, #tpu.memory_space<vmem>>
          %dma_start3A_223 = arith.constant 0 : i32
          %dma_start3A_224 = arith.constant 0 : i32
          %dma_start3A_225 = tpu.memref_slice %arg2[%dma_start3A_223, %dma_start3A_224] : memref<10000x64xf32, #tpu.memory_space<hbm>> -> memref<10000x64xf32, #tpu.memory_space<hbm>>
          tpu.enqueue_indirect_dma source(%dma_start3A_225 : memref<10000x64xf32, #tpu.memory_space<hbm>>) target(%arg9 : memref<128x64xf32, #tpu.memory_space<vmem>>) offsets(%dma_start3A_222 : memref<128xi32, #tpu.memory_space<vmem>>) semaphore(%arg15 : memref<!tpu.dma_semaphore, #tpu.memory_space<semaphore_mem>>)
        } else {
        }
        %add3A_194 = arith.constant 2 : i32
        %add3A_195 = arith.addi %mul3A_119, %add3A_194 : i32
        %add3A_196 = arith.constant 4 : i32
        %add3A_197 = arith.addi %add3A_195, %add3A_196 : i32
        %lt3A_198 = arith.constant 80 : i32
        %lt3A_199 = arith.cmpi slt, %add3A_197, %lt3A_198 : i32
        %convert_element_type3A_200 = arith.extui %lt3A_199 : i1 to i32
        %cond3A_201 = arith.constant 0 : i32
        %cond3A_202 = arith.cmpi ne, %convert_element_type3A_200, %cond3A_201 : i32
        scf.if %cond3A_202 {
          %dma_wait3A_212 = arith.constant 0 : i32
          %dma_wait3A_213 = tpu.memref_slice %arg7[%add3A_195, %dma_wait3A_212] : memref<80x128xi32, #tpu.memory_space<vmem>> -> memref<1x128xi32, #tpu.memory_space<vmem>>
          %dma_wait3A_214 = tpu.memref_squeeze %dma_wait3A_213 : memref<1x128xi32, #tpu.memory_space<vmem>> -> memref<128xi32, #tpu.memory_space<vmem>>
          %dma_wait3A_215 = arith.constant 0 : i32
          %dma_wait3A_216 = arith.constant 0 : i32
          %dma_wait3A_217 = tpu.memref_slice %arg13[%dma_wait3A_215, %dma_wait3A_216] : memref<10000x64xf32, #tpu.memory_space<vmem_shared>> -> memref<10000x64xf32, #tpu.memory_space<vmem_shared>>
          tpu.wait_indirect_dma semaphore(%arg20 : memref<!tpu.dma_semaphore, #tpu.memory_space<semaphore_mem>>) src(%arg10 : memref<128x64xf32, #tpu.memory_space<vmem>>) dst(%dma_wait3A_217 : memref<10000x64xf32, #tpu.memory_space<vmem_shared>>)
          %add3A_218 = arith.constant 4 : i32
          %add3A_219 = arith.addi %add3A_195, %add3A_218 : i32
          %dma_start3A_220 = arith.constant 0 : i32
          %dma_start3A_221 = tpu.memref_slice %arg6[%add3A_219, %dma_start3A_220] : memref<80x128xi32, #tpu.memory_space<vmem>> -> memref<1x128xi32, #tpu.memory_space<vmem>>
          %dma_start3A_222 = tpu.memref_squeeze %dma_start3A_221 : memref<1x128xi32, #tpu.memory_space<vmem>> -> memref<128xi32, #tpu.memory_space<vmem>>
          %dma_start3A_223 = arith.constant 0 : i32
          %dma_start3A_224 = arith.constant 0 : i32
          %dma_start3A_225 = tpu.memref_slice %arg2[%dma_start3A_223, %dma_start3A_224] : memref<10000x64xf32, #tpu.memory_space<hbm>> -> memref<10000x64xf32, #tpu.memory_space<hbm>>
          tpu.enqueue_indirect_dma source(%dma_start3A_225 : memref<10000x64xf32, #tpu.memory_space<hbm>>) target(%arg10 : memref<128x64xf32, #tpu.memory_space<vmem>>) offsets(%dma_start3A_222 : memref<128xi32, #tpu.memory_space<vmem>>) semaphore(%arg16 : memref<!tpu.dma_semaphore, #tpu.memory_space<semaphore_mem>>)
        } else {
        }
        %add3A_203 = arith.constant 3 : i32
        %add3A_204 = arith.addi %mul3A_119, %add3A_203 : i32
        %add3A_205 = arith.constant 4 : i32
        %add3A_206 = arith.addi %add3A_204, %add3A_205 : i32
        %lt3A_207 = arith.constant 80 : i32
        %lt3A_208 = arith.cmpi slt, %add3A_206, %lt3A_207 : i32
        %convert_element_type3A_209 = arith.extui %lt3A_208 : i1 to i32
        %cond3A_210 = arith.constant 0 : i32
        %cond3A_211 = arith.cmpi ne, %convert_element_type3A_209, %cond3A_210 : i32
        scf.if %cond3A_211 {
          %dma_wait3A_212 = arith.constant 0 : i32
          %dma_wait3A_213 = tpu.memref_slice %arg7[%add3A_204, %dma_wait3A_212] : memref<80x128xi32, #tpu.memory_space<vmem>> -> memref<1x128xi32, #tpu.memory_space<vmem>>
          %dma_wait3A_214 = tpu.memref_squeeze %dma_wait3A_213 : memref<1x128xi32, #tpu.memory_space<vmem>> -> memref<128xi32, #tpu.memory_space<vmem>>
          %dma_wait3A_215 = arith.constant 0 : i32
          %dma_wait3A_216 = arith.constant 0 : i32
          %dma_wait3A_217 = tpu.memref_slice %arg13[%dma_wait3A_215, %dma_wait3A_216] : memref<10000x64xf32, #tpu.memory_space<vmem_shared>> -> memref<10000x64xf32, #tpu.memory_space<vmem_shared>>
          tpu.wait_indirect_dma semaphore(%arg21 : memref<!tpu.dma_semaphore, #tpu.memory_space<semaphore_mem>>) src(%arg11 : memref<128x64xf32, #tpu.memory_space<vmem>>) dst(%dma_wait3A_217 : memref<10000x64xf32, #tpu.memory_space<vmem_shared>>)
          %add3A_218 = arith.constant 4 : i32
          %add3A_219 = arith.addi %add3A_204, %add3A_218 : i32
          %dma_start3A_220 = arith.constant 0 : i32
          %dma_start3A_221 = tpu.memref_slice %arg6[%add3A_219, %dma_start3A_220] : memref<80x128xi32, #tpu.memory_space<vmem>> -> memref<1x128xi32, #tpu.memory_space<vmem>>
          %dma_start3A_222 = tpu.memref_squeeze %dma_start3A_221 : memref<1x128xi32, #tpu.memory_space<vmem>> -> memref<128xi32, #tpu.memory_space<vmem>>
          %dma_start3A_223 = arith.constant 0 : i32
          %dma_start3A_224 = arith.constant 0 : i32
          %dma_start3A_225 = tpu.memref_slice %arg2[%dma_start3A_223, %dma_start3A_224] : memref<10000x64xf32, #tpu.memory_space<hbm>> -> memref<10000x64xf32, #tpu.memory_space<hbm>>
          tpu.enqueue_indirect_dma source(%dma_start3A_225 : memref<10000x64xf32, #tpu.memory_space<hbm>>) target(%arg11 : memref<128x64xf32, #tpu.memory_space<vmem>>) offsets(%dma_start3A_222 : memref<128xi32, #tpu.memory_space<vmem>>) semaphore(%arg17 : memref<!tpu.dma_semaphore, #tpu.memory_space<semaphore_mem>>)
        } else {
        }
      }
      %scan3A_89 = arith.constant 20 : i32
      %dma_wait3A = arith.constant 76 : i32
      %dma_wait3A_90 = arith.constant 0 : i32
      %dma_wait3A_91 = tpu.memref_slice %arg7[%dma_wait3A, %dma_wait3A_90] : memref<80x128xi32, #tpu.memory_space<vmem>> -> memref<1x128xi32, #tpu.memory_space<vmem>>
      %dma_wait3A_92 = tpu.memref_squeeze %dma_wait3A_91 : memref<1x128xi32, #tpu.memory_space<vmem>> -> memref<128xi32, #tpu.memory_space<vmem>>
      %dma_wait3A_93 = arith.constant 0 : i32
      %dma_wait3A_94 = arith.constant 0 : i32
      %dma_wait3A_95 = tpu.memref_slice %arg13[%dma_wait3A_93, %dma_wait3A_94] : memref<10000x64xf32, #tpu.memory_space<vmem_shared>> -> memref<10000x64xf32, #tpu.memory_space<vmem_shared>>
      tpu.wait_indirect_dma semaphore(%arg18 : memref<!tpu.dma_semaphore, #tpu.memory_space<semaphore_mem>>) src(%arg8 : memref<128x64xf32, #tpu.memory_space<vmem>>) dst(%dma_wait3A_95 : memref<10000x64xf32, #tpu.memory_space<vmem_shared>>)
      %dma_wait3A_96 = arith.constant 77 : i32
      %dma_wait3A_97 = arith.constant 0 : i32
      %dma_wait3A_98 = tpu.memref_slice %arg7[%dma_wait3A_96, %dma_wait3A_97] : memref<80x128xi32, #tpu.memory_space<vmem>> -> memref<1x128xi32, #tpu.memory_space<vmem>>
      %dma_wait3A_99 = tpu.memref_squeeze %dma_wait3A_98 : memref<1x128xi32, #tpu.memory_space<vmem>> -> memref<128xi32, #tpu.memory_space<vmem>>
      %dma_wait3A_100 = arith.constant 0 : i32
      %dma_wait3A_101 = arith.constant 0 : i32
      %dma_wait3A_102 = tpu.memref_slice %arg13[%dma_wait3A_100, %dma_wait3A_101] : memref<10000x64xf32, #tpu.memory_space<vmem_shared>> -> memref<10000x64xf32, #tpu.memory_space<vmem_shared>>
      tpu.wait_indirect_dma semaphore(%arg19 : memref<!tpu.dma_semaphore, #tpu.memory_space<semaphore_mem>>) src(%arg9 : memref<128x64xf32, #tpu.memory_space<vmem>>) dst(%dma_wait3A_102 : memref<10000x64xf32, #tpu.memory_space<vmem_shared>>)
      %dma_wait3A_103 = arith.constant 78 : i32
      %dma_wait3A_104 = arith.constant 0 : i32
      %dma_wait3A_105 = tpu.memref_slice %arg7[%dma_wait3A_103, %dma_wait3A_104] : memref<80x128xi32, #tpu.memory_space<vmem>> -> memref<1x128xi32, #tpu.memory_space<vmem>>
      %dma_wait3A_106 = tpu.memref_squeeze %dma_wait3A_105 : memref<1x128xi32, #tpu.memory_space<vmem>> -> memref<128xi32, #tpu.memory_space<vmem>>
      %dma_wait3A_107 = arith.constant 0 : i32
      %dma_wait3A_108 = arith.constant 0 : i32
      %dma_wait3A_109 = tpu.memref_slice %arg13[%dma_wait3A_107, %dma_wait3A_108] : memref<10000x64xf32, #tpu.memory_space<vmem_shared>> -> memref<10000x64xf32, #tpu.memory_space<vmem_shared>>
      tpu.wait_indirect_dma semaphore(%arg20 : memref<!tpu.dma_semaphore, #tpu.memory_space<semaphore_mem>>) src(%arg10 : memref<128x64xf32, #tpu.memory_space<vmem>>) dst(%dma_wait3A_109 : memref<10000x64xf32, #tpu.memory_space<vmem_shared>>)
      %dma_wait3A_110 = arith.constant 79 : i32
      %dma_wait3A_111 = arith.constant 0 : i32
      %dma_wait3A_112 = tpu.memref_slice %arg7[%dma_wait3A_110, %dma_wait3A_111] : memref<80x128xi32, #tpu.memory_space<vmem>> -> memref<1x128xi32, #tpu.memory_space<vmem>>
      %dma_wait3A_113 = tpu.memref_squeeze %dma_wait3A_112 : memref<1x128xi32, #tpu.memory_space<vmem>> -> memref<128xi32, #tpu.memory_space<vmem>>
      %dma_wait3A_114 = arith.constant 0 : i32
      %dma_wait3A_115 = arith.constant 0 : i32
      %dma_wait3A_116 = tpu.memref_slice %arg13[%dma_wait3A_114, %dma_wait3A_115] : memref<10000x64xf32, #tpu.memory_space<vmem_shared>> -> memref<10000x64xf32, #tpu.memory_space<vmem_shared>>
      tpu.wait_indirect_dma semaphore(%arg21 : memref<!tpu.dma_semaphore, #tpu.memory_space<semaphore_mem>>) src(%arg11 : memref<128x64xf32, #tpu.memory_space<vmem>>) dst(%dma_wait3A_116 : memref<10000x64xf32, #tpu.memory_space<vmem_shared>>)
    } else {
    }
    %eq3A_20 = arith.constant 1 : i32
    %eq3A_21 = arith.cmpi eq, %arg0, %eq3A_20 : i32
    %lt3A = arith.constant 15 : i32
    %lt3A_22 = arith.cmpi slt, %arg1, %lt3A : i32
    %and3A = arith.andi %eq3A_21, %lt3A_22 : i1
    %convert_element_type3A_23 = arith.extui %and3A : i1 to i32
    %cond3A_24 = arith.constant 0 : i32
    %cond3A_25 = arith.cmpi ne, %convert_element_type3A_23, %cond3A_24 : i32
    scf.if %cond3A_25 {
      %add3A_55 = arith.constant 16 : i32
      %add3A_56 = arith.addi %add3A_55, %arg1 : i32
      %mul3A_57 = arith.constant 80 : i32
      %mul3A_58 = arith.muli %add3A_56, %mul3A_57 : i32
      %run_scoped3A = arith.constant 0 : i32
      "tpu.region"() ({
        %run_scoped3A_119 = tpu.sem_alloc : memref<!tpu.dma_semaphore, #tpu.memory_space<semaphore_mem>>
        %dma_start3A_120 = arith.constant 0 : i32
        %dma_start3A_121 = arith.constant 0 : i32
        %dma_start3A_122 = tpu.memref_slice %arg6[%dma_start3A_120, %dma_start3A_121] : memref<80x128xi32, #tpu.memory_space<vmem>> -> memref<80x128xi32, #tpu.memory_space<vmem>>
        %dma_start3A_123 = arith.constant 0 : i32
        %dma_start3A_124 = tpu.memref_slice %arg3[%run_scoped3A, %mul3A_58, %dma_start3A_123] : memref<2x2500x128xi32, #tpu.memory_space<hbm>> -> memref<1x80x128xi32, #tpu.memory_space<hbm>>
        %dma_start3A_125 = tpu.memref_squeeze %dma_start3A_124 : memref<1x80x128xi32, #tpu.memory_space<hbm>> -> memref<80x128xi32, #tpu.memory_space<hbm>>
        %dma_start3A_126 = arith.constant 0 : i32
        %dma_start3A_127 = arith.constant 0 : i32
        %dma_start3A_128 = tpu.memref_slice %arg6[%dma_start3A_126, %dma_start3A_127] : memref<80x128xi32, #tpu.memory_space<vmem>> -> memref<80x128xi32, #tpu.memory_space<vmem>>
        %dma_start3A_129 = arith.constant 0 : i32
        %dma_start3A_130 = tpu.memref_slice %arg3[%run_scoped3A, %mul3A_58, %dma_start3A_129] : memref<2x2500x128xi32, #tpu.memory_space<hbm>> -> memref<1x80x128xi32, #tpu.memory_space<hbm>>
        %dma_start3A_131 = tpu.memref_squeeze %dma_start3A_130 : memref<1x80x128xi32, #tpu.memory_space<hbm>> -> memref<80x128xi32, #tpu.memory_space<hbm>>
        tpu.enqueue_dma source(%dma_start3A_131 : memref<80x128xi32, #tpu.memory_space<hbm>>) target(%dma_start3A_128 : memref<80x128xi32, #tpu.memory_space<vmem>>) target_semaphore(%run_scoped3A_119 : memref<!tpu.dma_semaphore, #tpu.memory_space<semaphore_mem>>)
        %dma_wait3A_132 = arith.constant 0 : i32
        %dma_wait3A_133 = arith.constant 0 : i32
        %dma_wait3A_134 = tpu.memref_slice %arg6[%dma_wait3A_132, %dma_wait3A_133] : memref<80x128xi32, #tpu.memory_space<vmem>> -> memref<80x128xi32, #tpu.memory_space<vmem>>
        %dma_wait3A_135 = arith.constant 0 : i32
        %dma_wait3A_136 = tpu.memref_slice %arg3[%run_scoped3A, %mul3A_58, %dma_wait3A_135] : memref<2x2500x128xi32, #tpu.memory_space<hbm>> -> memref<1x80x128xi32, #tpu.memory_space<hbm>>
        %dma_wait3A_137 = tpu.memref_squeeze %dma_wait3A_136 : memref<1x80x128xi32, #tpu.memory_space<hbm>> -> memref<80x128xi32, #tpu.memory_space<hbm>>
        %dma_wait3A_138 = arith.constant 0 : i32
        %dma_wait3A_139 = arith.constant 0 : i32
        %dma_wait3A_140 = tpu.memref_slice %arg6[%dma_wait3A_138, %dma_wait3A_139] : memref<80x128xi32, #tpu.memory_space<vmem>> -> memref<80x128xi32, #tpu.memory_space<vmem>>
        %dma_wait3A_141 = arith.constant 0 : i32
        %dma_wait3A_142 = tpu.memref_slice %arg3[%run_scoped3A, %mul3A_58, %dma_wait3A_141] : memref<2x2500x128xi32, #tpu.memory_space<hbm>> -> memref<1x80x128xi32, #tpu.memory_space<hbm>>
        %dma_wait3A_143 = tpu.memref_squeeze %dma_wait3A_142 : memref<1x80x128xi32, #tpu.memory_space<hbm>> -> memref<80x128xi32, #tpu.memory_space<hbm>>
        tpu.wait_dma2 semaphore(%run_scoped3A_119 : memref<!tpu.dma_semaphore, #tpu.memory_space<semaphore_mem>>) src(%dma_wait3A_143 : memref<80x128xi32, #tpu.memory_space<hbm>>) dst(%dma_wait3A_140 : memref<80x128xi32, #tpu.memory_space<vmem>>)
        tpu.yield
      }) : () -> ()
      %run_scoped3A_59 = arith.constant 1 : i32
      "tpu.region"() ({
        %run_scoped3A_119 = tpu.sem_alloc : memref<!tpu.dma_semaphore, #tpu.memory_space<semaphore_mem>>
        %dma_start3A_120 = arith.constant 0 : i32
        %dma_start3A_121 = arith.constant 0 : i32
        %dma_start3A_122 = tpu.memref_slice %arg7[%dma_start3A_120, %dma_start3A_121] : memref<80x128xi32, #tpu.memory_space<vmem>> -> memref<80x128xi32, #tpu.memory_space<vmem>>
        %dma_start3A_123 = arith.constant 0 : i32
        %dma_start3A_124 = tpu.memref_slice %arg3[%run_scoped3A_59, %mul3A_58, %dma_start3A_123] : memref<2x2500x128xi32, #tpu.memory_space<hbm>> -> memref<1x80x128xi32, #tpu.memory_space<hbm>>
        %dma_start3A_125 = tpu.memref_squeeze %dma_start3A_124 : memref<1x80x128xi32, #tpu.memory_space<hbm>> -> memref<80x128xi32, #tpu.memory_space<hbm>>
        %dma_start3A_126 = arith.constant 0 : i32
        %dma_start3A_127 = arith.constant 0 : i32
        %dma_start3A_128 = tpu.memref_slice %arg7[%dma_start3A_126, %dma_start3A_127] : memref<80x128xi32, #tpu.memory_space<vmem>> -> memref<80x128xi32, #tpu.memory_space<vmem>>
        %dma_start3A_129 = arith.constant 0 : i32
        %dma_start3A_130 = tpu.memref_slice %arg3[%run_scoped3A_59, %mul3A_58, %dma_start3A_129] : memref<2x2500x128xi32, #tpu.memory_space<hbm>> -> memref<1x80x128xi32, #tpu.memory_space<hbm>>
        %dma_start3A_131 = tpu.memref_squeeze %dma_start3A_130 : memref<1x80x128xi32, #tpu.memory_space<hbm>> -> memref<80x128xi32, #tpu.memory_space<hbm>>
        tpu.enqueue_dma source(%dma_start3A_131 : memref<80x128xi32, #tpu.memory_space<hbm>>) target(%dma_start3A_128 : memref<80x128xi32, #tpu.memory_space<vmem>>) target_semaphore(%run_scoped3A_119 : memref<!tpu.dma_semaphore, #tpu.memory_space<semaphore_mem>>)
        %dma_wait3A_132 = arith.constant 0 : i32
        %dma_wait3A_133 = arith.constant 0 : i32
        %dma_wait3A_134 = tpu.memref_slice %arg7[%dma_wait3A_132, %dma_wait3A_133] : memref<80x128xi32, #tpu.memory_space<vmem>> -> memref<80x128xi32, #tpu.memory_space<vmem>>
        %dma_wait3A_135 = arith.constant 0 : i32
        %dma_wait3A_136 = tpu.memref_slice %arg3[%run_scoped3A_59, %mul3A_58, %dma_wait3A_135] : memref<2x2500x128xi32, #tpu.memory_space<hbm>> -> memref<1x80x128xi32, #tpu.memory_space<hbm>>
        %dma_wait3A_137 = tpu.memref_squeeze %dma_wait3A_136 : memref<1x80x128xi32, #tpu.memory_space<hbm>> -> memref<80x128xi32, #tpu.memory_space<hbm>>
        %dma_wait3A_138 = arith.constant 0 : i32
        %dma_wait3A_139 = arith.constant 0 : i32
        %dma_wait3A_140 = tpu.memref_slice %arg7[%dma_wait3A_138, %dma_wait3A_139] : memref<80x128xi32, #tpu.memory_space<vmem>> -> memref<80x128xi32, #tpu.memory_space<vmem>>
        %dma_wait3A_141 = arith.constant 0 : i32
        %dma_wait3A_142 = tpu.memref_slice %arg3[%run_scoped3A_59, %mul3A_58, %dma_wait3A_141] : memref<2x2500x128xi32, #tpu.memory_space<hbm>> -> memref<1x80x128xi32, #tpu.memory_space<hbm>>
        %dma_wait3A_143 = tpu.memref_squeeze %dma_wait3A_142 : memref<1x80x128xi32, #tpu.memory_space<hbm>> -> memref<80x128xi32, #tpu.memory_space<hbm>>
        tpu.wait_dma2 semaphore(%run_scoped3A_119 : memref<!tpu.dma_semaphore, #tpu.memory_space<semaphore_mem>>) src(%dma_wait3A_143 : memref<80x128xi32, #tpu.memory_space<hbm>>) dst(%dma_wait3A_140 : memref<80x128xi32, #tpu.memory_space<vmem>>)
        tpu.yield
      }) : () -> ()
      %dma_start3A = arith.constant 0 : i32
      %dma_start3A_60 = arith.constant 0 : i32
      %dma_start3A_61 = tpu.memref_slice %arg6[%dma_start3A, %dma_start3A_60] : memref<80x128xi32, #tpu.memory_space<vmem>> -> memref<1x128xi32, #tpu.memory_space<vmem>>
      %dma_start3A_62 = tpu.memref_squeeze %dma_start3A_61 : memref<1x128xi32, #tpu.memory_space<vmem>> -> memref<128xi32, #tpu.memory_space<vmem>>
      %dma_start3A_63 = arith.constant 0 : i32
      %dma_start3A_64 = arith.constant 0 : i32
      %dma_start3A_65 = tpu.memref_slice %arg2[%dma_start3A_63, %dma_start3A_64] : memref<10000x64xf32, #tpu.memory_space<hbm>> -> memref<10000x64xf32, #tpu.memory_space<hbm>>
      tpu.enqueue_indirect_dma source(%dma_start3A_65 : memref<10000x64xf32, #tpu.memory_space<hbm>>) target(%arg8 : memref<128x64xf32, #tpu.memory_space<vmem>>) offsets(%dma_start3A_62 : memref<128xi32, #tpu.memory_space<vmem>>) semaphore(%arg14 : memref<!tpu.dma_semaphore, #tpu.memory_space<semaphore_mem>>)
      %dma_start3A_66 = arith.constant 1 : i32
      %dma_start3A_67 = arith.constant 0 : i32
      %dma_start3A_68 = tpu.memref_slice %arg6[%dma_start3A_66, %dma_start3A_67] : memref<80x128xi32, #tpu.memory_space<vmem>> -> memref<1x128xi32, #tpu.memory_space<vmem>>
      %dma_start3A_69 = tpu.memref_squeeze %dma_start3A_68 : memref<1x128xi32, #tpu.memory_space<vmem>> -> memref<128xi32, #tpu.memory_space<vmem>>
      %dma_start3A_70 = arith.constant 0 : i32
      %dma_start3A_71 = arith.constant 0 : i32
      %dma_start3A_72 = tpu.memref_slice %arg2[%dma_start3A_70, %dma_start3A_71] : memref<10000x64xf32, #tpu.memory_space<hbm>> -> memref<10000x64xf32, #tpu.memory_space<hbm>>
      tpu.enqueue_indirect_dma source(%dma_start3A_72 : memref<10000x64xf32, #tpu.memory_space<hbm>>) target(%arg9 : memref<128x64xf32, #tpu.memory_space<vmem>>) offsets(%dma_start3A_69 : memref<128xi32, #tpu.memory_space<vmem>>) semaphore(%arg15 : memref<!tpu.dma_semaphore, #tpu.memory_space<semaphore_mem>>)
      %dma_start3A_73 = arith.constant 2 : i32
      %dma_start3A_74 = arith.constant 0 : i32
      %dma_start3A_75 = tpu.memref_slice %arg6[%dma_start3A_73, %dma_start3A_74] : memref<80x128xi32, #tpu.memory_space<vmem>> -> memref<1x128xi32, #tpu.memory_space<vmem>>
      %dma_start3A_76 = tpu.memref_squeeze %dma_start3A_75 : memref<1x128xi32, #tpu.memory_space<vmem>> -> memref<128xi32, #tpu.memory_space<vmem>>
      %dma_start3A_77 = arith.constant 0 : i32
      %dma_start3A_78 = arith.constant 0 : i32
      %dma_start3A_79 = tpu.memref_slice %arg2[%dma_start3A_77, %dma_start3A_78] : memref<10000x64xf32, #tpu.memory_space<hbm>> -> memref<10000x64xf32, #tpu.memory_space<hbm>>
      tpu.enqueue_indirect_dma source(%dma_start3A_79 : memref<10000x64xf32, #tpu.memory_space<hbm>>) target(%arg10 : memref<128x64xf32, #tpu.memory_space<vmem>>) offsets(%dma_start3A_76 : memref<128xi32, #tpu.memory_space<vmem>>) semaphore(%arg16 : memref<!tpu.dma_semaphore, #tpu.memory_space<semaphore_mem>>)
      %dma_start3A_80 = arith.constant 3 : i32
      %dma_start3A_81 = arith.constant 0 : i32
      %dma_start3A_82 = tpu.memref_slice %arg6[%dma_start3A_80, %dma_start3A_81] : memref<80x128xi32, #tpu.memory_space<vmem>> -> memref<1x128xi32, #tpu.memory_space<vmem>>
      %dma_start3A_83 = tpu.memref_squeeze %dma_start3A_82 : memref<1x128xi32, #tpu.memory_space<vmem>> -> memref<128xi32, #tpu.memory_space<vmem>>
      %dma_start3A_84 = arith.constant 0 : i32
      %dma_start3A_85 = arith.constant 0 : i32
      %dma_start3A_86 = tpu.memref_slice %arg2[%dma_start3A_84, %dma_start3A_85] : memref<10000x64xf32, #tpu.memory_space<hbm>> -> memref<10000x64xf32, #tpu.memory_space<hbm>>
      tpu.enqueue_indirect_dma source(%dma_start3A_86 : memref<10000x64xf32, #tpu.memory_space<hbm>>) target(%arg11 : memref<128x64xf32, #tpu.memory_space<vmem>>) offsets(%dma_start3A_83 : memref<128xi32, #tpu.memory_space<vmem>>) semaphore(%arg17 : memref<!tpu.dma_semaphore, #tpu.memory_space<semaphore_mem>>)
      %scan3A = arith.constant 0 : i32
      %scan3A_87 = arith.constant 0 : i32
      %scan3A_88 = arith.constant 20 : i32
      %scan3A_89 = arith.addi %scan3A_87, %scan3A_88 : i32
      %scan3A_90 = arith.constant 1 : i32
      scf.for %scan3A_119 = %scan3A_87 to %scan3A_89 step %scan3A_90  : i32 {
        %mul3A_120 = arith.constant 4 : i32
        %mul3A_121 = arith.muli %mul3A_120, %scan3A_119 : i32
        %add3A_122 = arith.constant 0 : i32
        %add3A_123 = arith.addi %mul3A_121, %add3A_122 : i32
        %dma_wait3A_124 = arith.constant 0 : i32
        %dma_wait3A_125 = tpu.memref_slice %arg6[%add3A_123, %dma_wait3A_124] : memref<80x128xi32, #tpu.memory_space<vmem>> -> memref<1x128xi32, #tpu.memory_space<vmem>>
        %dma_wait3A_126 = tpu.memref_squeeze %dma_wait3A_125 : memref<1x128xi32, #tpu.memory_space<vmem>> -> memref<128xi32, #tpu.memory_space<vmem>>
        %dma_wait3A_127 = arith.constant 0 : i32
        %dma_wait3A_128 = arith.constant 0 : i32
        %dma_wait3A_129 = tpu.memref_slice %arg2[%dma_wait3A_127, %dma_wait3A_128] : memref<10000x64xf32, #tpu.memory_space<hbm>> -> memref<10000x64xf32, #tpu.memory_space<hbm>>
        tpu.wait_indirect_dma semaphore(%arg14 : memref<!tpu.dma_semaphore, #tpu.memory_space<semaphore_mem>>) src(%dma_wait3A_129 : memref<10000x64xf32, #tpu.memory_space<hbm>>) dst(%arg8 : memref<128x64xf32, #tpu.memory_space<vmem>>)
        %dma_start3A_130 = arith.constant 0 : i32
        %dma_start3A_131 = tpu.memref_slice %arg7[%add3A_123, %dma_start3A_130] : memref<80x128xi32, #tpu.memory_space<vmem>> -> memref<1x128xi32, #tpu.memory_space<vmem>>
        %dma_start3A_132 = tpu.memref_squeeze %dma_start3A_131 : memref<1x128xi32, #tpu.memory_space<vmem>> -> memref<128xi32, #tpu.memory_space<vmem>>
        %dma_start3A_133 = arith.constant 0 : i32
        %dma_start3A_134 = arith.constant 0 : i32
        %dma_start3A_135 = tpu.memref_slice %arg13[%dma_start3A_133, %dma_start3A_134] : memref<10000x64xf32, #tpu.memory_space<vmem_shared>> -> memref<10000x64xf32, #tpu.memory_space<vmem_shared>>
        tpu.enqueue_indirect_dma source(%arg8 : memref<128x64xf32, #tpu.memory_space<vmem>>) target(%dma_start3A_135 : memref<10000x64xf32, #tpu.memory_space<vmem_shared>>) offsets(%dma_start3A_132 : memref<128xi32, #tpu.memory_space<vmem>>) semaphore(%arg18 : memref<!tpu.dma_semaphore, #tpu.memory_space<semaphore_mem>>) {add = true}
        %add3A_136 = arith.constant 1 : i32
        %add3A_137 = arith.addi %mul3A_121, %add3A_136 : i32
        %dma_wait3A_138 = arith.constant 0 : i32
        %dma_wait3A_139 = tpu.memref_slice %arg6[%add3A_137, %dma_wait3A_138] : memref<80x128xi32, #tpu.memory_space<vmem>> -> memref<1x128xi32, #tpu.memory_space<vmem>>
        %dma_wait3A_140 = tpu.memref_squeeze %dma_wait3A_139 : memref<1x128xi32, #tpu.memory_space<vmem>> -> memref<128xi32, #tpu.memory_space<vmem>>
        %dma_wait3A_141 = arith.constant 0 : i32
        %dma_wait3A_142 = arith.constant 0 : i32
        %dma_wait3A_143 = tpu.memref_slice %arg2[%dma_wait3A_141, %dma_wait3A_142] : memref<10000x64xf32, #tpu.memory_space<hbm>> -> memref<10000x64xf32, #tpu.memory_space<hbm>>
        tpu.wait_indirect_dma semaphore(%arg15 : memref<!tpu.dma_semaphore, #tpu.memory_space<semaphore_mem>>) src(%dma_wait3A_143 : memref<10000x64xf32, #tpu.memory_space<hbm>>) dst(%arg9 : memref<128x64xf32, #tpu.memory_space<vmem>>)
        %dma_start3A_144 = arith.constant 0 : i32
        %dma_start3A_145 = tpu.memref_slice %arg7[%add3A_137, %dma_start3A_144] : memref<80x128xi32, #tpu.memory_space<vmem>> -> memref<1x128xi32, #tpu.memory_space<vmem>>
        %dma_start3A_146 = tpu.memref_squeeze %dma_start3A_145 : memref<1x128xi32, #tpu.memory_space<vmem>> -> memref<128xi32, #tpu.memory_space<vmem>>
        %dma_start3A_147 = arith.constant 0 : i32
        %dma_start3A_148 = arith.constant 0 : i32
        %dma_start3A_149 = tpu.memref_slice %arg13[%dma_start3A_147, %dma_start3A_148] : memref<10000x64xf32, #tpu.memory_space<vmem_shared>> -> memref<10000x64xf32, #tpu.memory_space<vmem_shared>>
        tpu.enqueue_indirect_dma source(%arg9 : memref<128x64xf32, #tpu.memory_space<vmem>>) target(%dma_start3A_149 : memref<10000x64xf32, #tpu.memory_space<vmem_shared>>) offsets(%dma_start3A_146 : memref<128xi32, #tpu.memory_space<vmem>>) semaphore(%arg19 : memref<!tpu.dma_semaphore, #tpu.memory_space<semaphore_mem>>) {add = true}
        %add3A_150 = arith.constant 2 : i32
        %add3A_151 = arith.addi %mul3A_121, %add3A_150 : i32
        %dma_wait3A_152 = arith.constant 0 : i32
        %dma_wait3A_153 = tpu.memref_slice %arg6[%add3A_151, %dma_wait3A_152] : memref<80x128xi32, #tpu.memory_space<vmem>> -> memref<1x128xi32, #tpu.memory_space<vmem>>
        %dma_wait3A_154 = tpu.memref_squeeze %dma_wait3A_153 : memref<1x128xi32, #tpu.memory_space<vmem>> -> memref<128xi32, #tpu.memory_space<vmem>>
        %dma_wait3A_155 = arith.constant 0 : i32
        %dma_wait3A_156 = arith.constant 0 : i32
        %dma_wait3A_157 = tpu.memref_slice %arg2[%dma_wait3A_155, %dma_wait3A_156] : memref<10000x64xf32, #tpu.memory_space<hbm>> -> memref<10000x64xf32, #tpu.memory_space<hbm>>
        tpu.wait_indirect_dma semaphore(%arg16 : memref<!tpu.dma_semaphore, #tpu.memory_space<semaphore_mem>>) src(%dma_wait3A_157 : memref<10000x64xf32, #tpu.memory_space<hbm>>) dst(%arg10 : memref<128x64xf32, #tpu.memory_space<vmem>>)
        %dma_start3A_158 = arith.constant 0 : i32
        %dma_start3A_159 = tpu.memref_slice %arg7[%add3A_151, %dma_start3A_158] : memref<80x128xi32, #tpu.memory_space<vmem>> -> memref<1x128xi32, #tpu.memory_space<vmem>>
        %dma_start3A_160 = tpu.memref_squeeze %dma_start3A_159 : memref<1x128xi32, #tpu.memory_space<vmem>> -> memref<128xi32, #tpu.memory_space<vmem>>
        %dma_start3A_161 = arith.constant 0 : i32
        %dma_start3A_162 = arith.constant 0 : i32
        %dma_start3A_163 = tpu.memref_slice %arg13[%dma_start3A_161, %dma_start3A_162] : memref<10000x64xf32, #tpu.memory_space<vmem_shared>> -> memref<10000x64xf32, #tpu.memory_space<vmem_shared>>
        tpu.enqueue_indirect_dma source(%arg10 : memref<128x64xf32, #tpu.memory_space<vmem>>) target(%dma_start3A_163 : memref<10000x64xf32, #tpu.memory_space<vmem_shared>>) offsets(%dma_start3A_160 : memref<128xi32, #tpu.memory_space<vmem>>) semaphore(%arg20 : memref<!tpu.dma_semaphore, #tpu.memory_space<semaphore_mem>>) {add = true}
        %add3A_164 = arith.constant 3 : i32
        %add3A_165 = arith.addi %mul3A_121, %add3A_164 : i32
        %dma_wait3A_166 = arith.constant 0 : i32
        %dma_wait3A_167 = tpu.memref_slice %arg6[%add3A_165, %dma_wait3A_166] : memref<80x128xi32, #tpu.memory_space<vmem>> -> memref<1x128xi32, #tpu.memory_space<vmem>>
        %dma_wait3A_168 = tpu.memref_squeeze %dma_wait3A_167 : memref<1x128xi32, #tpu.memory_space<vmem>> -> memref<128xi32, #tpu.memory_space<vmem>>
        %dma_wait3A_169 = arith.constant 0 : i32
        %dma_wait3A_170 = arith.constant 0 : i32
        %dma_wait3A_171 = tpu.memref_slice %arg2[%dma_wait3A_169, %dma_wait3A_170] : memref<10000x64xf32, #tpu.memory_space<hbm>> -> memref<10000x64xf32, #tpu.memory_space<hbm>>
        tpu.wait_indirect_dma semaphore(%arg17 : memref<!tpu.dma_semaphore, #tpu.memory_space<semaphore_mem>>) src(%dma_wait3A_171 : memref<10000x64xf32, #tpu.memory_space<hbm>>) dst(%arg11 : memref<128x64xf32, #tpu.memory_space<vmem>>)
        %dma_start3A_172 = arith.constant 0 : i32
        %dma_start3A_173 = tpu.memref_slice %arg7[%add3A_165, %dma_start3A_172] : memref<80x128xi32, #tpu.memory_space<vmem>> -> memref<1x128xi32, #tpu.memory_space<vmem>>
        %dma_start3A_174 = tpu.memref_squeeze %dma_start3A_173 : memref<1x128xi32, #tpu.memory_space<vmem>> -> memref<128xi32, #tpu.memory_space<vmem>>
        %dma_start3A_175 = arith.constant 0 : i32
        %dma_start3A_176 = arith.constant 0 : i32
        %dma_start3A_177 = tpu.memref_slice %arg13[%dma_start3A_175, %dma_start3A_176] : memref<10000x64xf32, #tpu.memory_space<vmem_shared>> -> memref<10000x64xf32, #tpu.memory_space<vmem_shared>>
        tpu.enqueue_indirect_dma source(%arg11 : memref<128x64xf32, #tpu.memory_space<vmem>>) target(%dma_start3A_177 : memref<10000x64xf32, #tpu.memory_space<vmem_shared>>) offsets(%dma_start3A_174 : memref<128xi32, #tpu.memory_space<vmem>>) semaphore(%arg21 : memref<!tpu.dma_semaphore, #tpu.memory_space<semaphore_mem>>) {add = true}
        %add3A_178 = arith.constant 0 : i32
        %add3A_179 = arith.addi %mul3A_121, %add3A_178 : i32
        %add3A_180 = arith.constant 4 : i32
        %add3A_181 = arith.addi %add3A_179, %add3A_180 : i32
        %lt3A_182 = arith.constant 80 : i32
        %lt3A_183 = arith.cmpi slt, %add3A_181, %lt3A_182 : i32
        %convert_element_type3A_184 = arith.extui %lt3A_183 : i1 to i32
        %cond3A_185 = arith.constant 0 : i32
        %cond3A_186 = arith.cmpi ne, %convert_element_type3A_184, %cond3A_185 : i32
        scf.if %cond3A_186 {
          %dma_wait3A_214 = arith.constant 0 : i32
          %dma_wait3A_215 = tpu.memref_slice %arg7[%add3A_179, %dma_wait3A_214] : memref<80x128xi32, #tpu.memory_space<vmem>> -> memref<1x128xi32, #tpu.memory_space<vmem>>
          %dma_wait3A_216 = tpu.memref_squeeze %dma_wait3A_215 : memref<1x128xi32, #tpu.memory_space<vmem>> -> memref<128xi32, #tpu.memory_space<vmem>>
          %dma_wait3A_217 = arith.constant 0 : i32
          %dma_wait3A_218 = arith.constant 0 : i32
          %dma_wait3A_219 = tpu.memref_slice %arg13[%dma_wait3A_217, %dma_wait3A_218] : memref<10000x64xf32, #tpu.memory_space<vmem_shared>> -> memref<10000x64xf32, #tpu.memory_space<vmem_shared>>
          tpu.wait_indirect_dma semaphore(%arg18 : memref<!tpu.dma_semaphore, #tpu.memory_space<semaphore_mem>>) src(%arg8 : memref<128x64xf32, #tpu.memory_space<vmem>>) dst(%dma_wait3A_219 : memref<10000x64xf32, #tpu.memory_space<vmem_shared>>)
          %add3A_220 = arith.constant 4 : i32
          %add3A_221 = arith.addi %add3A_179, %add3A_220 : i32
          %dma_start3A_222 = arith.constant 0 : i32
          %dma_start3A_223 = tpu.memref_slice %arg6[%add3A_221, %dma_start3A_222] : memref<80x128xi32, #tpu.memory_space<vmem>> -> memref<1x128xi32, #tpu.memory_space<vmem>>
          %dma_start3A_224 = tpu.memref_squeeze %dma_start3A_223 : memref<1x128xi32, #tpu.memory_space<vmem>> -> memref<128xi32, #tpu.memory_space<vmem>>
          %dma_start3A_225 = arith.constant 0 : i32
          %dma_start3A_226 = arith.constant 0 : i32
          %dma_start3A_227 = tpu.memref_slice %arg2[%dma_start3A_225, %dma_start3A_226] : memref<10000x64xf32, #tpu.memory_space<hbm>> -> memref<10000x64xf32, #tpu.memory_space<hbm>>
          tpu.enqueue_indirect_dma source(%dma_start3A_227 : memref<10000x64xf32, #tpu.memory_space<hbm>>) target(%arg8 : memref<128x64xf32, #tpu.memory_space<vmem>>) offsets(%dma_start3A_224 : memref<128xi32, #tpu.memory_space<vmem>>) semaphore(%arg14 : memref<!tpu.dma_semaphore, #tpu.memory_space<semaphore_mem>>)
        } else {
        }
        %add3A_187 = arith.constant 1 : i32
        %add3A_188 = arith.addi %mul3A_121, %add3A_187 : i32
        %add3A_189 = arith.constant 4 : i32
        %add3A_190 = arith.addi %add3A_188, %add3A_189 : i32
        %lt3A_191 = arith.constant 80 : i32
        %lt3A_192 = arith.cmpi slt, %add3A_190, %lt3A_191 : i32
        %convert_element_type3A_193 = arith.extui %lt3A_192 : i1 to i32
        %cond3A_194 = arith.constant 0 : i32
        %cond3A_195 = arith.cmpi ne, %convert_element_type3A_193, %cond3A_194 : i32
        scf.if %cond3A_195 {
          %dma_wait3A_214 = arith.constant 0 : i32
          %dma_wait3A_215 = tpu.memref_slice %arg7[%add3A_188, %dma_wait3A_214] : memref<80x128xi32, #tpu.memory_space<vmem>> -> memref<1x128xi32, #tpu.memory_space<vmem>>
          %dma_wait3A_216 = tpu.memref_squeeze %dma_wait3A_215 : memref<1x128xi32, #tpu.memory_space<vmem>> -> memref<128xi32, #tpu.memory_space<vmem>>
          %dma_wait3A_217 = arith.constant 0 : i32
          %dma_wait3A_218 = arith.constant 0 : i32
          %dma_wait3A_219 = tpu.memref_slice %arg13[%dma_wait3A_217, %dma_wait3A_218] : memref<10000x64xf32, #tpu.memory_space<vmem_shared>> -> memref<10000x64xf32, #tpu.memory_space<vmem_shared>>
          tpu.wait_indirect_dma semaphore(%arg19 : memref<!tpu.dma_semaphore, #tpu.memory_space<semaphore_mem>>) src(%arg9 : memref<128x64xf32, #tpu.memory_space<vmem>>) dst(%dma_wait3A_219 : memref<10000x64xf32, #tpu.memory_space<vmem_shared>>)
          %add3A_220 = arith.constant 4 : i32
          %add3A_221 = arith.addi %add3A_188, %add3A_220 : i32
          %dma_start3A_222 = arith.constant 0 : i32
          %dma_start3A_223 = tpu.memref_slice %arg6[%add3A_221, %dma_start3A_222] : memref<80x128xi32, #tpu.memory_space<vmem>> -> memref<1x128xi32, #tpu.memory_space<vmem>>
          %dma_start3A_224 = tpu.memref_squeeze %dma_start3A_223 : memref<1x128xi32, #tpu.memory_space<vmem>> -> memref<128xi32, #tpu.memory_space<vmem>>
          %dma_start3A_225 = arith.constant 0 : i32
          %dma_start3A_226 = arith.constant 0 : i32
          %dma_start3A_227 = tpu.memref_slice %arg2[%dma_start3A_225, %dma_start3A_226] : memref<10000x64xf32, #tpu.memory_space<hbm>> -> memref<10000x64xf32, #tpu.memory_space<hbm>>
          tpu.enqueue_indirect_dma source(%dma_start3A_227 : memref<10000x64xf32, #tpu.memory_space<hbm>>) target(%arg9 : memref<128x64xf32, #tpu.memory_space<vmem>>) offsets(%dma_start3A_224 : memref<128xi32, #tpu.memory_space<vmem>>) semaphore(%arg15 : memref<!tpu.dma_semaphore, #tpu.memory_space<semaphore_mem>>)
        } else {
        }
        %add3A_196 = arith.constant 2 : i32
        %add3A_197 = arith.addi %mul3A_121, %add3A_196 : i32
        %add3A_198 = arith.constant 4 : i32
        %add3A_199 = arith.addi %add3A_197, %add3A_198 : i32
        %lt3A_200 = arith.constant 80 : i32
        %lt3A_201 = arith.cmpi slt, %add3A_199, %lt3A_200 : i32
        %convert_element_type3A_202 = arith.extui %lt3A_201 : i1 to i32
        %cond3A_203 = arith.constant 0 : i32
        %cond3A_204 = arith.cmpi ne, %convert_element_type3A_202, %cond3A_203 : i32
        scf.if %cond3A_204 {
          %dma_wait3A_214 = arith.constant 0 : i32
          %dma_wait3A_215 = tpu.memref_slice %arg7[%add3A_197, %dma_wait3A_214] : memref<80x128xi32, #tpu.memory_space<vmem>> -> memref<1x128xi32, #tpu.memory_space<vmem>>
          %dma_wait3A_216 = tpu.memref_squeeze %dma_wait3A_215 : memref<1x128xi32, #tpu.memory_space<vmem>> -> memref<128xi32, #tpu.memory_space<vmem>>
          %dma_wait3A_217 = arith.constant 0 : i32
          %dma_wait3A_218 = arith.constant 0 : i32
          %dma_wait3A_219 = tpu.memref_slice %arg13[%dma_wait3A_217, %dma_wait3A_218] : memref<10000x64xf32, #tpu.memory_space<vmem_shared>> -> memref<10000x64xf32, #tpu.memory_space<vmem_shared>>
          tpu.wait_indirect_dma semaphore(%arg20 : memref<!tpu.dma_semaphore, #tpu.memory_space<semaphore_mem>>) src(%arg10 : memref<128x64xf32, #tpu.memory_space<vmem>>) dst(%dma_wait3A_219 : memref<10000x64xf32, #tpu.memory_space<vmem_shared>>)
          %add3A_220 = arith.constant 4 : i32
          %add3A_221 = arith.addi %add3A_197, %add3A_220 : i32
          %dma_start3A_222 = arith.constant 0 : i32
          %dma_start3A_223 = tpu.memref_slice %arg6[%add3A_221, %dma_start3A_222] : memref<80x128xi32, #tpu.memory_space<vmem>> -> memref<1x128xi32, #tpu.memory_space<vmem>>
          %dma_start3A_224 = tpu.memref_squeeze %dma_start3A_223 : memref<1x128xi32, #tpu.memory_space<vmem>> -> memref<128xi32, #tpu.memory_space<vmem>>
          %dma_start3A_225 = arith.constant 0 : i32
          %dma_start3A_226 = arith.constant 0 : i32
          %dma_start3A_227 = tpu.memref_slice %arg2[%dma_start3A_225, %dma_start3A_226] : memref<10000x64xf32, #tpu.memory_space<hbm>> -> memref<10000x64xf32, #tpu.memory_space<hbm>>
          tpu.enqueue_indirect_dma source(%dma_start3A_227 : memref<10000x64xf32, #tpu.memory_space<hbm>>) target(%arg10 : memref<128x64xf32, #tpu.memory_space<vmem>>) offsets(%dma_start3A_224 : memref<128xi32, #tpu.memory_space<vmem>>) semaphore(%arg16 : memref<!tpu.dma_semaphore, #tpu.memory_space<semaphore_mem>>)
        } else {
        }
        %add3A_205 = arith.constant 3 : i32
        %add3A_206 = arith.addi %mul3A_121, %add3A_205 : i32
        %add3A_207 = arith.constant 4 : i32
        %add3A_208 = arith.addi %add3A_206, %add3A_207 : i32
        %lt3A_209 = arith.constant 80 : i32
        %lt3A_210 = arith.cmpi slt, %add3A_208, %lt3A_209 : i32
        %convert_element_type3A_211 = arith.extui %lt3A_210 : i1 to i32
        %cond3A_212 = arith.constant 0 : i32
        %cond3A_213 = arith.cmpi ne, %convert_element_type3A_211, %cond3A_212 : i32
        scf.if %cond3A_213 {
          %dma_wait3A_214 = arith.constant 0 : i32
          %dma_wait3A_215 = tpu.memref_slice %arg7[%add3A_206, %dma_wait3A_214] : memref<80x128xi32, #tpu.memory_space<vmem>> -> memref<1x128xi32, #tpu.memory_space<vmem>>
          %dma_wait3A_216 = tpu.memref_squeeze %dma_wait3A_215 : memref<1x128xi32, #tpu.memory_space<vmem>> -> memref<128xi32, #tpu.memory_space<vmem>>
          %dma_wait3A_217 = arith.constant 0 : i32
          %dma_wait3A_218 = arith.constant 0 : i32
          %dma_wait3A_219 = tpu.memref_slice %arg13[%dma_wait3A_217, %dma_wait3A_218] : memref<10000x64xf32, #tpu.memory_space<vmem_shared>> -> memref<10000x64xf32, #tpu.memory_space<vmem_shared>>
          tpu.wait_indirect_dma semaphore(%arg21 : memref<!tpu.dma_semaphore, #tpu.memory_space<semaphore_mem>>) src(%arg11 : memref<128x64xf32, #tpu.memory_space<vmem>>) dst(%dma_wait3A_219 : memref<10000x64xf32, #tpu.memory_space<vmem_shared>>)
          %add3A_220 = arith.constant 4 : i32
          %add3A_221 = arith.addi %add3A_206, %add3A_220 : i32
          %dma_start3A_222 = arith.constant 0 : i32
          %dma_start3A_223 = tpu.memref_slice %arg6[%add3A_221, %dma_start3A_222] : memref<80x128xi32, #tpu.memory_space<vmem>> -> memref<1x128xi32, #tpu.memory_space<vmem>>
          %dma_start3A_224 = tpu.memref_squeeze %dma_start3A_223 : memref<1x128xi32, #tpu.memory_space<vmem>> -> memref<128xi32, #tpu.memory_space<vmem>>
          %dma_start3A_225 = arith.constant 0 : i32
          %dma_start3A_226 = arith.constant 0 : i32
          %dma_start3A_227 = tpu.memref_slice %arg2[%dma_start3A_225, %dma_start3A_226] : memref<10000x64xf32, #tpu.memory_space<hbm>> -> memref<10000x64xf32, #tpu.memory_space<hbm>>
          tpu.enqueue_indirect_dma source(%dma_start3A_227 : memref<10000x64xf32, #tpu.memory_space<hbm>>) target(%arg11 : memref<128x64xf32, #tpu.memory_space<vmem>>) offsets(%dma_start3A_224 : memref<128xi32, #tpu.memory_space<vmem>>) semaphore(%arg17 : memref<!tpu.dma_semaphore, #tpu.memory_space<semaphore_mem>>)
        } else {
        }
      }
      %scan3A_91 = arith.constant 20 : i32
      %dma_wait3A = arith.constant 76 : i32
      %dma_wait3A_92 = arith.constant 0 : i32
      %dma_wait3A_93 = tpu.memref_slice %arg7[%dma_wait3A, %dma_wait3A_92] : memref<80x128xi32, #tpu.memory_space<vmem>> -> memref<1x128xi32, #tpu.memory_space<vmem>>
      %dma_wait3A_94 = tpu.memref_squeeze %dma_wait3A_93 : memref<1x128xi32, #tpu.memory_space<vmem>> -> memref<128xi32, #tpu.memory_space<vmem>>
      %dma_wait3A_95 = arith.constant 0 : i32
      %dma_wait3A_96 = arith.constant 0 : i32
      %dma_wait3A_97 = tpu.memref_slice %arg13[%dma_wait3A_95, %dma_wait3A_96] : memref<10000x64xf32, #tpu.memory_space<vmem_shared>> -> memref<10000x64xf32, #tpu.memory_space<vmem_shared>>
      tpu.wait_indirect_dma semaphore(%arg18 : memref<!tpu.dma_semaphore, #tpu.memory_space<semaphore_mem>>) src(%arg8 : memref<128x64xf32, #tpu.memory_space<vmem>>) dst(%dma_wait3A_97 : memref<10000x64xf32, #tpu.memory_space<vmem_shared>>)
      %dma_wait3A_98 = arith.constant 77 : i32
      %dma_wait3A_99 = arith.constant 0 : i32
      %dma_wait3A_100 = tpu.memref_slice %arg7[%dma_wait3A_98, %dma_wait3A_99] : memref<80x128xi32, #tpu.memory_space<vmem>> -> memref<1x128xi32, #tpu.memory_space<vmem>>
      %dma_wait3A_101 = tpu.memref_squeeze %dma_wait3A_100 : memref<1x128xi32, #tpu.memory_space<vmem>> -> memref<128xi32, #tpu.memory_space<vmem>>
      %dma_wait3A_102 = arith.constant 0 : i32
      %dma_wait3A_103 = arith.constant 0 : i32
      %dma_wait3A_104 = tpu.memref_slice %arg13[%dma_wait3A_102, %dma_wait3A_103] : memref<10000x64xf32, #tpu.memory_space<vmem_shared>> -> memref<10000x64xf32, #tpu.memory_space<vmem_shared>>
      tpu.wait_indirect_dma semaphore(%arg19 : memref<!tpu.dma_semaphore, #tpu.memory_space<semaphore_mem>>) src(%arg9 : memref<128x64xf32, #tpu.memory_space<vmem>>) dst(%dma_wait3A_104 : memref<10000x64xf32, #tpu.memory_space<vmem_shared>>)
      %dma_wait3A_105 = arith.constant 78 : i32
      %dma_wait3A_106 = arith.constant 0 : i32
      %dma_wait3A_107 = tpu.memref_slice %arg7[%dma_wait3A_105, %dma_wait3A_106] : memref<80x128xi32, #tpu.memory_space<vmem>> -> memref<1x128xi32, #tpu.memory_space<vmem>>
      %dma_wait3A_108 = tpu.memref_squeeze %dma_wait3A_107 : memref<1x128xi32, #tpu.memory_space<vmem>> -> memref<128xi32, #tpu.memory_space<vmem>>
      %dma_wait3A_109 = arith.constant 0 : i32
      %dma_wait3A_110 = arith.constant 0 : i32
      %dma_wait3A_111 = tpu.memref_slice %arg13[%dma_wait3A_109, %dma_wait3A_110] : memref<10000x64xf32, #tpu.memory_space<vmem_shared>> -> memref<10000x64xf32, #tpu.memory_space<vmem_shared>>
      tpu.wait_indirect_dma semaphore(%arg20 : memref<!tpu.dma_semaphore, #tpu.memory_space<semaphore_mem>>) src(%arg10 : memref<128x64xf32, #tpu.memory_space<vmem>>) dst(%dma_wait3A_111 : memref<10000x64xf32, #tpu.memory_space<vmem_shared>>)
      %dma_wait3A_112 = arith.constant 79 : i32
      %dma_wait3A_113 = arith.constant 0 : i32
      %dma_wait3A_114 = tpu.memref_slice %arg7[%dma_wait3A_112, %dma_wait3A_113] : memref<80x128xi32, #tpu.memory_space<vmem>> -> memref<1x128xi32, #tpu.memory_space<vmem>>
      %dma_wait3A_115 = tpu.memref_squeeze %dma_wait3A_114 : memref<1x128xi32, #tpu.memory_space<vmem>> -> memref<128xi32, #tpu.memory_space<vmem>>
      %dma_wait3A_116 = arith.constant 0 : i32
      %dma_wait3A_117 = arith.constant 0 : i32
      %dma_wait3A_118 = tpu.memref_slice %arg13[%dma_wait3A_116, %dma_wait3A_117] : memref<10000x64xf32, #tpu.memory_space<vmem_shared>> -> memref<10000x64xf32, #tpu.memory_space<vmem_shared>>
      tpu.wait_indirect_dma semaphore(%arg21 : memref<!tpu.dma_semaphore, #tpu.memory_space<semaphore_mem>>) src(%arg11 : memref<128x64xf32, #tpu.memory_space<vmem>>) dst(%dma_wait3A_118 : memref<10000x64xf32, #tpu.memory_space<vmem_shared>>)
    } else {
    }
    %eq3A_26 = arith.constant 1 : i32
    %eq3A_27 = arith.cmpi eq, %arg0, %eq3A_26 : i32
    %eq3A_28 = arith.constant 15 : i32
    %eq3A_29 = arith.cmpi eq, %arg1, %eq3A_28 : i32
    %and3A_30 = arith.andi %eq3A_27, %eq3A_29 : i1
    %convert_element_type3A_31 = arith.extui %and3A_30 : i1 to i32
    %cond3A_32 = arith.constant 0 : i32
    %cond3A_33 = arith.cmpi ne, %convert_element_type3A_31, %cond3A_32 : i32
    scf.if %cond3A_33 {
      %run_scoped3A = arith.constant 0 : i32
      "tpu.region"() ({
        %run_scoped3A_115 = tpu.sem_alloc : memref<!tpu.dma_semaphore, #tpu.memory_space<semaphore_mem>>
        %dma_start3A_116 = arith.constant 0 : i32
        %dma_start3A_117 = arith.constant 0 : i32
        %dma_start3A_118 = tpu.memref_slice %arg6[%dma_start3A_116, %dma_start3A_117] : memref<80x128xi32, #tpu.memory_space<vmem>> -> memref<20x128xi32, #tpu.memory_space<vmem>>
        %dma_start3A_119 = arith.constant 2480 : i32
        %dma_start3A_120 = arith.constant 0 : i32
        %dma_start3A_121 = tpu.memref_slice %arg3[%run_scoped3A, %dma_start3A_119, %dma_start3A_120] : memref<2x2500x128xi32, #tpu.memory_space<hbm>> -> memref<1x20x128xi32, #tpu.memory_space<hbm>>
        %dma_start3A_122 = tpu.memref_squeeze %dma_start3A_121 : memref<1x20x128xi32, #tpu.memory_space<hbm>> -> memref<20x128xi32, #tpu.memory_space<hbm>>
        %dma_start3A_123 = arith.constant 0 : i32
        %dma_start3A_124 = arith.constant 0 : i32
        %dma_start3A_125 = tpu.memref_slice %arg6[%dma_start3A_123, %dma_start3A_124] : memref<80x128xi32, #tpu.memory_space<vmem>> -> memref<20x128xi32, #tpu.memory_space<vmem>>
        %dma_start3A_126 = arith.constant 2480 : i32
        %dma_start3A_127 = arith.constant 0 : i32
        %dma_start3A_128 = tpu.memref_slice %arg3[%run_scoped3A, %dma_start3A_126, %dma_start3A_127] : memref<2x2500x128xi32, #tpu.memory_space<hbm>> -> memref<1x20x128xi32, #tpu.memory_space<hbm>>
        %dma_start3A_129 = tpu.memref_squeeze %dma_start3A_128 : memref<1x20x128xi32, #tpu.memory_space<hbm>> -> memref<20x128xi32, #tpu.memory_space<hbm>>
        tpu.enqueue_dma source(%dma_start3A_129 : memref<20x128xi32, #tpu.memory_space<hbm>>) target(%dma_start3A_125 : memref<20x128xi32, #tpu.memory_space<vmem>>) target_semaphore(%run_scoped3A_115 : memref<!tpu.dma_semaphore, #tpu.memory_space<semaphore_mem>>)
        %dma_wait3A_130 = arith.constant 0 : i32
        %dma_wait3A_131 = arith.constant 0 : i32
        %dma_wait3A_132 = tpu.memref_slice %arg6[%dma_wait3A_130, %dma_wait3A_131] : memref<80x128xi32, #tpu.memory_space<vmem>> -> memref<20x128xi32, #tpu.memory_space<vmem>>
        %dma_wait3A_133 = arith.constant 2480 : i32
        %dma_wait3A_134 = arith.constant 0 : i32
        %dma_wait3A_135 = tpu.memref_slice %arg3[%run_scoped3A, %dma_wait3A_133, %dma_wait3A_134] : memref<2x2500x128xi32, #tpu.memory_space<hbm>> -> memref<1x20x128xi32, #tpu.memory_space<hbm>>
        %dma_wait3A_136 = tpu.memref_squeeze %dma_wait3A_135 : memref<1x20x128xi32, #tpu.memory_space<hbm>> -> memref<20x128xi32, #tpu.memory_space<hbm>>
        %dma_wait3A_137 = arith.constant 0 : i32
        %dma_wait3A_138 = arith.constant 0 : i32
        %dma_wait3A_139 = tpu.memref_slice %arg6[%dma_wait3A_137, %dma_wait3A_138] : memref<80x128xi32, #tpu.memory_space<vmem>> -> memref<20x128xi32, #tpu.memory_space<vmem>>
        %dma_wait3A_140 = arith.constant 2480 : i32
        %dma_wait3A_141 = arith.constant 0 : i32
        %dma_wait3A_142 = tpu.memref_slice %arg3[%run_scoped3A, %dma_wait3A_140, %dma_wait3A_141] : memref<2x2500x128xi32, #tpu.memory_space<hbm>> -> memref<1x20x128xi32, #tpu.memory_space<hbm>>
        %dma_wait3A_143 = tpu.memref_squeeze %dma_wait3A_142 : memref<1x20x128xi32, #tpu.memory_space<hbm>> -> memref<20x128xi32, #tpu.memory_space<hbm>>
        tpu.wait_dma2 semaphore(%run_scoped3A_115 : memref<!tpu.dma_semaphore, #tpu.memory_space<semaphore_mem>>) src(%dma_wait3A_143 : memref<20x128xi32, #tpu.memory_space<hbm>>) dst(%dma_wait3A_139 : memref<20x128xi32, #tpu.memory_space<vmem>>)
        tpu.yield
      }) : () -> ()
      %run_scoped3A_55 = arith.constant 1 : i32
      "tpu.region"() ({
        %run_scoped3A_115 = tpu.sem_alloc : memref<!tpu.dma_semaphore, #tpu.memory_space<semaphore_mem>>
        %dma_start3A_116 = arith.constant 0 : i32
        %dma_start3A_117 = arith.constant 0 : i32
        %dma_start3A_118 = tpu.memref_slice %arg7[%dma_start3A_116, %dma_start3A_117] : memref<80x128xi32, #tpu.memory_space<vmem>> -> memref<20x128xi32, #tpu.memory_space<vmem>>
        %dma_start3A_119 = arith.constant 2480 : i32
        %dma_start3A_120 = arith.constant 0 : i32
        %dma_start3A_121 = tpu.memref_slice %arg3[%run_scoped3A_55, %dma_start3A_119, %dma_start3A_120] : memref<2x2500x128xi32, #tpu.memory_space<hbm>> -> memref<1x20x128xi32, #tpu.memory_space<hbm>>
        %dma_start3A_122 = tpu.memref_squeeze %dma_start3A_121 : memref<1x20x128xi32, #tpu.memory_space<hbm>> -> memref<20x128xi32, #tpu.memory_space<hbm>>
        %dma_start3A_123 = arith.constant 0 : i32
        %dma_start3A_124 = arith.constant 0 : i32
        %dma_start3A_125 = tpu.memref_slice %arg7[%dma_start3A_123, %dma_start3A_124] : memref<80x128xi32, #tpu.memory_space<vmem>> -> memref<20x128xi32, #tpu.memory_space<vmem>>
        %dma_start3A_126 = arith.constant 2480 : i32
        %dma_start3A_127 = arith.constant 0 : i32
        %dma_start3A_128 = tpu.memref_slice %arg3[%run_scoped3A_55, %dma_start3A_126, %dma_start3A_127] : memref<2x2500x128xi32, #tpu.memory_space<hbm>> -> memref<1x20x128xi32, #tpu.memory_space<hbm>>
        %dma_start3A_129 = tpu.memref_squeeze %dma_start3A_128 : memref<1x20x128xi32, #tpu.memory_space<hbm>> -> memref<20x128xi32, #tpu.memory_space<hbm>>
        tpu.enqueue_dma source(%dma_start3A_129 : memref<20x128xi32, #tpu.memory_space<hbm>>) target(%dma_start3A_125 : memref<20x128xi32, #tpu.memory_space<vmem>>) target_semaphore(%run_scoped3A_115 : memref<!tpu.dma_semaphore, #tpu.memory_space<semaphore_mem>>)
        %dma_wait3A_130 = arith.constant 0 : i32
        %dma_wait3A_131 = arith.constant 0 : i32
        %dma_wait3A_132 = tpu.memref_slice %arg7[%dma_wait3A_130, %dma_wait3A_131] : memref<80x128xi32, #tpu.memory_space<vmem>> -> memref<20x128xi32, #tpu.memory_space<vmem>>
        %dma_wait3A_133 = arith.constant 2480 : i32
        %dma_wait3A_134 = arith.constant 0 : i32
        %dma_wait3A_135 = tpu.memref_slice %arg3[%run_scoped3A_55, %dma_wait3A_133, %dma_wait3A_134] : memref<2x2500x128xi32, #tpu.memory_space<hbm>> -> memref<1x20x128xi32, #tpu.memory_space<hbm>>
        %dma_wait3A_136 = tpu.memref_squeeze %dma_wait3A_135 : memref<1x20x128xi32, #tpu.memory_space<hbm>> -> memref<20x128xi32, #tpu.memory_space<hbm>>
        %dma_wait3A_137 = arith.constant 0 : i32
        %dma_wait3A_138 = arith.constant 0 : i32
        %dma_wait3A_139 = tpu.memref_slice %arg7[%dma_wait3A_137, %dma_wait3A_138] : memref<80x128xi32, #tpu.memory_space<vmem>> -> memref<20x128xi32, #tpu.memory_space<vmem>>
        %dma_wait3A_140 = arith.constant 2480 : i32
        %dma_wait3A_141 = arith.constant 0 : i32
        %dma_wait3A_142 = tpu.memref_slice %arg3[%run_scoped3A_55, %dma_wait3A_140, %dma_wait3A_141] : memref<2x2500x128xi32, #tpu.memory_space<hbm>> -> memref<1x20x128xi32, #tpu.memory_space<hbm>>
        %dma_wait3A_143 = tpu.memref_squeeze %dma_wait3A_142 : memref<1x20x128xi32, #tpu.memory_space<hbm>> -> memref<20x128xi32, #tpu.memory_space<hbm>>
        tpu.wait_dma2 semaphore(%run_scoped3A_115 : memref<!tpu.dma_semaphore, #tpu.memory_space<semaphore_mem>>) src(%dma_wait3A_143 : memref<20x128xi32, #tpu.memory_space<hbm>>) dst(%dma_wait3A_139 : memref<20x128xi32, #tpu.memory_space<vmem>>)
        tpu.yield
      }) : () -> ()
      %dma_start3A = arith.constant 0 : i32
      %dma_start3A_56 = arith.constant 0 : i32
      %dma_start3A_57 = tpu.memref_slice %arg6[%dma_start3A, %dma_start3A_56] : memref<80x128xi32, #tpu.memory_space<vmem>> -> memref<1x128xi32, #tpu.memory_space<vmem>>
      %dma_start3A_58 = tpu.memref_squeeze %dma_start3A_57 : memref<1x128xi32, #tpu.memory_space<vmem>> -> memref<128xi32, #tpu.memory_space<vmem>>
      %dma_start3A_59 = arith.constant 0 : i32
      %dma_start3A_60 = arith.constant 0 : i32
      %dma_start3A_61 = tpu.memref_slice %arg2[%dma_start3A_59, %dma_start3A_60] : memref<10000x64xf32, #tpu.memory_space<hbm>> -> memref<10000x64xf32, #tpu.memory_space<hbm>>
      tpu.enqueue_indirect_dma source(%dma_start3A_61 : memref<10000x64xf32, #tpu.memory_space<hbm>>) target(%arg8 : memref<128x64xf32, #tpu.memory_space<vmem>>) offsets(%dma_start3A_58 : memref<128xi32, #tpu.memory_space<vmem>>) semaphore(%arg14 : memref<!tpu.dma_semaphore, #tpu.memory_space<semaphore_mem>>)
      %dma_start3A_62 = arith.constant 1 : i32
      %dma_start3A_63 = arith.constant 0 : i32
      %dma_start3A_64 = tpu.memref_slice %arg6[%dma_start3A_62, %dma_start3A_63] : memref<80x128xi32, #tpu.memory_space<vmem>> -> memref<1x128xi32, #tpu.memory_space<vmem>>
      %dma_start3A_65 = tpu.memref_squeeze %dma_start3A_64 : memref<1x128xi32, #tpu.memory_space<vmem>> -> memref<128xi32, #tpu.memory_space<vmem>>
      %dma_start3A_66 = arith.constant 0 : i32
      %dma_start3A_67 = arith.constant 0 : i32
      %dma_start3A_68 = tpu.memref_slice %arg2[%dma_start3A_66, %dma_start3A_67] : memref<10000x64xf32, #tpu.memory_space<hbm>> -> memref<10000x64xf32, #tpu.memory_space<hbm>>
      tpu.enqueue_indirect_dma source(%dma_start3A_68 : memref<10000x64xf32, #tpu.memory_space<hbm>>) target(%arg9 : memref<128x64xf32, #tpu.memory_space<vmem>>) offsets(%dma_start3A_65 : memref<128xi32, #tpu.memory_space<vmem>>) semaphore(%arg15 : memref<!tpu.dma_semaphore, #tpu.memory_space<semaphore_mem>>)
      %dma_start3A_69 = arith.constant 2 : i32
      %dma_start3A_70 = arith.constant 0 : i32
      %dma_start3A_71 = tpu.memref_slice %arg6[%dma_start3A_69, %dma_start3A_70] : memref<80x128xi32, #tpu.memory_space<vmem>> -> memref<1x128xi32, #tpu.memory_space<vmem>>
      %dma_start3A_72 = tpu.memref_squeeze %dma_start3A_71 : memref<1x128xi32, #tpu.memory_space<vmem>> -> memref<128xi32, #tpu.memory_space<vmem>>
      %dma_start3A_73 = arith.constant 0 : i32
      %dma_start3A_74 = arith.constant 0 : i32
      %dma_start3A_75 = tpu.memref_slice %arg2[%dma_start3A_73, %dma_start3A_74] : memref<10000x64xf32, #tpu.memory_space<hbm>> -> memref<10000x64xf32, #tpu.memory_space<hbm>>
      tpu.enqueue_indirect_dma source(%dma_start3A_75 : memref<10000x64xf32, #tpu.memory_space<hbm>>) target(%arg10 : memref<128x64xf32, #tpu.memory_space<vmem>>) offsets(%dma_start3A_72 : memref<128xi32, #tpu.memory_space<vmem>>) semaphore(%arg16 : memref<!tpu.dma_semaphore, #tpu.memory_space<semaphore_mem>>)
      %dma_start3A_76 = arith.constant 3 : i32
      %dma_start3A_77 = arith.constant 0 : i32
      %dma_start3A_78 = tpu.memref_slice %arg6[%dma_start3A_76, %dma_start3A_77] : memref<80x128xi32, #tpu.memory_space<vmem>> -> memref<1x128xi32, #tpu.memory_space<vmem>>
      %dma_start3A_79 = tpu.memref_squeeze %dma_start3A_78 : memref<1x128xi32, #tpu.memory_space<vmem>> -> memref<128xi32, #tpu.memory_space<vmem>>
      %dma_start3A_80 = arith.constant 0 : i32
      %dma_start3A_81 = arith.constant 0 : i32
      %dma_start3A_82 = tpu.memref_slice %arg2[%dma_start3A_80, %dma_start3A_81] : memref<10000x64xf32, #tpu.memory_space<hbm>> -> memref<10000x64xf32, #tpu.memory_space<hbm>>
      tpu.enqueue_indirect_dma source(%dma_start3A_82 : memref<10000x64xf32, #tpu.memory_space<hbm>>) target(%arg11 : memref<128x64xf32, #tpu.memory_space<vmem>>) offsets(%dma_start3A_79 : memref<128xi32, #tpu.memory_space<vmem>>) semaphore(%arg17 : memref<!tpu.dma_semaphore, #tpu.memory_space<semaphore_mem>>)
      %scan3A = arith.constant 0 : i32
      %scan3A_83 = arith.constant 0 : i32
      %scan3A_84 = arith.constant 5 : i32
      %scan3A_85 = arith.addi %scan3A_83, %scan3A_84 : i32
      %scan3A_86 = arith.constant 1 : i32
      scf.for %scan3A_115 = %scan3A_83 to %scan3A_85 step %scan3A_86  : i32 {
        %mul3A_116 = arith.constant 4 : i32
        %mul3A_117 = arith.muli %mul3A_116, %scan3A_115 : i32
        %add3A_118 = arith.constant 0 : i32
        %add3A_119 = arith.addi %mul3A_117, %add3A_118 : i32
        %dma_wait3A_120 = arith.constant 0 : i32
        %dma_wait3A_121 = tpu.memref_slice %arg6[%add3A_119, %dma_wait3A_120] : memref<80x128xi32, #tpu.memory_space<vmem>> -> memref<1x128xi32, #tpu.memory_space<vmem>>
        %dma_wait3A_122 = tpu.memref_squeeze %dma_wait3A_121 : memref<1x128xi32, #tpu.memory_space<vmem>> -> memref<128xi32, #tpu.memory_space<vmem>>
        %dma_wait3A_123 = arith.constant 0 : i32
        %dma_wait3A_124 = arith.constant 0 : i32
        %dma_wait3A_125 = tpu.memref_slice %arg2[%dma_wait3A_123, %dma_wait3A_124] : memref<10000x64xf32, #tpu.memory_space<hbm>> -> memref<10000x64xf32, #tpu.memory_space<hbm>>
        tpu.wait_indirect_dma semaphore(%arg14 : memref<!tpu.dma_semaphore, #tpu.memory_space<semaphore_mem>>) src(%dma_wait3A_125 : memref<10000x64xf32, #tpu.memory_space<hbm>>) dst(%arg8 : memref<128x64xf32, #tpu.memory_space<vmem>>)
        %dma_start3A_126 = arith.constant 0 : i32
        %dma_start3A_127 = tpu.memref_slice %arg7[%add3A_119, %dma_start3A_126] : memref<80x128xi32, #tpu.memory_space<vmem>> -> memref<1x128xi32, #tpu.memory_space<vmem>>
        %dma_start3A_128 = tpu.memref_squeeze %dma_start3A_127 : memref<1x128xi32, #tpu.memory_space<vmem>> -> memref<128xi32, #tpu.memory_space<vmem>>
        %dma_start3A_129 = arith.constant 0 : i32
        %dma_start3A_130 = arith.constant 0 : i32
        %dma_start3A_131 = tpu.memref_slice %arg13[%dma_start3A_129, %dma_start3A_130] : memref<10000x64xf32, #tpu.memory_space<vmem_shared>> -> memref<10000x64xf32, #tpu.memory_space<vmem_shared>>
        tpu.enqueue_indirect_dma source(%arg8 : memref<128x64xf32, #tpu.memory_space<vmem>>) target(%dma_start3A_131 : memref<10000x64xf32, #tpu.memory_space<vmem_shared>>) offsets(%dma_start3A_128 : memref<128xi32, #tpu.memory_space<vmem>>) semaphore(%arg18 : memref<!tpu.dma_semaphore, #tpu.memory_space<semaphore_mem>>) {add = true}
        %add3A_132 = arith.constant 1 : i32
        %add3A_133 = arith.addi %mul3A_117, %add3A_132 : i32
        %dma_wait3A_134 = arith.constant 0 : i32
        %dma_wait3A_135 = tpu.memref_slice %arg6[%add3A_133, %dma_wait3A_134] : memref<80x128xi32, #tpu.memory_space<vmem>> -> memref<1x128xi32, #tpu.memory_space<vmem>>
        %dma_wait3A_136 = tpu.memref_squeeze %dma_wait3A_135 : memref<1x128xi32, #tpu.memory_space<vmem>> -> memref<128xi32, #tpu.memory_space<vmem>>
        %dma_wait3A_137 = arith.constant 0 : i32
        %dma_wait3A_138 = arith.constant 0 : i32
        %dma_wait3A_139 = tpu.memref_slice %arg2[%dma_wait3A_137, %dma_wait3A_138] : memref<10000x64xf32, #tpu.memory_space<hbm>> -> memref<10000x64xf32, #tpu.memory_space<hbm>>
        tpu.wait_indirect_dma semaphore(%arg15 : memref<!tpu.dma_semaphore, #tpu.memory_space<semaphore_mem>>) src(%dma_wait3A_139 : memref<10000x64xf32, #tpu.memory_space<hbm>>) dst(%arg9 : memref<128x64xf32, #tpu.memory_space<vmem>>)
        %dma_start3A_140 = arith.constant 0 : i32
        %dma_start3A_141 = tpu.memref_slice %arg7[%add3A_133, %dma_start3A_140] : memref<80x128xi32, #tpu.memory_space<vmem>> -> memref<1x128xi32, #tpu.memory_space<vmem>>
        %dma_start3A_142 = tpu.memref_squeeze %dma_start3A_141 : memref<1x128xi32, #tpu.memory_space<vmem>> -> memref<128xi32, #tpu.memory_space<vmem>>
        %dma_start3A_143 = arith.constant 0 : i32
        %dma_start3A_144 = arith.constant 0 : i32
        %dma_start3A_145 = tpu.memref_slice %arg13[%dma_start3A_143, %dma_start3A_144] : memref<10000x64xf32, #tpu.memory_space<vmem_shared>> -> memref<10000x64xf32, #tpu.memory_space<vmem_shared>>
        tpu.enqueue_indirect_dma source(%arg9 : memref<128x64xf32, #tpu.memory_space<vmem>>) target(%dma_start3A_145 : memref<10000x64xf32, #tpu.memory_space<vmem_shared>>) offsets(%dma_start3A_142 : memref<128xi32, #tpu.memory_space<vmem>>) semaphore(%arg19 : memref<!tpu.dma_semaphore, #tpu.memory_space<semaphore_mem>>) {add = true}
        %add3A_146 = arith.constant 2 : i32
        %add3A_147 = arith.addi %mul3A_117, %add3A_146 : i32
        %dma_wait3A_148 = arith.constant 0 : i32
        %dma_wait3A_149 = tpu.memref_slice %arg6[%add3A_147, %dma_wait3A_148] : memref<80x128xi32, #tpu.memory_space<vmem>> -> memref<1x128xi32, #tpu.memory_space<vmem>>
        %dma_wait3A_150 = tpu.memref_squeeze %dma_wait3A_149 : memref<1x128xi32, #tpu.memory_space<vmem>> -> memref<128xi32, #tpu.memory_space<vmem>>
        %dma_wait3A_151 = arith.constant 0 : i32
        %dma_wait3A_152 = arith.constant 0 : i32
        %dma_wait3A_153 = tpu.memref_slice %arg2[%dma_wait3A_151, %dma_wait3A_152] : memref<10000x64xf32, #tpu.memory_space<hbm>> -> memref<10000x64xf32, #tpu.memory_space<hbm>>
        tpu.wait_indirect_dma semaphore(%arg16 : memref<!tpu.dma_semaphore, #tpu.memory_space<semaphore_mem>>) src(%dma_wait3A_153 : memref<10000x64xf32, #tpu.memory_space<hbm>>) dst(%arg10 : memref<128x64xf32, #tpu.memory_space<vmem>>)
        %dma_start3A_154 = arith.constant 0 : i32
        %dma_start3A_155 = tpu.memref_slice %arg7[%add3A_147, %dma_start3A_154] : memref<80x128xi32, #tpu.memory_space<vmem>> -> memref<1x128xi32, #tpu.memory_space<vmem>>
        %dma_start3A_156 = tpu.memref_squeeze %dma_start3A_155 : memref<1x128xi32, #tpu.memory_space<vmem>> -> memref<128xi32, #tpu.memory_space<vmem>>
        %dma_start3A_157 = arith.constant 0 : i32
        %dma_start3A_158 = arith.constant 0 : i32
        %dma_start3A_159 = tpu.memref_slice %arg13[%dma_start3A_157, %dma_start3A_158] : memref<10000x64xf32, #tpu.memory_space<vmem_shared>> -> memref<10000x64xf32, #tpu.memory_space<vmem_shared>>
        tpu.enqueue_indirect_dma source(%arg10 : memref<128x64xf32, #tpu.memory_space<vmem>>) target(%dma_start3A_159 : memref<10000x64xf32, #tpu.memory_space<vmem_shared>>) offsets(%dma_start3A_156 : memref<128xi32, #tpu.memory_space<vmem>>) semaphore(%arg20 : memref<!tpu.dma_semaphore, #tpu.memory_space<semaphore_mem>>) {add = true}
        %add3A_160 = arith.constant 3 : i32
        %add3A_161 = arith.addi %mul3A_117, %add3A_160 : i32
        %dma_wait3A_162 = arith.constant 0 : i32
        %dma_wait3A_163 = tpu.memref_slice %arg6[%add3A_161, %dma_wait3A_162] : memref<80x128xi32, #tpu.memory_space<vmem>> -> memref<1x128xi32, #tpu.memory_space<vmem>>
        %dma_wait3A_164 = tpu.memref_squeeze %dma_wait3A_163 : memref<1x128xi32, #tpu.memory_space<vmem>> -> memref<128xi32, #tpu.memory_space<vmem>>
        %dma_wait3A_165 = arith.constant 0 : i32
        %dma_wait3A_166 = arith.constant 0 : i32
        %dma_wait3A_167 = tpu.memref_slice %arg2[%dma_wait3A_165, %dma_wait3A_166] : memref<10000x64xf32, #tpu.memory_space<hbm>> -> memref<10000x64xf32, #tpu.memory_space<hbm>>
        tpu.wait_indirect_dma semaphore(%arg17 : memref<!tpu.dma_semaphore, #tpu.memory_space<semaphore_mem>>) src(%dma_wait3A_167 : memref<10000x64xf32, #tpu.memory_space<hbm>>) dst(%arg11 : memref<128x64xf32, #tpu.memory_space<vmem>>)
        %dma_start3A_168 = arith.constant 0 : i32
        %dma_start3A_169 = tpu.memref_slice %arg7[%add3A_161, %dma_start3A_168] : memref<80x128xi32, #tpu.memory_space<vmem>> -> memref<1x128xi32, #tpu.memory_space<vmem>>
        %dma_start3A_170 = tpu.memref_squeeze %dma_start3A_169 : memref<1x128xi32, #tpu.memory_space<vmem>> -> memref<128xi32, #tpu.memory_space<vmem>>
        %dma_start3A_171 = arith.constant 0 : i32
        %dma_start3A_172 = arith.constant 0 : i32
        %dma_start3A_173 = tpu.memref_slice %arg13[%dma_start3A_171, %dma_start3A_172] : memref<10000x64xf32, #tpu.memory_space<vmem_shared>> -> memref<10000x64xf32, #tpu.memory_space<vmem_shared>>
        tpu.enqueue_indirect_dma source(%arg11 : memref<128x64xf32, #tpu.memory_space<vmem>>) target(%dma_start3A_173 : memref<10000x64xf32, #tpu.memory_space<vmem_shared>>) offsets(%dma_start3A_170 : memref<128xi32, #tpu.memory_space<vmem>>) semaphore(%arg21 : memref<!tpu.dma_semaphore, #tpu.memory_space<semaphore_mem>>) {add = true}
        %add3A_174 = arith.constant 0 : i32
        %add3A_175 = arith.addi %mul3A_117, %add3A_174 : i32
        %add3A_176 = arith.constant 4 : i32
        %add3A_177 = arith.addi %add3A_175, %add3A_176 : i32
        %lt3A_178 = arith.constant 20 : i32
        %lt3A_179 = arith.cmpi slt, %add3A_177, %lt3A_178 : i32
        %convert_element_type3A_180 = arith.extui %lt3A_179 : i1 to i32
        %cond3A_181 = arith.constant 0 : i32
        %cond3A_182 = arith.cmpi ne, %convert_element_type3A_180, %cond3A_181 : i32
        scf.if %cond3A_182 {
          %dma_wait3A_210 = arith.constant 0 : i32
          %dma_wait3A_211 = tpu.memref_slice %arg7[%add3A_175, %dma_wait3A_210] : memref<80x128xi32, #tpu.memory_space<vmem>> -> memref<1x128xi32, #tpu.memory_space<vmem>>
          %dma_wait3A_212 = tpu.memref_squeeze %dma_wait3A_211 : memref<1x128xi32, #tpu.memory_space<vmem>> -> memref<128xi32, #tpu.memory_space<vmem>>
          %dma_wait3A_213 = arith.constant 0 : i32
          %dma_wait3A_214 = arith.constant 0 : i32
          %dma_wait3A_215 = tpu.memref_slice %arg13[%dma_wait3A_213, %dma_wait3A_214] : memref<10000x64xf32, #tpu.memory_space<vmem_shared>> -> memref<10000x64xf32, #tpu.memory_space<vmem_shared>>
          tpu.wait_indirect_dma semaphore(%arg18 : memref<!tpu.dma_semaphore, #tpu.memory_space<semaphore_mem>>) src(%arg8 : memref<128x64xf32, #tpu.memory_space<vmem>>) dst(%dma_wait3A_215 : memref<10000x64xf32, #tpu.memory_space<vmem_shared>>)
          %add3A_216 = arith.constant 4 : i32
          %add3A_217 = arith.addi %add3A_175, %add3A_216 : i32
          %dma_start3A_218 = arith.constant 0 : i32
          %dma_start3A_219 = tpu.memref_slice %arg6[%add3A_217, %dma_start3A_218] : memref<80x128xi32, #tpu.memory_space<vmem>> -> memref<1x128xi32, #tpu.memory_space<vmem>>
          %dma_start3A_220 = tpu.memref_squeeze %dma_start3A_219 : memref<1x128xi32, #tpu.memory_space<vmem>> -> memref<128xi32, #tpu.memory_space<vmem>>
          %dma_start3A_221 = arith.constant 0 : i32
          %dma_start3A_222 = arith.constant 0 : i32
          %dma_start3A_223 = tpu.memref_slice %arg2[%dma_start3A_221, %dma_start3A_222] : memref<10000x64xf32, #tpu.memory_space<hbm>> -> memref<10000x64xf32, #tpu.memory_space<hbm>>
          tpu.enqueue_indirect_dma source(%dma_start3A_223 : memref<10000x64xf32, #tpu.memory_space<hbm>>) target(%arg8 : memref<128x64xf32, #tpu.memory_space<vmem>>) offsets(%dma_start3A_220 : memref<128xi32, #tpu.memory_space<vmem>>) semaphore(%arg14 : memref<!tpu.dma_semaphore, #tpu.memory_space<semaphore_mem>>)
        } else {
        }
        %add3A_183 = arith.constant 1 : i32
        %add3A_184 = arith.addi %mul3A_117, %add3A_183 : i32
        %add3A_185 = arith.constant 4 : i32
        %add3A_186 = arith.addi %add3A_184, %add3A_185 : i32
        %lt3A_187 = arith.constant 20 : i32
        %lt3A_188 = arith.cmpi slt, %add3A_186, %lt3A_187 : i32
        %convert_element_type3A_189 = arith.extui %lt3A_188 : i1 to i32
        %cond3A_190 = arith.constant 0 : i32
        %cond3A_191 = arith.cmpi ne, %convert_element_type3A_189, %cond3A_190 : i32
        scf.if %cond3A_191 {
          %dma_wait3A_210 = arith.constant 0 : i32
          %dma_wait3A_211 = tpu.memref_slice %arg7[%add3A_184, %dma_wait3A_210] : memref<80x128xi32, #tpu.memory_space<vmem>> -> memref<1x128xi32, #tpu.memory_space<vmem>>
          %dma_wait3A_212 = tpu.memref_squeeze %dma_wait3A_211 : memref<1x128xi32, #tpu.memory_space<vmem>> -> memref<128xi32, #tpu.memory_space<vmem>>
          %dma_wait3A_213 = arith.constant 0 : i32
          %dma_wait3A_214 = arith.constant 0 : i32
          %dma_wait3A_215 = tpu.memref_slice %arg13[%dma_wait3A_213, %dma_wait3A_214] : memref<10000x64xf32, #tpu.memory_space<vmem_shared>> -> memref<10000x64xf32, #tpu.memory_space<vmem_shared>>
          tpu.wait_indirect_dma semaphore(%arg19 : memref<!tpu.dma_semaphore, #tpu.memory_space<semaphore_mem>>) src(%arg9 : memref<128x64xf32, #tpu.memory_space<vmem>>) dst(%dma_wait3A_215 : memref<10000x64xf32, #tpu.memory_space<vmem_shared>>)
          %add3A_216 = arith.constant 4 : i32
          %add3A_217 = arith.addi %add3A_184, %add3A_216 : i32
          %dma_start3A_218 = arith.constant 0 : i32
          %dma_start3A_219 = tpu.memref_slice %arg6[%add3A_217, %dma_start3A_218] : memref<80x128xi32, #tpu.memory_space<vmem>> -> memref<1x128xi32, #tpu.memory_space<vmem>>
          %dma_start3A_220 = tpu.memref_squeeze %dma_start3A_219 : memref<1x128xi32, #tpu.memory_space<vmem>> -> memref<128xi32, #tpu.memory_space<vmem>>
          %dma_start3A_221 = arith.constant 0 : i32
          %dma_start3A_222 = arith.constant 0 : i32
          %dma_start3A_223 = tpu.memref_slice %arg2[%dma_start3A_221, %dma_start3A_222] : memref<10000x64xf32, #tpu.memory_space<hbm>> -> memref<10000x64xf32, #tpu.memory_space<hbm>>
          tpu.enqueue_indirect_dma source(%dma_start3A_223 : memref<10000x64xf32, #tpu.memory_space<hbm>>) target(%arg9 : memref<128x64xf32, #tpu.memory_space<vmem>>) offsets(%dma_start3A_220 : memref<128xi32, #tpu.memory_space<vmem>>) semaphore(%arg15 : memref<!tpu.dma_semaphore, #tpu.memory_space<semaphore_mem>>)
        } else {
        }
        %add3A_192 = arith.constant 2 : i32
        %add3A_193 = arith.addi %mul3A_117, %add3A_192 : i32
        %add3A_194 = arith.constant 4 : i32
        %add3A_195 = arith.addi %add3A_193, %add3A_194 : i32
        %lt3A_196 = arith.constant 20 : i32
        %lt3A_197 = arith.cmpi slt, %add3A_195, %lt3A_196 : i32
        %convert_element_type3A_198 = arith.extui %lt3A_197 : i1 to i32
        %cond3A_199 = arith.constant 0 : i32
        %cond3A_200 = arith.cmpi ne, %convert_element_type3A_198, %cond3A_199 : i32
        scf.if %cond3A_200 {
          %dma_wait3A_210 = arith.constant 0 : i32
          %dma_wait3A_211 = tpu.memref_slice %arg7[%add3A_193, %dma_wait3A_210] : memref<80x128xi32, #tpu.memory_space<vmem>> -> memref<1x128xi32, #tpu.memory_space<vmem>>
          %dma_wait3A_212 = tpu.memref_squeeze %dma_wait3A_211 : memref<1x128xi32, #tpu.memory_space<vmem>> -> memref<128xi32, #tpu.memory_space<vmem>>
          %dma_wait3A_213 = arith.constant 0 : i32
          %dma_wait3A_214 = arith.constant 0 : i32
          %dma_wait3A_215 = tpu.memref_slice %arg13[%dma_wait3A_213, %dma_wait3A_214] : memref<10000x64xf32, #tpu.memory_space<vmem_shared>> -> memref<10000x64xf32, #tpu.memory_space<vmem_shared>>
          tpu.wait_indirect_dma semaphore(%arg20 : memref<!tpu.dma_semaphore, #tpu.memory_space<semaphore_mem>>) src(%arg10 : memref<128x64xf32, #tpu.memory_space<vmem>>) dst(%dma_wait3A_215 : memref<10000x64xf32, #tpu.memory_space<vmem_shared>>)
          %add3A_216 = arith.constant 4 : i32
          %add3A_217 = arith.addi %add3A_193, %add3A_216 : i32
          %dma_start3A_218 = arith.constant 0 : i32
          %dma_start3A_219 = tpu.memref_slice %arg6[%add3A_217, %dma_start3A_218] : memref<80x128xi32, #tpu.memory_space<vmem>> -> memref<1x128xi32, #tpu.memory_space<vmem>>
          %dma_start3A_220 = tpu.memref_squeeze %dma_start3A_219 : memref<1x128xi32, #tpu.memory_space<vmem>> -> memref<128xi32, #tpu.memory_space<vmem>>
          %dma_start3A_221 = arith.constant 0 : i32
          %dma_start3A_222 = arith.constant 0 : i32
          %dma_start3A_223 = tpu.memref_slice %arg2[%dma_start3A_221, %dma_start3A_222] : memref<10000x64xf32, #tpu.memory_space<hbm>> -> memref<10000x64xf32, #tpu.memory_space<hbm>>
          tpu.enqueue_indirect_dma source(%dma_start3A_223 : memref<10000x64xf32, #tpu.memory_space<hbm>>) target(%arg10 : memref<128x64xf32, #tpu.memory_space<vmem>>) offsets(%dma_start3A_220 : memref<128xi32, #tpu.memory_space<vmem>>) semaphore(%arg16 : memref<!tpu.dma_semaphore, #tpu.memory_space<semaphore_mem>>)
        } else {
        }
        %add3A_201 = arith.constant 3 : i32
        %add3A_202 = arith.addi %mul3A_117, %add3A_201 : i32
        %add3A_203 = arith.constant 4 : i32
        %add3A_204 = arith.addi %add3A_202, %add3A_203 : i32
        %lt3A_205 = arith.constant 20 : i32
        %lt3A_206 = arith.cmpi slt, %add3A_204, %lt3A_205 : i32
        %convert_element_type3A_207 = arith.extui %lt3A_206 : i1 to i32
        %cond3A_208 = arith.constant 0 : i32
        %cond3A_209 = arith.cmpi ne, %convert_element_type3A_207, %cond3A_208 : i32
        scf.if %cond3A_209 {
          %dma_wait3A_210 = arith.constant 0 : i32
          %dma_wait3A_211 = tpu.memref_slice %arg7[%add3A_202, %dma_wait3A_210] : memref<80x128xi32, #tpu.memory_space<vmem>> -> memref<1x128xi32, #tpu.memory_space<vmem>>
          %dma_wait3A_212 = tpu.memref_squeeze %dma_wait3A_211 : memref<1x128xi32, #tpu.memory_space<vmem>> -> memref<128xi32, #tpu.memory_space<vmem>>
          %dma_wait3A_213 = arith.constant 0 : i32
          %dma_wait3A_214 = arith.constant 0 : i32
          %dma_wait3A_215 = tpu.memref_slice %arg13[%dma_wait3A_213, %dma_wait3A_214] : memref<10000x64xf32, #tpu.memory_space<vmem_shared>> -> memref<10000x64xf32, #tpu.memory_space<vmem_shared>>
          tpu.wait_indirect_dma semaphore(%arg21 : memref<!tpu.dma_semaphore, #tpu.memory_space<semaphore_mem>>) src(%arg11 : memref<128x64xf32, #tpu.memory_space<vmem>>) dst(%dma_wait3A_215 : memref<10000x64xf32, #tpu.memory_space<vmem_shared>>)
          %add3A_216 = arith.constant 4 : i32
          %add3A_217 = arith.addi %add3A_202, %add3A_216 : i32
          %dma_start3A_218 = arith.constant 0 : i32
          %dma_start3A_219 = tpu.memref_slice %arg6[%add3A_217, %dma_start3A_218] : memref<80x128xi32, #tpu.memory_space<vmem>> -> memref<1x128xi32, #tpu.memory_space<vmem>>
          %dma_start3A_220 = tpu.memref_squeeze %dma_start3A_219 : memref<1x128xi32, #tpu.memory_space<vmem>> -> memref<128xi32, #tpu.memory_space<vmem>>
          %dma_start3A_221 = arith.constant 0 : i32
          %dma_start3A_222 = arith.constant 0 : i32
          %dma_start3A_223 = tpu.memref_slice %arg2[%dma_start3A_221, %dma_start3A_222] : memref<10000x64xf32, #tpu.memory_space<hbm>> -> memref<10000x64xf32, #tpu.memory_space<hbm>>
          tpu.enqueue_indirect_dma source(%dma_start3A_223 : memref<10000x64xf32, #tpu.memory_space<hbm>>) target(%arg11 : memref<128x64xf32, #tpu.memory_space<vmem>>) offsets(%dma_start3A_220 : memref<128xi32, #tpu.memory_space<vmem>>) semaphore(%arg17 : memref<!tpu.dma_semaphore, #tpu.memory_space<semaphore_mem>>)
        } else {
        }
      }
      %scan3A_87 = arith.constant 5 : i32
      %dma_wait3A = arith.constant 16 : i32
      %dma_wait3A_88 = arith.constant 0 : i32
      %dma_wait3A_89 = tpu.memref_slice %arg7[%dma_wait3A, %dma_wait3A_88] : memref<80x128xi32, #tpu.memory_space<vmem>> -> memref<1x128xi32, #tpu.memory_space<vmem>>
      %dma_wait3A_90 = tpu.memref_squeeze %dma_wait3A_89 : memref<1x128xi32, #tpu.memory_space<vmem>> -> memref<128xi32, #tpu.memory_space<vmem>>
      %dma_wait3A_91 = arith.constant 0 : i32
      %dma_wait3A_92 = arith.constant 0 : i32
      %dma_wait3A_93 = tpu.memref_slice %arg13[%dma_wait3A_91, %dma_wait3A_92] : memref<10000x64xf32, #tpu.memory_space<vmem_shared>> -> memref<10000x64xf32, #tpu.memory_space<vmem_shared>>
      tpu.wait_indirect_dma semaphore(%arg18 : memref<!tpu.dma_semaphore, #tpu.memory_space<semaphore_mem>>) src(%arg8 : memref<128x64xf32, #tpu.memory_space<vmem>>) dst(%dma_wait3A_93 : memref<10000x64xf32, #tpu.memory_space<vmem_shared>>)
      %dma_wait3A_94 = arith.constant 17 : i32
      %dma_wait3A_95 = arith.constant 0 : i32
      %dma_wait3A_96 = tpu.memref_slice %arg7[%dma_wait3A_94, %dma_wait3A_95] : memref<80x128xi32, #tpu.memory_space<vmem>> -> memref<1x128xi32, #tpu.memory_space<vmem>>
      %dma_wait3A_97 = tpu.memref_squeeze %dma_wait3A_96 : memref<1x128xi32, #tpu.memory_space<vmem>> -> memref<128xi32, #tpu.memory_space<vmem>>
      %dma_wait3A_98 = arith.constant 0 : i32
      %dma_wait3A_99 = arith.constant 0 : i32
      %dma_wait3A_100 = tpu.memref_slice %arg13[%dma_wait3A_98, %dma_wait3A_99] : memref<10000x64xf32, #tpu.memory_space<vmem_shared>> -> memref<10000x64xf32, #tpu.memory_space<vmem_shared>>
      tpu.wait_indirect_dma semaphore(%arg19 : memref<!tpu.dma_semaphore, #tpu.memory_space<semaphore_mem>>) src(%arg9 : memref<128x64xf32, #tpu.memory_space<vmem>>) dst(%dma_wait3A_100 : memref<10000x64xf32, #tpu.memory_space<vmem_shared>>)
      %dma_wait3A_101 = arith.constant 18 : i32
      %dma_wait3A_102 = arith.constant 0 : i32
      %dma_wait3A_103 = tpu.memref_slice %arg7[%dma_wait3A_101, %dma_wait3A_102] : memref<80x128xi32, #tpu.memory_space<vmem>> -> memref<1x128xi32, #tpu.memory_space<vmem>>
      %dma_wait3A_104 = tpu.memref_squeeze %dma_wait3A_103 : memref<1x128xi32, #tpu.memory_space<vmem>> -> memref<128xi32, #tpu.memory_space<vmem>>
      %dma_wait3A_105 = arith.constant 0 : i32
      %dma_wait3A_106 = arith.constant 0 : i32
      %dma_wait3A_107 = tpu.memref_slice %arg13[%dma_wait3A_105, %dma_wait3A_106] : memref<10000x64xf32, #tpu.memory_space<vmem_shared>> -> memref<10000x64xf32, #tpu.memory_space<vmem_shared>>
      tpu.wait_indirect_dma semaphore(%arg20 : memref<!tpu.dma_semaphore, #tpu.memory_space<semaphore_mem>>) src(%arg10 : memref<128x64xf32, #tpu.memory_space<vmem>>) dst(%dma_wait3A_107 : memref<10000x64xf32, #tpu.memory_space<vmem_shared>>)
      %dma_wait3A_108 = arith.constant 19 : i32
      %dma_wait3A_109 = arith.constant 0 : i32
      %dma_wait3A_110 = tpu.memref_slice %arg7[%dma_wait3A_108, %dma_wait3A_109] : memref<80x128xi32, #tpu.memory_space<vmem>> -> memref<1x128xi32, #tpu.memory_space<vmem>>
      %dma_wait3A_111 = tpu.memref_squeeze %dma_wait3A_110 : memref<1x128xi32, #tpu.memory_space<vmem>> -> memref<128xi32, #tpu.memory_space<vmem>>
      %dma_wait3A_112 = arith.constant 0 : i32
      %dma_wait3A_113 = arith.constant 0 : i32
      %dma_wait3A_114 = tpu.memref_slice %arg13[%dma_wait3A_112, %dma_wait3A_113] : memref<10000x64xf32, #tpu.memory_space<vmem_shared>> -> memref<10000x64xf32, #tpu.memory_space<vmem_shared>>
      tpu.wait_indirect_dma semaphore(%arg21 : memref<!tpu.dma_semaphore, #tpu.memory_space<semaphore_mem>>) src(%arg11 : memref<128x64xf32, #tpu.memory_space<vmem>>) dst(%dma_wait3A_114 : memref<10000x64xf32, #tpu.memory_space<vmem_shared>>)
    } else {
    }
    %barrier3A_34 = arith.constant 0 : index
    tpu.barrier barrier_id(%barrier3A_34)
    %mul3A_35 = arith.constant 625 : i32
    %mul3A_36 = arith.muli %arg1, %mul3A_35 : i32
    %add3A_37 = arith.constant 0 : i32
    %add3A_38 = arith.addi %mul3A_36, %add3A_37 : i32
    "tpu.region"() ({
      %run_scoped3A = tpu.sem_alloc : memref<!tpu.dma_semaphore, #tpu.memory_space<semaphore_mem>>
      %dma_start3A = arith.constant 0 : i32
      %dma_start3A_55 = tpu.memref_slice %arg13[%add3A_38, %dma_start3A] : memref<10000x64xf32, #tpu.memory_space<vmem_shared>> -> memref<125x64xf32, #tpu.memory_space<vmem_shared>>
      %dma_start3A_56 = arith.constant 0 : i32
      %dma_start3A_57 = tpu.memref_slice %arg13[%add3A_38, %dma_start3A_56] : memref<10000x64xf32, #tpu.memory_space<vmem_shared>> -> memref<125x64xf32, #tpu.memory_space<vmem_shared>>
      tpu.enqueue_dma source(%dma_start3A_57 : memref<125x64xf32, #tpu.memory_space<vmem_shared>>) target(%arg12 : memref<125x64xf32, #tpu.memory_space<vmem>>) target_semaphore(%run_scoped3A : memref<!tpu.dma_semaphore, #tpu.memory_space<semaphore_mem>>)
      %dma_wait3A = arith.constant 0 : i32
      %dma_wait3A_58 = tpu.memref_slice %arg13[%add3A_38, %dma_wait3A] : memref<10000x64xf32, #tpu.memory_space<vmem_shared>> -> memref<125x64xf32, #tpu.memory_space<vmem_shared>>
      %dma_wait3A_59 = arith.constant 0 : i32
      %dma_wait3A_60 = tpu.memref_slice %arg13[%add3A_38, %dma_wait3A_59] : memref<10000x64xf32, #tpu.memory_space<vmem_shared>> -> memref<125x64xf32, #tpu.memory_space<vmem_shared>>
      tpu.wait_dma2 semaphore(%run_scoped3A : memref<!tpu.dma_semaphore, #tpu.memory_space<semaphore_mem>>) src(%dma_wait3A_60 : memref<125x64xf32, #tpu.memory_space<vmem_shared>>) dst(%arg12 : memref<125x64xf32, #tpu.memory_space<vmem>>)
      tpu.yield
    }) : () -> ()
    "tpu.region"() ({
      %run_scoped3A = tpu.sem_alloc : memref<!tpu.dma_semaphore, #tpu.memory_space<semaphore_mem>>
      %dma_start3A = arith.constant 0 : i32
      %dma_start3A_55 = tpu.memref_slice %arg5[%arg0, %add3A_38, %dma_start3A] : memref<2x10000x64xf32, #tpu.memory_space<hbm>> -> memref<1x125x64xf32, #tpu.memory_space<hbm>>
      %dma_start3A_56 = tpu.memref_squeeze %dma_start3A_55 : memref<1x125x64xf32, #tpu.memory_space<hbm>> -> memref<125x64xf32, #tpu.memory_space<hbm>>
      %dma_start3A_57 = arith.constant 0 : i32
      %dma_start3A_58 = tpu.memref_slice %arg5[%arg0, %add3A_38, %dma_start3A_57] : memref<2x10000x64xf32, #tpu.memory_space<hbm>> -> memref<1x125x64xf32, #tpu.memory_space<hbm>>
      %dma_start3A_59 = tpu.memref_squeeze %dma_start3A_58 : memref<1x125x64xf32, #tpu.memory_space<hbm>> -> memref<125x64xf32, #tpu.memory_space<hbm>>
      tpu.enqueue_dma source(%arg12 : memref<125x64xf32, #tpu.memory_space<vmem>>) target(%dma_start3A_59 : memref<125x64xf32, #tpu.memory_space<hbm>>) target_semaphore(%run_scoped3A : memref<!tpu.dma_semaphore, #tpu.memory_space<semaphore_mem>>)
      %dma_wait3A = arith.constant 0 : i32
      %dma_wait3A_60 = tpu.memref_slice %arg5[%arg0, %add3A_38, %dma_wait3A] : memref<2x10000x64xf32, #tpu.memory_space<hbm>> -> memref<1x125x64xf32, #tpu.memory_space<hbm>>
      %dma_wait3A_61 = tpu.memref_squeeze %dma_wait3A_60 : memref<1x125x64xf32, #tpu.memory_space<hbm>> -> memref<125x64xf32, #tpu.memory_space<hbm>>
      %dma_wait3A_62 = arith.constant 0 : i32
      %dma_wait3A_63 = tpu.memref_slice %arg5[%arg0, %add3A_38, %dma_wait3A_62] : memref<2x10000x64xf32, #tpu.memory_space<hbm>> -> memref<1x125x64xf32, #tpu.memory_space<hbm>>
      %dma_wait3A_64 = tpu.memref_squeeze %dma_wait3A_63 : memref<1x125x64xf32, #tpu.memory_space<hbm>> -> memref<125x64xf32, #tpu.memory_space<hbm>>
      tpu.wait_dma2 semaphore(%run_scoped3A : memref<!tpu.dma_semaphore, #tpu.memory_space<semaphore_mem>>) src(%arg12 : memref<125x64xf32, #tpu.memory_space<vmem>>) dst(%dma_wait3A_64 : memref<125x64xf32, #tpu.memory_space<hbm>>)
      tpu.yield
    }) : () -> ()
    %mul3A_39 = arith.constant 625 : i32
    %mul3A_40 = arith.muli %arg1, %mul3A_39 : i32
    %add3A_41 = arith.constant 125 : i32
    %add3A_42 = arith.addi %mul3A_40, %add3A_41 : i32
    "tpu.region"() ({
      %run_scoped3A = tpu.sem_alloc : memref<!tpu.dma_semaphore, #tpu.memory_space<semaphore_mem>>
      %dma_start3A = arith.constant 0 : i32
      %dma_start3A_55 = tpu.memref_slice %arg13[%add3A_42, %dma_start3A] : memref<10000x64xf32, #tpu.memory_space<vmem_shared>> -> memref<125x64xf32, #tpu.memory_space<vmem_shared>>
      %dma_start3A_56 = arith.constant 0 : i32
      %dma_start3A_57 = tpu.memref_slice %arg13[%add3A_42, %dma_start3A_56] : memref<10000x64xf32, #tpu.memory_space<vmem_shared>> -> memref<125x64xf32, #tpu.memory_space<vmem_shared>>
      tpu.enqueue_dma source(%dma_start3A_57 : memref<125x64xf32, #tpu.memory_space<vmem_shared>>) target(%arg12 : memref<125x64xf32, #tpu.memory_space<vmem>>) target_semaphore(%run_scoped3A : memref<!tpu.dma_semaphore, #tpu.memory_space<semaphore_mem>>)
      %dma_wait3A = arith.constant 0 : i32
      %dma_wait3A_58 = tpu.memref_slice %arg13[%add3A_42, %dma_wait3A] : memref<10000x64xf32, #tpu.memory_space<vmem_shared>> -> memref<125x64xf32, #tpu.memory_space<vmem_shared>>
      %dma_wait3A_59 = arith.constant 0 : i32
      %dma_wait3A_60 = tpu.memref_slice %arg13[%add3A_42, %dma_wait3A_59] : memref<10000x64xf32, #tpu.memory_space<vmem_shared>> -> memref<125x64xf32, #tpu.memory_space<vmem_shared>>
      tpu.wait_dma2 semaphore(%run_scoped3A : memref<!tpu.dma_semaphore, #tpu.memory_space<semaphore_mem>>) src(%dma_wait3A_60 : memref<125x64xf32, #tpu.memory_space<vmem_shared>>) dst(%arg12 : memref<125x64xf32, #tpu.memory_space<vmem>>)
      tpu.yield
    }) : () -> ()
    "tpu.region"() ({
      %run_scoped3A = tpu.sem_alloc : memref<!tpu.dma_semaphore, #tpu.memory_space<semaphore_mem>>
      %dma_start3A = arith.constant 0 : i32
      %dma_start3A_55 = tpu.memref_slice %arg5[%arg0, %add3A_42, %dma_start3A] : memref<2x10000x64xf32, #tpu.memory_space<hbm>> -> memref<1x125x64xf32, #tpu.memory_space<hbm>>
      %dma_start3A_56 = tpu.memref_squeeze %dma_start3A_55 : memref<1x125x64xf32, #tpu.memory_space<hbm>> -> memref<125x64xf32, #tpu.memory_space<hbm>>
      %dma_start3A_57 = arith.constant 0 : i32
      %dma_start3A_58 = tpu.memref_slice %arg5[%arg0, %add3A_42, %dma_start3A_57] : memref<2x10000x64xf32, #tpu.memory_space<hbm>> -> memref<1x125x64xf32, #tpu.memory_space<hbm>>
      %dma_start3A_59 = tpu.memref_squeeze %dma_start3A_58 : memref<1x125x64xf32, #tpu.memory_space<hbm>> -> memref<125x64xf32, #tpu.memory_space<hbm>>
      tpu.enqueue_dma source(%arg12 : memref<125x64xf32, #tpu.memory_space<vmem>>) target(%dma_start3A_59 : memref<125x64xf32, #tpu.memory_space<hbm>>) target_semaphore(%run_scoped3A : memref<!tpu.dma_semaphore, #tpu.memory_space<semaphore_mem>>)
      %dma_wait3A = arith.constant 0 : i32
      %dma_wait3A_60 = tpu.memref_slice %arg5[%arg0, %add3A_42, %dma_wait3A] : memref<2x10000x64xf32, #tpu.memory_space<hbm>> -> memref<1x125x64xf32, #tpu.memory_space<hbm>>
      %dma_wait3A_61 = tpu.memref_squeeze %dma_wait3A_60 : memref<1x125x64xf32, #tpu.memory_space<hbm>> -> memref<125x64xf32, #tpu.memory_space<hbm>>
      %dma_wait3A_62 = arith.constant 0 : i32
      %dma_wait3A_63 = tpu.memref_slice %arg5[%arg0, %add3A_42, %dma_wait3A_62] : memref<2x10000x64xf32, #tpu.memory_space<hbm>> -> memref<1x125x64xf32, #tpu.memory_space<hbm>>
      %dma_wait3A_64 = tpu.memref_squeeze %dma_wait3A_63 : memref<1x125x64xf32, #tpu.memory_space<hbm>> -> memref<125x64xf32, #tpu.memory_space<hbm>>
      tpu.wait_dma2 semaphore(%run_scoped3A : memref<!tpu.dma_semaphore, #tpu.memory_space<semaphore_mem>>) src(%arg12 : memref<125x64xf32, #tpu.memory_space<vmem>>) dst(%dma_wait3A_64 : memref<125x64xf32, #tpu.memory_space<hbm>>)
      tpu.yield
    }) : () -> ()
    %mul3A_43 = arith.constant 625 : i32
    %mul3A_44 = arith.muli %arg1, %mul3A_43 : i32
    %add3A_45 = arith.constant 250 : i32
    %add3A_46 = arith.addi %mul3A_44, %add3A_45 : i32
    "tpu.region"() ({
      %run_scoped3A = tpu.sem_alloc : memref<!tpu.dma_semaphore, #tpu.memory_space<semaphore_mem>>
      %dma_start3A = arith.constant 0 : i32
      %dma_start3A_55 = tpu.memref_slice %arg13[%add3A_46, %dma_start3A] : memref<10000x64xf32, #tpu.memory_space<vmem_shared>> -> memref<125x64xf32, #tpu.memory_space<vmem_shared>>
      %dma_start3A_56 = arith.constant 0 : i32
      %dma_start3A_57 = tpu.memref_slice %arg13[%add3A_46, %dma_start3A_56] : memref<10000x64xf32, #tpu.memory_space<vmem_shared>> -> memref<125x64xf32, #tpu.memory_space<vmem_shared>>
      tpu.enqueue_dma source(%dma_start3A_57 : memref<125x64xf32, #tpu.memory_space<vmem_shared>>) target(%arg12 : memref<125x64xf32, #tpu.memory_space<vmem>>) target_semaphore(%run_scoped3A : memref<!tpu.dma_semaphore, #tpu.memory_space<semaphore_mem>>)
      %dma_wait3A = arith.constant 0 : i32
      %dma_wait3A_58 = tpu.memref_slice %arg13[%add3A_46, %dma_wait3A] : memref<10000x64xf32, #tpu.memory_space<vmem_shared>> -> memref<125x64xf32, #tpu.memory_space<vmem_shared>>
      %dma_wait3A_59 = arith.constant 0 : i32
      %dma_wait3A_60 = tpu.memref_slice %arg13[%add3A_46, %dma_wait3A_59] : memref<10000x64xf32, #tpu.memory_space<vmem_shared>> -> memref<125x64xf32, #tpu.memory_space<vmem_shared>>
      tpu.wait_dma2 semaphore(%run_scoped3A : memref<!tpu.dma_semaphore, #tpu.memory_space<semaphore_mem>>) src(%dma_wait3A_60 : memref<125x64xf32, #tpu.memory_space<vmem_shared>>) dst(%arg12 : memref<125x64xf32, #tpu.memory_space<vmem>>)
      tpu.yield
    }) : () -> ()
    "tpu.region"() ({
      %run_scoped3A = tpu.sem_alloc : memref<!tpu.dma_semaphore, #tpu.memory_space<semaphore_mem>>
      %dma_start3A = arith.constant 0 : i32
      %dma_start3A_55 = tpu.memref_slice %arg5[%arg0, %add3A_46, %dma_start3A] : memref<2x10000x64xf32, #tpu.memory_space<hbm>> -> memref<1x125x64xf32, #tpu.memory_space<hbm>>
      %dma_start3A_56 = tpu.memref_squeeze %dma_start3A_55 : memref<1x125x64xf32, #tpu.memory_space<hbm>> -> memref<125x64xf32, #tpu.memory_space<hbm>>
      %dma_start3A_57 = arith.constant 0 : i32
      %dma_start3A_58 = tpu.memref_slice %arg5[%arg0, %add3A_46, %dma_start3A_57] : memref<2x10000x64xf32, #tpu.memory_space<hbm>> -> memref<1x125x64xf32, #tpu.memory_space<hbm>>
      %dma_start3A_59 = tpu.memref_squeeze %dma_start3A_58 : memref<1x125x64xf32, #tpu.memory_space<hbm>> -> memref<125x64xf32, #tpu.memory_space<hbm>>
      tpu.enqueue_dma source(%arg12 : memref<125x64xf32, #tpu.memory_space<vmem>>) target(%dma_start3A_59 : memref<125x64xf32, #tpu.memory_space<hbm>>) target_semaphore(%run_scoped3A : memref<!tpu.dma_semaphore, #tpu.memory_space<semaphore_mem>>)
      %dma_wait3A = arith.constant 0 : i32
      %dma_wait3A_60 = tpu.memref_slice %arg5[%arg0, %add3A_46, %dma_wait3A] : memref<2x10000x64xf32, #tpu.memory_space<hbm>> -> memref<1x125x64xf32, #tpu.memory_space<hbm>>
      %dma_wait3A_61 = tpu.memref_squeeze %dma_wait3A_60 : memref<1x125x64xf32, #tpu.memory_space<hbm>> -> memref<125x64xf32, #tpu.memory_space<hbm>>
      %dma_wait3A_62 = arith.constant 0 : i32
      %dma_wait3A_63 = tpu.memref_slice %arg5[%arg0, %add3A_46, %dma_wait3A_62] : memref<2x10000x64xf32, #tpu.memory_space<hbm>> -> memref<1x125x64xf32, #tpu.memory_space<hbm>>
      %dma_wait3A_64 = tpu.memref_squeeze %dma_wait3A_63 : memref<1x125x64xf32, #tpu.memory_space<hbm>> -> memref<125x64xf32, #tpu.memory_space<hbm>>
      tpu.wait_dma2 semaphore(%run_scoped3A : memref<!tpu.dma_semaphore, #tpu.memory_space<semaphore_mem>>) src(%arg12 : memref<125x64xf32, #tpu.memory_space<vmem>>) dst(%dma_wait3A_64 : memref<125x64xf32, #tpu.memory_space<hbm>>)
      tpu.yield
    }) : () -> ()
    %mul3A_47 = arith.constant 625 : i32
    %mul3A_48 = arith.muli %arg1, %mul3A_47 : i32
    %add3A_49 = arith.constant 375 : i32
    %add3A_50 = arith.addi %mul3A_48, %add3A_49 : i32
    "tpu.region"() ({
      %run_scoped3A = tpu.sem_alloc : memref<!tpu.dma_semaphore, #tpu.memory_space<semaphore_mem>>
      %dma_start3A = arith.constant 0 : i32
      %dma_start3A_55 = tpu.memref_slice %arg13[%add3A_50, %dma_start3A] : memref<10000x64xf32, #tpu.memory_space<vmem_shared>> -> memref<125x64xf32, #tpu.memory_space<vmem_shared>>
      %dma_start3A_56 = arith.constant 0 : i32
      %dma_start3A_57 = tpu.memref_slice %arg13[%add3A_50, %dma_start3A_56] : memref<10000x64xf32, #tpu.memory_space<vmem_shared>> -> memref<125x64xf32, #tpu.memory_space<vmem_shared>>
      tpu.enqueue_dma source(%dma_start3A_57 : memref<125x64xf32, #tpu.memory_space<vmem_shared>>) target(%arg12 : memref<125x64xf32, #tpu.memory_space<vmem>>) target_semaphore(%run_scoped3A : memref<!tpu.dma_semaphore, #tpu.memory_space<semaphore_mem>>)
      %dma_wait3A = arith.constant 0 : i32
      %dma_wait3A_58 = tpu.memref_slice %arg13[%add3A_50, %dma_wait3A] : memref<10000x64xf32, #tpu.memory_space<vmem_shared>> -> memref<125x64xf32, #tpu.memory_space<vmem_shared>>
      %dma_wait3A_59 = arith.constant 0 : i32
      %dma_wait3A_60 = tpu.memref_slice %arg13[%add3A_50, %dma_wait3A_59] : memref<10000x64xf32, #tpu.memory_space<vmem_shared>> -> memref<125x64xf32, #tpu.memory_space<vmem_shared>>
      tpu.wait_dma2 semaphore(%run_scoped3A : memref<!tpu.dma_semaphore, #tpu.memory_space<semaphore_mem>>) src(%dma_wait3A_60 : memref<125x64xf32, #tpu.memory_space<vmem_shared>>) dst(%arg12 : memref<125x64xf32, #tpu.memory_space<vmem>>)
      tpu.yield
    }) : () -> ()
    "tpu.region"() ({
      %run_scoped3A = tpu.sem_alloc : memref<!tpu.dma_semaphore, #tpu.memory_space<semaphore_mem>>
      %dma_start3A = arith.constant 0 : i32
      %dma_start3A_55 = tpu.memref_slice %arg5[%arg0, %add3A_50, %dma_start3A] : memref<2x10000x64xf32, #tpu.memory_space<hbm>> -> memref<1x125x64xf32, #tpu.memory_space<hbm>>
      %dma_start3A_56 = tpu.memref_squeeze %dma_start3A_55 : memref<1x125x64xf32, #tpu.memory_space<hbm>> -> memref<125x64xf32, #tpu.memory_space<hbm>>
      %dma_start3A_57 = arith.constant 0 : i32
      %dma_start3A_58 = tpu.memref_slice %arg5[%arg0, %add3A_50, %dma_start3A_57] : memref<2x10000x64xf32, #tpu.memory_space<hbm>> -> memref<1x125x64xf32, #tpu.memory_space<hbm>>
      %dma_start3A_59 = tpu.memref_squeeze %dma_start3A_58 : memref<1x125x64xf32, #tpu.memory_space<hbm>> -> memref<125x64xf32, #tpu.memory_space<hbm>>
      tpu.enqueue_dma source(%arg12 : memref<125x64xf32, #tpu.memory_space<vmem>>) target(%dma_start3A_59 : memref<125x64xf32, #tpu.memory_space<hbm>>) target_semaphore(%run_scoped3A : memref<!tpu.dma_semaphore, #tpu.memory_space<semaphore_mem>>)
      %dma_wait3A = arith.constant 0 : i32
      %dma_wait3A_60 = tpu.memref_slice %arg5[%arg0, %add3A_50, %dma_wait3A] : memref<2x10000x64xf32, #tpu.memory_space<hbm>> -> memref<1x125x64xf32, #tpu.memory_space<hbm>>
      %dma_wait3A_61 = tpu.memref_squeeze %dma_wait3A_60 : memref<1x125x64xf32, #tpu.memory_space<hbm>> -> memref<125x64xf32, #tpu.memory_space<hbm>>
      %dma_wait3A_62 = arith.constant 0 : i32
      %dma_wait3A_63 = tpu.memref_slice %arg5[%arg0, %add3A_50, %dma_wait3A_62] : memref<2x10000x64xf32, #tpu.memory_space<hbm>> -> memref<1x125x64xf32, #tpu.memory_space<hbm>>
      %dma_wait3A_64 = tpu.memref_squeeze %dma_wait3A_63 : memref<1x125x64xf32, #tpu.memory_space<hbm>> -> memref<125x64xf32, #tpu.memory_space<hbm>>
      tpu.wait_dma2 semaphore(%run_scoped3A : memref<!tpu.dma_semaphore, #tpu.memory_space<semaphore_mem>>) src(%arg12 : memref<125x64xf32, #tpu.memory_space<vmem>>) dst(%dma_wait3A_64 : memref<125x64xf32, #tpu.memory_space<hbm>>)
      tpu.yield
    }) : () -> ()
    %mul3A_51 = arith.constant 625 : i32
    %mul3A_52 = arith.muli %arg1, %mul3A_51 : i32
    %add3A_53 = arith.constant 500 : i32
    %add3A_54 = arith.addi %mul3A_52, %add3A_53 : i32
    "tpu.region"() ({
      %run_scoped3A = tpu.sem_alloc : memref<!tpu.dma_semaphore, #tpu.memory_space<semaphore_mem>>
      %dma_start3A = arith.constant 0 : i32
      %dma_start3A_55 = tpu.memref_slice %arg13[%add3A_54, %dma_start3A] : memref<10000x64xf32, #tpu.memory_space<vmem_shared>> -> memref<125x64xf32, #tpu.memory_space<vmem_shared>>
      %dma_start3A_56 = arith.constant 0 : i32
      %dma_start3A_57 = tpu.memref_slice %arg13[%add3A_54, %dma_start3A_56] : memref<10000x64xf32, #tpu.memory_space<vmem_shared>> -> memref<125x64xf32, #tpu.memory_space<vmem_shared>>
      tpu.enqueue_dma source(%dma_start3A_57 : memref<125x64xf32, #tpu.memory_space<vmem_shared>>) target(%arg12 : memref<125x64xf32, #tpu.memory_space<vmem>>) target_semaphore(%run_scoped3A : memref<!tpu.dma_semaphore, #tpu.memory_space<semaphore_mem>>)
      %dma_wait3A = arith.constant 0 : i32
      %dma_wait3A_58 = tpu.memref_slice %arg13[%add3A_54, %dma_wait3A] : memref<10000x64xf32, #tpu.memory_space<vmem_shared>> -> memref<125x64xf32, #tpu.memory_space<vmem_shared>>
      %dma_wait3A_59 = arith.constant 0 : i32
      %dma_wait3A_60 = tpu.memref_slice %arg13[%add3A_54, %dma_wait3A_59] : memref<10000x64xf32, #tpu.memory_space<vmem_shared>> -> memref<125x64xf32, #tpu.memory_space<vmem_shared>>
      tpu.wait_dma2 semaphore(%run_scoped3A : memref<!tpu.dma_semaphore, #tpu.memory_space<semaphore_mem>>) src(%dma_wait3A_60 : memref<125x64xf32, #tpu.memory_space<vmem_shared>>) dst(%arg12 : memref<125x64xf32, #tpu.memory_space<vmem>>)
      tpu.yield
    }) : () -> ()
    "tpu.region"() ({
      %run_scoped3A = tpu.sem_alloc : memref<!tpu.dma_semaphore, #tpu.memory_space<semaphore_mem>>
      %dma_start3A = arith.constant 0 : i32
      %dma_start3A_55 = tpu.memref_slice %arg5[%arg0, %add3A_54, %dma_start3A] : memref<2x10000x64xf32, #tpu.memory_space<hbm>> -> memref<1x125x64xf32, #tpu.memory_space<hbm>>
      %dma_start3A_56 = tpu.memref_squeeze %dma_start3A_55 : memref<1x125x64xf32, #tpu.memory_space<hbm>> -> memref<125x64xf32, #tpu.memory_space<hbm>>
      %dma_start3A_57 = arith.constant 0 : i32
      %dma_start3A_58 = tpu.memref_slice %arg5[%arg0, %add3A_54, %dma_start3A_57] : memref<2x10000x64xf32, #tpu.memory_space<hbm>> -> memref<1x125x64xf32, #tpu.memory_space<hbm>>
      %dma_start3A_59 = tpu.memref_squeeze %dma_start3A_58 : memref<1x125x64xf32, #tpu.memory_space<hbm>> -> memref<125x64xf32, #tpu.memory_space<hbm>>
      tpu.enqueue_dma source(%arg12 : memref<125x64xf32, #tpu.memory_space<vmem>>) target(%dma_start3A_59 : memref<125x64xf32, #tpu.memory_space<hbm>>) target_semaphore(%run_scoped3A : memref<!tpu.dma_semaphore, #tpu.memory_space<semaphore_mem>>)
      %dma_wait3A = arith.constant 0 : i32
      %dma_wait3A_60 = tpu.memref_slice %arg5[%arg0, %add3A_54, %dma_wait3A] : memref<2x10000x64xf32, #tpu.memory_space<hbm>> -> memref<1x125x64xf32, #tpu.memory_space<hbm>>
      %dma_wait3A_61 = tpu.memref_squeeze %dma_wait3A_60 : memref<1x125x64xf32, #tpu.memory_space<hbm>> -> memref<125x64xf32, #tpu.memory_space<hbm>>
      %dma_wait3A_62 = arith.constant 0 : i32
      %dma_wait3A_63 = tpu.memref_slice %arg5[%arg0, %add3A_54, %dma_wait3A_62] : memref<2x10000x64xf32, #tpu.memory_space<hbm>> -> memref<1x125x64xf32, #tpu.memory_space<hbm>>
      %dma_wait3A_64 = tpu.memref_squeeze %dma_wait3A_63 : memref<1x125x64xf32, #tpu.memory_space<hbm>> -> memref<125x64xf32, #tpu.memory_space<hbm>>
      tpu.wait_dma2 semaphore(%run_scoped3A : memref<!tpu.dma_semaphore, #tpu.memory_space<semaphore_mem>>) src(%arg12 : memref<125x64xf32, #tpu.memory_space<vmem>>) dst(%dma_wait3A_64 : memref<125x64xf32, #tpu.memory_space<hbm>>)
      tpu.yield
    }) : () -> ()
    return
  }
}

#map = affine_map<(d0, d1) -> (0, 0)>
#map1 = affine_map<(d0, d1) -> (0, 0, 0)>
module attributes {stable_mosaic.version = 14 : i64} {
  func.func @_edge_agg_body(%arg0: i32, %arg1: i32, %arg2: memref<10000x64xf32, #tpu.memory_space<hbm>>, %arg3: memref<2x2500x128xi32, #tpu.memory_space<hbm>>, %arg4: memref<125x64xf32, #tpu.memory_space<hbm>>, %arg5: memref<2x10000x64xf32, #tpu.memory_space<hbm>>, %arg6: memref<80x128xi32, #tpu.memory_space<vmem>>, %arg7: memref<80x128xi32, #tpu.memory_space<vmem>>, %arg8: memref<128x64xf32, #tpu.memory_space<vmem>>, %arg9: memref<128x64xf32, #tpu.memory_space<vmem>>, %arg10: memref<128x64xf32, #tpu.memory_space<vmem>>, %arg11: memref<128x64xf32, #tpu.memory_space<vmem>>, %arg12: memref<125x64xf32, #tpu.memory_space<vmem>>, %arg13: memref<10000x64xf32, #tpu.memory_space<vmem_shared>>, %arg14: memref<!tpu.dma_semaphore, #tpu.memory_space<semaphore_mem>>, %arg15: memref<!tpu.dma_semaphore, #tpu.memory_space<semaphore_mem>>, %arg16: memref<!tpu.dma_semaphore, #tpu.memory_space<semaphore_mem>>, %arg17: memref<!tpu.dma_semaphore, #tpu.memory_space<semaphore_mem>>, %arg18: memref<!tpu.dma_semaphore, #tpu.memory_space<semaphore_mem>>, %arg19: memref<!tpu.dma_semaphore, #tpu.memory_space<semaphore_mem>>, %arg20: memref<!tpu.dma_semaphore, #tpu.memory_space<semaphore_mem>>, %arg21: memref<!tpu.dma_semaphore, #tpu.memory_space<semaphore_mem>>) attributes {dimension_semantics = [#tpu.dimension_semantics<core_parallel>, #tpu.dimension_semantics<subcore_parallel>], iteration_bounds = array<i64: 2, 16>, scalar_prefetch = 0 : i64, scratch_operands = 16 : i64, tpu.core_type = #tpu.core_type<sc_vector_subcore>, window_params = [{transform_indices = #map}, {transform_indices = #map1}, {transform_indices = #map}, {transform_indices = #map1}]} {
    "tpu.region"() ({
      %run_scoped3A = tpu.sem_alloc : memref<!tpu.dma_semaphore, #tpu.memory_space<semaphore_mem>>
      tpu.enqueue_dma source(%arg4 : memref<125x64xf32, #tpu.memory_space<hbm>>) target(%arg12 : memref<125x64xf32, #tpu.memory_space<vmem>>) target_semaphore(%run_scoped3A : memref<!tpu.dma_semaphore, #tpu.memory_space<semaphore_mem>>)
      tpu.wait_dma2 semaphore(%run_scoped3A : memref<!tpu.dma_semaphore, #tpu.memory_space<semaphore_mem>>) src(%arg4 : memref<125x64xf32, #tpu.memory_space<hbm>>) dst(%arg12 : memref<125x64xf32, #tpu.memory_space<vmem>>)
      tpu.yield
    }) : () -> ()
    %mul3A = arith.constant 625 : i32
    %mul3A_0 = arith.muli %arg1, %mul3A : i32
    %add3A = arith.constant 0 : i32
    %add3A_1 = arith.addi %mul3A_0, %add3A : i32
    "tpu.region"() ({
      %run_scoped3A = tpu.sem_alloc : memref<!tpu.dma_semaphore, #tpu.memory_space<semaphore_mem>>
      %dma_start3A = arith.constant 0 : i32
      %dma_start3A_55 = tpu.memref_slice %arg13[%add3A_1, %dma_start3A] : memref<10000x64xf32, #tpu.memory_space<vmem_shared>> -> memref<125x64xf32, #tpu.memory_space<vmem_shared>>
      %dma_start3A_56 = arith.constant 0 : i32
      %dma_start3A_57 = tpu.memref_slice %arg13[%add3A_1, %dma_start3A_56] : memref<10000x64xf32, #tpu.memory_space<vmem_shared>> -> memref<125x64xf32, #tpu.memory_space<vmem_shared>>
      tpu.enqueue_dma source(%arg12 : memref<125x64xf32, #tpu.memory_space<vmem>>) target(%dma_start3A_57 : memref<125x64xf32, #tpu.memory_space<vmem_shared>>) target_semaphore(%run_scoped3A : memref<!tpu.dma_semaphore, #tpu.memory_space<semaphore_mem>>)
      %dma_wait3A = arith.constant 0 : i32
      %dma_wait3A_58 = tpu.memref_slice %arg13[%add3A_1, %dma_wait3A] : memref<10000x64xf32, #tpu.memory_space<vmem_shared>> -> memref<125x64xf32, #tpu.memory_space<vmem_shared>>
      %dma_wait3A_59 = arith.constant 0 : i32
      %dma_wait3A_60 = tpu.memref_slice %arg13[%add3A_1, %dma_wait3A_59] : memref<10000x64xf32, #tpu.memory_space<vmem_shared>> -> memref<125x64xf32, #tpu.memory_space<vmem_shared>>
      tpu.wait_dma2 semaphore(%run_scoped3A : memref<!tpu.dma_semaphore, #tpu.memory_space<semaphore_mem>>) src(%arg12 : memref<125x64xf32, #tpu.memory_space<vmem>>) dst(%dma_wait3A_60 : memref<125x64xf32, #tpu.memory_space<vmem_shared>>)
      tpu.yield
    }) : () -> ()
    %mul3A_2 = arith.constant 625 : i32
    %mul3A_3 = arith.muli %arg1, %mul3A_2 : i32
    %add3A_4 = arith.constant 125 : i32
    %add3A_5 = arith.addi %mul3A_3, %add3A_4 : i32
    "tpu.region"() ({
      %run_scoped3A = tpu.sem_alloc : memref<!tpu.dma_semaphore, #tpu.memory_space<semaphore_mem>>
      %dma_start3A = arith.constant 0 : i32
      %dma_start3A_55 = tpu.memref_slice %arg13[%add3A_5, %dma_start3A] : memref<10000x64xf32, #tpu.memory_space<vmem_shared>> -> memref<125x64xf32, #tpu.memory_space<vmem_shared>>
      %dma_start3A_56 = arith.constant 0 : i32
      %dma_start3A_57 = tpu.memref_slice %arg13[%add3A_5, %dma_start3A_56] : memref<10000x64xf32, #tpu.memory_space<vmem_shared>> -> memref<125x64xf32, #tpu.memory_space<vmem_shared>>
      tpu.enqueue_dma source(%arg12 : memref<125x64xf32, #tpu.memory_space<vmem>>) target(%dma_start3A_57 : memref<125x64xf32, #tpu.memory_space<vmem_shared>>) target_semaphore(%run_scoped3A : memref<!tpu.dma_semaphore, #tpu.memory_space<semaphore_mem>>)
      %dma_wait3A = arith.constant 0 : i32
      %dma_wait3A_58 = tpu.memref_slice %arg13[%add3A_5, %dma_wait3A] : memref<10000x64xf32, #tpu.memory_space<vmem_shared>> -> memref<125x64xf32, #tpu.memory_space<vmem_shared>>
      %dma_wait3A_59 = arith.constant 0 : i32
      %dma_wait3A_60 = tpu.memref_slice %arg13[%add3A_5, %dma_wait3A_59] : memref<10000x64xf32, #tpu.memory_space<vmem_shared>> -> memref<125x64xf32, #tpu.memory_space<vmem_shared>>
      tpu.wait_dma2 semaphore(%run_scoped3A : memref<!tpu.dma_semaphore, #tpu.memory_space<semaphore_mem>>) src(%arg12 : memref<125x64xf32, #tpu.memory_space<vmem>>) dst(%dma_wait3A_60 : memref<125x64xf32, #tpu.memory_space<vmem_shared>>)
      tpu.yield
    }) : () -> ()
    %mul3A_6 = arith.constant 625 : i32
    %mul3A_7 = arith.muli %arg1, %mul3A_6 : i32
    %add3A_8 = arith.constant 250 : i32
    %add3A_9 = arith.addi %mul3A_7, %add3A_8 : i32
    "tpu.region"() ({
      %run_scoped3A = tpu.sem_alloc : memref<!tpu.dma_semaphore, #tpu.memory_space<semaphore_mem>>
      %dma_start3A = arith.constant 0 : i32
      %dma_start3A_55 = tpu.memref_slice %arg13[%add3A_9, %dma_start3A] : memref<10000x64xf32, #tpu.memory_space<vmem_shared>> -> memref<125x64xf32, #tpu.memory_space<vmem_shared>>
      %dma_start3A_56 = arith.constant 0 : i32
      %dma_start3A_57 = tpu.memref_slice %arg13[%add3A_9, %dma_start3A_56] : memref<10000x64xf32, #tpu.memory_space<vmem_shared>> -> memref<125x64xf32, #tpu.memory_space<vmem_shared>>
      tpu.enqueue_dma source(%arg12 : memref<125x64xf32, #tpu.memory_space<vmem>>) target(%dma_start3A_57 : memref<125x64xf32, #tpu.memory_space<vmem_shared>>) target_semaphore(%run_scoped3A : memref<!tpu.dma_semaphore, #tpu.memory_space<semaphore_mem>>)
      %dma_wait3A = arith.constant 0 : i32
      %dma_wait3A_58 = tpu.memref_slice %arg13[%add3A_9, %dma_wait3A] : memref<10000x64xf32, #tpu.memory_space<vmem_shared>> -> memref<125x64xf32, #tpu.memory_space<vmem_shared>>
      %dma_wait3A_59 = arith.constant 0 : i32
      %dma_wait3A_60 = tpu.memref_slice %arg13[%add3A_9, %dma_wait3A_59] : memref<10000x64xf32, #tpu.memory_space<vmem_shared>> -> memref<125x64xf32, #tpu.memory_space<vmem_shared>>
      tpu.wait_dma2 semaphore(%run_scoped3A : memref<!tpu.dma_semaphore, #tpu.memory_space<semaphore_mem>>) src(%arg12 : memref<125x64xf32, #tpu.memory_space<vmem>>) dst(%dma_wait3A_60 : memref<125x64xf32, #tpu.memory_space<vmem_shared>>)
      tpu.yield
    }) : () -> ()
    %mul3A_10 = arith.constant 625 : i32
    %mul3A_11 = arith.muli %arg1, %mul3A_10 : i32
    %add3A_12 = arith.constant 375 : i32
    %add3A_13 = arith.addi %mul3A_11, %add3A_12 : i32
    "tpu.region"() ({
      %run_scoped3A = tpu.sem_alloc : memref<!tpu.dma_semaphore, #tpu.memory_space<semaphore_mem>>
      %dma_start3A = arith.constant 0 : i32
      %dma_start3A_55 = tpu.memref_slice %arg13[%add3A_13, %dma_start3A] : memref<10000x64xf32, #tpu.memory_space<vmem_shared>> -> memref<125x64xf32, #tpu.memory_space<vmem_shared>>
      %dma_start3A_56 = arith.constant 0 : i32
      %dma_start3A_57 = tpu.memref_slice %arg13[%add3A_13, %dma_start3A_56] : memref<10000x64xf32, #tpu.memory_space<vmem_shared>> -> memref<125x64xf32, #tpu.memory_space<vmem_shared>>
      tpu.enqueue_dma source(%arg12 : memref<125x64xf32, #tpu.memory_space<vmem>>) target(%dma_start3A_57 : memref<125x64xf32, #tpu.memory_space<vmem_shared>>) target_semaphore(%run_scoped3A : memref<!tpu.dma_semaphore, #tpu.memory_space<semaphore_mem>>)
      %dma_wait3A = arith.constant 0 : i32
      %dma_wait3A_58 = tpu.memref_slice %arg13[%add3A_13, %dma_wait3A] : memref<10000x64xf32, #tpu.memory_space<vmem_shared>> -> memref<125x64xf32, #tpu.memory_space<vmem_shared>>
      %dma_wait3A_59 = arith.constant 0 : i32
      %dma_wait3A_60 = tpu.memref_slice %arg13[%add3A_13, %dma_wait3A_59] : memref<10000x64xf32, #tpu.memory_space<vmem_shared>> -> memref<125x64xf32, #tpu.memory_space<vmem_shared>>
      tpu.wait_dma2 semaphore(%run_scoped3A : memref<!tpu.dma_semaphore, #tpu.memory_space<semaphore_mem>>) src(%arg12 : memref<125x64xf32, #tpu.memory_space<vmem>>) dst(%dma_wait3A_60 : memref<125x64xf32, #tpu.memory_space<vmem_shared>>)
      tpu.yield
    }) : () -> ()
    %mul3A_14 = arith.constant 625 : i32
    %mul3A_15 = arith.muli %arg1, %mul3A_14 : i32
    %add3A_16 = arith.constant 500 : i32
    %add3A_17 = arith.addi %mul3A_15, %add3A_16 : i32
    "tpu.region"() ({
      %run_scoped3A = tpu.sem_alloc : memref<!tpu.dma_semaphore, #tpu.memory_space<semaphore_mem>>
      %dma_start3A = arith.constant 0 : i32
      %dma_start3A_55 = tpu.memref_slice %arg13[%add3A_17, %dma_start3A] : memref<10000x64xf32, #tpu.memory_space<vmem_shared>> -> memref<125x64xf32, #tpu.memory_space<vmem_shared>>
      %dma_start3A_56 = arith.constant 0 : i32
      %dma_start3A_57 = tpu.memref_slice %arg13[%add3A_17, %dma_start3A_56] : memref<10000x64xf32, #tpu.memory_space<vmem_shared>> -> memref<125x64xf32, #tpu.memory_space<vmem_shared>>
      tpu.enqueue_dma source(%arg12 : memref<125x64xf32, #tpu.memory_space<vmem>>) target(%dma_start3A_57 : memref<125x64xf32, #tpu.memory_space<vmem_shared>>) target_semaphore(%run_scoped3A : memref<!tpu.dma_semaphore, #tpu.memory_space<semaphore_mem>>)
      %dma_wait3A = arith.constant 0 : i32
      %dma_wait3A_58 = tpu.memref_slice %arg13[%add3A_17, %dma_wait3A] : memref<10000x64xf32, #tpu.memory_space<vmem_shared>> -> memref<125x64xf32, #tpu.memory_space<vmem_shared>>
      %dma_wait3A_59 = arith.constant 0 : i32
      %dma_wait3A_60 = tpu.memref_slice %arg13[%add3A_17, %dma_wait3A_59] : memref<10000x64xf32, #tpu.memory_space<vmem_shared>> -> memref<125x64xf32, #tpu.memory_space<vmem_shared>>
      tpu.wait_dma2 semaphore(%run_scoped3A : memref<!tpu.dma_semaphore, #tpu.memory_space<semaphore_mem>>) src(%arg12 : memref<125x64xf32, #tpu.memory_space<vmem>>) dst(%dma_wait3A_60 : memref<125x64xf32, #tpu.memory_space<vmem_shared>>)
      tpu.yield
    }) : () -> ()
    %barrier3A = arith.constant 0 : index
    tpu.barrier barrier_id(%barrier3A)
    %eq3A = arith.constant 0 : i32
    %eq3A_18 = arith.cmpi eq, %arg0, %eq3A : i32
    %convert_element_type3A = arith.extui %eq3A_18 : i1 to i32
    %cond3A = arith.constant 0 : i32
    %cond3A_19 = arith.cmpi ne, %convert_element_type3A, %cond3A : i32
    scf.if %cond3A_19 {
      %mul3A_55 = arith.constant 80 : i32
      %mul3A_56 = arith.muli %arg1, %mul3A_55 : i32
      %run_scoped3A = arith.constant 0 : i32
      "tpu.region"() ({
        %run_scoped3A_117 = tpu.sem_alloc : memref<!tpu.dma_semaphore, #tpu.memory_space<semaphore_mem>>
        %dma_start3A_118 = arith.constant 0 : i32
        %dma_start3A_119 = arith.constant 0 : i32
        %dma_start3A_120 = tpu.memref_slice %arg6[%dma_start3A_118, %dma_start3A_119] : memref<80x128xi32, #tpu.memory_space<vmem>> -> memref<80x128xi32, #tpu.memory_space<vmem>>
        %dma_start3A_121 = arith.constant 0 : i32
        %dma_start3A_122 = tpu.memref_slice %arg3[%run_scoped3A, %mul3A_56, %dma_start3A_121] : memref<2x2500x128xi32, #tpu.memory_space<hbm>> -> memref<1x80x128xi32, #tpu.memory_space<hbm>>
        %dma_start3A_123 = tpu.memref_squeeze %dma_start3A_122 : memref<1x80x128xi32, #tpu.memory_space<hbm>> -> memref<80x128xi32, #tpu.memory_space<hbm>>
        %dma_start3A_124 = arith.constant 0 : i32
        %dma_start3A_125 = arith.constant 0 : i32
        %dma_start3A_126 = tpu.memref_slice %arg6[%dma_start3A_124, %dma_start3A_125] : memref<80x128xi32, #tpu.memory_space<vmem>> -> memref<80x128xi32, #tpu.memory_space<vmem>>
        %dma_start3A_127 = arith.constant 0 : i32
        %dma_start3A_128 = tpu.memref_slice %arg3[%run_scoped3A, %mul3A_56, %dma_start3A_127] : memref<2x2500x128xi32, #tpu.memory_space<hbm>> -> memref<1x80x128xi32, #tpu.memory_space<hbm>>
        %dma_start3A_129 = tpu.memref_squeeze %dma_start3A_128 : memref<1x80x128xi32, #tpu.memory_space<hbm>> -> memref<80x128xi32, #tpu.memory_space<hbm>>
        tpu.enqueue_dma source(%dma_start3A_129 : memref<80x128xi32, #tpu.memory_space<hbm>>) target(%dma_start3A_126 : memref<80x128xi32, #tpu.memory_space<vmem>>) target_semaphore(%run_scoped3A_117 : memref<!tpu.dma_semaphore, #tpu.memory_space<semaphore_mem>>)
        %dma_wait3A_130 = arith.constant 0 : i32
        %dma_wait3A_131 = arith.constant 0 : i32
        %dma_wait3A_132 = tpu.memref_slice %arg6[%dma_wait3A_130, %dma_wait3A_131] : memref<80x128xi32, #tpu.memory_space<vmem>> -> memref<80x128xi32, #tpu.memory_space<vmem>>
        %dma_wait3A_133 = arith.constant 0 : i32
        %dma_wait3A_134 = tpu.memref_slice %arg3[%run_scoped3A, %mul3A_56, %dma_wait3A_133] : memref<2x2500x128xi32, #tpu.memory_space<hbm>> -> memref<1x80x128xi32, #tpu.memory_space<hbm>>
        %dma_wait3A_135 = tpu.memref_squeeze %dma_wait3A_134 : memref<1x80x128xi32, #tpu.memory_space<hbm>> -> memref<80x128xi32, #tpu.memory_space<hbm>>
        %dma_wait3A_136 = arith.constant 0 : i32
        %dma_wait3A_137 = arith.constant 0 : i32
        %dma_wait3A_138 = tpu.memref_slice %arg6[%dma_wait3A_136, %dma_wait3A_137] : memref<80x128xi32, #tpu.memory_space<vmem>> -> memref<80x128xi32, #tpu.memory_space<vmem>>
        %dma_wait3A_139 = arith.constant 0 : i32
        %dma_wait3A_140 = tpu.memref_slice %arg3[%run_scoped3A, %mul3A_56, %dma_wait3A_139] : memref<2x2500x128xi32, #tpu.memory_space<hbm>> -> memref<1x80x128xi32, #tpu.memory_space<hbm>>
        %dma_wait3A_141 = tpu.memref_squeeze %dma_wait3A_140 : memref<1x80x128xi32, #tpu.memory_space<hbm>> -> memref<80x128xi32, #tpu.memory_space<hbm>>
        tpu.wait_dma2 semaphore(%run_scoped3A_117 : memref<!tpu.dma_semaphore, #tpu.memory_space<semaphore_mem>>) src(%dma_wait3A_141 : memref<80x128xi32, #tpu.memory_space<hbm>>) dst(%dma_wait3A_138 : memref<80x128xi32, #tpu.memory_space<vmem>>)
        tpu.yield
      }) : () -> ()
      %run_scoped3A_57 = arith.constant 1 : i32
      "tpu.region"() ({
        %run_scoped3A_117 = tpu.sem_alloc : memref<!tpu.dma_semaphore, #tpu.memory_space<semaphore_mem>>
        %dma_start3A_118 = arith.constant 0 : i32
        %dma_start3A_119 = arith.constant 0 : i32
        %dma_start3A_120 = tpu.memref_slice %arg7[%dma_start3A_118, %dma_start3A_119] : memref<80x128xi32, #tpu.memory_space<vmem>> -> memref<80x128xi32, #tpu.memory_space<vmem>>
        %dma_start3A_121 = arith.constant 0 : i32
        %dma_start3A_122 = tpu.memref_slice %arg3[%run_scoped3A_57, %mul3A_56, %dma_start3A_121] : memref<2x2500x128xi32, #tpu.memory_space<hbm>> -> memref<1x80x128xi32, #tpu.memory_space<hbm>>
        %dma_start3A_123 = tpu.memref_squeeze %dma_start3A_122 : memref<1x80x128xi32, #tpu.memory_space<hbm>> -> memref<80x128xi32, #tpu.memory_space<hbm>>
        %dma_start3A_124 = arith.constant 0 : i32
        %dma_start3A_125 = arith.constant 0 : i32
        %dma_start3A_126 = tpu.memref_slice %arg7[%dma_start3A_124, %dma_start3A_125] : memref<80x128xi32, #tpu.memory_space<vmem>> -> memref<80x128xi32, #tpu.memory_space<vmem>>
        %dma_start3A_127 = arith.constant 0 : i32
        %dma_start3A_128 = tpu.memref_slice %arg3[%run_scoped3A_57, %mul3A_56, %dma_start3A_127] : memref<2x2500x128xi32, #tpu.memory_space<hbm>> -> memref<1x80x128xi32, #tpu.memory_space<hbm>>
        %dma_start3A_129 = tpu.memref_squeeze %dma_start3A_128 : memref<1x80x128xi32, #tpu.memory_space<hbm>> -> memref<80x128xi32, #tpu.memory_space<hbm>>
        tpu.enqueue_dma source(%dma_start3A_129 : memref<80x128xi32, #tpu.memory_space<hbm>>) target(%dma_start3A_126 : memref<80x128xi32, #tpu.memory_space<vmem>>) target_semaphore(%run_scoped3A_117 : memref<!tpu.dma_semaphore, #tpu.memory_space<semaphore_mem>>)
        %dma_wait3A_130 = arith.constant 0 : i32
        %dma_wait3A_131 = arith.constant 0 : i32
        %dma_wait3A_132 = tpu.memref_slice %arg7[%dma_wait3A_130, %dma_wait3A_131] : memref<80x128xi32, #tpu.memory_space<vmem>> -> memref<80x128xi32, #tpu.memory_space<vmem>>
        %dma_wait3A_133 = arith.constant 0 : i32
        %dma_wait3A_134 = tpu.memref_slice %arg3[%run_scoped3A_57, %mul3A_56, %dma_wait3A_133] : memref<2x2500x128xi32, #tpu.memory_space<hbm>> -> memref<1x80x128xi32, #tpu.memory_space<hbm>>
        %dma_wait3A_135 = tpu.memref_squeeze %dma_wait3A_134 : memref<1x80x128xi32, #tpu.memory_space<hbm>> -> memref<80x128xi32, #tpu.memory_space<hbm>>
        %dma_wait3A_136 = arith.constant 0 : i32
        %dma_wait3A_137 = arith.constant 0 : i32
        %dma_wait3A_138 = tpu.memref_slice %arg7[%dma_wait3A_136, %dma_wait3A_137] : memref<80x128xi32, #tpu.memory_space<vmem>> -> memref<80x128xi32, #tpu.memory_space<vmem>>
        %dma_wait3A_139 = arith.constant 0 : i32
        %dma_wait3A_140 = tpu.memref_slice %arg3[%run_scoped3A_57, %mul3A_56, %dma_wait3A_139] : memref<2x2500x128xi32, #tpu.memory_space<hbm>> -> memref<1x80x128xi32, #tpu.memory_space<hbm>>
        %dma_wait3A_141 = tpu.memref_squeeze %dma_wait3A_140 : memref<1x80x128xi32, #tpu.memory_space<hbm>> -> memref<80x128xi32, #tpu.memory_space<hbm>>
        tpu.wait_dma2 semaphore(%run_scoped3A_117 : memref<!tpu.dma_semaphore, #tpu.memory_space<semaphore_mem>>) src(%dma_wait3A_141 : memref<80x128xi32, #tpu.memory_space<hbm>>) dst(%dma_wait3A_138 : memref<80x128xi32, #tpu.memory_space<vmem>>)
        tpu.yield
      }) : () -> ()
      %dma_start3A = arith.constant 0 : i32
      %dma_start3A_58 = arith.constant 0 : i32
      %dma_start3A_59 = tpu.memref_slice %arg6[%dma_start3A, %dma_start3A_58] : memref<80x128xi32, #tpu.memory_space<vmem>> -> memref<1x128xi32, #tpu.memory_space<vmem>>
      %dma_start3A_60 = tpu.memref_squeeze %dma_start3A_59 : memref<1x128xi32, #tpu.memory_space<vmem>> -> memref<128xi32, #tpu.memory_space<vmem>>
      %dma_start3A_61 = arith.constant 0 : i32
      %dma_start3A_62 = arith.constant 0 : i32
      %dma_start3A_63 = tpu.memref_slice %arg2[%dma_start3A_61, %dma_start3A_62] : memref<10000x64xf32, #tpu.memory_space<hbm>> -> memref<10000x64xf32, #tpu.memory_space<hbm>>
      tpu.enqueue_indirect_dma source(%dma_start3A_63 : memref<10000x64xf32, #tpu.memory_space<hbm>>) target(%arg8 : memref<128x64xf32, #tpu.memory_space<vmem>>) offsets(%dma_start3A_60 : memref<128xi32, #tpu.memory_space<vmem>>) semaphore(%arg14 : memref<!tpu.dma_semaphore, #tpu.memory_space<semaphore_mem>>)
      %dma_start3A_64 = arith.constant 1 : i32
      %dma_start3A_65 = arith.constant 0 : i32
      %dma_start3A_66 = tpu.memref_slice %arg6[%dma_start3A_64, %dma_start3A_65] : memref<80x128xi32, #tpu.memory_space<vmem>> -> memref<1x128xi32, #tpu.memory_space<vmem>>
      %dma_start3A_67 = tpu.memref_squeeze %dma_start3A_66 : memref<1x128xi32, #tpu.memory_space<vmem>> -> memref<128xi32, #tpu.memory_space<vmem>>
      %dma_start3A_68 = arith.constant 0 : i32
      %dma_start3A_69 = arith.constant 0 : i32
      %dma_start3A_70 = tpu.memref_slice %arg2[%dma_start3A_68, %dma_start3A_69] : memref<10000x64xf32, #tpu.memory_space<hbm>> -> memref<10000x64xf32, #tpu.memory_space<hbm>>
      tpu.enqueue_indirect_dma source(%dma_start3A_70 : memref<10000x64xf32, #tpu.memory_space<hbm>>) target(%arg9 : memref<128x64xf32, #tpu.memory_space<vmem>>) offsets(%dma_start3A_67 : memref<128xi32, #tpu.memory_space<vmem>>) semaphore(%arg15 : memref<!tpu.dma_semaphore, #tpu.memory_space<semaphore_mem>>)
      %dma_start3A_71 = arith.constant 2 : i32
      %dma_start3A_72 = arith.constant 0 : i32
      %dma_start3A_73 = tpu.memref_slice %arg6[%dma_start3A_71, %dma_start3A_72] : memref<80x128xi32, #tpu.memory_space<vmem>> -> memref<1x128xi32, #tpu.memory_space<vmem>>
      %dma_start3A_74 = tpu.memref_squeeze %dma_start3A_73 : memref<1x128xi32, #tpu.memory_space<vmem>> -> memref<128xi32, #tpu.memory_space<vmem>>
      %dma_start3A_75 = arith.constant 0 : i32
      %dma_start3A_76 = arith.constant 0 : i32
      %dma_start3A_77 = tpu.memref_slice %arg2[%dma_start3A_75, %dma_start3A_76] : memref<10000x64xf32, #tpu.memory_space<hbm>> -> memref<10000x64xf32, #tpu.memory_space<hbm>>
      tpu.enqueue_indirect_dma source(%dma_start3A_77 : memref<10000x64xf32, #tpu.memory_space<hbm>>) target(%arg10 : memref<128x64xf32, #tpu.memory_space<vmem>>) offsets(%dma_start3A_74 : memref<128xi32, #tpu.memory_space<vmem>>) semaphore(%arg16 : memref<!tpu.dma_semaphore, #tpu.memory_space<semaphore_mem>>)
      %dma_start3A_78 = arith.constant 3 : i32
      %dma_start3A_79 = arith.constant 0 : i32
      %dma_start3A_80 = tpu.memref_slice %arg6[%dma_start3A_78, %dma_start3A_79] : memref<80x128xi32, #tpu.memory_space<vmem>> -> memref<1x128xi32, #tpu.memory_space<vmem>>
      %dma_start3A_81 = tpu.memref_squeeze %dma_start3A_80 : memref<1x128xi32, #tpu.memory_space<vmem>> -> memref<128xi32, #tpu.memory_space<vmem>>
      %dma_start3A_82 = arith.constant 0 : i32
      %dma_start3A_83 = arith.constant 0 : i32
      %dma_start3A_84 = tpu.memref_slice %arg2[%dma_start3A_82, %dma_start3A_83] : memref<10000x64xf32, #tpu.memory_space<hbm>> -> memref<10000x64xf32, #tpu.memory_space<hbm>>
      tpu.enqueue_indirect_dma source(%dma_start3A_84 : memref<10000x64xf32, #tpu.memory_space<hbm>>) target(%arg11 : memref<128x64xf32, #tpu.memory_space<vmem>>) offsets(%dma_start3A_81 : memref<128xi32, #tpu.memory_space<vmem>>) semaphore(%arg17 : memref<!tpu.dma_semaphore, #tpu.memory_space<semaphore_mem>>)
      %scan3A = arith.constant 0 : i32
      %scan3A_85 = arith.constant 0 : i32
      %scan3A_86 = arith.constant 20 : i32
      %scan3A_87 = arith.addi %scan3A_85, %scan3A_86 : i32
      %scan3A_88 = arith.constant 1 : i32
      scf.for %scan3A_117 = %scan3A_85 to %scan3A_87 step %scan3A_88  : i32 {
        %mul3A_118 = arith.constant 4 : i32
        %mul3A_119 = arith.muli %mul3A_118, %scan3A_117 : i32
        %add3A_120 = arith.constant 0 : i32
        %add3A_121 = arith.addi %mul3A_119, %add3A_120 : i32
        %dma_wait3A_122 = arith.constant 0 : i32
        %dma_wait3A_123 = tpu.memref_slice %arg6[%add3A_121, %dma_wait3A_122] : memref<80x128xi32, #tpu.memory_space<vmem>> -> memref<1x128xi32, #tpu.memory_space<vmem>>
        %dma_wait3A_124 = tpu.memref_squeeze %dma_wait3A_123 : memref<1x128xi32, #tpu.memory_space<vmem>> -> memref<128xi32, #tpu.memory_space<vmem>>
        %dma_wait3A_125 = arith.constant 0 : i32
        %dma_wait3A_126 = arith.constant 0 : i32
        %dma_wait3A_127 = tpu.memref_slice %arg2[%dma_wait3A_125, %dma_wait3A_126] : memref<10000x64xf32, #tpu.memory_space<hbm>> -> memref<10000x64xf32, #tpu.memory_space<hbm>>
        tpu.wait_indirect_dma semaphore(%arg14 : memref<!tpu.dma_semaphore, #tpu.memory_space<semaphore_mem>>) src(%dma_wait3A_127 : memref<10000x64xf32, #tpu.memory_space<hbm>>) dst(%arg8 : memref<128x64xf32, #tpu.memory_space<vmem>>)
        %dma_start3A_128 = arith.constant 0 : i32
        %dma_start3A_129 = tpu.memref_slice %arg7[%add3A_121, %dma_start3A_128] : memref<80x128xi32, #tpu.memory_space<vmem>> -> memref<1x128xi32, #tpu.memory_space<vmem>>
        %dma_start3A_130 = tpu.memref_squeeze %dma_start3A_129 : memref<1x128xi32, #tpu.memory_space<vmem>> -> memref<128xi32, #tpu.memory_space<vmem>>
        %dma_start3A_131 = arith.constant 0 : i32
        %dma_start3A_132 = arith.constant 0 : i32
        %dma_start3A_133 = tpu.memref_slice %arg13[%dma_start3A_131, %dma_start3A_132] : memref<10000x64xf32, #tpu.memory_space<vmem_shared>> -> memref<10000x64xf32, #tpu.memory_space<vmem_shared>>
        tpu.enqueue_indirect_dma source(%arg8 : memref<128x64xf32, #tpu.memory_space<vmem>>) target(%dma_start3A_133 : memref<10000x64xf32, #tpu.memory_space<vmem_shared>>) offsets(%dma_start3A_130 : memref<128xi32, #tpu.memory_space<vmem>>) semaphore(%arg18 : memref<!tpu.dma_semaphore, #tpu.memory_space<semaphore_mem>>) {add = true}
        %add3A_134 = arith.constant 1 : i32
        %add3A_135 = arith.addi %mul3A_119, %add3A_134 : i32
        %dma_wait3A_136 = arith.constant 0 : i32
        %dma_wait3A_137 = tpu.memref_slice %arg6[%add3A_135, %dma_wait3A_136] : memref<80x128xi32, #tpu.memory_space<vmem>> -> memref<1x128xi32, #tpu.memory_space<vmem>>
        %dma_wait3A_138 = tpu.memref_squeeze %dma_wait3A_137 : memref<1x128xi32, #tpu.memory_space<vmem>> -> memref<128xi32, #tpu.memory_space<vmem>>
        %dma_wait3A_139 = arith.constant 0 : i32
        %dma_wait3A_140 = arith.constant 0 : i32
        %dma_wait3A_141 = tpu.memref_slice %arg2[%dma_wait3A_139, %dma_wait3A_140] : memref<10000x64xf32, #tpu.memory_space<hbm>> -> memref<10000x64xf32, #tpu.memory_space<hbm>>
        tpu.wait_indirect_dma semaphore(%arg15 : memref<!tpu.dma_semaphore, #tpu.memory_space<semaphore_mem>>) src(%dma_wait3A_141 : memref<10000x64xf32, #tpu.memory_space<hbm>>) dst(%arg9 : memref<128x64xf32, #tpu.memory_space<vmem>>)
        %dma_start3A_142 = arith.constant 0 : i32
        %dma_start3A_143 = tpu.memref_slice %arg7[%add3A_135, %dma_start3A_142] : memref<80x128xi32, #tpu.memory_space<vmem>> -> memref<1x128xi32, #tpu.memory_space<vmem>>
        %dma_start3A_144 = tpu.memref_squeeze %dma_start3A_143 : memref<1x128xi32, #tpu.memory_space<vmem>> -> memref<128xi32, #tpu.memory_space<vmem>>
        %dma_start3A_145 = arith.constant 0 : i32
        %dma_start3A_146 = arith.constant 0 : i32
        %dma_start3A_147 = tpu.memref_slice %arg13[%dma_start3A_145, %dma_start3A_146] : memref<10000x64xf32, #tpu.memory_space<vmem_shared>> -> memref<10000x64xf32, #tpu.memory_space<vmem_shared>>
        tpu.enqueue_indirect_dma source(%arg9 : memref<128x64xf32, #tpu.memory_space<vmem>>) target(%dma_start3A_147 : memref<10000x64xf32, #tpu.memory_space<vmem_shared>>) offsets(%dma_start3A_144 : memref<128xi32, #tpu.memory_space<vmem>>) semaphore(%arg19 : memref<!tpu.dma_semaphore, #tpu.memory_space<semaphore_mem>>) {add = true}
        %add3A_148 = arith.constant 2 : i32
        %add3A_149 = arith.addi %mul3A_119, %add3A_148 : i32
        %dma_wait3A_150 = arith.constant 0 : i32
        %dma_wait3A_151 = tpu.memref_slice %arg6[%add3A_149, %dma_wait3A_150] : memref<80x128xi32, #tpu.memory_space<vmem>> -> memref<1x128xi32, #tpu.memory_space<vmem>>
        %dma_wait3A_152 = tpu.memref_squeeze %dma_wait3A_151 : memref<1x128xi32, #tpu.memory_space<vmem>> -> memref<128xi32, #tpu.memory_space<vmem>>
        %dma_wait3A_153 = arith.constant 0 : i32
        %dma_wait3A_154 = arith.constant 0 : i32
        %dma_wait3A_155 = tpu.memref_slice %arg2[%dma_wait3A_153, %dma_wait3A_154] : memref<10000x64xf32, #tpu.memory_space<hbm>> -> memref<10000x64xf32, #tpu.memory_space<hbm>>
        tpu.wait_indirect_dma semaphore(%arg16 : memref<!tpu.dma_semaphore, #tpu.memory_space<semaphore_mem>>) src(%dma_wait3A_155 : memref<10000x64xf32, #tpu.memory_space<hbm>>) dst(%arg10 : memref<128x64xf32, #tpu.memory_space<vmem>>)
        %dma_start3A_156 = arith.constant 0 : i32
        %dma_start3A_157 = tpu.memref_slice %arg7[%add3A_149, %dma_start3A_156] : memref<80x128xi32, #tpu.memory_space<vmem>> -> memref<1x128xi32, #tpu.memory_space<vmem>>
        %dma_start3A_158 = tpu.memref_squeeze %dma_start3A_157 : memref<1x128xi32, #tpu.memory_space<vmem>> -> memref<128xi32, #tpu.memory_space<vmem>>
        %dma_start3A_159 = arith.constant 0 : i32
        %dma_start3A_160 = arith.constant 0 : i32
        %dma_start3A_161 = tpu.memref_slice %arg13[%dma_start3A_159, %dma_start3A_160] : memref<10000x64xf32, #tpu.memory_space<vmem_shared>> -> memref<10000x64xf32, #tpu.memory_space<vmem_shared>>
        tpu.enqueue_indirect_dma source(%arg10 : memref<128x64xf32, #tpu.memory_space<vmem>>) target(%dma_start3A_161 : memref<10000x64xf32, #tpu.memory_space<vmem_shared>>) offsets(%dma_start3A_158 : memref<128xi32, #tpu.memory_space<vmem>>) semaphore(%arg20 : memref<!tpu.dma_semaphore, #tpu.memory_space<semaphore_mem>>) {add = true}
        %add3A_162 = arith.constant 3 : i32
        %add3A_163 = arith.addi %mul3A_119, %add3A_162 : i32
        %dma_wait3A_164 = arith.constant 0 : i32
        %dma_wait3A_165 = tpu.memref_slice %arg6[%add3A_163, %dma_wait3A_164] : memref<80x128xi32, #tpu.memory_space<vmem>> -> memref<1x128xi32, #tpu.memory_space<vmem>>
        %dma_wait3A_166 = tpu.memref_squeeze %dma_wait3A_165 : memref<1x128xi32, #tpu.memory_space<vmem>> -> memref<128xi32, #tpu.memory_space<vmem>>
        %dma_wait3A_167 = arith.constant 0 : i32
        %dma_wait3A_168 = arith.constant 0 : i32
        %dma_wait3A_169 = tpu.memref_slice %arg2[%dma_wait3A_167, %dma_wait3A_168] : memref<10000x64xf32, #tpu.memory_space<hbm>> -> memref<10000x64xf32, #tpu.memory_space<hbm>>
        tpu.wait_indirect_dma semaphore(%arg17 : memref<!tpu.dma_semaphore, #tpu.memory_space<semaphore_mem>>) src(%dma_wait3A_169 : memref<10000x64xf32, #tpu.memory_space<hbm>>) dst(%arg11 : memref<128x64xf32, #tpu.memory_space<vmem>>)
        %dma_start3A_170 = arith.constant 0 : i32
        %dma_start3A_171 = tpu.memref_slice %arg7[%add3A_163, %dma_start3A_170] : memref<80x128xi32, #tpu.memory_space<vmem>> -> memref<1x128xi32, #tpu.memory_space<vmem>>
        %dma_start3A_172 = tpu.memref_squeeze %dma_start3A_171 : memref<1x128xi32, #tpu.memory_space<vmem>> -> memref<128xi32, #tpu.memory_space<vmem>>
        %dma_start3A_173 = arith.constant 0 : i32
        %dma_start3A_174 = arith.constant 0 : i32
        %dma_start3A_175 = tpu.memref_slice %arg13[%dma_start3A_173, %dma_start3A_174] : memref<10000x64xf32, #tpu.memory_space<vmem_shared>> -> memref<10000x64xf32, #tpu.memory_space<vmem_shared>>
        tpu.enqueue_indirect_dma source(%arg11 : memref<128x64xf32, #tpu.memory_space<vmem>>) target(%dma_start3A_175 : memref<10000x64xf32, #tpu.memory_space<vmem_shared>>) offsets(%dma_start3A_172 : memref<128xi32, #tpu.memory_space<vmem>>) semaphore(%arg21 : memref<!tpu.dma_semaphore, #tpu.memory_space<semaphore_mem>>) {add = true}
        %add3A_176 = arith.constant 0 : i32
        %add3A_177 = arith.addi %mul3A_119, %add3A_176 : i32
        %add3A_178 = arith.constant 4 : i32
        %add3A_179 = arith.addi %add3A_177, %add3A_178 : i32
        %lt3A_180 = arith.constant 80 : i32
        %lt3A_181 = arith.cmpi slt, %add3A_179, %lt3A_180 : i32
        %convert_element_type3A_182 = arith.extui %lt3A_181 : i1 to i32
        %cond3A_183 = arith.constant 0 : i32
        %cond3A_184 = arith.cmpi ne, %convert_element_type3A_182, %cond3A_183 : i32
        scf.if %cond3A_184 {
          %dma_wait3A_212 = arith.constant 0 : i32
          %dma_wait3A_213 = tpu.memref_slice %arg7[%add3A_177, %dma_wait3A_212] : memref<80x128xi32, #tpu.memory_space<vmem>> -> memref<1x128xi32, #tpu.memory_space<vmem>>
          %dma_wait3A_214 = tpu.memref_squeeze %dma_wait3A_213 : memref<1x128xi32, #tpu.memory_space<vmem>> -> memref<128xi32, #tpu.memory_space<vmem>>
          %dma_wait3A_215 = arith.constant 0 : i32
          %dma_wait3A_216 = arith.constant 0 : i32
          %dma_wait3A_217 = tpu.memref_slice %arg13[%dma_wait3A_215, %dma_wait3A_216] : memref<10000x64xf32, #tpu.memory_space<vmem_shared>> -> memref<10000x64xf32, #tpu.memory_space<vmem_shared>>
          tpu.wait_indirect_dma semaphore(%arg18 : memref<!tpu.dma_semaphore, #tpu.memory_space<semaphore_mem>>) src(%arg8 : memref<128x64xf32, #tpu.memory_space<vmem>>) dst(%dma_wait3A_217 : memref<10000x64xf32, #tpu.memory_space<vmem_shared>>)
          %add3A_218 = arith.constant 4 : i32
          %add3A_219 = arith.addi %add3A_177, %add3A_218 : i32
          %dma_start3A_220 = arith.constant 0 : i32
          %dma_start3A_221 = tpu.memref_slice %arg6[%add3A_219, %dma_start3A_220] : memref<80x128xi32, #tpu.memory_space<vmem>> -> memref<1x128xi32, #tpu.memory_space<vmem>>
          %dma_start3A_222 = tpu.memref_squeeze %dma_start3A_221 : memref<1x128xi32, #tpu.memory_space<vmem>> -> memref<128xi32, #tpu.memory_space<vmem>>
          %dma_start3A_223 = arith.constant 0 : i32
          %dma_start3A_224 = arith.constant 0 : i32
          %dma_start3A_225 = tpu.memref_slice %arg2[%dma_start3A_223, %dma_start3A_224] : memref<10000x64xf32, #tpu.memory_space<hbm>> -> memref<10000x64xf32, #tpu.memory_space<hbm>>
          tpu.enqueue_indirect_dma source(%dma_start3A_225 : memref<10000x64xf32, #tpu.memory_space<hbm>>) target(%arg8 : memref<128x64xf32, #tpu.memory_space<vmem>>) offsets(%dma_start3A_222 : memref<128xi32, #tpu.memory_space<vmem>>) semaphore(%arg14 : memref<!tpu.dma_semaphore, #tpu.memory_space<semaphore_mem>>)
        } else {
        }
        %add3A_185 = arith.constant 1 : i32
        %add3A_186 = arith.addi %mul3A_119, %add3A_185 : i32
        %add3A_187 = arith.constant 4 : i32
        %add3A_188 = arith.addi %add3A_186, %add3A_187 : i32
        %lt3A_189 = arith.constant 80 : i32
        %lt3A_190 = arith.cmpi slt, %add3A_188, %lt3A_189 : i32
        %convert_element_type3A_191 = arith.extui %lt3A_190 : i1 to i32
        %cond3A_192 = arith.constant 0 : i32
        %cond3A_193 = arith.cmpi ne, %convert_element_type3A_191, %cond3A_192 : i32
        scf.if %cond3A_193 {
          %dma_wait3A_212 = arith.constant 0 : i32
          %dma_wait3A_213 = tpu.memref_slice %arg7[%add3A_186, %dma_wait3A_212] : memref<80x128xi32, #tpu.memory_space<vmem>> -> memref<1x128xi32, #tpu.memory_space<vmem>>
          %dma_wait3A_214 = tpu.memref_squeeze %dma_wait3A_213 : memref<1x128xi32, #tpu.memory_space<vmem>> -> memref<128xi32, #tpu.memory_space<vmem>>
          %dma_wait3A_215 = arith.constant 0 : i32
          %dma_wait3A_216 = arith.constant 0 : i32
          %dma_wait3A_217 = tpu.memref_slice %arg13[%dma_wait3A_215, %dma_wait3A_216] : memref<10000x64xf32, #tpu.memory_space<vmem_shared>> -> memref<10000x64xf32, #tpu.memory_space<vmem_shared>>
          tpu.wait_indirect_dma semaphore(%arg19 : memref<!tpu.dma_semaphore, #tpu.memory_space<semaphore_mem>>) src(%arg9 : memref<128x64xf32, #tpu.memory_space<vmem>>) dst(%dma_wait3A_217 : memref<10000x64xf32, #tpu.memory_space<vmem_shared>>)
          %add3A_218 = arith.constant 4 : i32
          %add3A_219 = arith.addi %add3A_186, %add3A_218 : i32
          %dma_start3A_220 = arith.constant 0 : i32
          %dma_start3A_221 = tpu.memref_slice %arg6[%add3A_219, %dma_start3A_220] : memref<80x128xi32, #tpu.memory_space<vmem>> -> memref<1x128xi32, #tpu.memory_space<vmem>>
          %dma_start3A_222 = tpu.memref_squeeze %dma_start3A_221 : memref<1x128xi32, #tpu.memory_space<vmem>> -> memref<128xi32, #tpu.memory_space<vmem>>
          %dma_start3A_223 = arith.constant 0 : i32
          %dma_start3A_224 = arith.constant 0 : i32
          %dma_start3A_225 = tpu.memref_slice %arg2[%dma_start3A_223, %dma_start3A_224] : memref<10000x64xf32, #tpu.memory_space<hbm>> -> memref<10000x64xf32, #tpu.memory_space<hbm>>
          tpu.enqueue_indirect_dma source(%dma_start3A_225 : memref<10000x64xf32, #tpu.memory_space<hbm>>) target(%arg9 : memref<128x64xf32, #tpu.memory_space<vmem>>) offsets(%dma_start3A_222 : memref<128xi32, #tpu.memory_space<vmem>>) semaphore(%arg15 : memref<!tpu.dma_semaphore, #tpu.memory_space<semaphore_mem>>)
        } else {
        }
        %add3A_194 = arith.constant 2 : i32
        %add3A_195 = arith.addi %mul3A_119, %add3A_194 : i32
        %add3A_196 = arith.constant 4 : i32
        %add3A_197 = arith.addi %add3A_195, %add3A_196 : i32
        %lt3A_198 = arith.constant 80 : i32
        %lt3A_199 = arith.cmpi slt, %add3A_197, %lt3A_198 : i32
        %convert_element_type3A_200 = arith.extui %lt3A_199 : i1 to i32
        %cond3A_201 = arith.constant 0 : i32
        %cond3A_202 = arith.cmpi ne, %convert_element_type3A_200, %cond3A_201 : i32
        scf.if %cond3A_202 {
          %dma_wait3A_212 = arith.constant 0 : i32
          %dma_wait3A_213 = tpu.memref_slice %arg7[%add3A_195, %dma_wait3A_212] : memref<80x128xi32, #tpu.memory_space<vmem>> -> memref<1x128xi32, #tpu.memory_space<vmem>>
          %dma_wait3A_214 = tpu.memref_squeeze %dma_wait3A_213 : memref<1x128xi32, #tpu.memory_space<vmem>> -> memref<128xi32, #tpu.memory_space<vmem>>
          %dma_wait3A_215 = arith.constant 0 : i32
          %dma_wait3A_216 = arith.constant 0 : i32
          %dma_wait3A_217 = tpu.memref_slice %arg13[%dma_wait3A_215, %dma_wait3A_216] : memref<10000x64xf32, #tpu.memory_space<vmem_shared>> -> memref<10000x64xf32, #tpu.memory_space<vmem_shared>>
          tpu.wait_indirect_dma semaphore(%arg20 : memref<!tpu.dma_semaphore, #tpu.memory_space<semaphore_mem>>) src(%arg10 : memref<128x64xf32, #tpu.memory_space<vmem>>) dst(%dma_wait3A_217 : memref<10000x64xf32, #tpu.memory_space<vmem_shared>>)
          %add3A_218 = arith.constant 4 : i32
          %add3A_219 = arith.addi %add3A_195, %add3A_218 : i32
          %dma_start3A_220 = arith.constant 0 : i32
          %dma_start3A_221 = tpu.memref_slice %arg6[%add3A_219, %dma_start3A_220] : memref<80x128xi32, #tpu.memory_space<vmem>> -> memref<1x128xi32, #tpu.memory_space<vmem>>
          %dma_start3A_222 = tpu.memref_squeeze %dma_start3A_221 : memref<1x128xi32, #tpu.memory_space<vmem>> -> memref<128xi32, #tpu.memory_space<vmem>>
          %dma_start3A_223 = arith.constant 0 : i32
          %dma_start3A_224 = arith.constant 0 : i32
          %dma_start3A_225 = tpu.memref_slice %arg2[%dma_start3A_223, %dma_start3A_224] : memref<10000x64xf32, #tpu.memory_space<hbm>> -> memref<10000x64xf32, #tpu.memory_space<hbm>>
          tpu.enqueue_indirect_dma source(%dma_start3A_225 : memref<10000x64xf32, #tpu.memory_space<hbm>>) target(%arg10 : memref<128x64xf32, #tpu.memory_space<vmem>>) offsets(%dma_start3A_222 : memref<128xi32, #tpu.memory_space<vmem>>) semaphore(%arg16 : memref<!tpu.dma_semaphore, #tpu.memory_space<semaphore_mem>>)
        } else {
        }
        %add3A_203 = arith.constant 3 : i32
        %add3A_204 = arith.addi %mul3A_119, %add3A_203 : i32
        %add3A_205 = arith.constant 4 : i32
        %add3A_206 = arith.addi %add3A_204, %add3A_205 : i32
        %lt3A_207 = arith.constant 80 : i32
        %lt3A_208 = arith.cmpi slt, %add3A_206, %lt3A_207 : i32
        %convert_element_type3A_209 = arith.extui %lt3A_208 : i1 to i32
        %cond3A_210 = arith.constant 0 : i32
        %cond3A_211 = arith.cmpi ne, %convert_element_type3A_209, %cond3A_210 : i32
        scf.if %cond3A_211 {
          %dma_wait3A_212 = arith.constant 0 : i32
          %dma_wait3A_213 = tpu.memref_slice %arg7[%add3A_204, %dma_wait3A_212] : memref<80x128xi32, #tpu.memory_space<vmem>> -> memref<1x128xi32, #tpu.memory_space<vmem>>
          %dma_wait3A_214 = tpu.memref_squeeze %dma_wait3A_213 : memref<1x128xi32, #tpu.memory_space<vmem>> -> memref<128xi32, #tpu.memory_space<vmem>>
          %dma_wait3A_215 = arith.constant 0 : i32
          %dma_wait3A_216 = arith.constant 0 : i32
          %dma_wait3A_217 = tpu.memref_slice %arg13[%dma_wait3A_215, %dma_wait3A_216] : memref<10000x64xf32, #tpu.memory_space<vmem_shared>> -> memref<10000x64xf32, #tpu.memory_space<vmem_shared>>
          tpu.wait_indirect_dma semaphore(%arg21 : memref<!tpu.dma_semaphore, #tpu.memory_space<semaphore_mem>>) src(%arg11 : memref<128x64xf32, #tpu.memory_space<vmem>>) dst(%dma_wait3A_217 : memref<10000x64xf32, #tpu.memory_space<vmem_shared>>)
          %add3A_218 = arith.constant 4 : i32
          %add3A_219 = arith.addi %add3A_204, %add3A_218 : i32
          %dma_start3A_220 = arith.constant 0 : i32
          %dma_start3A_221 = tpu.memref_slice %arg6[%add3A_219, %dma_start3A_220] : memref<80x128xi32, #tpu.memory_space<vmem>> -> memref<1x128xi32, #tpu.memory_space<vmem>>
          %dma_start3A_222 = tpu.memref_squeeze %dma_start3A_221 : memref<1x128xi32, #tpu.memory_space<vmem>> -> memref<128xi32, #tpu.memory_space<vmem>>
          %dma_start3A_223 = arith.constant 0 : i32
          %dma_start3A_224 = arith.constant 0 : i32
          %dma_start3A_225 = tpu.memref_slice %arg2[%dma_start3A_223, %dma_start3A_224] : memref<10000x64xf32, #tpu.memory_space<hbm>> -> memref<10000x64xf32, #tpu.memory_space<hbm>>
          tpu.enqueue_indirect_dma source(%dma_start3A_225 : memref<10000x64xf32, #tpu.memory_space<hbm>>) target(%arg11 : memref<128x64xf32, #tpu.memory_space<vmem>>) offsets(%dma_start3A_222 : memref<128xi32, #tpu.memory_space<vmem>>) semaphore(%arg17 : memref<!tpu.dma_semaphore, #tpu.memory_space<semaphore_mem>>)
        } else {
        }
      }
      %scan3A_89 = arith.constant 20 : i32
      %dma_wait3A = arith.constant 76 : i32
      %dma_wait3A_90 = arith.constant 0 : i32
      %dma_wait3A_91 = tpu.memref_slice %arg7[%dma_wait3A, %dma_wait3A_90] : memref<80x128xi32, #tpu.memory_space<vmem>> -> memref<1x128xi32, #tpu.memory_space<vmem>>
      %dma_wait3A_92 = tpu.memref_squeeze %dma_wait3A_91 : memref<1x128xi32, #tpu.memory_space<vmem>> -> memref<128xi32, #tpu.memory_space<vmem>>
      %dma_wait3A_93 = arith.constant 0 : i32
      %dma_wait3A_94 = arith.constant 0 : i32
      %dma_wait3A_95 = tpu.memref_slice %arg13[%dma_wait3A_93, %dma_wait3A_94] : memref<10000x64xf32, #tpu.memory_space<vmem_shared>> -> memref<10000x64xf32, #tpu.memory_space<vmem_shared>>
      tpu.wait_indirect_dma semaphore(%arg18 : memref<!tpu.dma_semaphore, #tpu.memory_space<semaphore_mem>>) src(%arg8 : memref<128x64xf32, #tpu.memory_space<vmem>>) dst(%dma_wait3A_95 : memref<10000x64xf32, #tpu.memory_space<vmem_shared>>)
      %dma_wait3A_96 = arith.constant 77 : i32
      %dma_wait3A_97 = arith.constant 0 : i32
      %dma_wait3A_98 = tpu.memref_slice %arg7[%dma_wait3A_96, %dma_wait3A_97] : memref<80x128xi32, #tpu.memory_space<vmem>> -> memref<1x128xi32, #tpu.memory_space<vmem>>
      %dma_wait3A_99 = tpu.memref_squeeze %dma_wait3A_98 : memref<1x128xi32, #tpu.memory_space<vmem>> -> memref<128xi32, #tpu.memory_space<vmem>>
      %dma_wait3A_100 = arith.constant 0 : i32
      %dma_wait3A_101 = arith.constant 0 : i32
      %dma_wait3A_102 = tpu.memref_slice %arg13[%dma_wait3A_100, %dma_wait3A_101] : memref<10000x64xf32, #tpu.memory_space<vmem_shared>> -> memref<10000x64xf32, #tpu.memory_space<vmem_shared>>
      tpu.wait_indirect_dma semaphore(%arg19 : memref<!tpu.dma_semaphore, #tpu.memory_space<semaphore_mem>>) src(%arg9 : memref<128x64xf32, #tpu.memory_space<vmem>>) dst(%dma_wait3A_102 : memref<10000x64xf32, #tpu.memory_space<vmem_shared>>)
      %dma_wait3A_103 = arith.constant 78 : i32
      %dma_wait3A_104 = arith.constant 0 : i32
      %dma_wait3A_105 = tpu.memref_slice %arg7[%dma_wait3A_103, %dma_wait3A_104] : memref<80x128xi32, #tpu.memory_space<vmem>> -> memref<1x128xi32, #tpu.memory_space<vmem>>
      %dma_wait3A_106 = tpu.memref_squeeze %dma_wait3A_105 : memref<1x128xi32, #tpu.memory_space<vmem>> -> memref<128xi32, #tpu.memory_space<vmem>>
      %dma_wait3A_107 = arith.constant 0 : i32
      %dma_wait3A_108 = arith.constant 0 : i32
      %dma_wait3A_109 = tpu.memref_slice %arg13[%dma_wait3A_107, %dma_wait3A_108] : memref<10000x64xf32, #tpu.memory_space<vmem_shared>> -> memref<10000x64xf32, #tpu.memory_space<vmem_shared>>
      tpu.wait_indirect_dma semaphore(%arg20 : memref<!tpu.dma_semaphore, #tpu.memory_space<semaphore_mem>>) src(%arg10 : memref<128x64xf32, #tpu.memory_space<vmem>>) dst(%dma_wait3A_109 : memref<10000x64xf32, #tpu.memory_space<vmem_shared>>)
      %dma_wait3A_110 = arith.constant 79 : i32
      %dma_wait3A_111 = arith.constant 0 : i32
      %dma_wait3A_112 = tpu.memref_slice %arg7[%dma_wait3A_110, %dma_wait3A_111] : memref<80x128xi32, #tpu.memory_space<vmem>> -> memref<1x128xi32, #tpu.memory_space<vmem>>
      %dma_wait3A_113 = tpu.memref_squeeze %dma_wait3A_112 : memref<1x128xi32, #tpu.memory_space<vmem>> -> memref<128xi32, #tpu.memory_space<vmem>>
      %dma_wait3A_114 = arith.constant 0 : i32
      %dma_wait3A_115 = arith.constant 0 : i32
      %dma_wait3A_116 = tpu.memref_slice %arg13[%dma_wait3A_114, %dma_wait3A_115] : memref<10000x64xf32, #tpu.memory_space<vmem_shared>> -> memref<10000x64xf32, #tpu.memory_space<vmem_shared>>
      tpu.wait_indirect_dma semaphore(%arg21 : memref<!tpu.dma_semaphore, #tpu.memory_space<semaphore_mem>>) src(%arg11 : memref<128x64xf32, #tpu.memory_space<vmem>>) dst(%dma_wait3A_116 : memref<10000x64xf32, #tpu.memory_space<vmem_shared>>)
    } else {
    }
    %eq3A_20 = arith.constant 1 : i32
    %eq3A_21 = arith.cmpi eq, %arg0, %eq3A_20 : i32
    %lt3A = arith.constant 15 : i32
    %lt3A_22 = arith.cmpi slt, %arg1, %lt3A : i32
    %and3A = arith.andi %eq3A_21, %lt3A_22 : i1
    %convert_element_type3A_23 = arith.extui %and3A : i1 to i32
    %cond3A_24 = arith.constant 0 : i32
    %cond3A_25 = arith.cmpi ne, %convert_element_type3A_23, %cond3A_24 : i32
    scf.if %cond3A_25 {
      %add3A_55 = arith.constant 16 : i32
      %add3A_56 = arith.addi %add3A_55, %arg1 : i32
      %mul3A_57 = arith.constant 80 : i32
      %mul3A_58 = arith.muli %add3A_56, %mul3A_57 : i32
      %run_scoped3A = arith.constant 0 : i32
      "tpu.region"() ({
        %run_scoped3A_119 = tpu.sem_alloc : memref<!tpu.dma_semaphore, #tpu.memory_space<semaphore_mem>>
        %dma_start3A_120 = arith.constant 0 : i32
        %dma_start3A_121 = arith.constant 0 : i32
        %dma_start3A_122 = tpu.memref_slice %arg6[%dma_start3A_120, %dma_start3A_121] : memref<80x128xi32, #tpu.memory_space<vmem>> -> memref<80x128xi32, #tpu.memory_space<vmem>>
        %dma_start3A_123 = arith.constant 0 : i32
        %dma_start3A_124 = tpu.memref_slice %arg3[%run_scoped3A, %mul3A_58, %dma_start3A_123] : memref<2x2500x128xi32, #tpu.memory_space<hbm>> -> memref<1x80x128xi32, #tpu.memory_space<hbm>>
        %dma_start3A_125 = tpu.memref_squeeze %dma_start3A_124 : memref<1x80x128xi32, #tpu.memory_space<hbm>> -> memref<80x128xi32, #tpu.memory_space<hbm>>
        %dma_start3A_126 = arith.constant 0 : i32
        %dma_start3A_127 = arith.constant 0 : i32
        %dma_start3A_128 = tpu.memref_slice %arg6[%dma_start3A_126, %dma_start3A_127] : memref<80x128xi32, #tpu.memory_space<vmem>> -> memref<80x128xi32, #tpu.memory_space<vmem>>
        %dma_start3A_129 = arith.constant 0 : i32
        %dma_start3A_130 = tpu.memref_slice %arg3[%run_scoped3A, %mul3A_58, %dma_start3A_129] : memref<2x2500x128xi32, #tpu.memory_space<hbm>> -> memref<1x80x128xi32, #tpu.memory_space<hbm>>
        %dma_start3A_131 = tpu.memref_squeeze %dma_start3A_130 : memref<1x80x128xi32, #tpu.memory_space<hbm>> -> memref<80x128xi32, #tpu.memory_space<hbm>>
        tpu.enqueue_dma source(%dma_start3A_131 : memref<80x128xi32, #tpu.memory_space<hbm>>) target(%dma_start3A_128 : memref<80x128xi32, #tpu.memory_space<vmem>>) target_semaphore(%run_scoped3A_119 : memref<!tpu.dma_semaphore, #tpu.memory_space<semaphore_mem>>)
        %dma_wait3A_132 = arith.constant 0 : i32
        %dma_wait3A_133 = arith.constant 0 : i32
        %dma_wait3A_134 = tpu.memref_slice %arg6[%dma_wait3A_132, %dma_wait3A_133] : memref<80x128xi32, #tpu.memory_space<vmem>> -> memref<80x128xi32, #tpu.memory_space<vmem>>
        %dma_wait3A_135 = arith.constant 0 : i32
        %dma_wait3A_136 = tpu.memref_slice %arg3[%run_scoped3A, %mul3A_58, %dma_wait3A_135] : memref<2x2500x128xi32, #tpu.memory_space<hbm>> -> memref<1x80x128xi32, #tpu.memory_space<hbm>>
        %dma_wait3A_137 = tpu.memref_squeeze %dma_wait3A_136 : memref<1x80x128xi32, #tpu.memory_space<hbm>> -> memref<80x128xi32, #tpu.memory_space<hbm>>
        %dma_wait3A_138 = arith.constant 0 : i32
        %dma_wait3A_139 = arith.constant 0 : i32
        %dma_wait3A_140 = tpu.memref_slice %arg6[%dma_wait3A_138, %dma_wait3A_139] : memref<80x128xi32, #tpu.memory_space<vmem>> -> memref<80x128xi32, #tpu.memory_space<vmem>>
        %dma_wait3A_141 = arith.constant 0 : i32
        %dma_wait3A_142 = tpu.memref_slice %arg3[%run_scoped3A, %mul3A_58, %dma_wait3A_141] : memref<2x2500x128xi32, #tpu.memory_space<hbm>> -> memref<1x80x128xi32, #tpu.memory_space<hbm>>
        %dma_wait3A_143 = tpu.memref_squeeze %dma_wait3A_142 : memref<1x80x128xi32, #tpu.memory_space<hbm>> -> memref<80x128xi32, #tpu.memory_space<hbm>>
        tpu.wait_dma2 semaphore(%run_scoped3A_119 : memref<!tpu.dma_semaphore, #tpu.memory_space<semaphore_mem>>) src(%dma_wait3A_143 : memref<80x128xi32, #tpu.memory_space<hbm>>) dst(%dma_wait3A_140 : memref<80x128xi32, #tpu.memory_space<vmem>>)
        tpu.yield
      }) : () -> ()
      %run_scoped3A_59 = arith.constant 1 : i32
      "tpu.region"() ({
        %run_scoped3A_119 = tpu.sem_alloc : memref<!tpu.dma_semaphore, #tpu.memory_space<semaphore_mem>>
        %dma_start3A_120 = arith.constant 0 : i32
        %dma_start3A_121 = arith.constant 0 : i32
        %dma_start3A_122 = tpu.memref_slice %arg7[%dma_start3A_120, %dma_start3A_121] : memref<80x128xi32, #tpu.memory_space<vmem>> -> memref<80x128xi32, #tpu.memory_space<vmem>>
        %dma_start3A_123 = arith.constant 0 : i32
        %dma_start3A_124 = tpu.memref_slice %arg3[%run_scoped3A_59, %mul3A_58, %dma_start3A_123] : memref<2x2500x128xi32, #tpu.memory_space<hbm>> -> memref<1x80x128xi32, #tpu.memory_space<hbm>>
        %dma_start3A_125 = tpu.memref_squeeze %dma_start3A_124 : memref<1x80x128xi32, #tpu.memory_space<hbm>> -> memref<80x128xi32, #tpu.memory_space<hbm>>
        %dma_start3A_126 = arith.constant 0 : i32
        %dma_start3A_127 = arith.constant 0 : i32
        %dma_start3A_128 = tpu.memref_slice %arg7[%dma_start3A_126, %dma_start3A_127] : memref<80x128xi32, #tpu.memory_space<vmem>> -> memref<80x128xi32, #tpu.memory_space<vmem>>
        %dma_start3A_129 = arith.constant 0 : i32
        %dma_start3A_130 = tpu.memref_slice %arg3[%run_scoped3A_59, %mul3A_58, %dma_start3A_129] : memref<2x2500x128xi32, #tpu.memory_space<hbm>> -> memref<1x80x128xi32, #tpu.memory_space<hbm>>
        %dma_start3A_131 = tpu.memref_squeeze %dma_start3A_130 : memref<1x80x128xi32, #tpu.memory_space<hbm>> -> memref<80x128xi32, #tpu.memory_space<hbm>>
        tpu.enqueue_dma source(%dma_start3A_131 : memref<80x128xi32, #tpu.memory_space<hbm>>) target(%dma_start3A_128 : memref<80x128xi32, #tpu.memory_space<vmem>>) target_semaphore(%run_scoped3A_119 : memref<!tpu.dma_semaphore, #tpu.memory_space<semaphore_mem>>)
        %dma_wait3A_132 = arith.constant 0 : i32
        %dma_wait3A_133 = arith.constant 0 : i32
        %dma_wait3A_134 = tpu.memref_slice %arg7[%dma_wait3A_132, %dma_wait3A_133] : memref<80x128xi32, #tpu.memory_space<vmem>> -> memref<80x128xi32, #tpu.memory_space<vmem>>
        %dma_wait3A_135 = arith.constant 0 : i32
        %dma_wait3A_136 = tpu.memref_slice %arg3[%run_scoped3A_59, %mul3A_58, %dma_wait3A_135] : memref<2x2500x128xi32, #tpu.memory_space<hbm>> -> memref<1x80x128xi32, #tpu.memory_space<hbm>>
        %dma_wait3A_137 = tpu.memref_squeeze %dma_wait3A_136 : memref<1x80x128xi32, #tpu.memory_space<hbm>> -> memref<80x128xi32, #tpu.memory_space<hbm>>
        %dma_wait3A_138 = arith.constant 0 : i32
        %dma_wait3A_139 = arith.constant 0 : i32
        %dma_wait3A_140 = tpu.memref_slice %arg7[%dma_wait3A_138, %dma_wait3A_139] : memref<80x128xi32, #tpu.memory_space<vmem>> -> memref<80x128xi32, #tpu.memory_space<vmem>>
        %dma_wait3A_141 = arith.constant 0 : i32
        %dma_wait3A_142 = tpu.memref_slice %arg3[%run_scoped3A_59, %mul3A_58, %dma_wait3A_141] : memref<2x2500x128xi32, #tpu.memory_space<hbm>> -> memref<1x80x128xi32, #tpu.memory_space<hbm>>
        %dma_wait3A_143 = tpu.memref_squeeze %dma_wait3A_142 : memref<1x80x128xi32, #tpu.memory_space<hbm>> -> memref<80x128xi32, #tpu.memory_space<hbm>>
        tpu.wait_dma2 semaphore(%run_scoped3A_119 : memref<!tpu.dma_semaphore, #tpu.memory_space<semaphore_mem>>) src(%dma_wait3A_143 : memref<80x128xi32, #tpu.memory_space<hbm>>) dst(%dma_wait3A_140 : memref<80x128xi32, #tpu.memory_space<vmem>>)
        tpu.yield
      }) : () -> ()
      %dma_start3A = arith.constant 0 : i32
      %dma_start3A_60 = arith.constant 0 : i32
      %dma_start3A_61 = tpu.memref_slice %arg6[%dma_start3A, %dma_start3A_60] : memref<80x128xi32, #tpu.memory_space<vmem>> -> memref<1x128xi32, #tpu.memory_space<vmem>>
      %dma_start3A_62 = tpu.memref_squeeze %dma_start3A_61 : memref<1x128xi32, #tpu.memory_space<vmem>> -> memref<128xi32, #tpu.memory_space<vmem>>
      %dma_start3A_63 = arith.constant 0 : i32
      %dma_start3A_64 = arith.constant 0 : i32
      %dma_start3A_65 = tpu.memref_slice %arg2[%dma_start3A_63, %dma_start3A_64] : memref<10000x64xf32, #tpu.memory_space<hbm>> -> memref<10000x64xf32, #tpu.memory_space<hbm>>
      tpu.enqueue_indirect_dma source(%dma_start3A_65 : memref<10000x64xf32, #tpu.memory_space<hbm>>) target(%arg8 : memref<128x64xf32, #tpu.memory_space<vmem>>) offsets(%dma_start3A_62 : memref<128xi32, #tpu.memory_space<vmem>>) semaphore(%arg14 : memref<!tpu.dma_semaphore, #tpu.memory_space<semaphore_mem>>)
      %dma_start3A_66 = arith.constant 1 : i32
      %dma_start3A_67 = arith.constant 0 : i32
      %dma_start3A_68 = tpu.memref_slice %arg6[%dma_start3A_66, %dma_start3A_67] : memref<80x128xi32, #tpu.memory_space<vmem>> -> memref<1x128xi32, #tpu.memory_space<vmem>>
      %dma_start3A_69 = tpu.memref_squeeze %dma_start3A_68 : memref<1x128xi32, #tpu.memory_space<vmem>> -> memref<128xi32, #tpu.memory_space<vmem>>
      %dma_start3A_70 = arith.constant 0 : i32
      %dma_start3A_71 = arith.constant 0 : i32
      %dma_start3A_72 = tpu.memref_slice %arg2[%dma_start3A_70, %dma_start3A_71] : memref<10000x64xf32, #tpu.memory_space<hbm>> -> memref<10000x64xf32, #tpu.memory_space<hbm>>
      tpu.enqueue_indirect_dma source(%dma_start3A_72 : memref<10000x64xf32, #tpu.memory_space<hbm>>) target(%arg9 : memref<128x64xf32, #tpu.memory_space<vmem>>) offsets(%dma_start3A_69 : memref<128xi32, #tpu.memory_space<vmem>>) semaphore(%arg15 : memref<!tpu.dma_semaphore, #tpu.memory_space<semaphore_mem>>)
      %dma_start3A_73 = arith.constant 2 : i32
      %dma_start3A_74 = arith.constant 0 : i32
      %dma_start3A_75 = tpu.memref_slice %arg6[%dma_start3A_73, %dma_start3A_74] : memref<80x128xi32, #tpu.memory_space<vmem>> -> memref<1x128xi32, #tpu.memory_space<vmem>>
      %dma_start3A_76 = tpu.memref_squeeze %dma_start3A_75 : memref<1x128xi32, #tpu.memory_space<vmem>> -> memref<128xi32, #tpu.memory_space<vmem>>
      %dma_start3A_77 = arith.constant 0 : i32
      %dma_start3A_78 = arith.constant 0 : i32
      %dma_start3A_79 = tpu.memref_slice %arg2[%dma_start3A_77, %dma_start3A_78] : memref<10000x64xf32, #tpu.memory_space<hbm>> -> memref<10000x64xf32, #tpu.memory_space<hbm>>
      tpu.enqueue_indirect_dma source(%dma_start3A_79 : memref<10000x64xf32, #tpu.memory_space<hbm>>) target(%arg10 : memref<128x64xf32, #tpu.memory_space<vmem>>) offsets(%dma_start3A_76 : memref<128xi32, #tpu.memory_space<vmem>>) semaphore(%arg16 : memref<!tpu.dma_semaphore, #tpu.memory_space<semaphore_mem>>)
      %dma_start3A_80 = arith.constant 3 : i32
      %dma_start3A_81 = arith.constant 0 : i32
      %dma_start3A_82 = tpu.memref_slice %arg6[%dma_start3A_80, %dma_start3A_81] : memref<80x128xi32, #tpu.memory_space<vmem>> -> memref<1x128xi32, #tpu.memory_space<vmem>>
      %dma_start3A_83 = tpu.memref_squeeze %dma_start3A_82 : memref<1x128xi32, #tpu.memory_space<vmem>> -> memref<128xi32, #tpu.memory_space<vmem>>
      %dma_start3A_84 = arith.constant 0 : i32
      %dma_start3A_85 = arith.constant 0 : i32
      %dma_start3A_86 = tpu.memref_slice %arg2[%dma_start3A_84, %dma_start3A_85] : memref<10000x64xf32, #tpu.memory_space<hbm>> -> memref<10000x64xf32, #tpu.memory_space<hbm>>
      tpu.enqueue_indirect_dma source(%dma_start3A_86 : memref<10000x64xf32, #tpu.memory_space<hbm>>) target(%arg11 : memref<128x64xf32, #tpu.memory_space<vmem>>) offsets(%dma_start3A_83 : memref<128xi32, #tpu.memory_space<vmem>>) semaphore(%arg17 : memref<!tpu.dma_semaphore, #tpu.memory_space<semaphore_mem>>)
      %scan3A = arith.constant 0 : i32
      %scan3A_87 = arith.constant 0 : i32
      %scan3A_88 = arith.constant 20 : i32
      %scan3A_89 = arith.addi %scan3A_87, %scan3A_88 : i32
      %scan3A_90 = arith.constant 1 : i32
      scf.for %scan3A_119 = %scan3A_87 to %scan3A_89 step %scan3A_90  : i32 {
        %mul3A_120 = arith.constant 4 : i32
        %mul3A_121 = arith.muli %mul3A_120, %scan3A_119 : i32
        %add3A_122 = arith.constant 0 : i32
        %add3A_123 = arith.addi %mul3A_121, %add3A_122 : i32
        %dma_wait3A_124 = arith.constant 0 : i32
        %dma_wait3A_125 = tpu.memref_slice %arg6[%add3A_123, %dma_wait3A_124] : memref<80x128xi32, #tpu.memory_space<vmem>> -> memref<1x128xi32, #tpu.memory_space<vmem>>
        %dma_wait3A_126 = tpu.memref_squeeze %dma_wait3A_125 : memref<1x128xi32, #tpu.memory_space<vmem>> -> memref<128xi32, #tpu.memory_space<vmem>>
        %dma_wait3A_127 = arith.constant 0 : i32
        %dma_wait3A_128 = arith.constant 0 : i32
        %dma_wait3A_129 = tpu.memref_slice %arg2[%dma_wait3A_127, %dma_wait3A_128] : memref<10000x64xf32, #tpu.memory_space<hbm>> -> memref<10000x64xf32, #tpu.memory_space<hbm>>
        tpu.wait_indirect_dma semaphore(%arg14 : memref<!tpu.dma_semaphore, #tpu.memory_space<semaphore_mem>>) src(%dma_wait3A_129 : memref<10000x64xf32, #tpu.memory_space<hbm>>) dst(%arg8 : memref<128x64xf32, #tpu.memory_space<vmem>>)
        %dma_start3A_130 = arith.constant 0 : i32
        %dma_start3A_131 = tpu.memref_slice %arg7[%add3A_123, %dma_start3A_130] : memref<80x128xi32, #tpu.memory_space<vmem>> -> memref<1x128xi32, #tpu.memory_space<vmem>>
        %dma_start3A_132 = tpu.memref_squeeze %dma_start3A_131 : memref<1x128xi32, #tpu.memory_space<vmem>> -> memref<128xi32, #tpu.memory_space<vmem>>
        %dma_start3A_133 = arith.constant 0 : i32
        %dma_start3A_134 = arith.constant 0 : i32
        %dma_start3A_135 = tpu.memref_slice %arg13[%dma_start3A_133, %dma_start3A_134] : memref<10000x64xf32, #tpu.memory_space<vmem_shared>> -> memref<10000x64xf32, #tpu.memory_space<vmem_shared>>
        tpu.enqueue_indirect_dma source(%arg8 : memref<128x64xf32, #tpu.memory_space<vmem>>) target(%dma_start3A_135 : memref<10000x64xf32, #tpu.memory_space<vmem_shared>>) offsets(%dma_start3A_132 : memref<128xi32, #tpu.memory_space<vmem>>) semaphore(%arg18 : memref<!tpu.dma_semaphore, #tpu.memory_space<semaphore_mem>>) {add = true}
        %add3A_136 = arith.constant 1 : i32
        %add3A_137 = arith.addi %mul3A_121, %add3A_136 : i32
        %dma_wait3A_138 = arith.constant 0 : i32
        %dma_wait3A_139 = tpu.memref_slice %arg6[%add3A_137, %dma_wait3A_138] : memref<80x128xi32, #tpu.memory_space<vmem>> -> memref<1x128xi32, #tpu.memory_space<vmem>>
        %dma_wait3A_140 = tpu.memref_squeeze %dma_wait3A_139 : memref<1x128xi32, #tpu.memory_space<vmem>> -> memref<128xi32, #tpu.memory_space<vmem>>
        %dma_wait3A_141 = arith.constant 0 : i32
        %dma_wait3A_142 = arith.constant 0 : i32
        %dma_wait3A_143 = tpu.memref_slice %arg2[%dma_wait3A_141, %dma_wait3A_142] : memref<10000x64xf32, #tpu.memory_space<hbm>> -> memref<10000x64xf32, #tpu.memory_space<hbm>>
        tpu.wait_indirect_dma semaphore(%arg15 : memref<!tpu.dma_semaphore, #tpu.memory_space<semaphore_mem>>) src(%dma_wait3A_143 : memref<10000x64xf32, #tpu.memory_space<hbm>>) dst(%arg9 : memref<128x64xf32, #tpu.memory_space<vmem>>)
        %dma_start3A_144 = arith.constant 0 : i32
        %dma_start3A_145 = tpu.memref_slice %arg7[%add3A_137, %dma_start3A_144] : memref<80x128xi32, #tpu.memory_space<vmem>> -> memref<1x128xi32, #tpu.memory_space<vmem>>
        %dma_start3A_146 = tpu.memref_squeeze %dma_start3A_145 : memref<1x128xi32, #tpu.memory_space<vmem>> -> memref<128xi32, #tpu.memory_space<vmem>>
        %dma_start3A_147 = arith.constant 0 : i32
        %dma_start3A_148 = arith.constant 0 : i32
        %dma_start3A_149 = tpu.memref_slice %arg13[%dma_start3A_147, %dma_start3A_148] : memref<10000x64xf32, #tpu.memory_space<vmem_shared>> -> memref<10000x64xf32, #tpu.memory_space<vmem_shared>>
        tpu.enqueue_indirect_dma source(%arg9 : memref<128x64xf32, #tpu.memory_space<vmem>>) target(%dma_start3A_149 : memref<10000x64xf32, #tpu.memory_space<vmem_shared>>) offsets(%dma_start3A_146 : memref<128xi32, #tpu.memory_space<vmem>>) semaphore(%arg19 : memref<!tpu.dma_semaphore, #tpu.memory_space<semaphore_mem>>) {add = true}
        %add3A_150 = arith.constant 2 : i32
        %add3A_151 = arith.addi %mul3A_121, %add3A_150 : i32
        %dma_wait3A_152 = arith.constant 0 : i32
        %dma_wait3A_153 = tpu.memref_slice %arg6[%add3A_151, %dma_wait3A_152] : memref<80x128xi32, #tpu.memory_space<vmem>> -> memref<1x128xi32, #tpu.memory_space<vmem>>
        %dma_wait3A_154 = tpu.memref_squeeze %dma_wait3A_153 : memref<1x128xi32, #tpu.memory_space<vmem>> -> memref<128xi32, #tpu.memory_space<vmem>>
        %dma_wait3A_155 = arith.constant 0 : i32
        %dma_wait3A_156 = arith.constant 0 : i32
        %dma_wait3A_157 = tpu.memref_slice %arg2[%dma_wait3A_155, %dma_wait3A_156] : memref<10000x64xf32, #tpu.memory_space<hbm>> -> memref<10000x64xf32, #tpu.memory_space<hbm>>
        tpu.wait_indirect_dma semaphore(%arg16 : memref<!tpu.dma_semaphore, #tpu.memory_space<semaphore_mem>>) src(%dma_wait3A_157 : memref<10000x64xf32, #tpu.memory_space<hbm>>) dst(%arg10 : memref<128x64xf32, #tpu.memory_space<vmem>>)
        %dma_start3A_158 = arith.constant 0 : i32
        %dma_start3A_159 = tpu.memref_slice %arg7[%add3A_151, %dma_start3A_158] : memref<80x128xi32, #tpu.memory_space<vmem>> -> memref<1x128xi32, #tpu.memory_space<vmem>>
        %dma_start3A_160 = tpu.memref_squeeze %dma_start3A_159 : memref<1x128xi32, #tpu.memory_space<vmem>> -> memref<128xi32, #tpu.memory_space<vmem>>
        %dma_start3A_161 = arith.constant 0 : i32
        %dma_start3A_162 = arith.constant 0 : i32
        %dma_start3A_163 = tpu.memref_slice %arg13[%dma_start3A_161, %dma_start3A_162] : memref<10000x64xf32, #tpu.memory_space<vmem_shared>> -> memref<10000x64xf32, #tpu.memory_space<vmem_shared>>
        tpu.enqueue_indirect_dma source(%arg10 : memref<128x64xf32, #tpu.memory_space<vmem>>) target(%dma_start3A_163 : memref<10000x64xf32, #tpu.memory_space<vmem_shared>>) offsets(%dma_start3A_160 : memref<128xi32, #tpu.memory_space<vmem>>) semaphore(%arg20 : memref<!tpu.dma_semaphore, #tpu.memory_space<semaphore_mem>>) {add = true}
        %add3A_164 = arith.constant 3 : i32
        %add3A_165 = arith.addi %mul3A_121, %add3A_164 : i32
        %dma_wait3A_166 = arith.constant 0 : i32
        %dma_wait3A_167 = tpu.memref_slice %arg6[%add3A_165, %dma_wait3A_166] : memref<80x128xi32, #tpu.memory_space<vmem>> -> memref<1x128xi32, #tpu.memory_space<vmem>>
        %dma_wait3A_168 = tpu.memref_squeeze %dma_wait3A_167 : memref<1x128xi32, #tpu.memory_space<vmem>> -> memref<128xi32, #tpu.memory_space<vmem>>
        %dma_wait3A_169 = arith.constant 0 : i32
        %dma_wait3A_170 = arith.constant 0 : i32
        %dma_wait3A_171 = tpu.memref_slice %arg2[%dma_wait3A_169, %dma_wait3A_170] : memref<10000x64xf32, #tpu.memory_space<hbm>> -> memref<10000x64xf32, #tpu.memory_space<hbm>>
        tpu.wait_indirect_dma semaphore(%arg17 : memref<!tpu.dma_semaphore, #tpu.memory_space<semaphore_mem>>) src(%dma_wait3A_171 : memref<10000x64xf32, #tpu.memory_space<hbm>>) dst(%arg11 : memref<128x64xf32, #tpu.memory_space<vmem>>)
        %dma_start3A_172 = arith.constant 0 : i32
        %dma_start3A_173 = tpu.memref_slice %arg7[%add3A_165, %dma_start3A_172] : memref<80x128xi32, #tpu.memory_space<vmem>> -> memref<1x128xi32, #tpu.memory_space<vmem>>
        %dma_start3A_174 = tpu.memref_squeeze %dma_start3A_173 : memref<1x128xi32, #tpu.memory_space<vmem>> -> memref<128xi32, #tpu.memory_space<vmem>>
        %dma_start3A_175 = arith.constant 0 : i32
        %dma_start3A_176 = arith.constant 0 : i32
        %dma_start3A_177 = tpu.memref_slice %arg13[%dma_start3A_175, %dma_start3A_176] : memref<10000x64xf32, #tpu.memory_space<vmem_shared>> -> memref<10000x64xf32, #tpu.memory_space<vmem_shared>>
        tpu.enqueue_indirect_dma source(%arg11 : memref<128x64xf32, #tpu.memory_space<vmem>>) target(%dma_start3A_177 : memref<10000x64xf32, #tpu.memory_space<vmem_shared>>) offsets(%dma_start3A_174 : memref<128xi32, #tpu.memory_space<vmem>>) semaphore(%arg21 : memref<!tpu.dma_semaphore, #tpu.memory_space<semaphore_mem>>) {add = true}
        %add3A_178 = arith.constant 0 : i32
        %add3A_179 = arith.addi %mul3A_121, %add3A_178 : i32
        %add3A_180 = arith.constant 4 : i32
        %add3A_181 = arith.addi %add3A_179, %add3A_180 : i32
        %lt3A_182 = arith.constant 80 : i32
        %lt3A_183 = arith.cmpi slt, %add3A_181, %lt3A_182 : i32
        %convert_element_type3A_184 = arith.extui %lt3A_183 : i1 to i32
        %cond3A_185 = arith.constant 0 : i32
        %cond3A_186 = arith.cmpi ne, %convert_element_type3A_184, %cond3A_185 : i32
        scf.if %cond3A_186 {
          %dma_wait3A_214 = arith.constant 0 : i32
          %dma_wait3A_215 = tpu.memref_slice %arg7[%add3A_179, %dma_wait3A_214] : memref<80x128xi32, #tpu.memory_space<vmem>> -> memref<1x128xi32, #tpu.memory_space<vmem>>
          %dma_wait3A_216 = tpu.memref_squeeze %dma_wait3A_215 : memref<1x128xi32, #tpu.memory_space<vmem>> -> memref<128xi32, #tpu.memory_space<vmem>>
          %dma_wait3A_217 = arith.constant 0 : i32
          %dma_wait3A_218 = arith.constant 0 : i32
          %dma_wait3A_219 = tpu.memref_slice %arg13[%dma_wait3A_217, %dma_wait3A_218] : memref<10000x64xf32, #tpu.memory_space<vmem_shared>> -> memref<10000x64xf32, #tpu.memory_space<vmem_shared>>
          tpu.wait_indirect_dma semaphore(%arg18 : memref<!tpu.dma_semaphore, #tpu.memory_space<semaphore_mem>>) src(%arg8 : memref<128x64xf32, #tpu.memory_space<vmem>>) dst(%dma_wait3A_219 : memref<10000x64xf32, #tpu.memory_space<vmem_shared>>)
          %add3A_220 = arith.constant 4 : i32
          %add3A_221 = arith.addi %add3A_179, %add3A_220 : i32
          %dma_start3A_222 = arith.constant 0 : i32
          %dma_start3A_223 = tpu.memref_slice %arg6[%add3A_221, %dma_start3A_222] : memref<80x128xi32, #tpu.memory_space<vmem>> -> memref<1x128xi32, #tpu.memory_space<vmem>>
          %dma_start3A_224 = tpu.memref_squeeze %dma_start3A_223 : memref<1x128xi32, #tpu.memory_space<vmem>> -> memref<128xi32, #tpu.memory_space<vmem>>
          %dma_start3A_225 = arith.constant 0 : i32
          %dma_start3A_226 = arith.constant 0 : i32
          %dma_start3A_227 = tpu.memref_slice %arg2[%dma_start3A_225, %dma_start3A_226] : memref<10000x64xf32, #tpu.memory_space<hbm>> -> memref<10000x64xf32, #tpu.memory_space<hbm>>
          tpu.enqueue_indirect_dma source(%dma_start3A_227 : memref<10000x64xf32, #tpu.memory_space<hbm>>) target(%arg8 : memref<128x64xf32, #tpu.memory_space<vmem>>) offsets(%dma_start3A_224 : memref<128xi32, #tpu.memory_space<vmem>>) semaphore(%arg14 : memref<!tpu.dma_semaphore, #tpu.memory_space<semaphore_mem>>)
        } else {
        }
        %add3A_187 = arith.constant 1 : i32
        %add3A_188 = arith.addi %mul3A_121, %add3A_187 : i32
        %add3A_189 = arith.constant 4 : i32
        %add3A_190 = arith.addi %add3A_188, %add3A_189 : i32
        %lt3A_191 = arith.constant 80 : i32
        %lt3A_192 = arith.cmpi slt, %add3A_190, %lt3A_191 : i32
        %convert_element_type3A_193 = arith.extui %lt3A_192 : i1 to i32
        %cond3A_194 = arith.constant 0 : i32
        %cond3A_195 = arith.cmpi ne, %convert_element_type3A_193, %cond3A_194 : i32
        scf.if %cond3A_195 {
          %dma_wait3A_214 = arith.constant 0 : i32
          %dma_wait3A_215 = tpu.memref_slice %arg7[%add3A_188, %dma_wait3A_214] : memref<80x128xi32, #tpu.memory_space<vmem>> -> memref<1x128xi32, #tpu.memory_space<vmem>>
          %dma_wait3A_216 = tpu.memref_squeeze %dma_wait3A_215 : memref<1x128xi32, #tpu.memory_space<vmem>> -> memref<128xi32, #tpu.memory_space<vmem>>
          %dma_wait3A_217 = arith.constant 0 : i32
          %dma_wait3A_218 = arith.constant 0 : i32
          %dma_wait3A_219 = tpu.memref_slice %arg13[%dma_wait3A_217, %dma_wait3A_218] : memref<10000x64xf32, #tpu.memory_space<vmem_shared>> -> memref<10000x64xf32, #tpu.memory_space<vmem_shared>>
          tpu.wait_indirect_dma semaphore(%arg19 : memref<!tpu.dma_semaphore, #tpu.memory_space<semaphore_mem>>) src(%arg9 : memref<128x64xf32, #tpu.memory_space<vmem>>) dst(%dma_wait3A_219 : memref<10000x64xf32, #tpu.memory_space<vmem_shared>>)
          %add3A_220 = arith.constant 4 : i32
          %add3A_221 = arith.addi %add3A_188, %add3A_220 : i32
          %dma_start3A_222 = arith.constant 0 : i32
          %dma_start3A_223 = tpu.memref_slice %arg6[%add3A_221, %dma_start3A_222] : memref<80x128xi32, #tpu.memory_space<vmem>> -> memref<1x128xi32, #tpu.memory_space<vmem>>
          %dma_start3A_224 = tpu.memref_squeeze %dma_start3A_223 : memref<1x128xi32, #tpu.memory_space<vmem>> -> memref<128xi32, #tpu.memory_space<vmem>>
          %dma_start3A_225 = arith.constant 0 : i32
          %dma_start3A_226 = arith.constant 0 : i32
          %dma_start3A_227 = tpu.memref_slice %arg2[%dma_start3A_225, %dma_start3A_226] : memref<10000x64xf32, #tpu.memory_space<hbm>> -> memref<10000x64xf32, #tpu.memory_space<hbm>>
          tpu.enqueue_indirect_dma source(%dma_start3A_227 : memref<10000x64xf32, #tpu.memory_space<hbm>>) target(%arg9 : memref<128x64xf32, #tpu.memory_space<vmem>>) offsets(%dma_start3A_224 : memref<128xi32, #tpu.memory_space<vmem>>) semaphore(%arg15 : memref<!tpu.dma_semaphore, #tpu.memory_space<semaphore_mem>>)
        } else {
        }
        %add3A_196 = arith.constant 2 : i32
        %add3A_197 = arith.addi %mul3A_121, %add3A_196 : i32
        %add3A_198 = arith.constant 4 : i32
        %add3A_199 = arith.addi %add3A_197, %add3A_198 : i32
        %lt3A_200 = arith.constant 80 : i32
        %lt3A_201 = arith.cmpi slt, %add3A_199, %lt3A_200 : i32
        %convert_element_type3A_202 = arith.extui %lt3A_201 : i1 to i32
        %cond3A_203 = arith.constant 0 : i32
        %cond3A_204 = arith.cmpi ne, %convert_element_type3A_202, %cond3A_203 : i32
        scf.if %cond3A_204 {
          %dma_wait3A_214 = arith.constant 0 : i32
          %dma_wait3A_215 = tpu.memref_slice %arg7[%add3A_197, %dma_wait3A_214] : memref<80x128xi32, #tpu.memory_space<vmem>> -> memref<1x128xi32, #tpu.memory_space<vmem>>
          %dma_wait3A_216 = tpu.memref_squeeze %dma_wait3A_215 : memref<1x128xi32, #tpu.memory_space<vmem>> -> memref<128xi32, #tpu.memory_space<vmem>>
          %dma_wait3A_217 = arith.constant 0 : i32
          %dma_wait3A_218 = arith.constant 0 : i32
          %dma_wait3A_219 = tpu.memref_slice %arg13[%dma_wait3A_217, %dma_wait3A_218] : memref<10000x64xf32, #tpu.memory_space<vmem_shared>> -> memref<10000x64xf32, #tpu.memory_space<vmem_shared>>
          tpu.wait_indirect_dma semaphore(%arg20 : memref<!tpu.dma_semaphore, #tpu.memory_space<semaphore_mem>>) src(%arg10 : memref<128x64xf32, #tpu.memory_space<vmem>>) dst(%dma_wait3A_219 : memref<10000x64xf32, #tpu.memory_space<vmem_shared>>)
          %add3A_220 = arith.constant 4 : i32
          %add3A_221 = arith.addi %add3A_197, %add3A_220 : i32
          %dma_start3A_222 = arith.constant 0 : i32
          %dma_start3A_223 = tpu.memref_slice %arg6[%add3A_221, %dma_start3A_222] : memref<80x128xi32, #tpu.memory_space<vmem>> -> memref<1x128xi32, #tpu.memory_space<vmem>>
          %dma_start3A_224 = tpu.memref_squeeze %dma_start3A_223 : memref<1x128xi32, #tpu.memory_space<vmem>> -> memref<128xi32, #tpu.memory_space<vmem>>
          %dma_start3A_225 = arith.constant 0 : i32
          %dma_start3A_226 = arith.constant 0 : i32
          %dma_start3A_227 = tpu.memref_slice %arg2[%dma_start3A_225, %dma_start3A_226] : memref<10000x64xf32, #tpu.memory_space<hbm>> -> memref<10000x64xf32, #tpu.memory_space<hbm>>
          tpu.enqueue_indirect_dma source(%dma_start3A_227 : memref<10000x64xf32, #tpu.memory_space<hbm>>) target(%arg10 : memref<128x64xf32, #tpu.memory_space<vmem>>) offsets(%dma_start3A_224 : memref<128xi32, #tpu.memory_space<vmem>>) semaphore(%arg16 : memref<!tpu.dma_semaphore, #tpu.memory_space<semaphore_mem>>)
        } else {
        }
        %add3A_205 = arith.constant 3 : i32
        %add3A_206 = arith.addi %mul3A_121, %add3A_205 : i32
        %add3A_207 = arith.constant 4 : i32
        %add3A_208 = arith.addi %add3A_206, %add3A_207 : i32
        %lt3A_209 = arith.constant 80 : i32
        %lt3A_210 = arith.cmpi slt, %add3A_208, %lt3A_209 : i32
        %convert_element_type3A_211 = arith.extui %lt3A_210 : i1 to i32
        %cond3A_212 = arith.constant 0 : i32
        %cond3A_213 = arith.cmpi ne, %convert_element_type3A_211, %cond3A_212 : i32
        scf.if %cond3A_213 {
          %dma_wait3A_214 = arith.constant 0 : i32
          %dma_wait3A_215 = tpu.memref_slice %arg7[%add3A_206, %dma_wait3A_214] : memref<80x128xi32, #tpu.memory_space<vmem>> -> memref<1x128xi32, #tpu.memory_space<vmem>>
          %dma_wait3A_216 = tpu.memref_squeeze %dma_wait3A_215 : memref<1x128xi32, #tpu.memory_space<vmem>> -> memref<128xi32, #tpu.memory_space<vmem>>
          %dma_wait3A_217 = arith.constant 0 : i32
          %dma_wait3A_218 = arith.constant 0 : i32
          %dma_wait3A_219 = tpu.memref_slice %arg13[%dma_wait3A_217, %dma_wait3A_218] : memref<10000x64xf32, #tpu.memory_space<vmem_shared>> -> memref<10000x64xf32, #tpu.memory_space<vmem_shared>>
          tpu.wait_indirect_dma semaphore(%arg21 : memref<!tpu.dma_semaphore, #tpu.memory_space<semaphore_mem>>) src(%arg11 : memref<128x64xf32, #tpu.memory_space<vmem>>) dst(%dma_wait3A_219 : memref<10000x64xf32, #tpu.memory_space<vmem_shared>>)
          %add3A_220 = arith.constant 4 : i32
          %add3A_221 = arith.addi %add3A_206, %add3A_220 : i32
          %dma_start3A_222 = arith.constant 0 : i32
          %dma_start3A_223 = tpu.memref_slice %arg6[%add3A_221, %dma_start3A_222] : memref<80x128xi32, #tpu.memory_space<vmem>> -> memref<1x128xi32, #tpu.memory_space<vmem>>
          %dma_start3A_224 = tpu.memref_squeeze %dma_start3A_223 : memref<1x128xi32, #tpu.memory_space<vmem>> -> memref<128xi32, #tpu.memory_space<vmem>>
          %dma_start3A_225 = arith.constant 0 : i32
          %dma_start3A_226 = arith.constant 0 : i32
          %dma_start3A_227 = tpu.memref_slice %arg2[%dma_start3A_225, %dma_start3A_226] : memref<10000x64xf32, #tpu.memory_space<hbm>> -> memref<10000x64xf32, #tpu.memory_space<hbm>>
          tpu.enqueue_indirect_dma source(%dma_start3A_227 : memref<10000x64xf32, #tpu.memory_space<hbm>>) target(%arg11 : memref<128x64xf32, #tpu.memory_space<vmem>>) offsets(%dma_start3A_224 : memref<128xi32, #tpu.memory_space<vmem>>) semaphore(%arg17 : memref<!tpu.dma_semaphore, #tpu.memory_space<semaphore_mem>>)
        } else {
        }
      }
      %scan3A_91 = arith.constant 20 : i32
      %dma_wait3A = arith.constant 76 : i32
      %dma_wait3A_92 = arith.constant 0 : i32
      %dma_wait3A_93 = tpu.memref_slice %arg7[%dma_wait3A, %dma_wait3A_92] : memref<80x128xi32, #tpu.memory_space<vmem>> -> memref<1x128xi32, #tpu.memory_space<vmem>>
      %dma_wait3A_94 = tpu.memref_squeeze %dma_wait3A_93 : memref<1x128xi32, #tpu.memory_space<vmem>> -> memref<128xi32, #tpu.memory_space<vmem>>
      %dma_wait3A_95 = arith.constant 0 : i32
      %dma_wait3A_96 = arith.constant 0 : i32
      %dma_wait3A_97 = tpu.memref_slice %arg13[%dma_wait3A_95, %dma_wait3A_96] : memref<10000x64xf32, #tpu.memory_space<vmem_shared>> -> memref<10000x64xf32, #tpu.memory_space<vmem_shared>>
      tpu.wait_indirect_dma semaphore(%arg18 : memref<!tpu.dma_semaphore, #tpu.memory_space<semaphore_mem>>) src(%arg8 : memref<128x64xf32, #tpu.memory_space<vmem>>) dst(%dma_wait3A_97 : memref<10000x64xf32, #tpu.memory_space<vmem_shared>>)
      %dma_wait3A_98 = arith.constant 77 : i32
      %dma_wait3A_99 = arith.constant 0 : i32
      %dma_wait3A_100 = tpu.memref_slice %arg7[%dma_wait3A_98, %dma_wait3A_99] : memref<80x128xi32, #tpu.memory_space<vmem>> -> memref<1x128xi32, #tpu.memory_space<vmem>>
      %dma_wait3A_101 = tpu.memref_squeeze %dma_wait3A_100 : memref<1x128xi32, #tpu.memory_space<vmem>> -> memref<128xi32, #tpu.memory_space<vmem>>
      %dma_wait3A_102 = arith.constant 0 : i32
      %dma_wait3A_103 = arith.constant 0 : i32
      %dma_wait3A_104 = tpu.memref_slice %arg13[%dma_wait3A_102, %dma_wait3A_103] : memref<10000x64xf32, #tpu.memory_space<vmem_shared>> -> memref<10000x64xf32, #tpu.memory_space<vmem_shared>>
      tpu.wait_indirect_dma semaphore(%arg19 : memref<!tpu.dma_semaphore, #tpu.memory_space<semaphore_mem>>) src(%arg9 : memref<128x64xf32, #tpu.memory_space<vmem>>) dst(%dma_wait3A_104 : memref<10000x64xf32, #tpu.memory_space<vmem_shared>>)
      %dma_wait3A_105 = arith.constant 78 : i32
      %dma_wait3A_106 = arith.constant 0 : i32
      %dma_wait3A_107 = tpu.memref_slice %arg7[%dma_wait3A_105, %dma_wait3A_106] : memref<80x128xi32, #tpu.memory_space<vmem>> -> memref<1x128xi32, #tpu.memory_space<vmem>>
      %dma_wait3A_108 = tpu.memref_squeeze %dma_wait3A_107 : memref<1x128xi32, #tpu.memory_space<vmem>> -> memref<128xi32, #tpu.memory_space<vmem>>
      %dma_wait3A_109 = arith.constant 0 : i32
      %dma_wait3A_110 = arith.constant 0 : i32
      %dma_wait3A_111 = tpu.memref_slice %arg13[%dma_wait3A_109, %dma_wait3A_110] : memref<10000x64xf32, #tpu.memory_space<vmem_shared>> -> memref<10000x64xf32, #tpu.memory_space<vmem_shared>>
      tpu.wait_indirect_dma semaphore(%arg20 : memref<!tpu.dma_semaphore, #tpu.memory_space<semaphore_mem>>) src(%arg10 : memref<128x64xf32, #tpu.memory_space<vmem>>) dst(%dma_wait3A_111 : memref<10000x64xf32, #tpu.memory_space<vmem_shared>>)
      %dma_wait3A_112 = arith.constant 79 : i32
      %dma_wait3A_113 = arith.constant 0 : i32
      %dma_wait3A_114 = tpu.memref_slice %arg7[%dma_wait3A_112, %dma_wait3A_113] : memref<80x128xi32, #tpu.memory_space<vmem>> -> memref<1x128xi32, #tpu.memory_space<vmem>>
      %dma_wait3A_115 = tpu.memref_squeeze %dma_wait3A_114 : memref<1x128xi32, #tpu.memory_space<vmem>> -> memref<128xi32, #tpu.memory_space<vmem>>
      %dma_wait3A_116 = arith.constant 0 : i32
      %dma_wait3A_117 = arith.constant 0 : i32
      %dma_wait3A_118 = tpu.memref_slice %arg13[%dma_wait3A_116, %dma_wait3A_117] : memref<10000x64xf32, #tpu.memory_space<vmem_shared>> -> memref<10000x64xf32, #tpu.memory_space<vmem_shared>>
      tpu.wait_indirect_dma semaphore(%arg21 : memref<!tpu.dma_semaphore, #tpu.memory_space<semaphore_mem>>) src(%arg11 : memref<128x64xf32, #tpu.memory_space<vmem>>) dst(%dma_wait3A_118 : memref<10000x64xf32, #tpu.memory_space<vmem_shared>>)
    } else {
    }
    %eq3A_26 = arith.constant 1 : i32
    %eq3A_27 = arith.cmpi eq, %arg0, %eq3A_26 : i32
    %eq3A_28 = arith.constant 15 : i32
    %eq3A_29 = arith.cmpi eq, %arg1, %eq3A_28 : i32
    %and3A_30 = arith.andi %eq3A_27, %eq3A_29 : i1
    %convert_element_type3A_31 = arith.extui %and3A_30 : i1 to i32
    %cond3A_32 = arith.constant 0 : i32
    %cond3A_33 = arith.cmpi ne, %convert_element_type3A_31, %cond3A_32 : i32
    scf.if %cond3A_33 {
      %run_scoped3A = arith.constant 0 : i32
      "tpu.region"() ({
        %run_scoped3A_115 = tpu.sem_alloc : memref<!tpu.dma_semaphore, #tpu.memory_space<semaphore_mem>>
        %dma_start3A_116 = arith.constant 0 : i32
        %dma_start3A_117 = arith.constant 0 : i32
        %dma_start3A_118 = tpu.memref_slice %arg6[%dma_start3A_116, %dma_start3A_117] : memref<80x128xi32, #tpu.memory_space<vmem>> -> memref<20x128xi32, #tpu.memory_space<vmem>>
        %dma_start3A_119 = arith.constant 2480 : i32
        %dma_start3A_120 = arith.constant 0 : i32
        %dma_start3A_121 = tpu.memref_slice %arg3[%run_scoped3A, %dma_start3A_119, %dma_start3A_120] : memref<2x2500x128xi32, #tpu.memory_space<hbm>> -> memref<1x20x128xi32, #tpu.memory_space<hbm>>
        %dma_start3A_122 = tpu.memref_squeeze %dma_start3A_121 : memref<1x20x128xi32, #tpu.memory_space<hbm>> -> memref<20x128xi32, #tpu.memory_space<hbm>>
        %dma_start3A_123 = arith.constant 0 : i32
        %dma_start3A_124 = arith.constant 0 : i32
        %dma_start3A_125 = tpu.memref_slice %arg6[%dma_start3A_123, %dma_start3A_124] : memref<80x128xi32, #tpu.memory_space<vmem>> -> memref<20x128xi32, #tpu.memory_space<vmem>>
        %dma_start3A_126 = arith.constant 2480 : i32
        %dma_start3A_127 = arith.constant 0 : i32
        %dma_start3A_128 = tpu.memref_slice %arg3[%run_scoped3A, %dma_start3A_126, %dma_start3A_127] : memref<2x2500x128xi32, #tpu.memory_space<hbm>> -> memref<1x20x128xi32, #tpu.memory_space<hbm>>
        %dma_start3A_129 = tpu.memref_squeeze %dma_start3A_128 : memref<1x20x128xi32, #tpu.memory_space<hbm>> -> memref<20x128xi32, #tpu.memory_space<hbm>>
        tpu.enqueue_dma source(%dma_start3A_129 : memref<20x128xi32, #tpu.memory_space<hbm>>) target(%dma_start3A_125 : memref<20x128xi32, #tpu.memory_space<vmem>>) target_semaphore(%run_scoped3A_115 : memref<!tpu.dma_semaphore, #tpu.memory_space<semaphore_mem>>)
        %dma_wait3A_130 = arith.constant 0 : i32
        %dma_wait3A_131 = arith.constant 0 : i32
        %dma_wait3A_132 = tpu.memref_slice %arg6[%dma_wait3A_130, %dma_wait3A_131] : memref<80x128xi32, #tpu.memory_space<vmem>> -> memref<20x128xi32, #tpu.memory_space<vmem>>
        %dma_wait3A_133 = arith.constant 2480 : i32
        %dma_wait3A_134 = arith.constant 0 : i32
        %dma_wait3A_135 = tpu.memref_slice %arg3[%run_scoped3A, %dma_wait3A_133, %dma_wait3A_134] : memref<2x2500x128xi32, #tpu.memory_space<hbm>> -> memref<1x20x128xi32, #tpu.memory_space<hbm>>
        %dma_wait3A_136 = tpu.memref_squeeze %dma_wait3A_135 : memref<1x20x128xi32, #tpu.memory_space<hbm>> -> memref<20x128xi32, #tpu.memory_space<hbm>>
        %dma_wait3A_137 = arith.constant 0 : i32
        %dma_wait3A_138 = arith.constant 0 : i32
        %dma_wait3A_139 = tpu.memref_slice %arg6[%dma_wait3A_137, %dma_wait3A_138] : memref<80x128xi32, #tpu.memory_space<vmem>> -> memref<20x128xi32, #tpu.memory_space<vmem>>
        %dma_wait3A_140 = arith.constant 2480 : i32
        %dma_wait3A_141 = arith.constant 0 : i32
        %dma_wait3A_142 = tpu.memref_slice %arg3[%run_scoped3A, %dma_wait3A_140, %dma_wait3A_141] : memref<2x2500x128xi32, #tpu.memory_space<hbm>> -> memref<1x20x128xi32, #tpu.memory_space<hbm>>
        %dma_wait3A_143 = tpu.memref_squeeze %dma_wait3A_142 : memref<1x20x128xi32, #tpu.memory_space<hbm>> -> memref<20x128xi32, #tpu.memory_space<hbm>>
        tpu.wait_dma2 semaphore(%run_scoped3A_115 : memref<!tpu.dma_semaphore, #tpu.memory_space<semaphore_mem>>) src(%dma_wait3A_143 : memref<20x128xi32, #tpu.memory_space<hbm>>) dst(%dma_wait3A_139 : memref<20x128xi32, #tpu.memory_space<vmem>>)
        tpu.yield
      }) : () -> ()
      %run_scoped3A_55 = arith.constant 1 : i32
      "tpu.region"() ({
        %run_scoped3A_115 = tpu.sem_alloc : memref<!tpu.dma_semaphore, #tpu.memory_space<semaphore_mem>>
        %dma_start3A_116 = arith.constant 0 : i32
        %dma_start3A_117 = arith.constant 0 : i32
        %dma_start3A_118 = tpu.memref_slice %arg7[%dma_start3A_116, %dma_start3A_117] : memref<80x128xi32, #tpu.memory_space<vmem>> -> memref<20x128xi32, #tpu.memory_space<vmem>>
        %dma_start3A_119 = arith.constant 2480 : i32
        %dma_start3A_120 = arith.constant 0 : i32
        %dma_start3A_121 = tpu.memref_slice %arg3[%run_scoped3A_55, %dma_start3A_119, %dma_start3A_120] : memref<2x2500x128xi32, #tpu.memory_space<hbm>> -> memref<1x20x128xi32, #tpu.memory_space<hbm>>
        %dma_start3A_122 = tpu.memref_squeeze %dma_start3A_121 : memref<1x20x128xi32, #tpu.memory_space<hbm>> -> memref<20x128xi32, #tpu.memory_space<hbm>>
        %dma_start3A_123 = arith.constant 0 : i32
        %dma_start3A_124 = arith.constant 0 : i32
        %dma_start3A_125 = tpu.memref_slice %arg7[%dma_start3A_123, %dma_start3A_124] : memref<80x128xi32, #tpu.memory_space<vmem>> -> memref<20x128xi32, #tpu.memory_space<vmem>>
        %dma_start3A_126 = arith.constant 2480 : i32
        %dma_start3A_127 = arith.constant 0 : i32
        %dma_start3A_128 = tpu.memref_slice %arg3[%run_scoped3A_55, %dma_start3A_126, %dma_start3A_127] : memref<2x2500x128xi32, #tpu.memory_space<hbm>> -> memref<1x20x128xi32, #tpu.memory_space<hbm>>
        %dma_start3A_129 = tpu.memref_squeeze %dma_start3A_128 : memref<1x20x128xi32, #tpu.memory_space<hbm>> -> memref<20x128xi32, #tpu.memory_space<hbm>>
        tpu.enqueue_dma source(%dma_start3A_129 : memref<20x128xi32, #tpu.memory_space<hbm>>) target(%dma_start3A_125 : memref<20x128xi32, #tpu.memory_space<vmem>>) target_semaphore(%run_scoped3A_115 : memref<!tpu.dma_semaphore, #tpu.memory_space<semaphore_mem>>)
        %dma_wait3A_130 = arith.constant 0 : i32
        %dma_wait3A_131 = arith.constant 0 : i32
        %dma_wait3A_132 = tpu.memref_slice %arg7[%dma_wait3A_130, %dma_wait3A_131] : memref<80x128xi32, #tpu.memory_space<vmem>> -> memref<20x128xi32, #tpu.memory_space<vmem>>
        %dma_wait3A_133 = arith.constant 2480 : i32
        %dma_wait3A_134 = arith.constant 0 : i32
        %dma_wait3A_135 = tpu.memref_slice %arg3[%run_scoped3A_55, %dma_wait3A_133, %dma_wait3A_134] : memref<2x2500x128xi32, #tpu.memory_space<hbm>> -> memref<1x20x128xi32, #tpu.memory_space<hbm>>
        %dma_wait3A_136 = tpu.memref_squeeze %dma_wait3A_135 : memref<1x20x128xi32, #tpu.memory_space<hbm>> -> memref<20x128xi32, #tpu.memory_space<hbm>>
        %dma_wait3A_137 = arith.constant 0 : i32
        %dma_wait3A_138 = arith.constant 0 : i32
        %dma_wait3A_139 = tpu.memref_slice %arg7[%dma_wait3A_137, %dma_wait3A_138] : memref<80x128xi32, #tpu.memory_space<vmem>> -> memref<20x128xi32, #tpu.memory_space<vmem>>
        %dma_wait3A_140 = arith.constant 2480 : i32
        %dma_wait3A_141 = arith.constant 0 : i32
        %dma_wait3A_142 = tpu.memref_slice %arg3[%run_scoped3A_55, %dma_wait3A_140, %dma_wait3A_141] : memref<2x2500x128xi32, #tpu.memory_space<hbm>> -> memref<1x20x128xi32, #tpu.memory_space<hbm>>
        %dma_wait3A_143 = tpu.memref_squeeze %dma_wait3A_142 : memref<1x20x128xi32, #tpu.memory_space<hbm>> -> memref<20x128xi32, #tpu.memory_space<hbm>>
        tpu.wait_dma2 semaphore(%run_scoped3A_115 : memref<!tpu.dma_semaphore, #tpu.memory_space<semaphore_mem>>) src(%dma_wait3A_143 : memref<20x128xi32, #tpu.memory_space<hbm>>) dst(%dma_wait3A_139 : memref<20x128xi32, #tpu.memory_space<vmem>>)
        tpu.yield
      }) : () -> ()
      %dma_start3A = arith.constant 0 : i32
      %dma_start3A_56 = arith.constant 0 : i32
      %dma_start3A_57 = tpu.memref_slice %arg6[%dma_start3A, %dma_start3A_56] : memref<80x128xi32, #tpu.memory_space<vmem>> -> memref<1x128xi32, #tpu.memory_space<vmem>>
      %dma_start3A_58 = tpu.memref_squeeze %dma_start3A_57 : memref<1x128xi32, #tpu.memory_space<vmem>> -> memref<128xi32, #tpu.memory_space<vmem>>
      %dma_start3A_59 = arith.constant 0 : i32
      %dma_start3A_60 = arith.constant 0 : i32
      %dma_start3A_61 = tpu.memref_slice %arg2[%dma_start3A_59, %dma_start3A_60] : memref<10000x64xf32, #tpu.memory_space<hbm>> -> memref<10000x64xf32, #tpu.memory_space<hbm>>
      tpu.enqueue_indirect_dma source(%dma_start3A_61 : memref<10000x64xf32, #tpu.memory_space<hbm>>) target(%arg8 : memref<128x64xf32, #tpu.memory_space<vmem>>) offsets(%dma_start3A_58 : memref<128xi32, #tpu.memory_space<vmem>>) semaphore(%arg14 : memref<!tpu.dma_semaphore, #tpu.memory_space<semaphore_mem>>)
      %dma_start3A_62 = arith.constant 1 : i32
      %dma_start3A_63 = arith.constant 0 : i32
      %dma_start3A_64 = tpu.memref_slice %arg6[%dma_start3A_62, %dma_start3A_63] : memref<80x128xi32, #tpu.memory_space<vmem>> -> memref<1x128xi32, #tpu.memory_space<vmem>>
      %dma_start3A_65 = tpu.memref_squeeze %dma_start3A_64 : memref<1x128xi32, #tpu.memory_space<vmem>> -> memref<128xi32, #tpu.memory_space<vmem>>
      %dma_start3A_66 = arith.constant 0 : i32
      %dma_start3A_67 = arith.constant 0 : i32
      %dma_start3A_68 = tpu.memref_slice %arg2[%dma_start3A_66, %dma_start3A_67] : memref<10000x64xf32, #tpu.memory_space<hbm>> -> memref<10000x64xf32, #tpu.memory_space<hbm>>
      tpu.enqueue_indirect_dma source(%dma_start3A_68 : memref<10000x64xf32, #tpu.memory_space<hbm>>) target(%arg9 : memref<128x64xf32, #tpu.memory_space<vmem>>) offsets(%dma_start3A_65 : memref<128xi32, #tpu.memory_space<vmem>>) semaphore(%arg15 : memref<!tpu.dma_semaphore, #tpu.memory_space<semaphore_mem>>)
      %dma_start3A_69 = arith.constant 2 : i32
      %dma_start3A_70 = arith.constant 0 : i32
      %dma_start3A_71 = tpu.memref_slice %arg6[%dma_start3A_69, %dma_start3A_70] : memref<80x128xi32, #tpu.memory_space<vmem>> -> memref<1x128xi32, #tpu.memory_space<vmem>>
      %dma_start3A_72 = tpu.memref_squeeze %dma_start3A_71 : memref<1x128xi32, #tpu.memory_space<vmem>> -> memref<128xi32, #tpu.memory_space<vmem>>
      %dma_start3A_73 = arith.constant 0 : i32
      %dma_start3A_74 = arith.constant 0 : i32
      %dma_start3A_75 = tpu.memref_slice %arg2[%dma_start3A_73, %dma_start3A_74] : memref<10000x64xf32, #tpu.memory_space<hbm>> -> memref<10000x64xf32, #tpu.memory_space<hbm>>
      tpu.enqueue_indirect_dma source(%dma_start3A_75 : memref<10000x64xf32, #tpu.memory_space<hbm>>) target(%arg10 : memref<128x64xf32, #tpu.memory_space<vmem>>) offsets(%dma_start3A_72 : memref<128xi32, #tpu.memory_space<vmem>>) semaphore(%arg16 : memref<!tpu.dma_semaphore, #tpu.memory_space<semaphore_mem>>)
      %dma_start3A_76 = arith.constant 3 : i32
      %dma_start3A_77 = arith.constant 0 : i32
      %dma_start3A_78 = tpu.memref_slice %arg6[%dma_start3A_76, %dma_start3A_77] : memref<80x128xi32, #tpu.memory_space<vmem>> -> memref<1x128xi32, #tpu.memory_space<vmem>>
      %dma_start3A_79 = tpu.memref_squeeze %dma_start3A_78 : memref<1x128xi32, #tpu.memory_space<vmem>> -> memref<128xi32, #tpu.memory_space<vmem>>
      %dma_start3A_80 = arith.constant 0 : i32
      %dma_start3A_81 = arith.constant 0 : i32
      %dma_start3A_82 = tpu.memref_slice %arg2[%dma_start3A_80, %dma_start3A_81] : memref<10000x64xf32, #tpu.memory_space<hbm>> -> memref<10000x64xf32, #tpu.memory_space<hbm>>
      tpu.enqueue_indirect_dma source(%dma_start3A_82 : memref<10000x64xf32, #tpu.memory_space<hbm>>) target(%arg11 : memref<128x64xf32, #tpu.memory_space<vmem>>) offsets(%dma_start3A_79 : memref<128xi32, #tpu.memory_space<vmem>>) semaphore(%arg17 : memref<!tpu.dma_semaphore, #tpu.memory_space<semaphore_mem>>)
      %scan3A = arith.constant 0 : i32
      %scan3A_83 = arith.constant 0 : i32
      %scan3A_84 = arith.constant 5 : i32
      %scan3A_85 = arith.addi %scan3A_83, %scan3A_84 : i32
      %scan3A_86 = arith.constant 1 : i32
      scf.for %scan3A_115 = %scan3A_83 to %scan3A_85 step %scan3A_86  : i32 {
        %mul3A_116 = arith.constant 4 : i32
        %mul3A_117 = arith.muli %mul3A_116, %scan3A_115 : i32
        %add3A_118 = arith.constant 0 : i32
        %add3A_119 = arith.addi %mul3A_117, %add3A_118 : i32
        %dma_wait3A_120 = arith.constant 0 : i32
        %dma_wait3A_121 = tpu.memref_slice %arg6[%add3A_119, %dma_wait3A_120] : memref<80x128xi32, #tpu.memory_space<vmem>> -> memref<1x128xi32, #tpu.memory_space<vmem>>
        %dma_wait3A_122 = tpu.memref_squeeze %dma_wait3A_121 : memref<1x128xi32, #tpu.memory_space<vmem>> -> memref<128xi32, #tpu.memory_space<vmem>>
        %dma_wait3A_123 = arith.constant 0 : i32
        %dma_wait3A_124 = arith.constant 0 : i32
        %dma_wait3A_125 = tpu.memref_slice %arg2[%dma_wait3A_123, %dma_wait3A_124] : memref<10000x64xf32, #tpu.memory_space<hbm>> -> memref<10000x64xf32, #tpu.memory_space<hbm>>
        tpu.wait_indirect_dma semaphore(%arg14 : memref<!tpu.dma_semaphore, #tpu.memory_space<semaphore_mem>>) src(%dma_wait3A_125 : memref<10000x64xf32, #tpu.memory_space<hbm>>) dst(%arg8 : memref<128x64xf32, #tpu.memory_space<vmem>>)
        %dma_start3A_126 = arith.constant 0 : i32
        %dma_start3A_127 = tpu.memref_slice %arg7[%add3A_119, %dma_start3A_126] : memref<80x128xi32, #tpu.memory_space<vmem>> -> memref<1x128xi32, #tpu.memory_space<vmem>>
        %dma_start3A_128 = tpu.memref_squeeze %dma_start3A_127 : memref<1x128xi32, #tpu.memory_space<vmem>> -> memref<128xi32, #tpu.memory_space<vmem>>
        %dma_start3A_129 = arith.constant 0 : i32
        %dma_start3A_130 = arith.constant 0 : i32
        %dma_start3A_131 = tpu.memref_slice %arg13[%dma_start3A_129, %dma_start3A_130] : memref<10000x64xf32, #tpu.memory_space<vmem_shared>> -> memref<10000x64xf32, #tpu.memory_space<vmem_shared>>
        tpu.enqueue_indirect_dma source(%arg8 : memref<128x64xf32, #tpu.memory_space<vmem>>) target(%dma_start3A_131 : memref<10000x64xf32, #tpu.memory_space<vmem_shared>>) offsets(%dma_start3A_128 : memref<128xi32, #tpu.memory_space<vmem>>) semaphore(%arg18 : memref<!tpu.dma_semaphore, #tpu.memory_space<semaphore_mem>>) {add = true}
        %add3A_132 = arith.constant 1 : i32
        %add3A_133 = arith.addi %mul3A_117, %add3A_132 : i32
        %dma_wait3A_134 = arith.constant 0 : i32
        %dma_wait3A_135 = tpu.memref_slice %arg6[%add3A_133, %dma_wait3A_134] : memref<80x128xi32, #tpu.memory_space<vmem>> -> memref<1x128xi32, #tpu.memory_space<vmem>>
        %dma_wait3A_136 = tpu.memref_squeeze %dma_wait3A_135 : memref<1x128xi32, #tpu.memory_space<vmem>> -> memref<128xi32, #tpu.memory_space<vmem>>
        %dma_wait3A_137 = arith.constant 0 : i32
        %dma_wait3A_138 = arith.constant 0 : i32
        %dma_wait3A_139 = tpu.memref_slice %arg2[%dma_wait3A_137, %dma_wait3A_138] : memref<10000x64xf32, #tpu.memory_space<hbm>> -> memref<10000x64xf32, #tpu.memory_space<hbm>>
        tpu.wait_indirect_dma semaphore(%arg15 : memref<!tpu.dma_semaphore, #tpu.memory_space<semaphore_mem>>) src(%dma_wait3A_139 : memref<10000x64xf32, #tpu.memory_space<hbm>>) dst(%arg9 : memref<128x64xf32, #tpu.memory_space<vmem>>)
        %dma_start3A_140 = arith.constant 0 : i32
        %dma_start3A_141 = tpu.memref_slice %arg7[%add3A_133, %dma_start3A_140] : memref<80x128xi32, #tpu.memory_space<vmem>> -> memref<1x128xi32, #tpu.memory_space<vmem>>
        %dma_start3A_142 = tpu.memref_squeeze %dma_start3A_141 : memref<1x128xi32, #tpu.memory_space<vmem>> -> memref<128xi32, #tpu.memory_space<vmem>>
        %dma_start3A_143 = arith.constant 0 : i32
        %dma_start3A_144 = arith.constant 0 : i32
        %dma_start3A_145 = tpu.memref_slice %arg13[%dma_start3A_143, %dma_start3A_144] : memref<10000x64xf32, #tpu.memory_space<vmem_shared>> -> memref<10000x64xf32, #tpu.memory_space<vmem_shared>>
        tpu.enqueue_indirect_dma source(%arg9 : memref<128x64xf32, #tpu.memory_space<vmem>>) target(%dma_start3A_145 : memref<10000x64xf32, #tpu.memory_space<vmem_shared>>) offsets(%dma_start3A_142 : memref<128xi32, #tpu.memory_space<vmem>>) semaphore(%arg19 : memref<!tpu.dma_semaphore, #tpu.memory_space<semaphore_mem>>) {add = true}
        %add3A_146 = arith.constant 2 : i32
        %add3A_147 = arith.addi %mul3A_117, %add3A_146 : i32
        %dma_wait3A_148 = arith.constant 0 : i32
        %dma_wait3A_149 = tpu.memref_slice %arg6[%add3A_147, %dma_wait3A_148] : memref<80x128xi32, #tpu.memory_space<vmem>> -> memref<1x128xi32, #tpu.memory_space<vmem>>
        %dma_wait3A_150 = tpu.memref_squeeze %dma_wait3A_149 : memref<1x128xi32, #tpu.memory_space<vmem>> -> memref<128xi32, #tpu.memory_space<vmem>>
        %dma_wait3A_151 = arith.constant 0 : i32
        %dma_wait3A_152 = arith.constant 0 : i32
        %dma_wait3A_153 = tpu.memref_slice %arg2[%dma_wait3A_151, %dma_wait3A_152] : memref<10000x64xf32, #tpu.memory_space<hbm>> -> memref<10000x64xf32, #tpu.memory_space<hbm>>
        tpu.wait_indirect_dma semaphore(%arg16 : memref<!tpu.dma_semaphore, #tpu.memory_space<semaphore_mem>>) src(%dma_wait3A_153 : memref<10000x64xf32, #tpu.memory_space<hbm>>) dst(%arg10 : memref<128x64xf32, #tpu.memory_space<vmem>>)
        %dma_start3A_154 = arith.constant 0 : i32
        %dma_start3A_155 = tpu.memref_slice %arg7[%add3A_147, %dma_start3A_154] : memref<80x128xi32, #tpu.memory_space<vmem>> -> memref<1x128xi32, #tpu.memory_space<vmem>>
        %dma_start3A_156 = tpu.memref_squeeze %dma_start3A_155 : memref<1x128xi32, #tpu.memory_space<vmem>> -> memref<128xi32, #tpu.memory_space<vmem>>
        %dma_start3A_157 = arith.constant 0 : i32
        %dma_start3A_158 = arith.constant 0 : i32
        %dma_start3A_159 = tpu.memref_slice %arg13[%dma_start3A_157, %dma_start3A_158] : memref<10000x64xf32, #tpu.memory_space<vmem_shared>> -> memref<10000x64xf32, #tpu.memory_space<vmem_shared>>
        tpu.enqueue_indirect_dma source(%arg10 : memref<128x64xf32, #tpu.memory_space<vmem>>) target(%dma_start3A_159 : memref<10000x64xf32, #tpu.memory_space<vmem_shared>>) offsets(%dma_start3A_156 : memref<128xi32, #tpu.memory_space<vmem>>) semaphore(%arg20 : memref<!tpu.dma_semaphore, #tpu.memory_space<semaphore_mem>>) {add = true}
        %add3A_160 = arith.constant 3 : i32
        %add3A_161 = arith.addi %mul3A_117, %add3A_160 : i32
        %dma_wait3A_162 = arith.constant 0 : i32
        %dma_wait3A_163 = tpu.memref_slice %arg6[%add3A_161, %dma_wait3A_162] : memref<80x128xi32, #tpu.memory_space<vmem>> -> memref<1x128xi32, #tpu.memory_space<vmem>>
        %dma_wait3A_164 = tpu.memref_squeeze %dma_wait3A_163 : memref<1x128xi32, #tpu.memory_space<vmem>> -> memref<128xi32, #tpu.memory_space<vmem>>
        %dma_wait3A_165 = arith.constant 0 : i32
        %dma_wait3A_166 = arith.constant 0 : i32
        %dma_wait3A_167 = tpu.memref_slice %arg2[%dma_wait3A_165, %dma_wait3A_166] : memref<10000x64xf32, #tpu.memory_space<hbm>> -> memref<10000x64xf32, #tpu.memory_space<hbm>>
        tpu.wait_indirect_dma semaphore(%arg17 : memref<!tpu.dma_semaphore, #tpu.memory_space<semaphore_mem>>) src(%dma_wait3A_167 : memref<10000x64xf32, #tpu.memory_space<hbm>>) dst(%arg11 : memref<128x64xf32, #tpu.memory_space<vmem>>)
        %dma_start3A_168 = arith.constant 0 : i32
        %dma_start3A_169 = tpu.memref_slice %arg7[%add3A_161, %dma_start3A_168] : memref<80x128xi32, #tpu.memory_space<vmem>> -> memref<1x128xi32, #tpu.memory_space<vmem>>
        %dma_start3A_170 = tpu.memref_squeeze %dma_start3A_169 : memref<1x128xi32, #tpu.memory_space<vmem>> -> memref<128xi32, #tpu.memory_space<vmem>>
        %dma_start3A_171 = arith.constant 0 : i32
        %dma_start3A_172 = arith.constant 0 : i32
        %dma_start3A_173 = tpu.memref_slice %arg13[%dma_start3A_171, %dma_start3A_172] : memref<10000x64xf32, #tpu.memory_space<vmem_shared>> -> memref<10000x64xf32, #tpu.memory_space<vmem_shared>>
        tpu.enqueue_indirect_dma source(%arg11 : memref<128x64xf32, #tpu.memory_space<vmem>>) target(%dma_start3A_173 : memref<10000x64xf32, #tpu.memory_space<vmem_shared>>) offsets(%dma_start3A_170 : memref<128xi32, #tpu.memory_space<vmem>>) semaphore(%arg21 : memref<!tpu.dma_semaphore, #tpu.memory_space<semaphore_mem>>) {add = true}
        %add3A_174 = arith.constant 0 : i32
        %add3A_175 = arith.addi %mul3A_117, %add3A_174 : i32
        %add3A_176 = arith.constant 4 : i32
        %add3A_177 = arith.addi %add3A_175, %add3A_176 : i32
        %lt3A_178 = arith.constant 20 : i32
        %lt3A_179 = arith.cmpi slt, %add3A_177, %lt3A_178 : i32
        %convert_element_type3A_180 = arith.extui %lt3A_179 : i1 to i32
        %cond3A_181 = arith.constant 0 : i32
        %cond3A_182 = arith.cmpi ne, %convert_element_type3A_180, %cond3A_181 : i32
        scf.if %cond3A_182 {
          %dma_wait3A_210 = arith.constant 0 : i32
          %dma_wait3A_211 = tpu.memref_slice %arg7[%add3A_175, %dma_wait3A_210] : memref<80x128xi32, #tpu.memory_space<vmem>> -> memref<1x128xi32, #tpu.memory_space<vmem>>
          %dma_wait3A_212 = tpu.memref_squeeze %dma_wait3A_211 : memref<1x128xi32, #tpu.memory_space<vmem>> -> memref<128xi32, #tpu.memory_space<vmem>>
          %dma_wait3A_213 = arith.constant 0 : i32
          %dma_wait3A_214 = arith.constant 0 : i32
          %dma_wait3A_215 = tpu.memref_slice %arg13[%dma_wait3A_213, %dma_wait3A_214] : memref<10000x64xf32, #tpu.memory_space<vmem_shared>> -> memref<10000x64xf32, #tpu.memory_space<vmem_shared>>
          tpu.wait_indirect_dma semaphore(%arg18 : memref<!tpu.dma_semaphore, #tpu.memory_space<semaphore_mem>>) src(%arg8 : memref<128x64xf32, #tpu.memory_space<vmem>>) dst(%dma_wait3A_215 : memref<10000x64xf32, #tpu.memory_space<vmem_shared>>)
          %add3A_216 = arith.constant 4 : i32
          %add3A_217 = arith.addi %add3A_175, %add3A_216 : i32
          %dma_start3A_218 = arith.constant 0 : i32
          %dma_start3A_219 = tpu.memref_slice %arg6[%add3A_217, %dma_start3A_218] : memref<80x128xi32, #tpu.memory_space<vmem>> -> memref<1x128xi32, #tpu.memory_space<vmem>>
          %dma_start3A_220 = tpu.memref_squeeze %dma_start3A_219 : memref<1x128xi32, #tpu.memory_space<vmem>> -> memref<128xi32, #tpu.memory_space<vmem>>
          %dma_start3A_221 = arith.constant 0 : i32
          %dma_start3A_222 = arith.constant 0 : i32
          %dma_start3A_223 = tpu.memref_slice %arg2[%dma_start3A_221, %dma_start3A_222] : memref<10000x64xf32, #tpu.memory_space<hbm>> -> memref<10000x64xf32, #tpu.memory_space<hbm>>
          tpu.enqueue_indirect_dma source(%dma_start3A_223 : memref<10000x64xf32, #tpu.memory_space<hbm>>) target(%arg8 : memref<128x64xf32, #tpu.memory_space<vmem>>) offsets(%dma_start3A_220 : memref<128xi32, #tpu.memory_space<vmem>>) semaphore(%arg14 : memref<!tpu.dma_semaphore, #tpu.memory_space<semaphore_mem>>)
        } else {
        }
        %add3A_183 = arith.constant 1 : i32
        %add3A_184 = arith.addi %mul3A_117, %add3A_183 : i32
        %add3A_185 = arith.constant 4 : i32
        %add3A_186 = arith.addi %add3A_184, %add3A_185 : i32
        %lt3A_187 = arith.constant 20 : i32
        %lt3A_188 = arith.cmpi slt, %add3A_186, %lt3A_187 : i32
        %convert_element_type3A_189 = arith.extui %lt3A_188 : i1 to i32
        %cond3A_190 = arith.constant 0 : i32
        %cond3A_191 = arith.cmpi ne, %convert_element_type3A_189, %cond3A_190 : i32
        scf.if %cond3A_191 {
          %dma_wait3A_210 = arith.constant 0 : i32
          %dma_wait3A_211 = tpu.memref_slice %arg7[%add3A_184, %dma_wait3A_210] : memref<80x128xi32, #tpu.memory_space<vmem>> -> memref<1x128xi32, #tpu.memory_space<vmem>>
          %dma_wait3A_212 = tpu.memref_squeeze %dma_wait3A_211 : memref<1x128xi32, #tpu.memory_space<vmem>> -> memref<128xi32, #tpu.memory_space<vmem>>
          %dma_wait3A_213 = arith.constant 0 : i32
          %dma_wait3A_214 = arith.constant 0 : i32
          %dma_wait3A_215 = tpu.memref_slice %arg13[%dma_wait3A_213, %dma_wait3A_214] : memref<10000x64xf32, #tpu.memory_space<vmem_shared>> -> memref<10000x64xf32, #tpu.memory_space<vmem_shared>>
          tpu.wait_indirect_dma semaphore(%arg19 : memref<!tpu.dma_semaphore, #tpu.memory_space<semaphore_mem>>) src(%arg9 : memref<128x64xf32, #tpu.memory_space<vmem>>) dst(%dma_wait3A_215 : memref<10000x64xf32, #tpu.memory_space<vmem_shared>>)
          %add3A_216 = arith.constant 4 : i32
          %add3A_217 = arith.addi %add3A_184, %add3A_216 : i32
          %dma_start3A_218 = arith.constant 0 : i32
          %dma_start3A_219 = tpu.memref_slice %arg6[%add3A_217, %dma_start3A_218] : memref<80x128xi32, #tpu.memory_space<vmem>> -> memref<1x128xi32, #tpu.memory_space<vmem>>
          %dma_start3A_220 = tpu.memref_squeeze %dma_start3A_219 : memref<1x128xi32, #tpu.memory_space<vmem>> -> memref<128xi32, #tpu.memory_space<vmem>>
          %dma_start3A_221 = arith.constant 0 : i32
          %dma_start3A_222 = arith.constant 0 : i32
          %dma_start3A_223 = tpu.memref_slice %arg2[%dma_start3A_221, %dma_start3A_222] : memref<10000x64xf32, #tpu.memory_space<hbm>> -> memref<10000x64xf32, #tpu.memory_space<hbm>>
          tpu.enqueue_indirect_dma source(%dma_start3A_223 : memref<10000x64xf32, #tpu.memory_space<hbm>>) target(%arg9 : memref<128x64xf32, #tpu.memory_space<vmem>>) offsets(%dma_start3A_220 : memref<128xi32, #tpu.memory_space<vmem>>) semaphore(%arg15 : memref<!tpu.dma_semaphore, #tpu.memory_space<semaphore_mem>>)
        } else {
        }
        %add3A_192 = arith.constant 2 : i32
        %add3A_193 = arith.addi %mul3A_117, %add3A_192 : i32
        %add3A_194 = arith.constant 4 : i32
        %add3A_195 = arith.addi %add3A_193, %add3A_194 : i32
        %lt3A_196 = arith.constant 20 : i32
        %lt3A_197 = arith.cmpi slt, %add3A_195, %lt3A_196 : i32
        %convert_element_type3A_198 = arith.extui %lt3A_197 : i1 to i32
        %cond3A_199 = arith.constant 0 : i32
        %cond3A_200 = arith.cmpi ne, %convert_element_type3A_198, %cond3A_199 : i32
        scf.if %cond3A_200 {
          %dma_wait3A_210 = arith.constant 0 : i32
          %dma_wait3A_211 = tpu.memref_slice %arg7[%add3A_193, %dma_wait3A_210] : memref<80x128xi32, #tpu.memory_space<vmem>> -> memref<1x128xi32, #tpu.memory_space<vmem>>
          %dma_wait3A_212 = tpu.memref_squeeze %dma_wait3A_211 : memref<1x128xi32, #tpu.memory_space<vmem>> -> memref<128xi32, #tpu.memory_space<vmem>>
          %dma_wait3A_213 = arith.constant 0 : i32
          %dma_wait3A_214 = arith.constant 0 : i32
          %dma_wait3A_215 = tpu.memref_slice %arg13[%dma_wait3A_213, %dma_wait3A_214] : memref<10000x64xf32, #tpu.memory_space<vmem_shared>> -> memref<10000x64xf32, #tpu.memory_space<vmem_shared>>
          tpu.wait_indirect_dma semaphore(%arg20 : memref<!tpu.dma_semaphore, #tpu.memory_space<semaphore_mem>>) src(%arg10 : memref<128x64xf32, #tpu.memory_space<vmem>>) dst(%dma_wait3A_215 : memref<10000x64xf32, #tpu.memory_space<vmem_shared>>)
          %add3A_216 = arith.constant 4 : i32
          %add3A_217 = arith.addi %add3A_193, %add3A_216 : i32
          %dma_start3A_218 = arith.constant 0 : i32
          %dma_start3A_219 = tpu.memref_slice %arg6[%add3A_217, %dma_start3A_218] : memref<80x128xi32, #tpu.memory_space<vmem>> -> memref<1x128xi32, #tpu.memory_space<vmem>>
          %dma_start3A_220 = tpu.memref_squeeze %dma_start3A_219 : memref<1x128xi32, #tpu.memory_space<vmem>> -> memref<128xi32, #tpu.memory_space<vmem>>
          %dma_start3A_221 = arith.constant 0 : i32
          %dma_start3A_222 = arith.constant 0 : i32
          %dma_start3A_223 = tpu.memref_slice %arg2[%dma_start3A_221, %dma_start3A_222] : memref<10000x64xf32, #tpu.memory_space<hbm>> -> memref<10000x64xf32, #tpu.memory_space<hbm>>
          tpu.enqueue_indirect_dma source(%dma_start3A_223 : memref<10000x64xf32, #tpu.memory_space<hbm>>) target(%arg10 : memref<128x64xf32, #tpu.memory_space<vmem>>) offsets(%dma_start3A_220 : memref<128xi32, #tpu.memory_space<vmem>>) semaphore(%arg16 : memref<!tpu.dma_semaphore, #tpu.memory_space<semaphore_mem>>)
        } else {
        }
        %add3A_201 = arith.constant 3 : i32
        %add3A_202 = arith.addi %mul3A_117, %add3A_201 : i32
        %add3A_203 = arith.constant 4 : i32
        %add3A_204 = arith.addi %add3A_202, %add3A_203 : i32
        %lt3A_205 = arith.constant 20 : i32
        %lt3A_206 = arith.cmpi slt, %add3A_204, %lt3A_205 : i32
        %convert_element_type3A_207 = arith.extui %lt3A_206 : i1 to i32
        %cond3A_208 = arith.constant 0 : i32
        %cond3A_209 = arith.cmpi ne, %convert_element_type3A_207, %cond3A_208 : i32
        scf.if %cond3A_209 {
          %dma_wait3A_210 = arith.constant 0 : i32
          %dma_wait3A_211 = tpu.memref_slice %arg7[%add3A_202, %dma_wait3A_210] : memref<80x128xi32, #tpu.memory_space<vmem>> -> memref<1x128xi32, #tpu.memory_space<vmem>>
          %dma_wait3A_212 = tpu.memref_squeeze %dma_wait3A_211 : memref<1x128xi32, #tpu.memory_space<vmem>> -> memref<128xi32, #tpu.memory_space<vmem>>
          %dma_wait3A_213 = arith.constant 0 : i32
          %dma_wait3A_214 = arith.constant 0 : i32
          %dma_wait3A_215 = tpu.memref_slice %arg13[%dma_wait3A_213, %dma_wait3A_214] : memref<10000x64xf32, #tpu.memory_space<vmem_shared>> -> memref<10000x64xf32, #tpu.memory_space<vmem_shared>>
          tpu.wait_indirect_dma semaphore(%arg21 : memref<!tpu.dma_semaphore, #tpu.memory_space<semaphore_mem>>) src(%arg11 : memref<128x64xf32, #tpu.memory_space<vmem>>) dst(%dma_wait3A_215 : memref<10000x64xf32, #tpu.memory_space<vmem_shared>>)
          %add3A_216 = arith.constant 4 : i32
          %add3A_217 = arith.addi %add3A_202, %add3A_216 : i32
          %dma_start3A_218 = arith.constant 0 : i32
          %dma_start3A_219 = tpu.memref_slice %arg6[%add3A_217, %dma_start3A_218] : memref<80x128xi32, #tpu.memory_space<vmem>> -> memref<1x128xi32, #tpu.memory_space<vmem>>
          %dma_start3A_220 = tpu.memref_squeeze %dma_start3A_219 : memref<1x128xi32, #tpu.memory_space<vmem>> -> memref<128xi32, #tpu.memory_space<vmem>>
          %dma_start3A_221 = arith.constant 0 : i32
          %dma_start3A_222 = arith.constant 0 : i32
          %dma_start3A_223 = tpu.memref_slice %arg2[%dma_start3A_221, %dma_start3A_222] : memref<10000x64xf32, #tpu.memory_space<hbm>> -> memref<10000x64xf32, #tpu.memory_space<hbm>>
          tpu.enqueue_indirect_dma source(%dma_start3A_223 : memref<10000x64xf32, #tpu.memory_space<hbm>>) target(%arg11 : memref<128x64xf32, #tpu.memory_space<vmem>>) offsets(%dma_start3A_220 : memref<128xi32, #tpu.memory_space<vmem>>) semaphore(%arg17 : memref<!tpu.dma_semaphore, #tpu.memory_space<semaphore_mem>>)
        } else {
        }
      }
      %scan3A_87 = arith.constant 5 : i32
      %dma_wait3A = arith.constant 16 : i32
      %dma_wait3A_88 = arith.constant 0 : i32
      %dma_wait3A_89 = tpu.memref_slice %arg7[%dma_wait3A, %dma_wait3A_88] : memref<80x128xi32, #tpu.memory_space<vmem>> -> memref<1x128xi32, #tpu.memory_space<vmem>>
      %dma_wait3A_90 = tpu.memref_squeeze %dma_wait3A_89 : memref<1x128xi32, #tpu.memory_space<vmem>> -> memref<128xi32, #tpu.memory_space<vmem>>
      %dma_wait3A_91 = arith.constant 0 : i32
      %dma_wait3A_92 = arith.constant 0 : i32
      %dma_wait3A_93 = tpu.memref_slice %arg13[%dma_wait3A_91, %dma_wait3A_92] : memref<10000x64xf32, #tpu.memory_space<vmem_shared>> -> memref<10000x64xf32, #tpu.memory_space<vmem_shared>>
      tpu.wait_indirect_dma semaphore(%arg18 : memref<!tpu.dma_semaphore, #tpu.memory_space<semaphore_mem>>) src(%arg8 : memref<128x64xf32, #tpu.memory_space<vmem>>) dst(%dma_wait3A_93 : memref<10000x64xf32, #tpu.memory_space<vmem_shared>>)
      %dma_wait3A_94 = arith.constant 17 : i32
      %dma_wait3A_95 = arith.constant 0 : i32
      %dma_wait3A_96 = tpu.memref_slice %arg7[%dma_wait3A_94, %dma_wait3A_95] : memref<80x128xi32, #tpu.memory_space<vmem>> -> memref<1x128xi32, #tpu.memory_space<vmem>>
      %dma_wait3A_97 = tpu.memref_squeeze %dma_wait3A_96 : memref<1x128xi32, #tpu.memory_space<vmem>> -> memref<128xi32, #tpu.memory_space<vmem>>
      %dma_wait3A_98 = arith.constant 0 : i32
      %dma_wait3A_99 = arith.constant 0 : i32
      %dma_wait3A_100 = tpu.memref_slice %arg13[%dma_wait3A_98, %dma_wait3A_99] : memref<10000x64xf32, #tpu.memory_space<vmem_shared>> -> memref<10000x64xf32, #tpu.memory_space<vmem_shared>>
      tpu.wait_indirect_dma semaphore(%arg19 : memref<!tpu.dma_semaphore, #tpu.memory_space<semaphore_mem>>) src(%arg9 : memref<128x64xf32, #tpu.memory_space<vmem>>) dst(%dma_wait3A_100 : memref<10000x64xf32, #tpu.memory_space<vmem_shared>>)
      %dma_wait3A_101 = arith.constant 18 : i32
      %dma_wait3A_102 = arith.constant 0 : i32
      %dma_wait3A_103 = tpu.memref_slice %arg7[%dma_wait3A_101, %dma_wait3A_102] : memref<80x128xi32, #tpu.memory_space<vmem>> -> memref<1x128xi32, #tpu.memory_space<vmem>>
      %dma_wait3A_104 = tpu.memref_squeeze %dma_wait3A_103 : memref<1x128xi32, #tpu.memory_space<vmem>> -> memref<128xi32, #tpu.memory_space<vmem>>
      %dma_wait3A_105 = arith.constant 0 : i32
      %dma_wait3A_106 = arith.constant 0 : i32
      %dma_wait3A_107 = tpu.memref_slice %arg13[%dma_wait3A_105, %dma_wait3A_106] : memref<10000x64xf32, #tpu.memory_space<vmem_shared>> -> memref<10000x64xf32, #tpu.memory_space<vmem_shared>>
      tpu.wait_indirect_dma semaphore(%arg20 : memref<!tpu.dma_semaphore, #tpu.memory_space<semaphore_mem>>) src(%arg10 : memref<128x64xf32, #tpu.memory_space<vmem>>) dst(%dma_wait3A_107 : memref<10000x64xf32, #tpu.memory_space<vmem_shared>>)
      %dma_wait3A_108 = arith.constant 19 : i32
      %dma_wait3A_109 = arith.constant 0 : i32
      %dma_wait3A_110 = tpu.memref_slice %arg7[%dma_wait3A_108, %dma_wait3A_109] : memref<80x128xi32, #tpu.memory_space<vmem>> -> memref<1x128xi32, #tpu.memory_space<vmem>>
      %dma_wait3A_111 = tpu.memref_squeeze %dma_wait3A_110 : memref<1x128xi32, #tpu.memory_space<vmem>> -> memref<128xi32, #tpu.memory_space<vmem>>
      %dma_wait3A_112 = arith.constant 0 : i32
      %dma_wait3A_113 = arith.constant 0 : i32
      %dma_wait3A_114 = tpu.memref_slice %arg13[%dma_wait3A_112, %dma_wait3A_113] : memref<10000x64xf32, #tpu.memory_space<vmem_shared>> -> memref<10000x64xf32, #tpu.memory_space<vmem_shared>>
      tpu.wait_indirect_dma semaphore(%arg21 : memref<!tpu.dma_semaphore, #tpu.memory_space<semaphore_mem>>) src(%arg11 : memref<128x64xf32, #tpu.memory_space<vmem>>) dst(%dma_wait3A_114 : memref<10000x64xf32, #tpu.memory_space<vmem_shared>>)
    } else {
    }
    %barrier3A_34 = arith.constant 0 : index
    tpu.barrier barrier_id(%barrier3A_34)
    %mul3A_35 = arith.constant 625 : i32
    %mul3A_36 = arith.muli %arg1, %mul3A_35 : i32
    %add3A_37 = arith.constant 0 : i32
    %add3A_38 = arith.addi %mul3A_36, %add3A_37 : i32
    "tpu.region"() ({
      %run_scoped3A = tpu.sem_alloc : memref<!tpu.dma_semaphore, #tpu.memory_space<semaphore_mem>>
      %dma_start3A = arith.constant 0 : i32
      %dma_start3A_55 = tpu.memref_slice %arg13[%add3A_38, %dma_start3A] : memref<10000x64xf32, #tpu.memory_space<vmem_shared>> -> memref<125x64xf32, #tpu.memory_space<vmem_shared>>
      %dma_start3A_56 = arith.constant 0 : i32
      %dma_start3A_57 = tpu.memref_slice %arg13[%add3A_38, %dma_start3A_56] : memref<10000x64xf32, #tpu.memory_space<vmem_shared>> -> memref<125x64xf32, #tpu.memory_space<vmem_shared>>
      tpu.enqueue_dma source(%dma_start3A_57 : memref<125x64xf32, #tpu.memory_space<vmem_shared>>) target(%arg12 : memref<125x64xf32, #tpu.memory_space<vmem>>) target_semaphore(%run_scoped3A : memref<!tpu.dma_semaphore, #tpu.memory_space<semaphore_mem>>)
      %dma_wait3A = arith.constant 0 : i32
      %dma_wait3A_58 = tpu.memref_slice %arg13[%add3A_38, %dma_wait3A] : memref<10000x64xf32, #tpu.memory_space<vmem_shared>> -> memref<125x64xf32, #tpu.memory_space<vmem_shared>>
      %dma_wait3A_59 = arith.constant 0 : i32
      %dma_wait3A_60 = tpu.memref_slice %arg13[%add3A_38, %dma_wait3A_59] : memref<10000x64xf32, #tpu.memory_space<vmem_shared>> -> memref<125x64xf32, #tpu.memory_space<vmem_shared>>
      tpu.wait_dma2 semaphore(%run_scoped3A : memref<!tpu.dma_semaphore, #tpu.memory_space<semaphore_mem>>) src(%dma_wait3A_60 : memref<125x64xf32, #tpu.memory_space<vmem_shared>>) dst(%arg12 : memref<125x64xf32, #tpu.memory_space<vmem>>)
      tpu.yield
    }) : () -> ()
    "tpu.region"() ({
      %run_scoped3A = tpu.sem_alloc : memref<!tpu.dma_semaphore, #tpu.memory_space<semaphore_mem>>
      %dma_start3A = arith.constant 0 : i32
      %dma_start3A_55 = tpu.memref_slice %arg5[%arg0, %add3A_38, %dma_start3A] : memref<2x10000x64xf32, #tpu.memory_space<hbm>> -> memref<1x125x64xf32, #tpu.memory_space<hbm>>
      %dma_start3A_56 = tpu.memref_squeeze %dma_start3A_55 : memref<1x125x64xf32, #tpu.memory_space<hbm>> -> memref<125x64xf32, #tpu.memory_space<hbm>>
      %dma_start3A_57 = arith.constant 0 : i32
      %dma_start3A_58 = tpu.memref_slice %arg5[%arg0, %add3A_38, %dma_start3A_57] : memref<2x10000x64xf32, #tpu.memory_space<hbm>> -> memref<1x125x64xf32, #tpu.memory_space<hbm>>
      %dma_start3A_59 = tpu.memref_squeeze %dma_start3A_58 : memref<1x125x64xf32, #tpu.memory_space<hbm>> -> memref<125x64xf32, #tpu.memory_space<hbm>>
      tpu.enqueue_dma source(%arg12 : memref<125x64xf32, #tpu.memory_space<vmem>>) target(%dma_start3A_59 : memref<125x64xf32, #tpu.memory_space<hbm>>) target_semaphore(%run_scoped3A : memref<!tpu.dma_semaphore, #tpu.memory_space<semaphore_mem>>)
      %dma_wait3A = arith.constant 0 : i32
      %dma_wait3A_60 = tpu.memref_slice %arg5[%arg0, %add3A_38, %dma_wait3A] : memref<2x10000x64xf32, #tpu.memory_space<hbm>> -> memref<1x125x64xf32, #tpu.memory_space<hbm>>
      %dma_wait3A_61 = tpu.memref_squeeze %dma_wait3A_60 : memref<1x125x64xf32, #tpu.memory_space<hbm>> -> memref<125x64xf32, #tpu.memory_space<hbm>>
      %dma_wait3A_62 = arith.constant 0 : i32
      %dma_wait3A_63 = tpu.memref_slice %arg5[%arg0, %add3A_38, %dma_wait3A_62] : memref<2x10000x64xf32, #tpu.memory_space<hbm>> -> memref<1x125x64xf32, #tpu.memory_space<hbm>>
      %dma_wait3A_64 = tpu.memref_squeeze %dma_wait3A_63 : memref<1x125x64xf32, #tpu.memory_space<hbm>> -> memref<125x64xf32, #tpu.memory_space<hbm>>
      tpu.wait_dma2 semaphore(%run_scoped3A : memref<!tpu.dma_semaphore, #tpu.memory_space<semaphore_mem>>) src(%arg12 : memref<125x64xf32, #tpu.memory_space<vmem>>) dst(%dma_wait3A_64 : memref<125x64xf32, #tpu.memory_space<hbm>>)
      tpu.yield
    }) : () -> ()
    %mul3A_39 = arith.constant 625 : i32
    %mul3A_40 = arith.muli %arg1, %mul3A_39 : i32
    %add3A_41 = arith.constant 125 : i32
    %add3A_42 = arith.addi %mul3A_40, %add3A_41 : i32
    "tpu.region"() ({
      %run_scoped3A = tpu.sem_alloc : memref<!tpu.dma_semaphore, #tpu.memory_space<semaphore_mem>>
      %dma_start3A = arith.constant 0 : i32
      %dma_start3A_55 = tpu.memref_slice %arg13[%add3A_42, %dma_start3A] : memref<10000x64xf32, #tpu.memory_space<vmem_shared>> -> memref<125x64xf32, #tpu.memory_space<vmem_shared>>
      %dma_start3A_56 = arith.constant 0 : i32
      %dma_start3A_57 = tpu.memref_slice %arg13[%add3A_42, %dma_start3A_56] : memref<10000x64xf32, #tpu.memory_space<vmem_shared>> -> memref<125x64xf32, #tpu.memory_space<vmem_shared>>
      tpu.enqueue_dma source(%dma_start3A_57 : memref<125x64xf32, #tpu.memory_space<vmem_shared>>) target(%arg12 : memref<125x64xf32, #tpu.memory_space<vmem>>) target_semaphore(%run_scoped3A : memref<!tpu.dma_semaphore, #tpu.memory_space<semaphore_mem>>)
      %dma_wait3A = arith.constant 0 : i32
      %dma_wait3A_58 = tpu.memref_slice %arg13[%add3A_42, %dma_wait3A] : memref<10000x64xf32, #tpu.memory_space<vmem_shared>> -> memref<125x64xf32, #tpu.memory_space<vmem_shared>>
      %dma_wait3A_59 = arith.constant 0 : i32
      %dma_wait3A_60 = tpu.memref_slice %arg13[%add3A_42, %dma_wait3A_59] : memref<10000x64xf32, #tpu.memory_space<vmem_shared>> -> memref<125x64xf32, #tpu.memory_space<vmem_shared>>
      tpu.wait_dma2 semaphore(%run_scoped3A : memref<!tpu.dma_semaphore, #tpu.memory_space<semaphore_mem>>) src(%dma_wait3A_60 : memref<125x64xf32, #tpu.memory_space<vmem_shared>>) dst(%arg12 : memref<125x64xf32, #tpu.memory_space<vmem>>)
      tpu.yield
    }) : () -> ()
    "tpu.region"() ({
      %run_scoped3A = tpu.sem_alloc : memref<!tpu.dma_semaphore, #tpu.memory_space<semaphore_mem>>
      %dma_start3A = arith.constant 0 : i32
      %dma_start3A_55 = tpu.memref_slice %arg5[%arg0, %add3A_42, %dma_start3A] : memref<2x10000x64xf32, #tpu.memory_space<hbm>> -> memref<1x125x64xf32, #tpu.memory_space<hbm>>
      %dma_start3A_56 = tpu.memref_squeeze %dma_start3A_55 : memref<1x125x64xf32, #tpu.memory_space<hbm>> -> memref<125x64xf32, #tpu.memory_space<hbm>>
      %dma_start3A_57 = arith.constant 0 : i32
      %dma_start3A_58 = tpu.memref_slice %arg5[%arg0, %add3A_42, %dma_start3A_57] : memref<2x10000x64xf32, #tpu.memory_space<hbm>> -> memref<1x125x64xf32, #tpu.memory_space<hbm>>
      %dma_start3A_59 = tpu.memref_squeeze %dma_start3A_58 : memref<1x125x64xf32, #tpu.memory_space<hbm>> -> memref<125x64xf32, #tpu.memory_space<hbm>>
      tpu.enqueue_dma source(%arg12 : memref<125x64xf32, #tpu.memory_space<vmem>>) target(%dma_start3A_59 : memref<125x64xf32, #tpu.memory_space<hbm>>) target_semaphore(%run_scoped3A : memref<!tpu.dma_semaphore, #tpu.memory_space<semaphore_mem>>)
      %dma_wait3A = arith.constant 0 : i32
      %dma_wait3A_60 = tpu.memref_slice %arg5[%arg0, %add3A_42, %dma_wait3A] : memref<2x10000x64xf32, #tpu.memory_space<hbm>> -> memref<1x125x64xf32, #tpu.memory_space<hbm>>
      %dma_wait3A_61 = tpu.memref_squeeze %dma_wait3A_60 : memref<1x125x64xf32, #tpu.memory_space<hbm>> -> memref<125x64xf32, #tpu.memory_space<hbm>>
      %dma_wait3A_62 = arith.constant 0 : i32
      %dma_wait3A_63 = tpu.memref_slice %arg5[%arg0, %add3A_42, %dma_wait3A_62] : memref<2x10000x64xf32, #tpu.memory_space<hbm>> -> memref<1x125x64xf32, #tpu.memory_space<hbm>>
      %dma_wait3A_64 = tpu.memref_squeeze %dma_wait3A_63 : memref<1x125x64xf32, #tpu.memory_space<hbm>> -> memref<125x64xf32, #tpu.memory_space<hbm>>
      tpu.wait_dma2 semaphore(%run_scoped3A : memref<!tpu.dma_semaphore, #tpu.memory_space<semaphore_mem>>) src(%arg12 : memref<125x64xf32, #tpu.memory_space<vmem>>) dst(%dma_wait3A_64 : memref<125x64xf32, #tpu.memory_space<hbm>>)
      tpu.yield
    }) : () -> ()
    %mul3A_43 = arith.constant 625 : i32
    %mul3A_44 = arith.muli %arg1, %mul3A_43 : i32
    %add3A_45 = arith.constant 250 : i32
    %add3A_46 = arith.addi %mul3A_44, %add3A_45 : i32
    "tpu.region"() ({
      %run_scoped3A = tpu.sem_alloc : memref<!tpu.dma_semaphore, #tpu.memory_space<semaphore_mem>>
      %dma_start3A = arith.constant 0 : i32
      %dma_start3A_55 = tpu.memref_slice %arg13[%add3A_46, %dma_start3A] : memref<10000x64xf32, #tpu.memory_space<vmem_shared>> -> memref<125x64xf32, #tpu.memory_space<vmem_shared>>
      %dma_start3A_56 = arith.constant 0 : i32
      %dma_start3A_57 = tpu.memref_slice %arg13[%add3A_46, %dma_start3A_56] : memref<10000x64xf32, #tpu.memory_space<vmem_shared>> -> memref<125x64xf32, #tpu.memory_space<vmem_shared>>
      tpu.enqueue_dma source(%dma_start3A_57 : memref<125x64xf32, #tpu.memory_space<vmem_shared>>) target(%arg12 : memref<125x64xf32, #tpu.memory_space<vmem>>) target_semaphore(%run_scoped3A : memref<!tpu.dma_semaphore, #tpu.memory_space<semaphore_mem>>)
      %dma_wait3A = arith.constant 0 : i32
      %dma_wait3A_58 = tpu.memref_slice %arg13[%add3A_46, %dma_wait3A] : memref<10000x64xf32, #tpu.memory_space<vmem_shared>> -> memref<125x64xf32, #tpu.memory_space<vmem_shared>>
      %dma_wait3A_59 = arith.constant 0 : i32
      %dma_wait3A_60 = tpu.memref_slice %arg13[%add3A_46, %dma_wait3A_59] : memref<10000x64xf32, #tpu.memory_space<vmem_shared>> -> memref<125x64xf32, #tpu.memory_space<vmem_shared>>
      tpu.wait_dma2 semaphore(%run_scoped3A : memref<!tpu.dma_semaphore, #tpu.memory_space<semaphore_mem>>) src(%dma_wait3A_60 : memref<125x64xf32, #tpu.memory_space<vmem_shared>>) dst(%arg12 : memref<125x64xf32, #tpu.memory_space<vmem>>)
      tpu.yield
    }) : () -> ()
    "tpu.region"() ({
      %run_scoped3A = tpu.sem_alloc : memref<!tpu.dma_semaphore, #tpu.memory_space<semaphore_mem>>
      %dma_start3A = arith.constant 0 : i32
      %dma_start3A_55 = tpu.memref_slice %arg5[%arg0, %add3A_46, %dma_start3A] : memref<2x10000x64xf32, #tpu.memory_space<hbm>> -> memref<1x125x64xf32, #tpu.memory_space<hbm>>
      %dma_start3A_56 = tpu.memref_squeeze %dma_start3A_55 : memref<1x125x64xf32, #tpu.memory_space<hbm>> -> memref<125x64xf32, #tpu.memory_space<hbm>>
      %dma_start3A_57 = arith.constant 0 : i32
      %dma_start3A_58 = tpu.memref_slice %arg5[%arg0, %add3A_46, %dma_start3A_57] : memref<2x10000x64xf32, #tpu.memory_space<hbm>> -> memref<1x125x64xf32, #tpu.memory_space<hbm>>
      %dma_start3A_59 = tpu.memref_squeeze %dma_start3A_58 : memref<1x125x64xf32, #tpu.memory_space<hbm>> -> memref<125x64xf32, #tpu.memory_space<hbm>>
      tpu.enqueue_dma source(%arg12 : memref<125x64xf32, #tpu.memory_space<vmem>>) target(%dma_start3A_59 : memref<125x64xf32, #tpu.memory_space<hbm>>) target_semaphore(%run_scoped3A : memref<!tpu.dma_semaphore, #tpu.memory_space<semaphore_mem>>)
      %dma_wait3A = arith.constant 0 : i32
      %dma_wait3A_60 = tpu.memref_slice %arg5[%arg0, %add3A_46, %dma_wait3A] : memref<2x10000x64xf32, #tpu.memory_space<hbm>> -> memref<1x125x64xf32, #tpu.memory_space<hbm>>
      %dma_wait3A_61 = tpu.memref_squeeze %dma_wait3A_60 : memref<1x125x64xf32, #tpu.memory_space<hbm>> -> memref<125x64xf32, #tpu.memory_space<hbm>>
      %dma_wait3A_62 = arith.constant 0 : i32
      %dma_wait3A_63 = tpu.memref_slice %arg5[%arg0, %add3A_46, %dma_wait3A_62] : memref<2x10000x64xf32, #tpu.memory_space<hbm>> -> memref<1x125x64xf32, #tpu.memory_space<hbm>>
      %dma_wait3A_64 = tpu.memref_squeeze %dma_wait3A_63 : memref<1x125x64xf32, #tpu.memory_space<hbm>> -> memref<125x64xf32, #tpu.memory_space<hbm>>
      tpu.wait_dma2 semaphore(%run_scoped3A : memref<!tpu.dma_semaphore, #tpu.memory_space<semaphore_mem>>) src(%arg12 : memref<125x64xf32, #tpu.memory_space<vmem>>) dst(%dma_wait3A_64 : memref<125x64xf32, #tpu.memory_space<hbm>>)
      tpu.yield
    }) : () -> ()
    %mul3A_47 = arith.constant 625 : i32
    %mul3A_48 = arith.muli %arg1, %mul3A_47 : i32
    %add3A_49 = arith.constant 375 : i32
    %add3A_50 = arith.addi %mul3A_48, %add3A_49 : i32
    "tpu.region"() ({
      %run_scoped3A = tpu.sem_alloc : memref<!tpu.dma_semaphore, #tpu.memory_space<semaphore_mem>>
      %dma_start3A = arith.constant 0 : i32
      %dma_start3A_55 = tpu.memref_slice %arg13[%add3A_50, %dma_start3A] : memref<10000x64xf32, #tpu.memory_space<vmem_shared>> -> memref<125x64xf32, #tpu.memory_space<vmem_shared>>
      %dma_start3A_56 = arith.constant 0 : i32
      %dma_start3A_57 = tpu.memref_slice %arg13[%add3A_50, %dma_start3A_56] : memref<10000x64xf32, #tpu.memory_space<vmem_shared>> -> memref<125x64xf32, #tpu.memory_space<vmem_shared>>
      tpu.enqueue_dma source(%dma_start3A_57 : memref<125x64xf32, #tpu.memory_space<vmem_shared>>) target(%arg12 : memref<125x64xf32, #tpu.memory_space<vmem>>) target_semaphore(%run_scoped3A : memref<!tpu.dma_semaphore, #tpu.memory_space<semaphore_mem>>)
      %dma_wait3A = arith.constant 0 : i32
      %dma_wait3A_58 = tpu.memref_slice %arg13[%add3A_50, %dma_wait3A] : memref<10000x64xf32, #tpu.memory_space<vmem_shared>> -> memref<125x64xf32, #tpu.memory_space<vmem_shared>>
      %dma_wait3A_59 = arith.constant 0 : i32
      %dma_wait3A_60 = tpu.memref_slice %arg13[%add3A_50, %dma_wait3A_59] : memref<10000x64xf32, #tpu.memory_space<vmem_shared>> -> memref<125x64xf32, #tpu.memory_space<vmem_shared>>
      tpu.wait_dma2 semaphore(%run_scoped3A : memref<!tpu.dma_semaphore, #tpu.memory_space<semaphore_mem>>) src(%dma_wait3A_60 : memref<125x64xf32, #tpu.memory_space<vmem_shared>>) dst(%arg12 : memref<125x64xf32, #tpu.memory_space<vmem>>)
      tpu.yield
    }) : () -> ()
    "tpu.region"() ({
      %run_scoped3A = tpu.sem_alloc : memref<!tpu.dma_semaphore, #tpu.memory_space<semaphore_mem>>
      %dma_start3A = arith.constant 0 : i32
      %dma_start3A_55 = tpu.memref_slice %arg5[%arg0, %add3A_50, %dma_start3A] : memref<2x10000x64xf32, #tpu.memory_space<hbm>> -> memref<1x125x64xf32, #tpu.memory_space<hbm>>
      %dma_start3A_56 = tpu.memref_squeeze %dma_start3A_55 : memref<1x125x64xf32, #tpu.memory_space<hbm>> -> memref<125x64xf32, #tpu.memory_space<hbm>>
      %dma_start3A_57 = arith.constant 0 : i32
      %dma_start3A_58 = tpu.memref_slice %arg5[%arg0, %add3A_50, %dma_start3A_57] : memref<2x10000x64xf32, #tpu.memory_space<hbm>> -> memref<1x125x64xf32, #tpu.memory_space<hbm>>
      %dma_start3A_59 = tpu.memref_squeeze %dma_start3A_58 : memref<1x125x64xf32, #tpu.memory_space<hbm>> -> memref<125x64xf32, #tpu.memory_space<hbm>>
      tpu.enqueue_dma source(%arg12 : memref<125x64xf32, #tpu.memory_space<vmem>>) target(%dma_start3A_59 : memref<125x64xf32, #tpu.memory_space<hbm>>) target_semaphore(%run_scoped3A : memref<!tpu.dma_semaphore, #tpu.memory_space<semaphore_mem>>)
      %dma_wait3A = arith.constant 0 : i32
      %dma_wait3A_60 = tpu.memref_slice %arg5[%arg0, %add3A_50, %dma_wait3A] : memref<2x10000x64xf32, #tpu.memory_space<hbm>> -> memref<1x125x64xf32, #tpu.memory_space<hbm>>
      %dma_wait3A_61 = tpu.memref_squeeze %dma_wait3A_60 : memref<1x125x64xf32, #tpu.memory_space<hbm>> -> memref<125x64xf32, #tpu.memory_space<hbm>>
      %dma_wait3A_62 = arith.constant 0 : i32
      %dma_wait3A_63 = tpu.memref_slice %arg5[%arg0, %add3A_50, %dma_wait3A_62] : memref<2x10000x64xf32, #tpu.memory_space<hbm>> -> memref<1x125x64xf32, #tpu.memory_space<hbm>>
      %dma_wait3A_64 = tpu.memref_squeeze %dma_wait3A_63 : memref<1x125x64xf32, #tpu.memory_space<hbm>> -> memref<125x64xf32, #tpu.memory_space<hbm>>
      tpu.wait_dma2 semaphore(%run_scoped3A : memref<!tpu.dma_semaphore, #tpu.memory_space<semaphore_mem>>) src(%arg12 : memref<125x64xf32, #tpu.memory_space<vmem>>) dst(%dma_wait3A_64 : memref<125x64xf32, #tpu.memory_space<hbm>>)
      tpu.yield
    }) : () -> ()
    %mul3A_51 = arith.constant 625 : i32
    %mul3A_52 = arith.muli %arg1, %mul3A_51 : i32
    %add3A_53 = arith.constant 500 : i32
    %add3A_54 = arith.addi %mul3A_52, %add3A_53 : i32
    "tpu.region"() ({
      %run_scoped3A = tpu.sem_alloc : memref<!tpu.dma_semaphore, #tpu.memory_space<semaphore_mem>>
      %dma_start3A = arith.constant 0 : i32
      %dma_start3A_55 = tpu.memref_slice %arg13[%add3A_54, %dma_start3A] : memref<10000x64xf32, #tpu.memory_space<vmem_shared>> -> memref<125x64xf32, #tpu.memory_space<vmem_shared>>
      %dma_start3A_56 = arith.constant 0 : i32
      %dma_start3A_57 = tpu.memref_slice %arg13[%add3A_54, %dma_start3A_56] : memref<10000x64xf32, #tpu.memory_space<vmem_shared>> -> memref<125x64xf32, #tpu.memory_space<vmem_shared>>
      tpu.enqueue_dma source(%dma_start3A_57 : memref<125x64xf32, #tpu.memory_space<vmem_shared>>) target(%arg12 : memref<125x64xf32, #tpu.memory_space<vmem>>) target_semaphore(%run_scoped3A : memref<!tpu.dma_semaphore, #tpu.memory_space<semaphore_mem>>)
      %dma_wait3A = arith.constant 0 : i32
      %dma_wait3A_58 = tpu.memref_slice %arg13[%add3A_54, %dma_wait3A] : memref<10000x64xf32, #tpu.memory_space<vmem_shared>> -> memref<125x64xf32, #tpu.memory_space<vmem_shared>>
      %dma_wait3A_59 = arith.constant 0 : i32
      %dma_wait3A_60 = tpu.memref_slice %arg13[%add3A_54, %dma_wait3A_59] : memref<10000x64xf32, #tpu.memory_space<vmem_shared>> -> memref<125x64xf32, #tpu.memory_space<vmem_shared>>
      tpu.wait_dma2 semaphore(%run_scoped3A : memref<!tpu.dma_semaphore, #tpu.memory_space<semaphore_mem>>) src(%dma_wait3A_60 : memref<125x64xf32, #tpu.memory_space<vmem_shared>>) dst(%arg12 : memref<125x64xf32, #tpu.memory_space<vmem>>)
      tpu.yield
    }) : () -> ()
    "tpu.region"() ({
      %run_scoped3A = tpu.sem_alloc : memref<!tpu.dma_semaphore, #tpu.memory_space<semaphore_mem>>
      %dma_start3A = arith.constant 0 : i32
      %dma_start3A_55 = tpu.memref_slice %arg5[%arg0, %add3A_54, %dma_start3A] : memref<2x10000x64xf32, #tpu.memory_space<hbm>> -> memref<1x125x64xf32, #tpu.memory_space<hbm>>
      %dma_start3A_56 = tpu.memref_squeeze %dma_start3A_55 : memref<1x125x64xf32, #tpu.memory_space<hbm>> -> memref<125x64xf32, #tpu.memory_space<hbm>>
      %dma_start3A_57 = arith.constant 0 : i32
      %dma_start3A_58 = tpu.memref_slice %arg5[%arg0, %add3A_54, %dma_start3A_57] : memref<2x10000x64xf32, #tpu.memory_space<hbm>> -> memref<1x125x64xf32, #tpu.memory_space<hbm>>
      %dma_start3A_59 = tpu.memref_squeeze %dma_start3A_58 : memref<1x125x64xf32, #tpu.memory_space<hbm>> -> memref<125x64xf32, #tpu.memory_space<hbm>>
      tpu.enqueue_dma source(%arg12 : memref<125x64xf32, #tpu.memory_space<vmem>>) target(%dma_start3A_59 : memref<125x64xf32, #tpu.memory_space<hbm>>) target_semaphore(%run_scoped3A : memref<!tpu.dma_semaphore, #tpu.memory_space<semaphore_mem>>)
      %dma_wait3A = arith.constant 0 : i32
      %dma_wait3A_60 = tpu.memref_slice %arg5[%arg0, %add3A_54, %dma_wait3A] : memref<2x10000x64xf32, #tpu.memory_space<hbm>> -> memref<1x125x64xf32, #tpu.memory_space<hbm>>
      %dma_wait3A_61 = tpu.memref_squeeze %dma_wait3A_60 : memref<1x125x64xf32, #tpu.memory_space<hbm>> -> memref<125x64xf32, #tpu.memory_space<hbm>>
      %dma_wait3A_62 = arith.constant 0 : i32
      %dma_wait3A_63 = tpu.memref_slice %arg5[%arg0, %add3A_54, %dma_wait3A_62] : memref<2x10000x64xf32, #tpu.memory_space<hbm>> -> memref<1x125x64xf32, #tpu.memory_space<hbm>>
      %dma_wait3A_64 = tpu.memref_squeeze %dma_wait3A_63 : memref<1x125x64xf32, #tpu.memory_space<hbm>> -> memref<125x64xf32, #tpu.memory_space<hbm>>
      tpu.wait_dma2 semaphore(%run_scoped3A : memref<!tpu.dma_semaphore, #tpu.memory_space<semaphore_mem>>) src(%arg12 : memref<125x64xf32, #tpu.memory_space<vmem>>) dst(%dma_wait3A_64 : memref<125x64xf32, #tpu.memory_space<hbm>>)
      tpu.yield
    }) : () -> ()
    return
  }
}

module attributes {stable_mosaic.version = 14 : i64} {
  func.func @_dense1_body(%arg0: memref<10000x128xf32, #tpu.memory_space<vmem>>, %arg1: memref<128x64xf32, #tpu.memory_space<vmem>>, %arg2: memref<1x64xf32, #tpu.memory_space<vmem>>, %arg3: memref<10000x64xf32, #tpu.memory_space<vmem>>) attributes {dimension_semantics = [], scalar_prefetch = 0 : i64, scratch_operands = 0 : i64, tpu.core_type = #tpu.core_type<tc>} {
    %get3A = arith.constant 0 : index
    %get3A_0 = arith.constant 0 : index
    %get3A_1 = vector.load %arg0[%get3A, %get3A_0] : memref<10000x128xf32, #tpu.memory_space<vmem>>, vector<10000x128xf32>
    %get3A_2 = arith.constant 0 : index
    %get3A_3 = arith.constant 0 : index
    %get3A_4 = vector.load %arg1[%get3A_2, %get3A_3] : memref<128x64xf32, #tpu.memory_space<vmem>>, vector<128x64xf32>
    %dot_general3A = arith.constant dense<0.000000e+00> : vector<10000x64xf32>
    %dot_general3A_5 = tpu.matmul %get3A_1, %get3A_4, %dot_general3A {dimension_numbers = #tpu.dot_dimension_numbers<[1], [0], [0], [1], [0, 0, 1, 1], [], []>, transpose_lhs_hint = false} : vector<10000x128xf32>, vector<128x64xf32>, vector<10000x64xf32> -> vector<10000x64xf32>
    %get3A_6 = arith.constant 0 : index
    %get3A_7 = arith.constant 0 : index
    %get3A_8 = vector.load %arg2[%get3A_6, %get3A_7] : memref<1x64xf32, #tpu.memory_space<vmem>>, vector<1x64xf32>
    %add3A = vector.broadcast %get3A_8 : vector<1x64xf32> to vector<10000x64xf32>
    %add3A_9 = arith.addf %dot_general3A_5, %add3A : vector<10000x64xf32>
    %swap3A = arith.constant 0 : index
    %swap3A_10 = arith.constant 0 : index
    %swap3A_11 = vector.load %arg3[%swap3A, %swap3A_10] : memref<10000x64xf32, #tpu.memory_space<vmem>>, vector<10000x64xf32>
    tpu.vector_store %arg3[%swap3A, %swap3A_10], %add3A_9 {strides = array<i32>} : memref<10000x64xf32, #tpu.memory_space<vmem>>, vector<10000x64xf32>,
    return
  }
}

module attributes {stable_mosaic.version = 14 : i64} {
  func.func @_dense2_body(%arg0: memref<2x10000x64xf32, #tpu.memory_space<vmem>>, %arg1: memref<64x64xf32, #tpu.memory_space<vmem>>, %arg2: memref<1x64xf32, #tpu.memory_space<vmem>>, %arg3: memref<10000x64xf32, #tpu.memory_space<vmem>>) attributes {dimension_semantics = [], scalar_prefetch = 0 : i64, scratch_operands = 0 : i64, tpu.core_type = #tpu.core_type<tc>} {
    %get3A = arith.constant 0 : index
    %get3A_0 = arith.constant 0 : index
    %get3A_1 = arith.constant 0 : index
    %get3A_2 = vector.load %arg0[%get3A, %get3A_0, %get3A_1] : memref<2x10000x64xf32, #tpu.memory_space<vmem>>, vector<1x10000x64xf32>
    %get3A_3 = vector.shape_cast %get3A_2 : vector<1x10000x64xf32> to vector<10000x64xf32>
    %get3A_4 = arith.constant 1 : index
    %get3A_5 = arith.constant 0 : index
    %get3A_6 = arith.constant 0 : index
    %get3A_7 = vector.load %arg0[%get3A_4, %get3A_5, %get3A_6] : memref<2x10000x64xf32, #tpu.memory_space<vmem>>, vector<1x10000x64xf32>
    %get3A_8 = vector.shape_cast %get3A_7 : vector<1x10000x64xf32> to vector<10000x64xf32>
    %add3A = arith.addf %get3A_3, %get3A_8 : vector<10000x64xf32>
    %gt3A = arith.constant 0.000000e+00 : f32
    %gt3A_9 = vector.broadcast %gt3A : f32 to vector<10000x64xf32>
    %gt3A_10 = arith.cmpf ogt, %add3A, %gt3A_9 : vector<10000x64xf32>
    %min3A = arith.constant 0.000000e+00 : f32
    %min3A_11 = vector.broadcast %min3A : f32 to vector<10000x64xf32>
    %min3A_12 = arith.minimumf %add3A, %min3A_11 : vector<10000x64xf32>
    %exp3A = math.exp %min3A_12 : vector<10000x64xf32>
    %sub3A = arith.constant 1.000000e+00 : f32
    %sub3A_13 = vector.broadcast %sub3A : f32 to vector<10000x64xf32>
    %sub3A_14 = arith.subf %exp3A, %sub3A_13 : vector<10000x64xf32>
    %select_n3A = arith.select %gt3A_10, %add3A, %sub3A_14 : vector<10000x64xi1>, vector<10000x64xf32>
    %get3A_15 = arith.constant 0 : index
    %get3A_16 = arith.constant 0 : index
    %get3A_17 = vector.load %arg1[%get3A_15, %get3A_16] : memref<64x64xf32, #tpu.memory_space<vmem>>, vector<64x64xf32>
    %dot_general3A = arith.constant dense<0.000000e+00> : vector<10000x64xf32>
    %dot_general3A_18 = tpu.matmul %select_n3A, %get3A_17, %dot_general3A {dimension_numbers = #tpu.dot_dimension_numbers<[1], [0], [0], [1], [0, 0, 1, 1], [], []>, transpose_lhs_hint = false} : vector<10000x64xf32>, vector<64x64xf32>, vector<10000x64xf32> -> vector<10000x64xf32>
    %get3A_19 = arith.constant 0 : index
    %get3A_20 = arith.constant 0 : index
    %get3A_21 = vector.load %arg2[%get3A_19, %get3A_20] : memref<1x64xf32, #tpu.memory_space<vmem>>, vector<1x64xf32>
    %add3A_22 = vector.broadcast %get3A_21 : vector<1x64xf32> to vector<10000x64xf32>
    %add3A_23 = arith.addf %dot_general3A_18, %add3A_22 : vector<10000x64xf32>
    %swap3A = arith.constant 0 : index
    %swap3A_24 = arith.constant 0 : index
    %swap3A_25 = vector.load %arg3[%swap3A, %swap3A_24] : memref<10000x64xf32, #tpu.memory_space<vmem>>, vector<10000x64xf32>
    tpu.vector_store %arg3[%swap3A, %swap3A_24], %add3A_23 {strides = array<i32>} : memref<10000x64xf32, #tpu.memory_space<vmem>>, vector<10000x64xf32>,
    return
  }
}

module attributes {stable_mosaic.version = 14 : i64} {
  func.func @_combine_body(%arg0: memref<2x10000x64xf32, #tpu.memory_space<vmem>>, %arg1: memref<10000x64xf32, #tpu.memory_space<vmem>>) attributes {dimension_semantics = [], scalar_prefetch = 0 : i64, scratch_operands = 0 : i64, tpu.core_type = #tpu.core_type<tc>} {
    %get3A = arith.constant 0 : index
    %get3A_0 = arith.constant 0 : index
    %get3A_1 = arith.constant 0 : index
    %get3A_2 = vector.load %arg0[%get3A, %get3A_0, %get3A_1] : memref<2x10000x64xf32, #tpu.memory_space<vmem>>, vector<1x10000x64xf32>
    %get3A_3 = vector.shape_cast %get3A_2 : vector<1x10000x64xf32> to vector<10000x64xf32>
    %get3A_4 = arith.constant 1 : index
    %get3A_5 = arith.constant 0 : index
    %get3A_6 = arith.constant 0 : index
    %get3A_7 = vector.load %arg0[%get3A_4, %get3A_5, %get3A_6] : memref<2x10000x64xf32, #tpu.memory_space<vmem>>, vector<1x10000x64xf32>
    %get3A_8 = vector.shape_cast %get3A_7 : vector<1x10000x64xf32> to vector<10000x64xf32>
    %add3A = arith.addf %get3A_3, %get3A_8 : vector<10000x64xf32>
    %gt3A = arith.constant 0.000000e+00 : f32
    %gt3A_9 = vector.broadcast %gt3A : f32 to vector<10000x64xf32>
    %gt3A_10 = arith.cmpf ogt, %add3A, %gt3A_9 : vector<10000x64xf32>
    %min3A = arith.constant 0.000000e+00 : f32
    %min3A_11 = vector.broadcast %min3A : f32 to vector<10000x64xf32>
    %min3A_12 = arith.minimumf %add3A, %min3A_11 : vector<10000x64xf32>
    %exp3A = math.exp %min3A_12 : vector<10000x64xf32>
    %sub3A = arith.constant 1.000000e+00 : f32
    %sub3A_13 = vector.broadcast %sub3A : f32 to vector<10000x64xf32>
    %sub3A_14 = arith.subf %exp3A, %sub3A_13 : vector<10000x64xf32>
    %select_n3A = arith.select %gt3A_10, %add3A, %sub3A_14 : vector<10000x64xi1>, vector<10000x64xf32>
    %swap3A = arith.constant 0 : index
    %swap3A_15 = arith.constant 0 : index
    %swap3A_16 = vector.load %arg1[%swap3A, %swap3A_15] : memref<10000x64xf32, #tpu.memory_space<vmem>>, vector<10000x64xf32>
    tpu.vector_store %arg1[%swap3A, %swap3A_15], %select_n3A {strides = array<i32>} : memref<10000x64xf32, #tpu.memory_space<vmem>>, vector<10000x64xf32>,
    return
  }
}

module attributes {stable_mosaic.version = 14 : i64} {
  func.func @_head_body(%arg0: memref<100x6400xf32, #tpu.memory_space<vmem>>, %arg1: memref<6400x64xf32, #tpu.memory_space<vmem>>, %arg2: memref<1x64xf32, #tpu.memory_space<vmem>>, %arg3: memref<64x32xf32, #tpu.memory_space<vmem>>, %arg4: memref<1x32xf32, #tpu.memory_space<vmem>>, %arg5: memref<32x1xf32, #tpu.memory_space<vmem>>, %arg6: memref<1x1xf32, #tpu.memory_space<vmem>>, %arg7: memref<100x1xf32, #tpu.memory_space<vmem>>) attributes {dimension_semantics = [], scalar_prefetch = 0 : i64, scratch_operands = 0 : i64, tpu.core_type = #tpu.core_type<tc>} {
    %get3A = arith.constant 0 : index
    %get3A_0 = arith.constant 0 : index
    %get3A_1 = vector.load %arg0[%get3A, %get3A_0] : memref<100x6400xf32, #tpu.memory_space<vmem>>, vector<100x6400xf32>
    %get3A_2 = arith.constant 0 : index
    %get3A_3 = arith.constant 0 : index
    %get3A_4 = vector.load %arg1[%get3A_2, %get3A_3] : memref<6400x64xf32, #tpu.memory_space<vmem>>, vector<6400x64xf32>
    %dot_general3A = arith.constant dense<0.000000e+00> : vector<100x64xf32>
    %dot_general3A_5 = tpu.matmul %get3A_1, %get3A_4, %dot_general3A {dimension_numbers = #tpu.dot_dimension_numbers<[1], [0], [0], [1], [0, 0, 1, 1], [], []>, transpose_lhs_hint = false} : vector<100x6400xf32>, vector<6400x64xf32>, vector<100x64xf32> -> vector<100x64xf32>
    %get3A_6 = arith.constant 0 : index
    %get3A_7 = arith.constant 0 : index
    %get3A_8 = vector.load %arg2[%get3A_6, %get3A_7] : memref<1x64xf32, #tpu.memory_space<vmem>>, vector<1x64xf32>
    %add3A = vector.broadcast %get3A_8 : vector<1x64xf32> to vector<100x64xf32>
    %add3A_9 = arith.addf %dot_general3A_5, %add3A : vector<100x64xf32>
    %max3A = arith.constant 0.000000e+00 : f32
    %max3A_10 = vector.broadcast %max3A : f32 to vector<100x64xf32>
    %max3A_11 = arith.maximumf %add3A_9, %max3A_10 : vector<100x64xf32>
    %get3A_12 = arith.constant 0 : index
    %get3A_13 = arith.constant 0 : index
    %get3A_14 = vector.load %arg3[%get3A_12, %get3A_13] : memref<64x32xf32, #tpu.memory_space<vmem>>, vector<64x32xf32>
    %dot_general3A_15 = arith.constant dense<0.000000e+00> : vector<100x32xf32>
    %dot_general3A_16 = tpu.matmul %max3A_11, %get3A_14, %dot_general3A_15 {dimension_numbers = #tpu.dot_dimension_numbers<[1], [0], [0], [1], [0, 0, 1, 1], [], []>, transpose_lhs_hint = false} : vector<100x64xf32>, vector<64x32xf32>, vector<100x32xf32> -> vector<100x32xf32>
    %get3A_17 = arith.constant 0 : index
    %get3A_18 = arith.constant 0 : index
    %get3A_19 = vector.load %arg4[%get3A_17, %get3A_18] : memref<1x32xf32, #tpu.memory_space<vmem>>, vector<1x32xf32>
    %add3A_20 = vector.broadcast %get3A_19 : vector<1x32xf32> to vector<100x32xf32>
    %add3A_21 = arith.addf %dot_general3A_16, %add3A_20 : vector<100x32xf32>
    %max3A_22 = arith.constant 0.000000e+00 : f32
    %max3A_23 = vector.broadcast %max3A_22 : f32 to vector<100x32xf32>
    %max3A_24 = arith.maximumf %add3A_21, %max3A_23 : vector<100x32xf32>
    %get3A_25 = arith.constant 0 : index
    %get3A_26 = arith.constant 0 : index
    %get3A_27 = vector.load %arg5[%get3A_25, %get3A_26] : memref<32x1xf32, #tpu.memory_space<vmem>>, vector<32x1xf32>
    %dot_general3A_28 = arith.constant dense<0.000000e+00> : vector<100x1xf32>
    %dot_general3A_29 = tpu.matmul %max3A_24, %get3A_27, %dot_general3A_28 {dimension_numbers = #tpu.dot_dimension_numbers<[1], [0], [0], [1], [0, 0, 1, 1], [], []>, transpose_lhs_hint = false} : vector<100x32xf32>, vector<32x1xf32>, vector<100x1xf32> -> vector<100x1xf32>
    %get3A_30 = arith.constant 0 : index
    %get3A_31 = arith.constant 0 : index
    %get3A_32 = vector.load %arg6[%get3A_30, %get3A_31] : memref<1x1xf32, #tpu.memory_space<vmem>>, vector<1x1xf32>
    %add3A_33 = vector.broadcast %get3A_32 : vector<1x1xf32> to vector<100x1xf32>
    %add3A_34 = arith.addf %dot_general3A_29, %add3A_33 : vector<100x1xf32>
    %logistic3A = arith.negf %add3A_34 : vector<100x1xf32>
    %logistic3A_35 = math.exp %logistic3A : vector<100x1xf32>
    %logistic3A_36 = arith.constant 1.000000e+00 : f32
    %logistic3A_37 = vector.broadcast %logistic3A_36 : f32 to vector<100x1xf32>
    %logistic3A_38 = arith.addf %logistic3A_37, %logistic3A_35 : vector<100x1xf32>
    %logistic3A_39 = arith.divf %logistic3A_37, %logistic3A_38 : vector<100x1xf32>
    %swap3A = arith.constant 0 : index
    %swap3A_40 = arith.constant 0 : index
    %swap3A_41 = vector.load %arg7[%swap3A, %swap3A_40] : memref<100x1xf32, #tpu.memory_space<vmem>>, vector<100x1xf32>
    tpu.vector_store %arg7[%swap3A, %swap3A_40], %logistic3A_39 {strides = array<i32>} : memref<100x1xf32, #tpu.memory_space<vmem>>, vector<100x1xf32>,
    return
  }
}

</mosaic_0001>

<sc_bundles>
// kernel: kernel.11.cloned.1.call-start
scs
__scs_entry_jumppad:
0x0: {  	(pc) =	sbr.rel $0x88, $3  }
0x1: {  	(tag) =	ssettag $0x0;
	lr =	simm.s32 $0x1  }
0x2: {  	[smem:$0x3F8D] =	sst lr;
	_ =	strace $0xD0000000  }
0x3: {  	_ = 	snop  }
0x4: {  	_ = 	snop  }
0x5: {  	_ = 	snop  }
0x6: {  	_ = 	snop  }
0x7: {  	_ = 	snop  }
__scs_overlays_trampoline_lowered:
0x8: {  	[smem:$0x3F9C] =	sst s0  }
0x9: {  	[smem:$0x3F9D] =	sst s1  }
0xa: {  	[smem:$0x3F9E] =	sst s2  }
0xb: {  	[smem:$0x3F9F] =	sst s3  }
0xc: {  	[smem:$0x3FA0] =	sst s4  }
0xd: {  	[smem:$0x3FA1] =	sst s5  }
0xe: {  	[smem:$0x3FA2] =	sst s6  }
0xf: {  	[smem:$0x3FA3] =	sst s7  }
0x10: {  	[smem:$0x3FA4] =	sst s8  }
0x11: {  	[smem:$0x3FA5] =	sst s9;
	s0 =	simm.s32 @!p0 $0x0  }
0x12: {  	s1 =	sld [smem:$0x3F8B];
	s0 =	simm.s32 @p0 $0x1  }
0x13: {  	[smem:$0x3FA6] =	sst s0;
	s0 =	simm.s32 @!p1 $0x0  }
0x14: {  	s2 =	sld [smem:$0x3F8A];
	s0 =	simm.s32 @p1 $0x1  }
0x15: {  	[smem:$0x3FA7] =	sst s0;
	s0 =	simm.s32 @!p2 $0x0  }
0x16: {  	s3 =	sld [smem:$0x3FDB];
	s0 =	simm.s32 @p2 $0x1  }
0x17: {  	s4 =	simm.s32 $0x1BF5;
	[smem:$0x3FA9] =	sst s0  }
0x18: {  	s0 =	sld [smem:$0x3F8C];
	_ =	swait.ge [sflag:s4], $0x0  }
0x19: {  	s7 =	sld [smem:$0x3F8D]  }
0x1a: {  	s8 =	sadd.s32 $0xFFFFE003, lr  }
0x1b: {  	s9 =	sadd.s32 $0xFFFFFEF7, lr;
	s5 =	simm.s32 $0xFFFFFFFF;
	p2 =	slt.u32 s8, $0xFFFFF086  }
0x1c: {  	p1 =	slt.u32 s9, $0xF7A;
	s5 =	simm.s32 @!p2 $0x0  }
0x1d: {  	s5 =	simm.s32 @p1 $0x1;
	p0 =	seq.s32 s7, s2  }
0x1e: {  	s7 =	smul.u32 @!p0 $0xF7A, s2;
	p2 =	seq.s32 @!p0 s5, $0x0  }
0x1f: {  	s9 =	smul.u32 $0xF7A, s1;
	s8 =	simm.s32 @!p0 $0x1BF5;
	p2 =	por !p2, p0  }
0x20: {  	[sflag:s8] =	ssyncset.s32 @!p0 $0xFFFFF086;
	s6 =	sadd.s32 @!p0 s3, s7;
	s7 =	simm.s32 @!p0 $0x108  }
0x21: {  	s3 =	sadd.s32 s3, s9;
	s6 =	sadd.s32 @!p0 $0x88, s6;
	s7 =	simm.s32 @p2 $0x1082  }
0x22: {  	[simem:s7], [sflag:s8] =	dma.local @!p0 [hbm:s6], $0xF7A  }
0x23: {  	s9 =	sor.u32 $0xD0000000, s2;
	s6 =	simm.s32 $0x108;
	_ =	swait.ge @!p0 [sflag:s8], $0x0  }
0x24: {  	s3 =	sadd.s32 $0x88, s3;
	s6 =	simm.s32 @!p1 $0x1082;
	[sflag:s4] =	ssyncset.s32 $0xFFFFF086  }
0x25: {  	[simem:s6], [sflag:s4] =	dma.local [hbm:s3], $0xF7A  }
0x26: {  	[smem:$0x3F8D] =	sst s1;
	(tag) =	ssettag s2;
	_ =	strace s9  }
0x27: {  	s1 =	sld [smem:$0x3F9D]  }
0x28: {  	s2 =	sld [smem:$0x3F9E]  }
0x29: {  	s4 =	sld [smem:$0x3FA0]  }
0x2a: {  	p0 =	seq.s32 s5, $0x0;
	s5 =	sld [smem:$0x3FA1]  }
0x2b: {  	s6 =	sld [smem:$0x3FA2]  }
0x2c: {  	s7 =	sld [smem:$0x3FA3]  }
0x2d: {  	s3 =	simm.s32 $0x108;
	s8 =	sld [smem:$0x3FA4]  }
0x2e: {  	s3 =	simm.s32 @!p0 $0x1082;
	s9 =	sld [smem:$0x3FA5]  }
0x2f: {  	lr =	sadd.s32 s0, s3;
	s0 =	sld [smem:$0x3F9C]  }
0x30: {  	s3 =	sld [smem:$0x3F9F]  }
0x31: {  	[smem:$0x3FA8] =	sst s10  }
0x32: {  	s10 =	sld [smem:$0x3FA6];
	_ =	sdelay $0x3  }
0x33: {  	p0 =	seq.s32 s10, $0x1;
	s10 =	sld [smem:$0x3FA8];
	_ =	sdelay $0x3  }
0x34: {  	[smem:$0x3FA8] =	sst s10  }
0x35: {  	s10 =	sld [smem:$0x3FA7];
	_ =	sdelay $0x3  }
0x36: {  	p1 =	seq.s32 s10, $0x1;
	s10 =	sld [smem:$0x3FA8];
	_ =	sdelay $0x3  }
0x37: {  	[smem:$0x3FA8] =	sst s10  }
0x38: {  	s10 =	sld [smem:$0x3FA9]  }
0x39: {  	_ = 	snop;
	(pc) =	sbr.ind lr, $3  }
0x3a: {  	_ = 	snop  }
0x3b: {  	_ = 	snop  }
0x3c: {  	p2 =	seq.s32 s10, $0x1;
	s10 =	sld [smem:$0x3FA8]  }
0x3d: {  	_ =	shalt  }
0x3e: {  	_ =	shalt  }
0x3f: {  	_ =	shalt  }
0x40: {  	_ =	shalt  }
0x41: {  	_ =	shalt  }
0x42: {  	_ =	shalt  }
0x43: {  	_ =	shalt  }
0x44: {  	_ =	shalt  }
0x45: {  	_ =	shalt  }
0x46: {  	_ =	shalt  }
0x47: {  	_ =	shalt  }
0x48: {  	_ =	shalt  }
0x49: {  	_ =	shalt  }
0x4a: {  	_ =	shalt  }
0x4b: {  	_ =	shalt  }
0x4c: {  	_ =	shalt  }
0x4d: {  	_ =	shalt  }
0x4e: {  	_ =	shalt  }
0x4f: {  	_ =	shalt  }
0x50: {  	_ =	shalt  }
0x51: {  	_ =	shalt  }
0x52: {  	_ =	shalt  }
0x53: {  	_ =	shalt  }
0x54: {  	_ =	shalt  }
0x55: {  	_ =	shalt  }
0x56: {  	_ =	shalt  }
0x57: {  	_ =	shalt  }
0x58: {  	_ =	shalt  }
0x59: {  	_ =	shalt  }
0x5a: {  	_ =	shalt  }
0x5b: {  	_ =	shalt  }
0x5c: {  	_ =	shalt  }
0x5d: {  	_ =	shalt  }
0x5e: {  	_ =	shalt  }
0x5f: {  	_ =	shalt  }
0x60: {  	_ =	shalt  }
0x61: {  	_ =	shalt  }
0x62: {  	_ =	shalt  }
0x63: {  	_ =	shalt  }
0x64: {  	_ =	shalt  }
0x65: {  	_ =	shalt  }
0x66: {  	_ =	shalt  }
0x67: {  	_ =	shalt  }
0x68: {  	_ =	shalt  }
0x69: {  	_ =	shalt  }
0x6a: {  	_ =	shalt  }
0x6b: {  	_ =	shalt  }
0x6c: {  	_ =	shalt  }
0x6d: {  	_ =	shalt  }
0x6e: {  	_ =	shalt  }
0x6f: {  	_ =	shalt  }
0x70: {  	_ =	shalt  }
0x71: {  	_ =	shalt  }
0x72: {  	_ =	shalt  }
0x73: {  	_ =	shalt  }
0x74: {  	_ =	shalt  }
0x75: {  	_ =	shalt  }
0x76: {  	_ =	shalt  }
0x77: {  	_ =	shalt  }
0x78: {  	_ =	shalt  }
0x79: {  	_ =	shalt  }
0x7a: {  	_ =	shalt  }
0x7b: {  	_ =	shalt  }
0x7c: {  	_ =	shalt  }
0x7d: {  	_ =	shalt  }
0x7e: {  	_ =	shalt  }
0x7f: {  	_ =	shalt  }
0x80: {  	_ =	shalt  }
0x81: {  	_ =	shalt  }
0x82: {  	_ =	shalt  }
0x83: {  	_ =	shalt  }
0x84: {  	_ =	shalt  }
0x85: {  	_ =	shalt  }
0x86: {  	_ =	shalt  }
0x87: {  	_ =	shalt  }
.Lfunc_end0:
.L_simem_size_0:
called_computation.1_lowered:
.L_overlay_start_0:
0x88: {  	s2 =	sld [smem:$0x3FD9]  }
0x89: {  	s3 =	sld [smem:$0x3FFE];
	_ =	sdelay $0x1  }
0x8a: {  	s1 =	srdreg.scid  }
0x8b: {  	s0 =	sand.u32 $0x1, s1  }
0x8c: {  	s16 =	sshll.u32 s0, $0xA;
	s2 =	sadd.s32 s3, s2  }
0x8d: {  	s2 =	sadd.s32 s2, s16  }
0x8e: {  	[smem:$0x3FB4] =	sst s2  }
0x8f: {  	_ = 	snop  }
0x90: {  	(tm) =	ssettm $0x1  }
0x91: {  	s17 =	sld [smem:$0x3FFB];
	_ =	sdelay $0x3  }
0x92: {  	_ =	strace s17  }
0x93: {  	s2 =	sld [smem:$0x3FFC];
	_ =	sdelay $0x3  }
0x94: {  	_ =	strace s2  }
0x95: {  	s2 =	sld [smem:$0x3FFD];
	_ =	sdelay $0x3  }
0x96: {  	_ =	strace s2  }
0x97: {  	_ =	strace $0x8FFFFFFF  }
0x98: {  	s18 =	sld [smem:$0x3FDB];
	_ =	sdelay $0x1  }
0x99: {  	s19 =	simm.s32 $_scs_section_size  }
0x9a: {  	s4 =	simm.s32 $_size__tile_overlayer_lowered;
	s5 =	simm.s32 $_tile_overlayer_lowered  }
0x9b: {  	s22 =	simm.s32 $0x1BFF;
	s21 =	sshll.u32 s5, $0x1;
	s2 =	sadd.s32 s19, s18  }
0x9c: {  	s6 =	simm.s32 $0x0;
	s20 =	sshll.u32 s4, $0x1;
	s4 =	sadd.s32 s21, s2  }
0x9d: {  	[timem:s6], [sflag:s22] =	dma.local [hbm:s4], s20  }
0x9e: {  	_ =	swait.ge [sflag:s22], s20  }
0x9f: {  	s3 =	ssub.s32 $0x0, s20;
	[sflag:s22] =	ssyncset.done $0x0  }
0xa0: {  	[sflag:s22] =	ssyncadd.s32 s3;
	_ =	sdelay $0x1  }
0xa1: {  	s23 =	simm.s32 $0x1B8B  }
0xa2: {  	_ =	swait.ge [sflag:s23], $0x1  }
0xa3: {  	[sflag:s23] =	ssyncset.done $0x0  }
0xa4: {  	s25 =	simm.s32 $0x1B8E;
	s24 =	sld [smem:$0x3FFE];
	[sflag:s23] =	ssyncadd.s32 $0xFFFFFFFF  }
0xa5: {  	s26 =	simm.s32 $execute0_lowered;
	[smem:$0x3FD2] =	sst s25  }
0xa6: {  	s4 =	sshll.u32 s26, $0x1;
	_ =	strace $0x80000049;
	[dreg:$0x1] =	wrdreg $0xFFFFFFFF  }
0xa7: {  	s28 =	simm.s32 $_size_execute0_lowered;
	s2 =	sadd.s32 s2, s4;
	[dreg:$0x0] =	wrdreg $0x0  }
0xa8: {  	s4 =	sshll.u32 s28, $0x1;
	[dreg:$0x2] =	wrdreg s2  }
0xa9: {  	[dreg:$0x3] =	wrdreg s4  }
0xaa: {  	[dreg:$0x4] =	wrdreg $0xC0  }
0xab: {  	_ =	task [dreg:s6], $0x5FFFF  }
0xac: {  	[dreg:$0x1] =	wrdreg $0xFFFFFFFF  }
0xad: {  	[dreg:$0x0] =	wrdreg $0x60  }
0xae: {  	[dreg:$0x2] =	wrdreg s24  }
0xaf: {  	[dreg:$0x3] =	wrdreg $0xEF400  }
0xb0: {  	[dreg:$0x4] =	wrdreg $0x9  }
0xb1: {  	_ =	task.clear_ibuf [dreg:s6], $0x5FFFF;
	_ =	strace $0x90000049  }
0xb2: {  	s29 =	simm.s32 $0x9;
	_ =	strace $0x8000004B  }
0xb3: {  	_ =	swait.ge [sflag:s29], $0x1  }
0xb4: {  	[sflag:s29] =	ssyncadd.s32 $0xFFFFFFFF  }
0xb5: {  	_ =	strace $0x9000004B  }
0xb6: {  	_ =	sfence  }
0xb7: {  	s30 =	sld [smem:$0x0];
	_ =	sdelay $0x2  }
0xb8: {  	s31 =	sshll.u32 s1, $0xD;
	s1 =	sshrl.u32 s1, $0x2  }
0xb9: {  	s3 =	sand.u32 $0x4000, s31;
	s1 =	sadd.s32 s1, s30  }
0xba: {  	s0 =	sor.u32 s3, s0;
	s1 =	sshll.u32 s1, $0x11  }
0xbb: {  	s0 =	sor.u32 s1, s0  }
0xbc: {  	s0 =	sadd.s32 $0x8F2B, s0  }
0xbd: {  	[sflag:s0] =	ssyncadd.remote.s32 $0x1  }
0xbe: {  	_ =	sfence.sel $0xFFFF  }
0xbf: {  	[dreg:$0x0] =	wrdreg $0xFFFFFFFF;
	(pc) =	sbr.abs _section_cstart, $3  }
0xc0: {  	[dreg:$0x1] =	wrdreg $0xFFFFFFFF  }
0xc1: {  	_ =	task.clear_ibuf [dreg:s6], $0x2FFFF;
	_ =	strace $0x9FFFFFFF  }
0xc2: {  	(tm) =	ssettm $0x7FFFFFFF  }
0xc3: {  	_ =	shalt  }
tec
execute0_lowered:
.L_overlay_start_1:
0x0: {  	(tag) =	ssettag $0x1  }
0x1: {  	s0 =	rddreg [dreg:$0x0]  }
0x2: {  	s2 =	rddreg [dreg:$0x1]  }
0x3: {  	s3 =	simm.s32 $0x0;
	s18 =	stileid.u32;
	s5 =	srdreg.scid  }
0x4: {  	s28 =	simm.s32 $0x5000;
	s29 =	simm.s32 $0x7000;
	s31 =	simm.s32 $0x9000  }
0x5: {  	s30 =	simm.s32 $0x7;
	[smem:$0x7FF] =	sst s3;
	s1 =	smul.u32 $0x2800, s18  }
0x6: {  	s4 =	sadd.s32 $0x2600, s0;
	s5 =	sand.u32 $0x1, s5;
	s11 =	smul.u32 $0x9C40, s18  }
0x7: {  	s7 =	sadd.s32 $0x29A00, s0;
	s12 =	sadd.s32 $0x29E00, s0;
	p0 =	sne.s32 s18, $0xF  }
0x8: {  	p2 =	seq.s32 s18, $0xF;
	s21 =	sadd.s32 $0x1FB00, s0;
	_ =	strace $0x8000004A  }
0x9: {  	s6 =	ssub.s32 $0x2, s5;
	[dreg:$0x3] =	wrdreg s7;
	p1 =	seq.s32 s5, $0x1  }
0xa: {  	s18 =	smul.u32 $0x9C400, s5;
	[dreg:$0x8] =	wrdreg s21;
	s1 =	sshrl.u32 s1, $0x3  }
0xb: {  	s24 =	sshrl.u32 s6, $0x1;
	s14 =	sadd.s32 $0x1F40, s11;
	s15 =	sadd.s32 $0x3E80, s11  }
0xc: {  	s16 =	sadd.s32 $0x5DC0, s11;
	s17 =	sadd.s32 $0x7D00, s11;
	p0 =	por !p0, !p1  }
0xd: {  	p1 =	por !p2, !p1;
	p2 =	sne.s32 s5, $0x0;
	s5 =	simm.s32 $0x0  }
0xe: {  	s1 =	sadd.s32 s1, s0;
	s13 =	ssub.s32 s6, s24;
	s6 =	sadd.s32 s11, s2  }
0xf: {  	s7 =	sadd.s32 s14, s2;
	s8 =	sadd.s32 s15, s2;
	s9 =	sadd.s32 s16, s2  }
0x10: {  	s10 =	sadd.s32 s17, s2;
	p0 =	por !p0, !p0;
	p1 =	por !p1, !p1  }
0x11: {  	s20 =	sadd.s32 s18, s14;
	s0 =	sadd.s32 $0x29740, s0;
	s24 =	sadd.s32 s18, s15  }
0x12: {  	s14 =	simm.s32 $0x4;
	s19 =	sadd.s32 $0x16000, s1;
	[dreg:$0x9] =	wrdreg s0  }
0x13: {  	s15 =	simm.s32 $0x5;
	s25 =	sadd.s32 $0x1FC40, s1;
	[dreg:$0x4] =	wrdreg s19  }
0x14: {  	s26 =	sadd.s32 $0x1B000, s1;
	s1 =	sadd.s32 $0x24C40, s1;
	[dreg:$0x5] =	wrdreg s25  }
0x15: {  	s0 =	sshrl.u32 s24, $0x3;
	s24 =	simm.s32 $0x9;
	[dreg:$0x6] =	wrdreg s26  }
0x16: {  	[dreg:$0x7] =	wrdreg s1;
	s19 =	sadd.s32 s11, s18;
	s11 =	sshrl.u32 s20, $0x3  }
0x17: {  	s25 =	sadd.s32 s18, s16;
	s26 =	sadd.s32 s18, s17;
	s0 =	sadd.s32 s12, s0  }
0x18: {  	s16 =	simm.s32 $0x6;
	s1 =	sshrl.u32 s19, $0x3;
	s23 =	sadd.s32 s12, s11  }
0x19: {  	s11 =	sshrl.u32 s26, $0x3;
	[dreg:$0xc] =	wrdreg s0;
	s19 =	simm.s32 $0x2800  }
.Ltmp0:
0x1a: {  	s26 =	simm.s32 $0x80;
	s0 =	simm.s32 $0x8;
	(pc) =	sbr.rel .LBB2_1-.Ltmp0, $4  }
0x1b: {  	s22 =	sadd.s32 s12, s1;
	[dreg:$0xb] =	wrdreg s23;
	s1 =	sshrl.u32 s25, $0x3  }
0x1c: {  	s21 =	sadd.s32 s12, s11;
	s23 =	simm.s32 $0xD000;
	s11 =	simm.s32 $0x1  }
0x1d: {  	[dreg:$0xa] =	wrdreg s22;
	s20 =	sadd.s32 s12, s1;
	s22 =	smax.u32 s13, $0x1  }
0x1e: {  	s1 =	simm.s32 $0xB000;
	s12 =	simm.s32 $0x2;
	s13 =	simm.s32 $0x3  }
.LBB2_11:
0x1f: {  	[bflag:$0x0] =	sbarrier.arrive $0xFFFF  }
0x20: {  	[tilespmem:s23], [sflag:$0x9] =	stream.linear.gather [spmem:s6], $0x1F40, $0x38;
	[tilespmem:$0x18B80] =	vst v63  }
0x21: {  	_ =	swait.ge [sflag:s24], $0x1F40  }
0x22: {  	[sflag:s24] =	ssyncset.done $0x0  }
0x23: {  	s17 =	rddreg [dreg:$0xa];
	[sflag:s24] =	ssyncadd.s32 $0xFFFFE0C0  }
0x24: {  	[hbm4b:s17+s3] =	stream.linear.scatter [tilespmem:s23], [sflag:$0x9], $0x1F40, $0x38;
	[tilespmem:$0x18B80] =	vst v63  }
0x25: {  	_ =	swait.ge [sflag:s24], $0x1F40  }
0x26: {  	[sflag:s24] =	ssyncset.done $0x0  }
0x27: {  	[sflag:s24] =	ssyncadd.s32 $0xFFFFE0C0  }
0x28: {  	[tilespmem:s23], [sflag:$0x9] =	stream.linear.gather [spmem:s7], $0x1F40, $0x38;
	[tilespmem:$0x18B80] =	vst v63  }
0x29: {  	_ =	swait.ge [sflag:s24], $0x1F40  }
0x2a: {  	[sflag:s24] =	ssyncset.done $0x0  }
0x2b: {  	s18 =	rddreg [dreg:$0xb];
	[sflag:s24] =	ssyncadd.s32 $0xFFFFE0C0  }
0x2c: {  	[hbm4b:s18+s3] =	stream.linear.scatter [tilespmem:s23], [sflag:$0x9], $0x1F40, $0x38;
	[tilespmem:$0x18B80] =	vst v63  }
0x2d: {  	_ =	swait.ge [sflag:s24], $0x1F40  }
0x2e: {  	[sflag:s24] =	ssyncset.done $0x0  }
0x2f: {  	[sflag:s24] =	ssyncadd.s32 $0xFFFFE0C0  }
0x30: {  	[tilespmem:s23], [sflag:$0x9] =	stream.linear.gather [spmem:s8], $0x1F40, $0x38;
	[tilespmem:$0x18B80] =	vst v63  }
0x31: {  	_ =	swait.ge [sflag:s24], $0x1F40  }
0x32: {  	[sflag:s24] =	ssyncset.done $0x0  }
0x33: {  	s25 =	rddreg [dreg:$0xc];
	[sflag:s24] =	ssyncadd.s32 $0xFFFFE0C0  }
0x34: {  	[hbm4b:s25+s3] =	stream.linear.scatter [tilespmem:s23], [sflag:$0x9], $0x1F40, $0x38;
	[tilespmem:$0x18B80] =	vst v63  }
0x35: {  	_ =	swait.ge [sflag:s24], $0x1F40  }
0x36: {  	[sflag:s24] =	ssyncset.done $0x0  }
0x37: {  	[sflag:s24] =	ssyncadd.s32 $0xFFFFE0C0  }
0x38: {  	[tilespmem:s23], [sflag:$0x9] =	stream.linear.gather [spmem:s9], $0x1F40, $0x38;
	[tilespmem:$0x18B80] =	vst v63  }
0x39: {  	_ =	swait.ge [sflag:s24], $0x1F40  }
0x3a: {  	[sflag:s24] =	ssyncset.done $0x0  }
0x3b: {  	[sflag:s24] =	ssyncadd.s32 $0xFFFFE0C0  }
0x3c: {  	[hbm4b:s20+s3] =	stream.linear.scatter [tilespmem:s23], [sflag:$0x9], $0x1F40, $0x38;
	[tilespmem:$0x18B80] =	vst v63  }
0x3d: {  	_ =	swait.ge [sflag:s24], $0x1F40  }
0x3e: {  	[sflag:s24] =	ssyncset.done $0x0  }
0x3f: {  	[sflag:s24] =	ssyncadd.s32 $0xFFFFE0C0  }
0x40: {  	[tilespmem:s23], [sflag:$0x9] =	stream.linear.gather [spmem:s10], $0x1F40, $0x38;
	[tilespmem:$0x18B80] =	vst v63  }
0x41: {  	s5 =	sadd.s32 $0x1, s5;
	_ =	swait.ge [sflag:s24], $0x1F40  }
0x42: {  	p3 =	sne.s32 s5, s22;
	[sflag:s24] =	ssyncset.done $0x0  }
.Ltmp1:
0x43: {  	[sflag:s24] =	ssyncadd.s32 $0xFFFFE0C0;
	(pc) =	sbr.rel @!p3 .LBB2_12-.Ltmp1, $4  }
0x44: {  	[hbm4b:s21+s3] =	stream.linear.scatter [tilespmem:s23], [sflag:$0x9], $0x1F40, $0x38;
	[tilespmem:$0x18B80] =	vst v63  }
0x45: {  	_ =	swait.ge [sflag:s24], $0x1F40  }
0x46: {  	[sflag:s24] =	ssyncset.done $0x0  }
0x47: {  	[sflag:s24] =	ssyncadd.s32 $0xFFFFE0C0  }
.LBB2_1:
0x48: {  	s17 =	rddreg [dreg:$0x3]  }
0x49: {  	[tilespmem:s23], [sflag:$0x9] =	stream.linear.gather [hbm4b:s17+s3], $0x1F40, $0x38;
	[tilespmem:$0x18B80] =	vst v63  }
0x4a: {  	_ =	swait.ge [sflag:s24], $0x1F40  }
0x4b: {  	[sflag:s24] =	ssyncset.done $0x0  }
0x4c: {  	[sflag:s24] =	ssyncadd.s32 $0xFFFFE0C0  }
0x4d: {  	[spmem:s6] =	stream.linear.scatter [tilespmem:s23], [sflag:$0x9], $0x1F40, $0x38;
	[tilespmem:$0x18B80] =	vst v63  }
0x4e: {  	_ =	swait.ge [sflag:s24], $0x1F40  }
0x4f: {  	[sflag:s24] =	ssyncset.done $0x0  }
0x50: {  	[sflag:s24] =	ssyncadd.s32 $0xFFFFE0C0  }
0x51: {  	[spmem:s7] =	stream.linear.scatter [tilespmem:s23], [sflag:$0x9], $0x1F40, $0x38;
	[tilespmem:$0x18B80] =	vst v63  }
0x52: {  	_ =	swait.ge [sflag:s24], $0x1F40  }
0x53: {  	[sflag:s24] =	ssyncset.done $0x0  }
0x54: {  	[sflag:s24] =	ssyncadd.s32 $0xFFFFE0C0  }
0x55: {  	[spmem:s8] =	stream.linear.scatter [tilespmem:s23], [sflag:$0x9], $0x1F40, $0x38;
	[tilespmem:$0x18B80] =	vst v63  }
0x56: {  	_ =	swait.ge [sflag:s24], $0x1F40  }
0x57: {  	[sflag:s24] =	ssyncset.done $0x0  }
0x58: {  	[sflag:s24] =	ssyncadd.s32 $0xFFFFE0C0  }
0x59: {  	[spmem:s9] =	stream.linear.scatter [tilespmem:s23], [sflag:$0x9], $0x1F40, $0x38;
	[tilespmem:$0x18B80] =	vst v63  }
0x5a: {  	_ =	swait.ge [sflag:s24], $0x1F40  }
0x5b: {  	[sflag:s24] =	ssyncset.done $0x0  }
0x5c: {  	[sflag:s24] =	ssyncadd.s32 $0xFFFFE0C0  }
0x5d: {  	[spmem:s10] =	stream.linear.scatter [tilespmem:s23], [sflag:$0x9], $0x1F40, $0x38;
	[tilespmem:$0x18B80] =	vst v63  }
.Ltmp2:
0x5e: {  	_ =	swait.ge [sflag:s24], $0x1F40;
	(pc) =	sbr.rel @p2 .LBB2_5-.Ltmp2, $3  }
0x5f: {  	[sflag:s24] =	ssyncset.done $0x0  }
0x60: {  	[sflag:s24] =	ssyncadd.s32 $0xFFFFE0C0  }
0x61: {  	[bflag:$0x0] =	sbarrier.arrive $0xFFFF;
	_ =	sdelay $0x1  }
0x62: {  	s17 =	simm.s32 $0x0;
	s18 =	rddreg [dreg:$0x4]  }
0x63: {  	[tilespmem:s17], [sflag:$0x9] =	stream.linear.gather [hbm4b:s18+s17], $0x2800, $0x38;
	[tilespmem:$0x18B80] =	vst v63  }
0x64: {  	_ =	swait.ge [sflag:s24], $0x2800  }
0x65: {  	[sflag:s24] =	ssyncset.done $0x0  }
0x66: {  	s25 =	rddreg [dreg:$0x5];
	[sflag:s24] =	ssyncadd.s32 $0xFFFFD800  }
0x67: {  	[tilespmem:s19], [sflag:$0x9] =	stream.linear.gather [hbm4b:s25+s17], $0x2800, $0x38;
	[tilespmem:$0x18B80] =	vst v63  }
0x68: {  	_ =	swait.ge [sflag:s24], $0x2800  }
0x69: {  	[sflag:s24] =	ssyncset.done $0x0  }
0x6a: {  	[sflag:s24] =	ssyncadd.s32 $0xFFFFD800  }
0x6b: {  	[tilespmem:s28], [sflag:$0x1] =	stream.indirect.gather [hbm4b:s4+s26], $0x40, s17, s26, $0xb8;
	[tilespmem:$0x18B80] =	vst v63  }
0x6c: {  	_ = 	snop  }
0x6d: {  	[tilespmem:s29], [sflag:$0x2] =	stream.indirect.gather [hbm4b:s4+s26], $0x40, s26, s26, $0xb8;
	[tilespmem:$0x18B80] =	vst v63  }
0x6e: {  	s25 =	simm.s32 $0x100  }
0x6f: {  	[tilespmem:s31], [sflag:$0x3] =	stream.indirect.gather [hbm4b:s4+s26], $0x40, s25, s26, $0xb8;
	[tilespmem:$0x18B80] =	vst v63  }
0x70: {  	s18 =	simm.s32 $0x180  }
0x71: {  	[tilespmem:s1], [sflag:$0x4] =	stream.indirect.gather [hbm4b:s4+s26], $0x40, s18, s26, $0xb8;
	[tilespmem:$0x18B80] =	vst v63  }
0x72: {  	_ =	swait.ge [sflag:s11], $0x2000  }
0x73: {  	[sflag:s11] =	ssyncset.done $0x0  }
0x74: {  	s25 =	simm.s32 $0x2800;
	[sflag:s11] =	ssyncadd.s32 $0xFFFFE000  }
0x75: {  	[spmem:s2] =	stream.indirect.scatter.add.f32 [tilespmem:s28], [sflag:$0x5], $0x40, s25, s26, $0xb8;
	[tilespmem:$0x18B80] =	vst v63  }
0x76: {  	_ =	swait.ge [sflag:s12], $0x2000  }
0x77: {  	[sflag:s12] =	ssyncset.done $0x0  }
0x78: {  	s18 =	simm.s32 $0x2880;
	[sflag:s12] =	ssyncadd.s32 $0xFFFFE000  }
0x79: {  	[spmem:s2] =	stream.indirect.scatter.add.f32 [tilespmem:s29], [sflag:$0x6], $0x40, s18, s26, $0xb8;
	[tilespmem:$0x18B80] =	vst v63  }
0x7a: {  	_ =	swait.ge [sflag:s13], $0x2000  }
0x7b: {  	[sflag:s13] =	ssyncset.done $0x0  }
0x7c: {  	s25 =	simm.s32 $0x2900;
	[sflag:s13] =	ssyncadd.s32 $0xFFFFE000  }
0x7d: {  	[spmem:s2] =	stream.indirect.scatter.add.f32 [tilespmem:s31], [sflag:$0x7], $0x40, s25, s26, $0xb8;
	[tilespmem:$0x18B80] =	vst v63  }
0x7e: {  	_ =	swait.ge [sflag:s14], $0x2000  }
0x7f: {  	[sflag:s14] =	ssyncset.done $0x0  }
0x80: {  	s18 =	simm.s32 $0x2980;
	[sflag:s14] =	ssyncadd.s32 $0xFFFFE000  }
0x81: {  	[spmem:s2] =	stream.indirect.scatter.add.f32 [tilespmem:s1], [sflag:$0x8], $0x40, s18, s26, $0xb8;
	[tilespmem:$0x18B80] =	vst v63  }
0x82: {  	_ =	swait.ge [sflag:s15], $0x2000  }
0x83: {  	[sflag:s15] =	ssyncset.done $0x0  }
0x84: {  	s25 =	simm.s32 $0x200;
	[sflag:s15] =	ssyncadd.s32 $0xFFFFE000  }
0x85: {  	[tilespmem:s28], [sflag:$0x1] =	stream.indirect.gather [hbm4b:s4+s26], $0x40, s25, s26, $0xb8;
	[tilespmem:$0x18B80] =	vst v63  }
0x86: {  	_ =	swait.ge [sflag:s16], $0x2000  }
0x87: {  	[sflag:s16] =	ssyncset.done $0x0  }
0x88: {  	s18 =	simm.s32 $0x280;
	[sflag:s16] =	ssyncadd.s32 $0xFFFFE000  }
0x89: {  	[tilespmem:s29], [sflag:$0x2] =	stream.indirect.gather [hbm4b:s4+s26], $0x40, s18, s26, $0xb8;
	[tilespmem:$0x18B80] =	vst v63  }
0x8a: {  	_ =	swait.ge [sflag:s30], $0x2000  }
0x8b: {  	[sflag:s30] =	ssyncset.done $0x0  }
0x8c: {  	s25 =	simm.s32 $0x300;
	[sflag:s30] =	ssyncadd.s32 $0xFFFFE000  }
0x8d: {  	[tilespmem:s31], [sflag:$0x3] =	stream.indirect.gather [hbm4b:s4+s26], $0x40, s25, s26, $0xb8;
	[tilespmem:$0x18B80] =	vst v63  }
0x8e: {  	_ =	swait.ge [sflag:s0], $0x2000  }
0x8f: {  	[sflag:s0] =	ssyncset.done $0x0  }
0x90: {  	s17 =	simm.s32 $0x800;
	s18 =	simm.s32 $0x380;
	[sflag:s0] =	ssyncadd.s32 $0xFFFFE000  }
.LBB2_3:
0x91: {  	[tilespmem:s1], [sflag:$0x4] =	stream.indirect.gather [hbm4b:s4+s26], $0x40, s18, s26, $0xb8;
	[tilespmem:$0x18B80] =	vst v63  }
0x92: {  	s18 =	smov.u32 s17  }
0x93: {  	p3 =	sne.s32 s17, $0x9000;
	s17 =	sadd.s32 $0x800, s17;
	_ =	swait.ge [sflag:s11], $0x2000  }
0x94: {  	s18 =	sshra.s32 s18, $0x2;
	[sflag:s11] =	ssyncset.done $0x0  }
0x95: {  	s25 =	sadd.s32 $0x2800, s18;
	[sflag:s11] =	ssyncadd.s32 $0xFFFFE000  }
0x96: {  	[spmem:s2] =	stream.indirect.scatter.add.f32 [tilespmem:s28], [sflag:$0x5], $0x40, s25, s26, $0xb8;
	[tilespmem:$0x18B80] =	vst v63  }
0x97: {  	_ =	swait.ge [sflag:s12], $0x2000  }
0x98: {  	[sflag:s12] =	ssyncset.done $0x0  }
0x99: {  	s25 =	sadd.s32 $0x2880, s18;
	[sflag:s12] =	ssyncadd.s32 $0xFFFFE000  }
0x9a: {  	[spmem:s2] =	stream.indirect.scatter.add.f32 [tilespmem:s29], [sflag:$0x6], $0x40, s25, s26, $0xb8;
	[tilespmem:$0x18B80] =	vst v63  }
0x9b: {  	_ =	swait.ge [sflag:s13], $0x2000  }
0x9c: {  	[sflag:s13] =	ssyncset.done $0x0  }
0x9d: {  	s25 =	sadd.s32 $0x2900, s18;
	[sflag:s13] =	ssyncadd.s32 $0xFFFFE000  }
0x9e: {  	[spmem:s2] =	stream.indirect.scatter.add.f32 [tilespmem:s31], [sflag:$0x7], $0x40, s25, s26, $0xb8;
	[tilespmem:$0x18B80] =	vst v63  }
0x9f: {  	_ =	swait.ge [sflag:s14], $0x2000  }
0xa0: {  	[sflag:s14] =	ssyncset.done $0x0  }
0xa1: {  	s25 =	sadd.s32 $0x2980, s18;
	[sflag:s14] =	ssyncadd.s32 $0xFFFFE000  }
0xa2: {  	[spmem:s2] =	stream.indirect.scatter.add.f32 [tilespmem:s1], [sflag:$0x8], $0x40, s25, s26, $0xb8;
	[tilespmem:$0x18B80] =	vst v63  }
0xa3: {  	_ =	swait.ge [sflag:s15], $0x2000  }
0xa4: {  	[sflag:s15] =	ssyncset.done $0x0  }
0xa5: {  	s25 =	sadd.s32 $0x200, s18;
	[sflag:s15] =	ssyncadd.s32 $0xFFFFE000  }
0xa6: {  	[tilespmem:s28], [sflag:$0x1] =	stream.indirect.gather [hbm4b:s4+s26], $0x40, s25, s26, $0xb8;
	[tilespmem:$0x18B80] =	vst v63  }
0xa7: {  	_ =	swait.ge [sflag:s16], $0x2000  }
0xa8: {  	[sflag:s16] =	ssyncset.done $0x0  }
0xa9: {  	s25 =	sadd.s32 $0x280, s18;
	[sflag:s16] =	ssyncadd.s32 $0xFFFFE000  }
0xaa: {  	[tilespmem:s29], [sflag:$0x2] =	stream.indirect.gather [hbm4b:s4+s26], $0x40, s25, s26, $0xb8;
	[tilespmem:$0x18B80] =	vst v63  }
0xab: {  	_ =	swait.ge [sflag:s30], $0x2000  }
0xac: {  	[sflag:s30] =	ssyncset.done $0x0  }
.Ltmp3:
0xad: {  	s25 =	sadd.s32 $0x300, s18;
	[sflag:s30] =	ssyncadd.s32 $0xFFFFE000;
	(pc) =	sbr.rel @p3 .LBB2_3-.Ltmp3, $4  }
0xae: {  	[tilespmem:s31], [sflag:$0x3] =	stream.indirect.gather [hbm4b:s4+s26], $0x40, s25, s26, $0xb8;
	[tilespmem:$0x18B80] =	vst v63  }
0xaf: {  	_ =	swait.ge [sflag:s0], $0x2000  }
0xb0: {  	[sflag:s0] =	ssyncset.done $0x0  }
0xb1: {  	s18 =	sadd.s32 $0x380, s18;
	[sflag:s0] =	ssyncadd.s32 $0xFFFFE000  }
0xb2: {  	[tilespmem:s1], [sflag:$0x4] =	stream.indirect.gather [hbm4b:s4+s26], $0x40, s18, s26, $0xb8;
	[tilespmem:$0x18B80] =	vst v63  }
0xb3: {  	_ =	swait.ge [sflag:s11], $0x2000  }
0xb4: {  	[sflag:s11] =	ssyncset.done $0x0  }
0xb5: {  	s17 =	simm.s32 $0x4E00;
	[sflag:s11] =	ssyncadd.s32 $0xFFFFE000  }
0xb6: {  	[spmem:s2] =	stream.indirect.scatter.add.f32 [tilespmem:s28], [sflag:$0x5], $0x40, s17, s26, $0xb8;
	[tilespmem:$0x18B80] =	vst v63  }
0xb7: {  	_ =	swait.ge [sflag:s12], $0x2000  }
0xb8: {  	[sflag:s12] =	ssyncset.done $0x0  }
0xb9: {  	s25 =	simm.s32 $0x4E80;
	[sflag:s12] =	ssyncadd.s32 $0xFFFFE000  }
0xba: {  	[spmem:s2] =	stream.indirect.scatter.add.f32 [tilespmem:s29], [sflag:$0x6], $0x40, s25, s26, $0xb8;
	[tilespmem:$0x18B80] =	vst v63  }
0xbb: {  	_ =	swait.ge [sflag:s13], $0x2000  }
0xbc: {  	[sflag:s13] =	ssyncset.done $0x0  }
0xbd: {  	s18 =	simm.s32 $0x4F00;
	[sflag:s13] =	ssyncadd.s32 $0xFFFFE000  }
0xbe: {  	[spmem:s2] =	stream.indirect.scatter.add.f32 [tilespmem:s31], [sflag:$0x7], $0x40, s18, s26, $0xb8;
	[tilespmem:$0x18B80] =	vst v63  }
0xbf: {  	_ =	swait.ge [sflag:s14], $0x2000  }
0xc0: {  	[sflag:s14] =	ssyncset.done $0x0  }
0xc1: {  	s25 =	simm.s32 $0x4F80;
	[sflag:s14] =	ssyncadd.s32 $0xFFFFE000  }
0xc2: {  	[spmem:s2] =	stream.indirect.scatter.add.f32 [tilespmem:s1], [sflag:$0x8], $0x40, s25, s26, $0xb8;
	[tilespmem:$0x18B80] =	vst v63  }
0xc3: {  	_ =	swait.ge [sflag:s15], $0x2000  }
0xc4: {  	[sflag:s15] =	ssyncset.done $0x0  }
0xc5: {  	[sflag:s15] =	ssyncadd.s32 $0xFFFFE000  }
0xc6: {  	_ =	swait.ge [sflag:s16], $0x2000  }
0xc7: {  	[sflag:s16] =	ssyncset.done $0x0  }
0xc8: {  	[sflag:s16] =	ssyncadd.s32 $0xFFFFE000  }
0xc9: {  	_ =	swait.ge [sflag:s30], $0x2000  }
0xca: {  	[sflag:s30] =	ssyncset.done $0x0  }
0xcb: {  	[sflag:s30] =	ssyncadd.s32 $0xFFFFE000  }
0xcc: {  	_ =	swait.ge [sflag:s0], $0x2000  }
0xcd: {  	[sflag:s0] =	ssyncset.done $0x0  }
0xce: {  	[sflag:s0] =	ssyncadd.s32 $0xFFFFE000  }
.LBB2_5:
.Ltmp4:
0xcf: {  	(pc) =	sbr.rel @!p0 .LBB2_9-.Ltmp4, $1  }
0xd0: {  	_ =	sdelay $0x3  }
0xd1: {  	s17 =	simm.s32 $0x0;
	s18 =	rddreg [dreg:$0x6]  }
0xd2: {  	[tilespmem:s17], [sflag:$0x9] =	stream.linear.gather [hbm4b:s18+s17], $0x2800, $0x38;
	[tilespmem:$0x18B80] =	vst v63  }
0xd3: {  	_ =	swait.ge [sflag:s24], $0x2800  }
0xd4: {  	[sflag:s24] =	ssyncset.done $0x0  }
0xd5: {  	s25 =	rddreg [dreg:$0x7];
	[sflag:s24] =	ssyncadd.s32 $0xFFFFD800  }
0xd6: {  	[tilespmem:s19], [sflag:$0x9] =	stream.linear.gather [hbm4b:s25+s17], $0x2800, $0x38;
	[tilespmem:$0x18B80] =	vst v63  }
0xd7: {  	_ =	swait.ge [sflag:s24], $0x2800  }
0xd8: {  	[sflag:s24] =	ssyncset.done $0x0  }
0xd9: {  	[sflag:s24] =	ssyncadd.s32 $0xFFFFD800  }
0xda: {  	[tilespmem:s28], [sflag:$0x1] =	stream.indirect.gather [hbm4b:s4+s26], $0x40, s17, s26, $0xb8;
	[tilespmem:$0x18B80] =	vst v63  }
0xdb: {  	_ = 	snop  }
0xdc: {  	[tilespmem:s29], [sflag:$0x2] =	stream.indirect.gather [hbm4b:s4+s26], $0x40, s26, s26, $0xb8;
	[tilespmem:$0x18B80] =	vst v63  }
0xdd: {  	s25 =	simm.s32 $0x100  }
0xde: {  	[tilespmem:s31], [sflag:$0x3] =	stream.indirect.gather [hbm4b:s4+s26], $0x40, s25, s26, $0xb8;
	[tilespmem:$0x18B80] =	vst v63  }
0xdf: {  	s18 =	simm.s32 $0x180  }
0xe0: {  	[tilespmem:s1], [sflag:$0x4] =	stream.indirect.gather [hbm4b:s4+s26], $0x40, s18, s26, $0xb8;
	[tilespmem:$0x18B80] =	vst v63  }
0xe1: {  	_ =	swait.ge [sflag:s11], $0x2000  }
0xe2: {  	[sflag:s11] =	ssyncset.done $0x0  }
0xe3: {  	s25 =	simm.s32 $0x2800;
	[sflag:s11] =	ssyncadd.s32 $0xFFFFE000  }
0xe4: {  	[spmem:s2] =	stream.indirect.scatter.add.f32 [tilespmem:s28], [sflag:$0x5], $0x40, s25, s26, $0xb8;
	[tilespmem:$0x18B80] =	vst v63  }
0xe5: {  	_ =	swait.ge [sflag:s12], $0x2000  }
0xe6: {  	[sflag:s12] =	ssyncset.done $0x0  }
0xe7: {  	s18 =	simm.s32 $0x2880;
	[sflag:s12] =	ssyncadd.s32 $0xFFFFE000  }
0xe8: {  	[spmem:s2] =	stream.indirect.scatter.add.f32 [tilespmem:s29], [sflag:$0x6], $0x40, s18, s26, $0xb8;
	[tilespmem:$0x18B80] =	vst v63  }
0xe9: {  	_ =	swait.ge [sflag:s13], $0x2000  }
0xea: {  	[sflag:s13] =	ssyncset.done $0x0  }
0xeb: {  	s25 =	simm.s32 $0x2900;
	[sflag:s13] =	ssyncadd.s32 $0xFFFFE000  }
0xec: {  	[spmem:s2] =	stream.indirect.scatter.add.f32 [tilespmem:s31], [sflag:$0x7], $0x40, s25, s26, $0xb8;
	[tilespmem:$0x18B80] =	vst v63  }
0xed: {  	_ =	swait.ge [sflag:s14], $0x2000  }
0xee: {  	[sflag:s14] =	ssyncset.done $0x0  }
0xef: {  	s18 =	simm.s32 $0x2980;
	[sflag:s14] =	ssyncadd.s32 $0xFFFFE000  }
0xf0: {  	[spmem:s2] =	stream.indirect.scatter.add.f32 [tilespmem:s1], [sflag:$0x8], $0x40, s18, s26, $0xb8;
	[tilespmem:$0x18B80] =	vst v63  }
0xf1: {  	_ =	swait.ge [sflag:s15], $0x2000  }
0xf2: {  	[sflag:s15] =	ssyncset.done $0x0  }
0xf3: {  	s25 =	simm.s32 $0x200;
	[sflag:s15] =	ssyncadd.s32 $0xFFFFE000  }
0xf4: {  	[tilespmem:s28], [sflag:$0x1] =	stream.indirect.gather [hbm4b:s4+s26], $0x40, s25, s26, $0xb8;
	[tilespmem:$0x18B80] =	vst v63  }
0xf5: {  	_ =	swait.ge [sflag:s16], $0x2000  }
0xf6: {  	[sflag:s16] =	ssyncset.done $0x0  }
0xf7: {  	s18 =	simm.s32 $0x280;
	[sflag:s16] =	ssyncadd.s32 $0xFFFFE000  }
0xf8: {  	[tilespmem:s29], [sflag:$0x2] =	stream.indirect.gather [hbm4b:s4+s26], $0x40, s18, s26, $0xb8;
	[tilespmem:$0x18B80] =	vst v63  }
0xf9: {  	_ =	swait.ge [sflag:s30], $0x2000  }
0xfa: {  	[sflag:s30] =	ssyncset.done $0x0  }
0xfb: {  	s25 =	simm.s32 $0x300;
	[sflag:s30] =	ssyncadd.s32 $0xFFFFE000  }
0xfc: {  	[tilespmem:s31], [sflag:$0x3] =	stream.indirect.gather [hbm4b:s4+s26], $0x40, s25, s26, $0xb8;
	[tilespmem:$0x18B80] =	vst v63  }
0xfd: {  	_ =	swait.ge [sflag:s0], $0x2000  }
0xfe: {  	[sflag:s0] =	ssyncset.done $0x0  }
0xff: {  	s17 =	simm.s32 $0x800;
	s18 =	simm.s32 $0x380;
	[sflag:s0] =	ssyncadd.s32 $0xFFFFE000  }
.LBB2_7:
0x100: {  	[tilespmem:s1], [sflag:$0x4] =	stream.indirect.gather [hbm4b:s4+s26], $0x40, s18, s26, $0xb8;
	[tilespmem:$0x18B80] =	vst v63  }
0x101: {  	s18 =	smov.u32 s17  }
0x102: {  	p3 =	sne.s32 s17, $0x9000;
	s17 =	sadd.s32 $0x800, s17;
	_ =	swait.ge [sflag:s11], $0x2000  }
0x103: {  	s18 =	sshra.s32 s18, $0x2;
	[sflag:s11] =	ssyncset.done $0x0  }
0x104: {  	s25 =	sadd.s32 $0x2800, s18;
	[sflag:s11] =	ssyncadd.s32 $0xFFFFE000  }
0x105: {  	[spmem:s2] =	stream.indirect.scatter.add.f32 [tilespmem:s28], [sflag:$0x5], $0x40, s25, s26, $0xb8;
	[tilespmem:$0x18B80] =	vst v63  }
0x106: {  	_ =	swait.ge [sflag:s12], $0x2000  }
0x107: {  	[sflag:s12] =	ssyncset.done $0x0  }
0x108: {  	s25 =	sadd.s32 $0x2880, s18;
	[sflag:s12] =	ssyncadd.s32 $0xFFFFE000  }
0x109: {  	[spmem:s2] =	stream.indirect.scatter.add.f32 [tilespmem:s29], [sflag:$0x6], $0x40, s25, s26, $0xb8;
	[tilespmem:$0x18B80] =	vst v63  }
0x10a: {  	_ =	swait.ge [sflag:s13], $0x2000  }
0x10b: {  	[sflag:s13] =	ssyncset.done $0x0  }
0x10c: {  	s25 =	sadd.s32 $0x2900, s18;
	[sflag:s13] =	ssyncadd.s32 $0xFFFFE000  }
0x10d: {  	[spmem:s2] =	stream.indirect.scatter.add.f32 [tilespmem:s31], [sflag:$0x7], $0x40, s25, s26, $0xb8;
	[tilespmem:$0x18B80] =	vst v63  }
0x10e: {  	_ =	swait.ge [sflag:s14], $0x2000  }
0x10f: {  	[sflag:s14] =	ssyncset.done $0x0  }
0x110: {  	s25 =	sadd.s32 $0x2980, s18;
	[sflag:s14] =	ssyncadd.s32 $0xFFFFE000  }
0x111: {  	[spmem:s2] =	stream.indirect.scatter.add.f32 [tilespmem:s1], [sflag:$0x8], $0x40, s25, s26, $0xb8;
	[tilespmem:$0x18B80] =	vst v63  }
0x112: {  	_ =	swait.ge [sflag:s15], $0x2000  }
0x113: {  	[sflag:s15] =	ssyncset.done $0x0  }
0x114: {  	s25 =	sadd.s32 $0x200, s18;
	[sflag:s15] =	ssyncadd.s32 $0xFFFFE000  }
0x115: {  	[tilespmem:s28], [sflag:$0x1] =	stream.indirect.gather [hbm4b:s4+s26], $0x40, s25, s26, $0xb8;
	[tilespmem:$0x18B80] =	vst v63  }
0x116: {  	_ =	swait.ge [sflag:s16], $0x2000  }
0x117: {  	[sflag:s16] =	ssyncset.done $0x0  }
0x118: {  	s25 =	sadd.s32 $0x280, s18;
	[sflag:s16] =	ssyncadd.s32 $0xFFFFE000  }
0x119: {  	[tilespmem:s29], [sflag:$0x2] =	stream.indirect.gather [hbm4b:s4+s26], $0x40, s25, s26, $0xb8;
	[tilespmem:$0x18B80] =	vst v63  }
0x11a: {  	_ =	swait.ge [sflag:s30], $0x2000  }
0x11b: {  	[sflag:s30] =	ssyncset.done $0x0  }
.Ltmp5:
0x11c: {  	s25 =	sadd.s32 $0x300, s18;
	[sflag:s30] =	ssyncadd.s32 $0xFFFFE000;
	(pc) =	sbr.rel @p3 .LBB2_7-.Ltmp5, $4  }
0x11d: {  	[tilespmem:s31], [sflag:$0x3] =	stream.indirect.gather [hbm4b:s4+s26], $0x40, s25, s26, $0xb8;
	[tilespmem:$0x18B80] =	vst v63  }
0x11e: {  	_ =	swait.ge [sflag:s0], $0x2000  }
0x11f: {  	[sflag:s0] =	ssyncset.done $0x0  }
0x120: {  	s18 =	sadd.s32 $0x380, s18;
	[sflag:s0] =	ssyncadd.s32 $0xFFFFE000  }
0x121: {  	[tilespmem:s1], [sflag:$0x4] =	stream.indirect.gather [hbm4b:s4+s26], $0x40, s18, s26, $0xb8;
	[tilespmem:$0x18B80] =	vst v63  }
0x122: {  	_ =	swait.ge [sflag:s11], $0x2000  }
0x123: {  	[sflag:s11] =	ssyncset.done $0x0  }
0x124: {  	s17 =	simm.s32 $0x4E00;
	[sflag:s11] =	ssyncadd.s32 $0xFFFFE000  }
0x125: {  	[spmem:s2] =	stream.indirect.scatter.add.f32 [tilespmem:s28], [sflag:$0x5], $0x40, s17, s26, $0xb8;
	[tilespmem:$0x18B80] =	vst v63  }
0x126: {  	_ =	swait.ge [sflag:s12], $0x2000  }
0x127: {  	[sflag:s12] =	ssyncset.done $0x0  }
0x128: {  	s25 =	simm.s32 $0x4E80;
	[sflag:s12] =	ssyncadd.s32 $0xFFFFE000  }
0x129: {  	[spmem:s2] =	stream.indirect.scatter.add.f32 [tilespmem:s29], [sflag:$0x6], $0x40, s25, s26, $0xb8;
	[tilespmem:$0x18B80] =	vst v63  }
0x12a: {  	_ =	swait.ge [sflag:s13], $0x2000  }
0x12b: {  	[sflag:s13] =	ssyncset.done $0x0  }
0x12c: {  	s18 =	simm.s32 $0x4F00;
	[sflag:s13] =	ssyncadd.s32 $0xFFFFE000  }
0x12d: {  	[spmem:s2] =	stream.indirect.scatter.add.f32 [tilespmem:s31], [sflag:$0x7], $0x40, s18, s26, $0xb8;
	[tilespmem:$0x18B80] =	vst v63  }
0x12e: {  	_ =	swait.ge [sflag:s14], $0x2000  }
0x12f: {  	[sflag:s14] =	ssyncset.done $0x0  }
0x130: {  	s25 =	simm.s32 $0x4F80;
	[sflag:s14] =	ssyncadd.s32 $0xFFFFE000  }
0x131: {  	[spmem:s2] =	stream.indirect.scatter.add.f32 [tilespmem:s1], [sflag:$0x8], $0x40, s25, s26, $0xb8;
	[tilespmem:$0x18B80] =	vst v63  }
0x132: {  	_ =	swait.ge [sflag:s15], $0x2000  }
0x133: {  	[sflag:s15] =	ssyncset.done $0x0  }
0x134: {  	[sflag:s15] =	ssyncadd.s32 $0xFFFFE000  }
0x135: {  	_ =	swait.ge [sflag:s16], $0x2000  }
0x136: {  	[sflag:s16] =	ssyncset.done $0x0  }
0x137: {  	[sflag:s16] =	ssyncadd.s32 $0xFFFFE000  }
0x138: {  	_ =	swait.ge [sflag:s30], $0x2000  }
0x139: {  	[sflag:s30] =	ssyncset.done $0x0  }
0x13a: {  	[sflag:s30] =	ssyncadd.s32 $0xFFFFE000  }
0x13b: {  	_ =	swait.ge [sflag:s0], $0x2000  }
0x13c: {  	[sflag:s0] =	ssyncset.done $0x0  }
0x13d: {  	[sflag:s0] =	ssyncadd.s32 $0xFFFFE000  }
.LBB2_9:
.Ltmp6:
0x13e: {  	(pc) =	sbr.rel @!p1 .LBB2_11-.Ltmp6, $1  }
0x13f: {  	_ =	sdelay $0x3  }
0x140: {  	s17 =	rddreg [dreg:$0x8]  }
0x141: {  	[tilespmem:s3], [sflag:$0x9] =	stream.linear.gather [hbm4b:s17+s3], $0xA00, $0x38;
	[tilespmem:$0x18B80] =	vst v63  }
0x142: {  	_ =	swait.ge [sflag:s24], $0xA00  }
0x143: {  	[sflag:s24] =	ssyncset.done $0x0  }
0x144: {  	s18 =	simm.s32 $0x2800;
	s19 =	rddreg [dreg:$0x9];
	[sflag:s24] =	ssyncadd.s32 $0xFFFFF600  }
0x145: {  	[tilespmem:s18], [sflag:$0x9] =	stream.linear.gather [hbm4b:s19+s3], $0xA00, $0x38;
	[tilespmem:$0x18B80] =	vst v63  }
0x146: {  	_ =	swait.ge [sflag:s24], $0xA00  }
0x147: {  	[sflag:s24] =	ssyncset.done $0x0  }
0x148: {  	[sflag:s24] =	ssyncadd.s32 $0xFFFFF600  }
0x149: {  	[tilespmem:s28], [sflag:$0x1] =	stream.indirect.gather [hbm4b:s4+s26], $0x40, s3, s26, $0xb8;
	[tilespmem:$0x18B80] =	vst v63  }
0x14a: {  	_ = 	snop  }
0x14b: {  	[tilespmem:s29], [sflag:$0x2] =	stream.indirect.gather [hbm4b:s4+s26], $0x40, s26, s26, $0xb8;
	[tilespmem:$0x18B80] =	vst v63  }
0x14c: {  	s25 =	simm.s32 $0x100  }
0x14d: {  	[tilespmem:s31], [sflag:$0x3] =	stream.indirect.gather [hbm4b:s4+s26], $0x40, s25, s26, $0xb8;
	[tilespmem:$0x18B80] =	vst v63  }
0x14e: {  	s19 =	simm.s32 $0x180  }
0x14f: {  	[tilespmem:s1], [sflag:$0x4] =	stream.indirect.gather [hbm4b:s4+s26], $0x40, s19, s26, $0xb8;
	[tilespmem:$0x18B80] =	vst v63  }
0x150: {  	_ =	swait.ge [sflag:s11], $0x2000  }
0x151: {  	[sflag:s11] =	ssyncset.done $0x0  }
0x152: {  	[sflag:s11] =	ssyncadd.s32 $0xFFFFE000  }
0x153: {  	[spmem:s2] =	stream.indirect.scatter.add.f32 [tilespmem:s28], [sflag:$0x5], $0x40, s18, s26, $0xb8;
	[tilespmem:$0x18B80] =	vst v63  }
0x154: {  	_ =	swait.ge [sflag:s12], $0x2000  }
0x155: {  	[sflag:s12] =	ssyncset.done $0x0  }
0x156: {  	s25 =	simm.s32 $0x2880;
	[sflag:s12] =	ssyncadd.s32 $0xFFFFE000  }
0x157: {  	[spmem:s2] =	stream.indirect.scatter.add.f32 [tilespmem:s29], [sflag:$0x6], $0x40, s25, s26, $0xb8;
	[tilespmem:$0x18B80] =	vst v63  }
0x158: {  	_ =	swait.ge [sflag:s13], $0x2000  }
0x159: {  	[sflag:s13] =	ssyncset.done $0x0  }
0x15a: {  	s18 =	simm.s32 $0x2900;
	[sflag:s13] =	ssyncadd.s32 $0xFFFFE000  }
0x15b: {  	[spmem:s2] =	stream.indirect.scatter.add.f32 [tilespmem:s31], [sflag:$0x7], $0x40, s18, s26, $0xb8;
	[tilespmem:$0x18B80] =	vst v63  }
0x15c: {  	_ =	swait.ge [sflag:s14], $0x2000  }
0x15d: {  	[sflag:s14] =	ssyncset.done $0x0  }
0x15e: {  	s25 =	simm.s32 $0x2980;
	[sflag:s14] =	ssyncadd.s32 $0xFFFFE000  }
0x15f: {  	[spmem:s2] =	stream.indirect.scatter.add.f32 [tilespmem:s1], [sflag:$0x8], $0x40, s25, s26, $0xb8;
	[tilespmem:$0x18B80] =	vst v63  }
0x160: {  	_ =	swait.ge [sflag:s15], $0x2000  }
0x161: {  	[sflag:s15] =	ssyncset.done $0x0  }
0x162: {  	s18 =	simm.s32 $0x200;
	[sflag:s15] =	ssyncadd.s32 $0xFFFFE000  }
0x163: {  	[tilespmem:s28], [sflag:$0x1] =	stream.indirect.gather [hbm4b:s4+s26], $0x40, s18, s26, $0xb8;
	[tilespmem:$0x18B80] =	vst v63  }
0x164: {  	_ =	swait.ge [sflag:s16], $0x2000  }
0x165: {  	[sflag:s16] =	ssyncset.done $0x0  }
0x166: {  	s25 =	simm.s32 $0x280;
	[sflag:s16] =	ssyncadd.s32 $0xFFFFE000  }
0x167: {  	[tilespmem:s29], [sflag:$0x2] =	stream.indirect.gather [hbm4b:s4+s26], $0x40, s25, s26, $0xb8;
	[tilespmem:$0x18B80] =	vst v63  }
0x168: {  	_ =	swait.ge [sflag:s30], $0x2000  }
0x169: {  	[sflag:s30] =	ssyncset.done $0x0  }
0x16a: {  	s18 =	simm.s32 $0x300;
	[sflag:s30] =	ssyncadd.s32 $0xFFFFE000  }
0x16b: {  	[tilespmem:s31], [sflag:$0x3] =	stream.indirect.gather [hbm4b:s4+s26], $0x40, s18, s26, $0xb8;
	[tilespmem:$0x18B80] =	vst v63  }
0x16c: {  	_ =	swait.ge [sflag:s0], $0x2000  }
0x16d: {  	[sflag:s0] =	ssyncset.done $0x0  }
0x16e: {  	s25 =	simm.s32 $0x380;
	[sflag:s0] =	ssyncadd.s32 $0xFFFFE000  }
0x16f: {  	[tilespmem:s1], [sflag:$0x4] =	stream.indirect.gather [hbm4b:s4+s26], $0x40, s25, s26, $0xb8;
	[tilespmem:$0x18B80] =	vst v63  }
0x170: {  	_ =	swait.ge [sflag:s11], $0x2000  }
0x171: {  	[sflag:s11] =	ssyncset.done $0x0  }
0x172: {  	s18 =	simm.s32 $0x2A00;
	[sflag:s11] =	ssyncadd.s32 $0xFFFFE000  }
0x173: {  	[spmem:s2] =	stream.indirect.scatter.add.f32 [tilespmem:s28], [sflag:$0x5], $0x40, s18, s26, $0xb8;
	[tilespmem:$0x18B80] =	vst v63  }
0x174: {  	_ =	swait.ge [sflag:s12], $0x2000  }
0x175: {  	[sflag:s12] =	ssyncset.done $0x0  }
0x176: {  	s25 =	simm.s32 $0x2A80;
	[sflag:s12] =	ssyncadd.s32 $0xFFFFE000  }
0x177: {  	[spmem:s2] =	stream.indirect.scatter.add.f32 [tilespmem:s29], [sflag:$0x6], $0x40, s25, s26, $0xb8;
	[tilespmem:$0x18B80] =	vst v63  }
0x178: {  	_ =	swait.ge [sflag:s13], $0x2000  }
0x179: {  	[sflag:s13] =	ssyncset.done $0x0  }
0x17a: {  	s18 =	simm.s32 $0x2B00;
	[sflag:s13] =	ssyncadd.s32 $0xFFFFE000  }
0x17b: {  	[spmem:s2] =	stream.indirect.scatter.add.f32 [tilespmem:s31], [sflag:$0x7], $0x40, s18, s26, $0xb8;
	[tilespmem:$0x18B80] =	vst v63  }
0x17c: {  	_ =	swait.ge [sflag:s14], $0x2000  }
0x17d: {  	[sflag:s14] =	ssyncset.done $0x0  }
0x17e: {  	s25 =	simm.s32 $0x2B80;
	[sflag:s14] =	ssyncadd.s32 $0xFFFFE000  }
0x17f: {  	[spmem:s2] =	stream.indirect.scatter.add.f32 [tilespmem:s1], [sflag:$0x8], $0x40, s25, s26, $0xb8;
	[tilespmem:$0x18B80] =	vst v63  }
0x180: {  	_ =	swait.ge [sflag:s15], $0x2000  }
0x181: {  	[sflag:s15] =	ssyncset.done $0x0  }
0x182: {  	s18 =	simm.s32 $0x400;
	[sflag:s15] =	ssyncadd.s32 $0xFFFFE000  }
0x183: {  	[tilespmem:s28], [sflag:$0x1] =	stream.indirect.gather [hbm4b:s4+s26], $0x40, s18, s26, $0xb8;
	[tilespmem:$0x18B80] =	vst v63  }
0x184: {  	_ =	swait.ge [sflag:s16], $0x2000  }
0x185: {  	[sflag:s16] =	ssyncset.done $0x0  }
0x186: {  	s25 =	simm.s32 $0x480;
	[sflag:s16] =	ssyncadd.s32 $0xFFFFE000  }
0x187: {  	[tilespmem:s29], [sflag:$0x2] =	stream.indirect.gather [hbm4b:s4+s26], $0x40, s25, s26, $0xb8;
	[tilespmem:$0x18B80] =	vst v63  }
0x188: {  	_ =	swait.ge [sflag:s30], $0x2000  }
0x189: {  	[sflag:s30] =	ssyncset.done $0x0  }
0x18a: {  	s18 =	simm.s32 $0x500;
	[sflag:s30] =	ssyncadd.s32 $0xFFFFE000  }
0x18b: {  	[tilespmem:s31], [sflag:$0x3] =	stream.indirect.gather [hbm4b:s4+s26], $0x40, s18, s26, $0xb8;
	[tilespmem:$0x18B80] =	vst v63  }
0x18c: {  	_ =	swait.ge [sflag:s0], $0x2000  }
0x18d: {  	[sflag:s0] =	ssyncset.done $0x0  }
0x18e: {  	s25 =	simm.s32 $0x580;
	[sflag:s0] =	ssyncadd.s32 $0xFFFFE000  }
0x18f: {  	[tilespmem:s1], [sflag:$0x4] =	stream.indirect.gather [hbm4b:s4+s26], $0x40, s25, s26, $0xb8;
	[tilespmem:$0x18B80] =	vst v63  }
0x190: {  	_ =	swait.ge [sflag:s11], $0x2000  }
0x191: {  	[sflag:s11] =	ssyncset.done $0x0  }
0x192: {  	s18 =	simm.s32 $0x2C00;
	[sflag:s11] =	ssyncadd.s32 $0xFFFFE000  }
0x193: {  	[spmem:s2] =	stream.indirect.scatter.add.f32 [tilespmem:s28], [sflag:$0x5], $0x40, s18, s26, $0xb8;
	[tilespmem:$0x18B80] =	vst v63  }
0x194: {  	_ =	swait.ge [sflag:s12], $0x2000  }
0x195: {  	[sflag:s12] =	ssyncset.done $0x0  }
0x196: {  	s25 =	simm.s32 $0x2C80;
	[sflag:s12] =	ssyncadd.s32 $0xFFFFE000  }
0x197: {  	[spmem:s2] =	stream.indirect.scatter.add.f32 [tilespmem:s29], [sflag:$0x6], $0x40, s25, s26, $0xb8;
	[tilespmem:$0x18B80] =	vst v63  }
0x198: {  	_ =	swait.ge [sflag:s13], $0x2000  }
0x199: {  	[sflag:s13] =	ssyncset.done $0x0  }
0x19a: {  	s18 =	simm.s32 $0x2D00;
	[sflag:s13] =	ssyncadd.s32 $0xFFFFE000  }
0x19b: {  	[spmem:s2] =	stream.indirect.scatter.add.f32 [tilespmem:s31], [sflag:$0x7], $0x40, s18, s26, $0xb8;
	[tilespmem:$0x18B80] =	vst v63  }
0x19c: {  	_ =	swait.ge [sflag:s14], $0x2000  }
0x19d: {  	[sflag:s14] =	ssyncset.done $0x0  }
0x19e: {  	s25 =	simm.s32 $0x2D80;
	[sflag:s14] =	ssyncadd.s32 $0xFFFFE000  }
0x19f: {  	[spmem:s2] =	stream.indirect.scatter.add.f32 [tilespmem:s1], [sflag:$0x8], $0x40, s25, s26, $0xb8;
	[tilespmem:$0x18B80] =	vst v63  }
0x1a0: {  	_ =	swait.ge [sflag:s15], $0x2000  }
0x1a1: {  	[sflag:s15] =	ssyncset.done $0x0  }
0x1a2: {  	s18 =	simm.s32 $0x600;
	[sflag:s15] =	ssyncadd.s32 $0xFFFFE000  }
0x1a3: {  	[tilespmem:s28], [sflag:$0x1] =	stream.indirect.gather [hbm4b:s4+s26], $0x40, s18, s26, $0xb8;
	[tilespmem:$0x18B80] =	vst v63  }
0x1a4: {  	_ =	swait.ge [sflag:s16], $0x2000  }
0x1a5: {  	[sflag:s16] =	ssyncset.done $0x0  }
0x1a6: {  	s25 =	simm.s32 $0x680;
	[sflag:s16] =	ssyncadd.s32 $0xFFFFE000  }
0x1a7: {  	[tilespmem:s29], [sflag:$0x2] =	stream.indirect.gather [hbm4b:s4+s26], $0x40, s25, s26, $0xb8;
	[tilespmem:$0x18B80] =	vst v63  }
0x1a8: {  	_ =	swait.ge [sflag:s30], $0x2000  }
0x1a9: {  	[sflag:s30] =	ssyncset.done $0x0  }
0x1aa: {  	s18 =	simm.s32 $0x700;
	[sflag:s30] =	ssyncadd.s32 $0xFFFFE000  }
0x1ab: {  	[tilespmem:s31], [sflag:$0x3] =	stream.indirect.gather [hbm4b:s4+s26], $0x40, s18, s26, $0xb8;
	[tilespmem:$0x18B80] =	vst v63  }
0x1ac: {  	_ =	swait.ge [sflag:s0], $0x2000  }
0x1ad: {  	[sflag:s0] =	ssyncset.done $0x0  }
0x1ae: {  	s25 =	simm.s32 $0x780;
	[sflag:s0] =	ssyncadd.s32 $0xFFFFE000  }
0x1af: {  	[tilespmem:s1], [sflag:$0x4] =	stream.indirect.gather [hbm4b:s4+s26], $0x40, s25, s26, $0xb8;
	[tilespmem:$0x18B80] =	vst v63  }
0x1b0: {  	_ =	swait.ge [sflag:s11], $0x2000  }
0x1b1: {  	[sflag:s11] =	ssyncset.done $0x0  }
0x1b2: {  	s18 =	simm.s32 $0x2E00;
	[sflag:s11] =	ssyncadd.s32 $0xFFFFE000  }
0x1b3: {  	[spmem:s2] =	stream.indirect.scatter.add.f32 [tilespmem:s28], [sflag:$0x5], $0x40, s18, s26, $0xb8;
	[tilespmem:$0x18B80] =	vst v63  }
0x1b4: {  	_ =	swait.ge [sflag:s12], $0x2000  }
0x1b5: {  	[sflag:s12] =	ssyncset.done $0x0  }
0x1b6: {  	s25 =	simm.s32 $0x2E80;
	[sflag:s12] =	ssyncadd.s32 $0xFFFFE000  }
0x1b7: {  	[spmem:s2] =	stream.indirect.scatter.add.f32 [tilespmem:s29], [sflag:$0x6], $0x40, s25, s26, $0xb8;
	[tilespmem:$0x18B80] =	vst v63  }
0x1b8: {  	_ =	swait.ge [sflag:s13], $0x2000  }
0x1b9: {  	[sflag:s13] =	ssyncset.done $0x0  }
0x1ba: {  	s18 =	simm.s32 $0x2F00;
	[sflag:s13] =	ssyncadd.s32 $0xFFFFE000  }
0x1bb: {  	[spmem:s2] =	stream.indirect.scatter.add.f32 [tilespmem:s31], [sflag:$0x7], $0x40, s18, s26, $0xb8;
	[tilespmem:$0x18B80] =	vst v63  }
0x1bc: {  	_ =	swait.ge [sflag:s14], $0x2000  }
0x1bd: {  	[sflag:s14] =	ssyncset.done $0x0  }
0x1be: {  	s25 =	simm.s32 $0x2F80;
	[sflag:s14] =	ssyncadd.s32 $0xFFFFE000  }
0x1bf: {  	[spmem:s2] =	stream.indirect.scatter.add.f32 [tilespmem:s1], [sflag:$0x8], $0x40, s25, s26, $0xb8;
	[tilespmem:$0x18B80] =	vst v63  }
0x1c0: {  	_ =	swait.ge [sflag:s15], $0x2000  }
0x1c1: {  	[sflag:s15] =	ssyncset.done $0x0  }
0x1c2: {  	s18 =	simm.s32 $0x800;
	[sflag:s15] =	ssyncadd.s32 $0xFFFFE000  }
0x1c3: {  	[tilespmem:s28], [sflag:$0x1] =	stream.indirect.gather [hbm4b:s4+s26], $0x40, s18, s26, $0xb8;
	[tilespmem:$0x18B80] =	vst v63  }
0x1c4: {  	_ =	swait.ge [sflag:s16], $0x2000  }
0x1c5: {  	[sflag:s16] =	ssyncset.done $0x0  }
0x1c6: {  	s25 =	simm.s32 $0x880;
	[sflag:s16] =	ssyncadd.s32 $0xFFFFE000  }
0x1c7: {  	[tilespmem:s29], [sflag:$0x2] =	stream.indirect.gather [hbm4b:s4+s26], $0x40, s25, s26, $0xb8;
	[tilespmem:$0x18B80] =	vst v63  }
0x1c8: {  	_ =	swait.ge [sflag:s30], $0x2000  }
0x1c9: {  	[sflag:s30] =	ssyncset.done $0x0  }
0x1ca: {  	s18 =	simm.s32 $0x900;
	[sflag:s30] =	ssyncadd.s32 $0xFFFFE000  }
0x1cb: {  	[tilespmem:s31], [sflag:$0x3] =	stream.indirect.gather [hbm4b:s4+s26], $0x40, s18, s26, $0xb8;
	[tilespmem:$0x18B80] =	vst v63  }
0x1cc: {  	_ =	swait.ge [sflag:s0], $0x2000  }
0x1cd: {  	[sflag:s0] =	ssyncset.done $0x0  }
0x1ce: {  	s25 =	simm.s32 $0x980;
	[sflag:s0] =	ssyncadd.s32 $0xFFFFE000  }
0x1cf: {  	[tilespmem:s1], [sflag:$0x4] =	stream.indirect.gather [hbm4b:s4+s26], $0x40, s25, s26, $0xb8;
	[tilespmem:$0x18B80] =	vst v63  }
0x1d0: {  	_ =	swait.ge [sflag:s11], $0x2000  }
0x1d1: {  	[sflag:s11] =	ssyncset.done $0x0  }
0x1d2: {  	s18 =	simm.s32 $0x3000;
	[sflag:s11] =	ssyncadd.s32 $0xFFFFE000  }
0x1d3: {  	[spmem:s2] =	stream.indirect.scatter.add.f32 [tilespmem:s28], [sflag:$0x5], $0x40, s18, s26, $0xb8;
	[tilespmem:$0x18B80] =	vst v63  }
0x1d4: {  	_ =	swait.ge [sflag:s12], $0x2000  }
0x1d5: {  	[sflag:s12] =	ssyncset.done $0x0  }
0x1d6: {  	s25 =	simm.s32 $0x3080;
	[sflag:s12] =	ssyncadd.s32 $0xFFFFE000  }
0x1d7: {  	[spmem:s2] =	stream.indirect.scatter.add.f32 [tilespmem:s29], [sflag:$0x6], $0x40, s25, s26, $0xb8;
	[tilespmem:$0x18B80] =	vst v63  }
0x1d8: {  	_ =	swait.ge [sflag:s13], $0x2000  }
0x1d9: {  	[sflag:s13] =	ssyncset.done $0x0  }
0x1da: {  	s18 =	simm.s32 $0x3100;
	[sflag:s13] =	ssyncadd.s32 $0xFFFFE000  }
0x1db: {  	[spmem:s2] =	stream.indirect.scatter.add.f32 [tilespmem:s31], [sflag:$0x7], $0x40, s18, s26, $0xb8;
	[tilespmem:$0x18B80] =	vst v63  }
0x1dc: {  	_ =	swait.ge [sflag:s14], $0x2000  }
0x1dd: {  	[sflag:s14] =	ssyncset.done $0x0  }
0x1de: {  	s25 =	simm.s32 $0x3180;
	[sflag:s14] =	ssyncadd.s32 $0xFFFFE000  }
0x1df: {  	[spmem:s2] =	stream.indirect.scatter.add.f32 [tilespmem:s1], [sflag:$0x8], $0x40, s25, s26, $0xb8;
	[tilespmem:$0x18B80] =	vst v63  }
0x1e0: {  	_ =	swait.ge [sflag:s15], $0x2000  }
0x1e1: {  	[sflag:s15] =	ssyncset.done $0x0  }
0x1e2: {  	[sflag:s15] =	ssyncadd.s32 $0xFFFFE000  }
0x1e3: {  	_ =	swait.ge [sflag:s16], $0x2000  }
0x1e4: {  	[sflag:s16] =	ssyncset.done $0x0  }
0x1e5: {  	[sflag:s16] =	ssyncadd.s32 $0xFFFFE000  }
0x1e6: {  	_ =	swait.ge [sflag:s30], $0x2000  }
.Ltmp7:
0x1e7: {  	[sflag:s30] =	ssyncset.done $0x0;
	(pc) =	sbr.rel .LBB2_11-.Ltmp7, $4  }
0x1e8: {  	[sflag:s30] =	ssyncadd.s32 $0xFFFFE000  }
0x1e9: {  	_ =	swait.ge [sflag:s0], $0x2000  }
0x1ea: {  	[sflag:s0] =	ssyncset.done $0x0  }
0x1eb: {  	s19 =	simm.s32 $0x2800;
	[sflag:s0] =	ssyncadd.s32 $0xFFFFE000  }
.LBB2_12:
0x1ec: {  	_ =	sfence.sel $0x180000  }
0x1ed: {  	[bflag:$0x0] =	sbarrier.arrive $0xFFFF  }
0x1ee: {  	_ =	strace $0x9000004A  }
0x1ef: {  	s0 =	stileid.u32;
	[bflag:$0x2] =	sbarrier.arrive $0xFFFF  }
0x1f0: {  	p0 =	sne.s32 s0, $0x0;
	s0 =	rddreg [dreg:$0x2]  }
0x1f1: {  	s0 =	sadd.s32 @!p0 $0x100000, s0  }
0x1f2: {  	[sflag:s0] =	ssyncadd.tile.s32 @!p0 $0x1;
	_ =	shalt  }
.Lfunc_end2:
_tile_overlayer_lowered:
.L_overlay_start_2:
0x1f3: {  	(tag) =	ssettag $0x2  }
0x1f4: {  	s0 =	rddreg [dreg:$0x0];
	s2 =	stileid.u32  }
0x1f5: {  	s1 =	rddreg [dreg:$0x1];
	p0 =	sne.s32 s2, $0x0  }
0x1f6: {  	s3 =	rddreg [dreg:$0x2];
	[bflag:$0x3] =	sbarrier.arrive $0xFFFF;
	s2 =	simm.s32 @!p0 $0x1C09  }
0x1f7: {  	[timem:s3], [sflag:s2] =	dma.local @!p0 [hbm:s0], s1  }
0x1f8: {  	s0 =	simm.s32 @!p0 $0x9  }
0x1f9: {  	_ =	swait.ge @!p0 [sflag:s0], s1  }
0x1fa: {  	s1 =	ssub.s32 @!p0 $0x0, s1;
	[sflag:s0] =	ssyncset.done @!p0 $0x0  }
0x1fb: {  	[sflag:s0] =	ssyncadd.s32 @!p0 s1  }
0x1fc: {  	[bflag:$0x3] =	sbarrier.arrive $0xFFFF  }
0x1fd: {  	_ =	shalt  }

// kernel: kernel.8.cloned.1.call-start
scs
__scs_entry_jumppad:
0x0: {  	(pc) =	sbr.rel $0x88, $3  }
0x1: {  	(tag) =	ssettag $0x0;
	lr =	simm.s32 $0x1  }
0x2: {  	[smem:$0x3F8D] =	sst lr;
	_ =	strace $0xD0000000  }
0x3: {  	_ = 	snop  }
0x4: {  	_ = 	snop  }
0x5: {  	_ = 	snop  }
0x6: {  	_ = 	snop  }
0x7: {  	_ = 	snop  }
__scs_overlays_trampoline_lowered:
0x8: {  	[smem:$0x3F9C] =	sst s0  }
0x9: {  	[smem:$0x3F9D] =	sst s1  }
0xa: {  	[smem:$0x3F9E] =	sst s2  }
0xb: {  	[smem:$0x3F9F] =	sst s3  }
0xc: {  	[smem:$0x3FA0] =	sst s4  }
0xd: {  	[smem:$0x3FA1] =	sst s5  }
0xe: {  	[smem:$0x3FA2] =	sst s6  }
0xf: {  	[smem:$0x3FA3] =	sst s7  }
0x10: {  	[smem:$0x3FA4] =	sst s8  }
0x11: {  	[smem:$0x3FA5] =	sst s9;
	s0 =	simm.s32 @!p0 $0x0  }
0x12: {  	s1 =	sld [smem:$0x3F8B];
	s0 =	simm.s32 @p0 $0x1  }
0x13: {  	[smem:$0x3FA6] =	sst s0;
	s0 =	simm.s32 @!p1 $0x0  }
0x14: {  	s2 =	sld [smem:$0x3F8A];
	s0 =	simm.s32 @p1 $0x1  }
0x15: {  	[smem:$0x3FA7] =	sst s0;
	s0 =	simm.s32 @!p2 $0x0  }
0x16: {  	s3 =	sld [smem:$0x3FDB];
	s0 =	simm.s32 @p2 $0x1  }
0x17: {  	s4 =	simm.s32 $0x1BF5;
	[smem:$0x3FA9] =	sst s0  }
0x18: {  	s0 =	sld [smem:$0x3F8C];
	_ =	swait.ge [sflag:s4], $0x0  }
0x19: {  	s7 =	sld [smem:$0x3F8D]  }
0x1a: {  	s8 =	sadd.s32 $0xFFFFE003, lr  }
0x1b: {  	s9 =	sadd.s32 $0xFFFFFEF7, lr;
	s5 =	simm.s32 $0xFFFFFFFF;
	p2 =	slt.u32 s8, $0xFFFFF086  }
0x1c: {  	p1 =	slt.u32 s9, $0xF7A;
	s5 =	simm.s32 @!p2 $0x0  }
0x1d: {  	s5 =	simm.s32 @p1 $0x1;
	p0 =	seq.s32 s7, s2  }
0x1e: {  	s7 =	smul.u32 @!p0 $0xF7A, s2;
	p2 =	seq.s32 @!p0 s5, $0x0  }
0x1f: {  	s9 =	smul.u32 $0xF7A, s1;
	s8 =	simm.s32 @!p0 $0x1BF5;
	p2 =	por !p2, p0  }
0x20: {  	[sflag:s8] =	ssyncset.s32 @!p0 $0xFFFFF086;
	s6 =	sadd.s32 @!p0 s3, s7;
	s7 =	simm.s32 @!p0 $0x108  }
0x21: {  	s3 =	sadd.s32 s3, s9;
	s6 =	sadd.s32 @!p0 $0x88, s6;
	s7 =	simm.s32 @p2 $0x1082  }
0x22: {  	[simem:s7], [sflag:s8] =	dma.local @!p0 [hbm:s6], $0xF7A  }
0x23: {  	s9 =	sor.u32 $0xD0000000, s2;
	s6 =	simm.s32 $0x108;
	_ =	swait.ge @!p0 [sflag:s8], $0x0  }
0x24: {  	s3 =	sadd.s32 $0x88, s3;
	s6 =	simm.s32 @!p1 $0x1082;
	[sflag:s4] =	ssyncset.s32 $0xFFFFF086  }
0x25: {  	[simem:s6], [sflag:s4] =	dma.local [hbm:s3], $0xF7A  }
0x26: {  	[smem:$0x3F8D] =	sst s1;
	(tag) =	ssettag s2;
	_ =	strace s9  }
0x27: {  	s1 =	sld [smem:$0x3F9D]  }
0x28: {  	s2 =	sld [smem:$0x3F9E]  }
0x29: {  	s4 =	sld [smem:$0x3FA0]  }
0x2a: {  	p0 =	seq.s32 s5, $0x0;
	s5 =	sld [smem:$0x3FA1]  }
0x2b: {  	s6 =	sld [smem:$0x3FA2]  }
0x2c: {  	s7 =	sld [smem:$0x3FA3]  }
0x2d: {  	s3 =	simm.s32 $0x108;
	s8 =	sld [smem:$0x3FA4]  }
0x2e: {  	s3 =	simm.s32 @!p0 $0x1082;
	s9 =	sld [smem:$0x3FA5]  }
0x2f: {  	lr =	sadd.s32 s0, s3;
	s0 =	sld [smem:$0x3F9C]  }
0x30: {  	s3 =	sld [smem:$0x3F9F]  }
0x31: {  	[smem:$0x3FA8] =	sst s10  }
0x32: {  	s10 =	sld [smem:$0x3FA6];
	_ =	sdelay $0x3  }
0x33: {  	p0 =	seq.s32 s10, $0x1;
	s10 =	sld [smem:$0x3FA8];
	_ =	sdelay $0x3  }
0x34: {  	[smem:$0x3FA8] =	sst s10  }
0x35: {  	s10 =	sld [smem:$0x3FA7];
	_ =	sdelay $0x3  }
0x36: {  	p1 =	seq.s32 s10, $0x1;
	s10 =	sld [smem:$0x3FA8];
	_ =	sdelay $0x3  }
0x37: {  	[smem:$0x3FA8] =	sst s10  }
0x38: {  	s10 =	sld [smem:$0x3FA9]  }
0x39: {  	_ = 	snop;
	(pc) =	sbr.ind lr, $3  }
0x3a: {  	_ = 	snop  }
0x3b: {  	_ = 	snop  }
0x3c: {  	p2 =	seq.s32 s10, $0x1;
	s10 =	sld [smem:$0x3FA8]  }
0x3d: {  	_ =	shalt  }
0x3e: {  	_ =	shalt  }
0x3f: {  	_ =	shalt  }
0x40: {  	_ =	shalt  }
0x41: {  	_ =	shalt  }
0x42: {  	_ =	shalt  }
0x43: {  	_ =	shalt  }
0x44: {  	_ =	shalt  }
0x45: {  	_ =	shalt  }
0x46: {  	_ =	shalt  }
0x47: {  	_ =	shalt  }
0x48: {  	_ =	shalt  }
0x49: {  	_ =	shalt  }
0x4a: {  	_ =	shalt  }
0x4b: {  	_ =	shalt  }
0x4c: {  	_ =	shalt  }
0x4d: {  	_ =	shalt  }
0x4e: {  	_ =	shalt  }
0x4f: {  	_ =	shalt  }
0x50: {  	_ =	shalt  }
0x51: {  	_ =	shalt  }
0x52: {  	_ =	shalt  }
0x53: {  	_ =	shalt  }
0x54: {  	_ =	shalt  }
0x55: {  	_ =	shalt  }
0x56: {  	_ =	shalt  }
0x57: {  	_ =	shalt  }
0x58: {  	_ =	shalt  }
0x59: {  	_ =	shalt  }
0x5a: {  	_ =	shalt  }
0x5b: {  	_ =	shalt  }
0x5c: {  	_ =	shalt  }
0x5d: {  	_ =	shalt  }
0x5e: {  	_ =	shalt  }
0x5f: {  	_ =	shalt  }
0x60: {  	_ =	shalt  }
0x61: {  	_ =	shalt  }
0x62: {  	_ =	shalt  }
0x63: {  	_ =	shalt  }
0x64: {  	_ =	shalt  }
0x65: {  	_ =	shalt  }
0x66: {  	_ =	shalt  }
0x67: {  	_ =	shalt  }
0x68: {  	_ =	shalt  }
0x69: {  	_ =	shalt  }
0x6a: {  	_ =	shalt  }
0x6b: {  	_ =	shalt  }
0x6c: {  	_ =	shalt  }
0x6d: {  	_ =	shalt  }
0x6e: {  	_ =	shalt  }
0x6f: {  	_ =	shalt  }
0x70: {  	_ =	shalt  }
0x71: {  	_ =	shalt  }
0x72: {  	_ =	shalt  }
0x73: {  	_ =	shalt  }
0x74: {  	_ =	shalt  }
0x75: {  	_ =	shalt  }
0x76: {  	_ =	shalt  }
0x77: {  	_ =	shalt  }
0x78: {  	_ =	shalt  }
0x79: {  	_ =	shalt  }
0x7a: {  	_ =	shalt  }
0x7b: {  	_ =	shalt  }
0x7c: {  	_ =	shalt  }
0x7d: {  	_ =	shalt  }
0x7e: {  	_ =	shalt  }
0x7f: {  	_ =	shalt  }
0x80: {  	_ =	shalt  }
0x81: {  	_ =	shalt  }
0x82: {  	_ =	shalt  }
0x83: {  	_ =	shalt  }
0x84: {  	_ =	shalt  }
0x85: {  	_ =	shalt  }
0x86: {  	_ =	shalt  }
0x87: {  	_ =	shalt  }
.Lfunc_end0:
.L_simem_size_0:
called_computation_lowered:
.L_overlay_start_0:
0x88: {  	s2 =	sld [smem:$0x3FD9]  }
0x89: {  	s3 =	sld [smem:$0x3FFE];
	_ =	sdelay $0x1  }
0x8a: {  	s1 =	srdreg.scid  }
0x8b: {  	s0 =	sand.u32 $0x1, s1  }
0x8c: {  	s16 =	sshll.u32 s0, $0xA;
	s2 =	sadd.s32 s3, s2  }
0x8d: {  	s2 =	sadd.s32 s2, s16  }
0x8e: {  	[smem:$0x3FB4] =	sst s2  }
0x8f: {  	_ = 	snop  }
0x90: {  	(tm) =	ssettm $0x1  }
0x91: {  	s17 =	sld [smem:$0x3FFB];
	_ =	sdelay $0x3  }
0x92: {  	_ =	strace s17  }
0x93: {  	s2 =	sld [smem:$0x3FFC];
	_ =	sdelay $0x3  }
0x94: {  	_ =	strace s2  }
0x95: {  	s2 =	sld [smem:$0x3FFD];
	_ =	sdelay $0x3  }
0x96: {  	_ =	strace s2  }
0x97: {  	_ =	strace $0x8FFFFFFF  }
0x98: {  	s18 =	sld [smem:$0x3FDB];
	_ =	sdelay $0x1  }
0x99: {  	s19 =	simm.s32 $_scs_section_size  }
0x9a: {  	s4 =	simm.s32 $_size__tile_overlayer_lowered;
	s5 =	simm.s32 $_tile_overlayer_lowered  }
0x9b: {  	s22 =	simm.s32 $0x1BFF;
	s21 =	sshll.u32 s5, $0x1;
	s2 =	sadd.s32 s19, s18  }
0x9c: {  	s6 =	simm.s32 $0x0;
	s20 =	sshll.u32 s4, $0x1;
	s4 =	sadd.s32 s21, s2  }
0x9d: {  	[timem:s6], [sflag:s22] =	dma.local [hbm:s4], s20  }
0x9e: {  	_ =	swait.ge [sflag:s22], s20  }
0x9f: {  	s3 =	ssub.s32 $0x0, s20;
	[sflag:s22] =	ssyncset.done $0x0  }
0xa0: {  	[sflag:s22] =	ssyncadd.s32 s3;
	_ =	sdelay $0x1  }
0xa1: {  	s23 =	simm.s32 $0x1B8B  }
0xa2: {  	_ =	swait.ge [sflag:s23], $0x1  }
0xa3: {  	[sflag:s23] =	ssyncset.done $0x0  }
0xa4: {  	s25 =	simm.s32 $0x1B8E;
	s24 =	sld [smem:$0x3FFE];
	[sflag:s23] =	ssyncadd.s32 $0xFFFFFFFF  }
0xa5: {  	s26 =	simm.s32 $execute0_lowered;
	[smem:$0x3FD2] =	sst s25  }
0xa6: {  	s4 =	sshll.u32 s26, $0x1;
	_ =	strace $0x80000046;
	[dreg:$0x1] =	wrdreg $0xFFFFFFFF  }
0xa7: {  	s28 =	simm.s32 $_size_execute0_lowered;
	s2 =	sadd.s32 s2, s4;
	[dreg:$0x0] =	wrdreg $0x0  }
0xa8: {  	s4 =	sshll.u32 s28, $0x1;
	[dreg:$0x2] =	wrdreg s2  }
0xa9: {  	[dreg:$0x3] =	wrdreg s4  }
0xaa: {  	[dreg:$0x4] =	wrdreg $0xC0  }
0xab: {  	_ =	task [dreg:s6], $0x5FFFF  }
0xac: {  	[dreg:$0x1] =	wrdreg $0xFFFFFFFF  }
0xad: {  	[dreg:$0x0] =	wrdreg $0x60  }
0xae: {  	[dreg:$0x2] =	wrdreg s24  }
0xaf: {  	[dreg:$0x3] =	wrdreg $0xEF400  }
0xb0: {  	[dreg:$0x4] =	wrdreg $0x9  }
0xb1: {  	_ =	task.clear_ibuf [dreg:s6], $0x5FFFF;
	_ =	strace $0x90000046  }
0xb2: {  	s29 =	simm.s32 $0x9;
	_ =	strace $0x80000048  }
0xb3: {  	_ =	swait.ge [sflag:s29], $0x1  }
0xb4: {  	[sflag:s29] =	ssyncadd.s32 $0xFFFFFFFF  }
0xb5: {  	_ =	strace $0x90000048  }
0xb6: {  	_ =	sfence  }
0xb7: {  	s30 =	sld [smem:$0x0];
	_ =	sdelay $0x2  }
0xb8: {  	s31 =	sshll.u32 s1, $0xD;
	s1 =	sshrl.u32 s1, $0x2  }
0xb9: {  	s3 =	sand.u32 $0x4000, s31;
	s1 =	sadd.s32 s1, s30  }
0xba: {  	s0 =	sor.u32 s3, s0;
	s1 =	sshll.u32 s1, $0x11  }
0xbb: {  	s0 =	sor.u32 s1, s0  }
0xbc: {  	s0 =	sadd.s32 $0x8F2B, s0  }
0xbd: {  	[sflag:s0] =	ssyncadd.remote.s32 $0x1  }
0xbe: {  	_ =	sfence.sel $0xFFFF  }
0xbf: {  	[dreg:$0x0] =	wrdreg $0xFFFFFFFF;
	(pc) =	sbr.abs _section_cstart, $3  }
0xc0: {  	[dreg:$0x1] =	wrdreg $0xFFFFFFFF  }
0xc1: {  	_ =	task.clear_ibuf [dreg:s6], $0x2FFFF;
	_ =	strace $0x9FFFFFFF  }
0xc2: {  	(tm) =	ssettm $0x7FFFFFFF  }
0xc3: {  	_ =	shalt  }
tec
execute0_lowered:
.L_overlay_start_1:
0x0: {  	(tag) =	ssettag $0x1  }
0x1: {  	s0 =	rddreg [dreg:$0x0]  }
0x2: {  	s2 =	rddreg [dreg:$0x1]  }
0x3: {  	s3 =	simm.s32 $0x0;
	s18 =	stileid.u32;
	s5 =	srdreg.scid  }
0x4: {  	s28 =	simm.s32 $0x5000;
	s29 =	simm.s32 $0x7000;
	s31 =	simm.s32 $0x9000  }
0x5: {  	s30 =	simm.s32 $0x7;
	[smem:$0x7FF] =	sst s3;
	s1 =	smul.u32 $0x2800, s18  }
0x6: {  	s4 =	sadd.s32 $0x2600, s0;
	s5 =	sand.u32 $0x1, s5;
	s11 =	smul.u32 $0x9C40, s18  }
0x7: {  	s7 =	sadd.s32 $0x29A00, s0;
	s12 =	sadd.s32 $0x29E00, s0;
	p0 =	sne.s32 s18, $0xF  }
0x8: {  	p2 =	seq.s32 s18, $0xF;
	s21 =	sadd.s32 $0x1FB00, s0;
	_ =	strace $0x80000047  }
0x9: {  	s6 =	ssub.s32 $0x2, s5;
	[dreg:$0x3] =	wrdreg s7;
	p1 =	seq.s32 s5, $0x1  }
0xa: {  	s18 =	smul.u32 $0x9C400, s5;
	[dreg:$0x8] =	wrdreg s21;
	s1 =	sshrl.u32 s1, $0x3  }
0xb: {  	s24 =	sshrl.u32 s6, $0x1;
	s14 =	sadd.s32 $0x1F40, s11;
	s15 =	sadd.s32 $0x3E80, s11  }
0xc: {  	s16 =	sadd.s32 $0x5DC0, s11;
	s17 =	sadd.s32 $0x7D00, s11;
	p0 =	por !p0, !p1  }
0xd: {  	p1 =	por !p2, !p1;
	p2 =	sne.s32 s5, $0x0;
	s5 =	simm.s32 $0x0  }
0xe: {  	s1 =	sadd.s32 s1, s0;
	s13 =	ssub.s32 s6, s24;
	s6 =	sadd.s32 s11, s2  }
0xf: {  	s7 =	sadd.s32 s14, s2;
	s8 =	sadd.s32 s15, s2;
	s9 =	sadd.s32 s16, s2  }
0x10: {  	s10 =	sadd.s32 s17, s2;
	p0 =	por !p0, !p0;
	p1 =	por !p1, !p1  }
0x11: {  	s20 =	sadd.s32 s18, s14;
	s0 =	sadd.s32 $0x29740, s0;
	s24 =	sadd.s32 s18, s15  }
0x12: {  	s14 =	simm.s32 $0x4;
	s19 =	sadd.s32 $0x16000, s1;
	[dreg:$0x9] =	wrdreg s0  }
0x13: {  	s15 =	simm.s32 $0x5;
	s25 =	sadd.s32 $0x1FC40, s1;
	[dreg:$0x4] =	wrdreg s19  }
0x14: {  	s26 =	sadd.s32 $0x1B000, s1;
	s1 =	sadd.s32 $0x24C40, s1;
	[dreg:$0x5] =	wrdreg s25  }
0x15: {  	s0 =	sshrl.u32 s24, $0x3;
	s24 =	simm.s32 $0x9;
	[dreg:$0x6] =	wrdreg s26  }
0x16: {  	[dreg:$0x7] =	wrdreg s1;
	s19 =	sadd.s32 s11, s18;
	s11 =	sshrl.u32 s20, $0x3  }
0x17: {  	s25 =	sadd.s32 s18, s16;
	s26 =	sadd.s32 s18, s17;
	s0 =	sadd.s32 s12, s0  }
0x18: {  	s16 =	simm.s32 $0x6;
	s1 =	sshrl.u32 s19, $0x3;
	s23 =	sadd.s32 s12, s11  }
0x19: {  	s11 =	sshrl.u32 s26, $0x3;
	[dreg:$0xc] =	wrdreg s0;
	s19 =	simm.s32 $0x2800  }
.Ltmp0:
0x1a: {  	s26 =	simm.s32 $0x80;
	s0 =	simm.s32 $0x8;
	(pc) =	sbr.rel .LBB2_1-.Ltmp0, $4  }
0x1b: {  	s22 =	sadd.s32 s12, s1;
	[dreg:$0xb] =	wrdreg s23;
	s1 =	sshrl.u32 s25, $0x3  }
0x1c: {  	s21 =	sadd.s32 s12, s11;
	s23 =	simm.s32 $0xD000;
	s11 =	simm.s32 $0x1  }
0x1d: {  	[dreg:$0xa] =	wrdreg s22;
	s20 =	sadd.s32 s12, s1;
	s22 =	smax.u32 s13, $0x1  }
0x1e: {  	s1 =	simm.s32 $0xB000;
	s12 =	simm.s32 $0x2;
	s13 =	simm.s32 $0x3  }
.LBB2_11:
0x1f: {  	[bflag:$0x0] =	sbarrier.arrive $0xFFFF  }
0x20: {  	[tilespmem:s23], [sflag:$0x9] =	stream.linear.gather [spmem:s6], $0x1F40, $0x38;
	[tilespmem:$0x18B80] =	vst v63  }
0x21: {  	_ =	swait.ge [sflag:s24], $0x1F40  }
0x22: {  	[sflag:s24] =	ssyncset.done $0x0  }
0x23: {  	s17 =	rddreg [dreg:$0xa];
	[sflag:s24] =	ssyncadd.s32 $0xFFFFE0C0  }
0x24: {  	[hbm4b:s17+s3] =	stream.linear.scatter [tilespmem:s23], [sflag:$0x9], $0x1F40, $0x38;
	[tilespmem:$0x18B80] =	vst v63  }
0x25: {  	_ =	swait.ge [sflag:s24], $0x1F40  }
0x26: {  	[sflag:s24] =	ssyncset.done $0x0  }
0x27: {  	[sflag:s24] =	ssyncadd.s32 $0xFFFFE0C0  }
0x28: {  	[tilespmem:s23], [sflag:$0x9] =	stream.linear.gather [spmem:s7], $0x1F40, $0x38;
	[tilespmem:$0x18B80] =	vst v63  }
0x29: {  	_ =	swait.ge [sflag:s24], $0x1F40  }
0x2a: {  	[sflag:s24] =	ssyncset.done $0x0  }
0x2b: {  	s18 =	rddreg [dreg:$0xb];
	[sflag:s24] =	ssyncadd.s32 $0xFFFFE0C0  }
0x2c: {  	[hbm4b:s18+s3] =	stream.linear.scatter [tilespmem:s23], [sflag:$0x9], $0x1F40, $0x38;
	[tilespmem:$0x18B80] =	vst v63  }
0x2d: {  	_ =	swait.ge [sflag:s24], $0x1F40  }
0x2e: {  	[sflag:s24] =	ssyncset.done $0x0  }
0x2f: {  	[sflag:s24] =	ssyncadd.s32 $0xFFFFE0C0  }
0x30: {  	[tilespmem:s23], [sflag:$0x9] =	stream.linear.gather [spmem:s8], $0x1F40, $0x38;
	[tilespmem:$0x18B80] =	vst v63  }
0x31: {  	_ =	swait.ge [sflag:s24], $0x1F40  }
0x32: {  	[sflag:s24] =	ssyncset.done $0x0  }
0x33: {  	s25 =	rddreg [dreg:$0xc];
	[sflag:s24] =	ssyncadd.s32 $0xFFFFE0C0  }
0x34: {  	[hbm4b:s25+s3] =	stream.linear.scatter [tilespmem:s23], [sflag:$0x9], $0x1F40, $0x38;
	[tilespmem:$0x18B80] =	vst v63  }
0x35: {  	_ =	swait.ge [sflag:s24], $0x1F40  }
0x36: {  	[sflag:s24] =	ssyncset.done $0x0  }
0x37: {  	[sflag:s24] =	ssyncadd.s32 $0xFFFFE0C0  }
0x38: {  	[tilespmem:s23], [sflag:$0x9] =	stream.linear.gather [spmem:s9], $0x1F40, $0x38;
	[tilespmem:$0x18B80] =	vst v63  }
0x39: {  	_ =	swait.ge [sflag:s24], $0x1F40  }
0x3a: {  	[sflag:s24] =	ssyncset.done $0x0  }
0x3b: {  	[sflag:s24] =	ssyncadd.s32 $0xFFFFE0C0  }
0x3c: {  	[hbm4b:s20+s3] =	stream.linear.scatter [tilespmem:s23], [sflag:$0x9], $0x1F40, $0x38;
	[tilespmem:$0x18B80] =	vst v63  }
0x3d: {  	_ =	swait.ge [sflag:s24], $0x1F40  }
0x3e: {  	[sflag:s24] =	ssyncset.done $0x0  }
0x3f: {  	[sflag:s24] =	ssyncadd.s32 $0xFFFFE0C0  }
0x40: {  	[tilespmem:s23], [sflag:$0x9] =	stream.linear.gather [spmem:s10], $0x1F40, $0x38;
	[tilespmem:$0x18B80] =	vst v63  }
0x41: {  	s5 =	sadd.s32 $0x1, s5;
	_ =	swait.ge [sflag:s24], $0x1F40  }
0x42: {  	p3 =	sne.s32 s5, s22;
	[sflag:s24] =	ssyncset.done $0x0  }
.Ltmp1:
0x43: {  	[sflag:s24] =	ssyncadd.s32 $0xFFFFE0C0;
	(pc) =	sbr.rel @!p3 .LBB2_12-.Ltmp1, $4  }
0x44: {  	[hbm4b:s21+s3] =	stream.linear.scatter [tilespmem:s23], [sflag:$0x9], $0x1F40, $0x38;
	[tilespmem:$0x18B80] =	vst v63  }
0x45: {  	_ =	swait.ge [sflag:s24], $0x1F40  }
0x46: {  	[sflag:s24] =	ssyncset.done $0x0  }
0x47: {  	[sflag:s24] =	ssyncadd.s32 $0xFFFFE0C0  }
.LBB2_1:
0x48: {  	s17 =	rddreg [dreg:$0x3]  }
0x49: {  	[tilespmem:s23], [sflag:$0x9] =	stream.linear.gather [hbm4b:s17+s3], $0x1F40, $0x38;
	[tilespmem:$0x18B80] =	vst v63  }
0x4a: {  	_ =	swait.ge [sflag:s24], $0x1F40  }
0x4b: {  	[sflag:s24] =	ssyncset.done $0x0  }
0x4c: {  	[sflag:s24] =	ssyncadd.s32 $0xFFFFE0C0  }
0x4d: {  	[spmem:s6] =	stream.linear.scatter [tilespmem:s23], [sflag:$0x9], $0x1F40, $0x38;
	[tilespmem:$0x18B80] =	vst v63  }
0x4e: {  	_ =	swait.ge [sflag:s24], $0x1F40  }
0x4f: {  	[sflag:s24] =	ssyncset.done $0x0  }
0x50: {  	[sflag:s24] =	ssyncadd.s32 $0xFFFFE0C0  }
0x51: {  	[spmem:s7] =	stream.linear.scatter [tilespmem:s23], [sflag:$0x9], $0x1F40, $0x38;
	[tilespmem:$0x18B80] =	vst v63  }
0x52: {  	_ =	swait.ge [sflag:s24], $0x1F40  }
0x53: {  	[sflag:s24] =	ssyncset.done $0x0  }
0x54: {  	[sflag:s24] =	ssyncadd.s32 $0xFFFFE0C0  }
0x55: {  	[spmem:s8] =	stream.linear.scatter [tilespmem:s23], [sflag:$0x9], $0x1F40, $0x38;
	[tilespmem:$0x18B80] =	vst v63  }
0x56: {  	_ =	swait.ge [sflag:s24], $0x1F40  }
0x57: {  	[sflag:s24] =	ssyncset.done $0x0  }
0x58: {  	[sflag:s24] =	ssyncadd.s32 $0xFFFFE0C0  }
0x59: {  	[spmem:s9] =	stream.linear.scatter [tilespmem:s23], [sflag:$0x9], $0x1F40, $0x38;
	[tilespmem:$0x18B80] =	vst v63  }
0x5a: {  	_ =	swait.ge [sflag:s24], $0x1F40  }
0x5b: {  	[sflag:s24] =	ssyncset.done $0x0  }
0x5c: {  	[sflag:s24] =	ssyncadd.s32 $0xFFFFE0C0  }
0x5d: {  	[spmem:s10] =	stream.linear.scatter [tilespmem:s23], [sflag:$0x9], $0x1F40, $0x38;
	[tilespmem:$0x18B80] =	vst v63  }
.Ltmp2:
0x5e: {  	_ =	swait.ge [sflag:s24], $0x1F40;
	(pc) =	sbr.rel @p2 .LBB2_5-.Ltmp2, $3  }
0x5f: {  	[sflag:s24] =	ssyncset.done $0x0  }
0x60: {  	[sflag:s24] =	ssyncadd.s32 $0xFFFFE0C0  }
0x61: {  	[bflag:$0x0] =	sbarrier.arrive $0xFFFF;
	_ =	sdelay $0x1  }
0x62: {  	s17 =	simm.s32 $0x0;
	s18 =	rddreg [dreg:$0x4]  }
0x63: {  	[tilespmem:s17], [sflag:$0x9] =	stream.linear.gather [hbm4b:s18+s17], $0x2800, $0x38;
	[tilespmem:$0x18B80] =	vst v63  }
0x64: {  	_ =	swait.ge [sflag:s24], $0x2800  }
0x65: {  	[sflag:s24] =	ssyncset.done $0x0  }
0x66: {  	s25 =	rddreg [dreg:$0x5];
	[sflag:s24] =	ssyncadd.s32 $0xFFFFD800  }
0x67: {  	[tilespmem:s19], [sflag:$0x9] =	stream.linear.gather [hbm4b:s25+s17], $0x2800, $0x38;
	[tilespmem:$0x18B80] =	vst v63  }
0x68: {  	_ =	swait.ge [sflag:s24], $0x2800  }
0x69: {  	[sflag:s24] =	ssyncset.done $0x0  }
0x6a: {  	[sflag:s24] =	ssyncadd.s32 $0xFFFFD800  }
0x6b: {  	[tilespmem:s28], [sflag:$0x1] =	stream.indirect.gather [hbm4b:s4+s26], $0x40, s17, s26, $0xb8;
	[tilespmem:$0x18B80] =	vst v63  }
0x6c: {  	_ = 	snop  }
0x6d: {  	[tilespmem:s29], [sflag:$0x2] =	stream.indirect.gather [hbm4b:s4+s26], $0x40, s26, s26, $0xb8;
	[tilespmem:$0x18B80] =	vst v63  }
0x6e: {  	s25 =	simm.s32 $0x100  }
0x6f: {  	[tilespmem:s31], [sflag:$0x3] =	stream.indirect.gather [hbm4b:s4+s26], $0x40, s25, s26, $0xb8;
	[tilespmem:$0x18B80] =	vst v63  }
0x70: {  	s18 =	simm.s32 $0x180  }
0x71: {  	[tilespmem:s1], [sflag:$0x4] =	stream.indirect.gather [hbm4b:s4+s26], $0x40, s18, s26, $0xb8;
	[tilespmem:$0x18B80] =	vst v63  }
0x72: {  	_ =	swait.ge [sflag:s11], $0x2000  }
0x73: {  	[sflag:s11] =	ssyncset.done $0x0  }
0x74: {  	s25 =	simm.s32 $0x2800;
	[sflag:s11] =	ssyncadd.s32 $0xFFFFE000  }
0x75: {  	[spmem:s2] =	stream.indirect.scatter.add.f32 [tilespmem:s28], [sflag:$0x5], $0x40, s25, s26, $0xb8;
	[tilespmem:$0x18B80] =	vst v63  }
0x76: {  	_ =	swait.ge [sflag:s12], $0x2000  }
0x77: {  	[sflag:s12] =	ssyncset.done $0x0  }
0x78: {  	s18 =	simm.s32 $0x2880;
	[sflag:s12] =	ssyncadd.s32 $0xFFFFE000  }
0x79: {  	[spmem:s2] =	stream.indirect.scatter.add.f32 [tilespmem:s29], [sflag:$0x6], $0x40, s18, s26, $0xb8;
	[tilespmem:$0x18B80] =	vst v63  }
0x7a: {  	_ =	swait.ge [sflag:s13], $0x2000  }
0x7b: {  	[sflag:s13] =	ssyncset.done $0x0  }
0x7c: {  	s25 =	simm.s32 $0x2900;
	[sflag:s13] =	ssyncadd.s32 $0xFFFFE000  }
0x7d: {  	[spmem:s2] =	stream.indirect.scatter.add.f32 [tilespmem:s31], [sflag:$0x7], $0x40, s25, s26, $0xb8;
	[tilespmem:$0x18B80] =	vst v63  }
0x7e: {  	_ =	swait.ge [sflag:s14], $0x2000  }
0x7f: {  	[sflag:s14] =	ssyncset.done $0x0  }
0x80: {  	s18 =	simm.s32 $0x2980;
	[sflag:s14] =	ssyncadd.s32 $0xFFFFE000  }
0x81: {  	[spmem:s2] =	stream.indirect.scatter.add.f32 [tilespmem:s1], [sflag:$0x8], $0x40, s18, s26, $0xb8;
	[tilespmem:$0x18B80] =	vst v63  }
0x82: {  	_ =	swait.ge [sflag:s15], $0x2000  }
0x83: {  	[sflag:s15] =	ssyncset.done $0x0  }
0x84: {  	s25 =	simm.s32 $0x200;
	[sflag:s15] =	ssyncadd.s32 $0xFFFFE000  }
0x85: {  	[tilespmem:s28], [sflag:$0x1] =	stream.indirect.gather [hbm4b:s4+s26], $0x40, s25, s26, $0xb8;
	[tilespmem:$0x18B80] =	vst v63  }
0x86: {  	_ =	swait.ge [sflag:s16], $0x2000  }
0x87: {  	[sflag:s16] =	ssyncset.done $0x0  }
0x88: {  	s18 =	simm.s32 $0x280;
	[sflag:s16] =	ssyncadd.s32 $0xFFFFE000  }
0x89: {  	[tilespmem:s29], [sflag:$0x2] =	stream.indirect.gather [hbm4b:s4+s26], $0x40, s18, s26, $0xb8;
	[tilespmem:$0x18B80] =	vst v63  }
0x8a: {  	_ =	swait.ge [sflag:s30], $0x2000  }
0x8b: {  	[sflag:s30] =	ssyncset.done $0x0  }
0x8c: {  	s25 =	simm.s32 $0x300;
	[sflag:s30] =	ssyncadd.s32 $0xFFFFE000  }
0x8d: {  	[tilespmem:s31], [sflag:$0x3] =	stream.indirect.gather [hbm4b:s4+s26], $0x40, s25, s26, $0xb8;
	[tilespmem:$0x18B80] =	vst v63  }
0x8e: {  	_ =	swait.ge [sflag:s0], $0x2000  }
0x8f: {  	[sflag:s0] =	ssyncset.done $0x0  }
0x90: {  	s17 =	simm.s32 $0x800;
	s18 =	simm.s32 $0x380;
	[sflag:s0] =	ssyncadd.s32 $0xFFFFE000  }
.LBB2_3:
0x91: {  	[tilespmem:s1], [sflag:$0x4] =	stream.indirect.gather [hbm4b:s4+s26], $0x40, s18, s26, $0xb8;
	[tilespmem:$0x18B80] =	vst v63  }
0x92: {  	s18 =	smov.u32 s17  }
0x93: {  	p3 =	sne.s32 s17, $0x9000;
	s17 =	sadd.s32 $0x800, s17;
	_ =	swait.ge [sflag:s11], $0x2000  }
0x94: {  	s18 =	sshra.s32 s18, $0x2;
	[sflag:s11] =	ssyncset.done $0x0  }
0x95: {  	s25 =	sadd.s32 $0x2800, s18;
	[sflag:s11] =	ssyncadd.s32 $0xFFFFE000  }
0x96: {  	[spmem:s2] =	stream.indirect.scatter.add.f32 [tilespmem:s28], [sflag:$0x5], $0x40, s25, s26, $0xb8;
	[tilespmem:$0x18B80] =	vst v63  }
0x97: {  	_ =	swait.ge [sflag:s12], $0x2000  }
0x98: {  	[sflag:s12] =	ssyncset.done $0x0  }
0x99: {  	s25 =	sadd.s32 $0x2880, s18;
	[sflag:s12] =	ssyncadd.s32 $0xFFFFE000  }
0x9a: {  	[spmem:s2] =	stream.indirect.scatter.add.f32 [tilespmem:s29], [sflag:$0x6], $0x40, s25, s26, $0xb8;
	[tilespmem:$0x18B80] =	vst v63  }
0x9b: {  	_ =	swait.ge [sflag:s13], $0x2000  }
0x9c: {  	[sflag:s13] =	ssyncset.done $0x0  }
0x9d: {  	s25 =	sadd.s32 $0x2900, s18;
	[sflag:s13] =	ssyncadd.s32 $0xFFFFE000  }
0x9e: {  	[spmem:s2] =	stream.indirect.scatter.add.f32 [tilespmem:s31], [sflag:$0x7], $0x40, s25, s26, $0xb8;
	[tilespmem:$0x18B80] =	vst v63  }
0x9f: {  	_ =	swait.ge [sflag:s14], $0x2000  }
0xa0: {  	[sflag:s14] =	ssyncset.done $0x0  }
0xa1: {  	s25 =	sadd.s32 $0x2980, s18;
	[sflag:s14] =	ssyncadd.s32 $0xFFFFE000  }
0xa2: {  	[spmem:s2] =	stream.indirect.scatter.add.f32 [tilespmem:s1], [sflag:$0x8], $0x40, s25, s26, $0xb8;
	[tilespmem:$0x18B80] =	vst v63  }
0xa3: {  	_ =	swait.ge [sflag:s15], $0x2000  }
0xa4: {  	[sflag:s15] =	ssyncset.done $0x0  }
0xa5: {  	s25 =	sadd.s32 $0x200, s18;
	[sflag:s15] =	ssyncadd.s32 $0xFFFFE000  }
0xa6: {  	[tilespmem:s28], [sflag:$0x1] =	stream.indirect.gather [hbm4b:s4+s26], $0x40, s25, s26, $0xb8;
	[tilespmem:$0x18B80] =	vst v63  }
0xa7: {  	_ =	swait.ge [sflag:s16], $0x2000  }
0xa8: {  	[sflag:s16] =	ssyncset.done $0x0  }
0xa9: {  	s25 =	sadd.s32 $0x280, s18;
	[sflag:s16] =	ssyncadd.s32 $0xFFFFE000  }
0xaa: {  	[tilespmem:s29], [sflag:$0x2] =	stream.indirect.gather [hbm4b:s4+s26], $0x40, s25, s26, $0xb8;
	[tilespmem:$0x18B80] =	vst v63  }
0xab: {  	_ =	swait.ge [sflag:s30], $0x2000  }
0xac: {  	[sflag:s30] =	ssyncset.done $0x0  }
.Ltmp3:
0xad: {  	s25 =	sadd.s32 $0x300, s18;
	[sflag:s30] =	ssyncadd.s32 $0xFFFFE000;
	(pc) =	sbr.rel @p3 .LBB2_3-.Ltmp3, $4  }
0xae: {  	[tilespmem:s31], [sflag:$0x3] =	stream.indirect.gather [hbm4b:s4+s26], $0x40, s25, s26, $0xb8;
	[tilespmem:$0x18B80] =	vst v63  }
0xaf: {  	_ =	swait.ge [sflag:s0], $0x2000  }
0xb0: {  	[sflag:s0] =	ssyncset.done $0x0  }
0xb1: {  	s18 =	sadd.s32 $0x380, s18;
	[sflag:s0] =	ssyncadd.s32 $0xFFFFE000  }
0xb2: {  	[tilespmem:s1], [sflag:$0x4] =	stream.indirect.gather [hbm4b:s4+s26], $0x40, s18, s26, $0xb8;
	[tilespmem:$0x18B80] =	vst v63  }
0xb3: {  	_ =	swait.ge [sflag:s11], $0x2000  }
0xb4: {  	[sflag:s11] =	ssyncset.done $0x0  }
0xb5: {  	s17 =	simm.s32 $0x4E00;
	[sflag:s11] =	ssyncadd.s32 $0xFFFFE000  }
0xb6: {  	[spmem:s2] =	stream.indirect.scatter.add.f32 [tilespmem:s28], [sflag:$0x5], $0x40, s17, s26, $0xb8;
	[tilespmem:$0x18B80] =	vst v63  }
0xb7: {  	_ =	swait.ge [sflag:s12], $0x2000  }
0xb8: {  	[sflag:s12] =	ssyncset.done $0x0  }
0xb9: {  	s25 =	simm.s32 $0x4E80;
	[sflag:s12] =	ssyncadd.s32 $0xFFFFE000  }
0xba: {  	[spmem:s2] =	stream.indirect.scatter.add.f32 [tilespmem:s29], [sflag:$0x6], $0x40, s25, s26, $0xb8;
	[tilespmem:$0x18B80] =	vst v63  }
0xbb: {  	_ =	swait.ge [sflag:s13], $0x2000  }
0xbc: {  	[sflag:s13] =	ssyncset.done $0x0  }
0xbd: {  	s18 =	simm.s32 $0x4F00;
	[sflag:s13] =	ssyncadd.s32 $0xFFFFE000  }
0xbe: {  	[spmem:s2] =	stream.indirect.scatter.add.f32 [tilespmem:s31], [sflag:$0x7], $0x40, s18, s26, $0xb8;
	[tilespmem:$0x18B80] =	vst v63  }
0xbf: {  	_ =	swait.ge [sflag:s14], $0x2000  }
0xc0: {  	[sflag:s14] =	ssyncset.done $0x0  }
0xc1: {  	s25 =	simm.s32 $0x4F80;
	[sflag:s14] =	ssyncadd.s32 $0xFFFFE000  }
0xc2: {  	[spmem:s2] =	stream.indirect.scatter.add.f32 [tilespmem:s1], [sflag:$0x8], $0x40, s25, s26, $0xb8;
	[tilespmem:$0x18B80] =	vst v63  }
0xc3: {  	_ =	swait.ge [sflag:s15], $0x2000  }
0xc4: {  	[sflag:s15] =	ssyncset.done $0x0  }
0xc5: {  	[sflag:s15] =	ssyncadd.s32 $0xFFFFE000  }
0xc6: {  	_ =	swait.ge [sflag:s16], $0x2000  }
0xc7: {  	[sflag:s16] =	ssyncset.done $0x0  }
0xc8: {  	[sflag:s16] =	ssyncadd.s32 $0xFFFFE000  }
0xc9: {  	_ =	swait.ge [sflag:s30], $0x2000  }
0xca: {  	[sflag:s30] =	ssyncset.done $0x0  }
0xcb: {  	[sflag:s30] =	ssyncadd.s32 $0xFFFFE000  }
0xcc: {  	_ =	swait.ge [sflag:s0], $0x2000  }
0xcd: {  	[sflag:s0] =	ssyncset.done $0x0  }
0xce: {  	[sflag:s0] =	ssyncadd.s32 $0xFFFFE000  }
.LBB2_5:
.Ltmp4:
0xcf: {  	(pc) =	sbr.rel @!p0 .LBB2_9-.Ltmp4, $1  }
0xd0: {  	_ =	sdelay $0x3  }
0xd1: {  	s17 =	simm.s32 $0x0;
	s18 =	rddreg [dreg:$0x6]  }
0xd2: {  	[tilespmem:s17], [sflag:$0x9] =	stream.linear.gather [hbm4b:s18+s17], $0x2800, $0x38;
	[tilespmem:$0x18B80] =	vst v63  }
0xd3: {  	_ =	swait.ge [sflag:s24], $0x2800  }
0xd4: {  	[sflag:s24] =	ssyncset.done $0x0  }
0xd5: {  	s25 =	rddreg [dreg:$0x7];
	[sflag:s24] =	ssyncadd.s32 $0xFFFFD800  }
0xd6: {  	[tilespmem:s19], [sflag:$0x9] =	stream.linear.gather [hbm4b:s25+s17], $0x2800, $0x38;
	[tilespmem:$0x18B80] =	vst v63  }
0xd7: {  	_ =	swait.ge [sflag:s24], $0x2800  }
0xd8: {  	[sflag:s24] =	ssyncset.done $0x0  }
0xd9: {  	[sflag:s24] =	ssyncadd.s32 $0xFFFFD800  }
0xda: {  	[tilespmem:s28], [sflag:$0x1] =	stream.indirect.gather [hbm4b:s4+s26], $0x40, s17, s26, $0xb8;
	[tilespmem:$0x18B80] =	vst v63  }
0xdb: {  	_ = 	snop  }
0xdc: {  	[tilespmem:s29], [sflag:$0x2] =	stream.indirect.gather [hbm4b:s4+s26], $0x40, s26, s26, $0xb8;
	[tilespmem:$0x18B80] =	vst v63  }
0xdd: {  	s25 =	simm.s32 $0x100  }
0xde: {  	[tilespmem:s31], [sflag:$0x3] =	stream.indirect.gather [hbm4b:s4+s26], $0x40, s25, s26, $0xb8;
	[tilespmem:$0x18B80] =	vst v63  }
0xdf: {  	s18 =	simm.s32 $0x180  }
0xe0: {  	[tilespmem:s1], [sflag:$0x4] =	stream.indirect.gather [hbm4b:s4+s26], $0x40, s18, s26, $0xb8;
	[tilespmem:$0x18B80] =	vst v63  }
0xe1: {  	_ =	swait.ge [sflag:s11], $0x2000  }
0xe2: {  	[sflag:s11] =	ssyncset.done $0x0  }
0xe3: {  	s25 =	simm.s32 $0x2800;
	[sflag:s11] =	ssyncadd.s32 $0xFFFFE000  }
0xe4: {  	[spmem:s2] =	stream.indirect.scatter.add.f32 [tilespmem:s28], [sflag:$0x5], $0x40, s25, s26, $0xb8;
	[tilespmem:$0x18B80] =	vst v63  }
0xe5: {  	_ =	swait.ge [sflag:s12], $0x2000  }
0xe6: {  	[sflag:s12] =	ssyncset.done $0x0  }
0xe7: {  	s18 =	simm.s32 $0x2880;
	[sflag:s12] =	ssyncadd.s32 $0xFFFFE000  }
0xe8: {  	[spmem:s2] =	stream.indirect.scatter.add.f32 [tilespmem:s29], [sflag:$0x6], $0x40, s18, s26, $0xb8;
	[tilespmem:$0x18B80] =	vst v63  }
0xe9: {  	_ =	swait.ge [sflag:s13], $0x2000  }
0xea: {  	[sflag:s13] =	ssyncset.done $0x0  }
0xeb: {  	s25 =	simm.s32 $0x2900;
	[sflag:s13] =	ssyncadd.s32 $0xFFFFE000  }
0xec: {  	[spmem:s2] =	stream.indirect.scatter.add.f32 [tilespmem:s31], [sflag:$0x7], $0x40, s25, s26, $0xb8;
	[tilespmem:$0x18B80] =	vst v63  }
0xed: {  	_ =	swait.ge [sflag:s14], $0x2000  }
0xee: {  	[sflag:s14] =	ssyncset.done $0x0  }
0xef: {  	s18 =	simm.s32 $0x2980;
	[sflag:s14] =	ssyncadd.s32 $0xFFFFE000  }
0xf0: {  	[spmem:s2] =	stream.indirect.scatter.add.f32 [tilespmem:s1], [sflag:$0x8], $0x40, s18, s26, $0xb8;
	[tilespmem:$0x18B80] =	vst v63  }
0xf1: {  	_ =	swait.ge [sflag:s15], $0x2000  }
0xf2: {  	[sflag:s15] =	ssyncset.done $0x0  }
0xf3: {  	s25 =	simm.s32 $0x200;
	[sflag:s15] =	ssyncadd.s32 $0xFFFFE000  }
0xf4: {  	[tilespmem:s28], [sflag:$0x1] =	stream.indirect.gather [hbm4b:s4+s26], $0x40, s25, s26, $0xb8;
	[tilespmem:$0x18B80] =	vst v63  }
0xf5: {  	_ =	swait.ge [sflag:s16], $0x2000  }
0xf6: {  	[sflag:s16] =	ssyncset.done $0x0  }
0xf7: {  	s18 =	simm.s32 $0x280;
	[sflag:s16] =	ssyncadd.s32 $0xFFFFE000  }
0xf8: {  	[tilespmem:s29], [sflag:$0x2] =	stream.indirect.gather [hbm4b:s4+s26], $0x40, s18, s26, $0xb8;
	[tilespmem:$0x18B80] =	vst v63  }
0xf9: {  	_ =	swait.ge [sflag:s30], $0x2000  }
0xfa: {  	[sflag:s30] =	ssyncset.done $0x0  }
0xfb: {  	s25 =	simm.s32 $0x300;
	[sflag:s30] =	ssyncadd.s32 $0xFFFFE000  }
0xfc: {  	[tilespmem:s31], [sflag:$0x3] =	stream.indirect.gather [hbm4b:s4+s26], $0x40, s25, s26, $0xb8;
	[tilespmem:$0x18B80] =	vst v63  }
0xfd: {  	_ =	swait.ge [sflag:s0], $0x2000  }
0xfe: {  	[sflag:s0] =	ssyncset.done $0x0  }
0xff: {  	s17 =	simm.s32 $0x800;
	s18 =	simm.s32 $0x380;
	[sflag:s0] =	ssyncadd.s32 $0xFFFFE000  }
.LBB2_7:
0x100: {  	[tilespmem:s1], [sflag:$0x4] =	stream.indirect.gather [hbm4b:s4+s26], $0x40, s18, s26, $0xb8;
	[tilespmem:$0x18B80] =	vst v63  }
0x101: {  	s18 =	smov.u32 s17  }
0x102: {  	p3 =	sne.s32 s17, $0x9000;
	s17 =	sadd.s32 $0x800, s17;
	_ =	swait.ge [sflag:s11], $0x2000  }
0x103: {  	s18 =	sshra.s32 s18, $0x2;
	[sflag:s11] =	ssyncset.done $0x0  }
0x104: {  	s25 =	sadd.s32 $0x2800, s18;
	[sflag:s11] =	ssyncadd.s32 $0xFFFFE000  }
0x105: {  	[spmem:s2] =	stream.indirect.scatter.add.f32 [tilespmem:s28], [sflag:$0x5], $0x40, s25, s26, $0xb8;
	[tilespmem:$0x18B80] =	vst v63  }
0x106: {  	_ =	swait.ge [sflag:s12], $0x2000  }
0x107: {  	[sflag:s12] =	ssyncset.done $0x0  }
0x108: {  	s25 =	sadd.s32 $0x2880, s18;
	[sflag:s12] =	ssyncadd.s32 $0xFFFFE000  }
0x109: {  	[spmem:s2] =	stream.indirect.scatter.add.f32 [tilespmem:s29], [sflag:$0x6], $0x40, s25, s26, $0xb8;
	[tilespmem:$0x18B80] =	vst v63  }
0x10a: {  	_ =	swait.ge [sflag:s13], $0x2000  }
0x10b: {  	[sflag:s13] =	ssyncset.done $0x0  }
0x10c: {  	s25 =	sadd.s32 $0x2900, s18;
	[sflag:s13] =	ssyncadd.s32 $0xFFFFE000  }
0x10d: {  	[spmem:s2] =	stream.indirect.scatter.add.f32 [tilespmem:s31], [sflag:$0x7], $0x40, s25, s26, $0xb8;
	[tilespmem:$0x18B80] =	vst v63  }
0x10e: {  	_ =	swait.ge [sflag:s14], $0x2000  }
0x10f: {  	[sflag:s14] =	ssyncset.done $0x0  }
0x110: {  	s25 =	sadd.s32 $0x2980, s18;
	[sflag:s14] =	ssyncadd.s32 $0xFFFFE000  }
0x111: {  	[spmem:s2] =	stream.indirect.scatter.add.f32 [tilespmem:s1], [sflag:$0x8], $0x40, s25, s26, $0xb8;
	[tilespmem:$0x18B80] =	vst v63  }
0x112: {  	_ =	swait.ge [sflag:s15], $0x2000  }
0x113: {  	[sflag:s15] =	ssyncset.done $0x0  }
0x114: {  	s25 =	sadd.s32 $0x200, s18;
	[sflag:s15] =	ssyncadd.s32 $0xFFFFE000  }
0x115: {  	[tilespmem:s28], [sflag:$0x1] =	stream.indirect.gather [hbm4b:s4+s26], $0x40, s25, s26, $0xb8;
	[tilespmem:$0x18B80] =	vst v63  }
0x116: {  	_ =	swait.ge [sflag:s16], $0x2000  }
0x117: {  	[sflag:s16] =	ssyncset.done $0x0  }
0x118: {  	s25 =	sadd.s32 $0x280, s18;
	[sflag:s16] =	ssyncadd.s32 $0xFFFFE000  }
0x119: {  	[tilespmem:s29], [sflag:$0x2] =	stream.indirect.gather [hbm4b:s4+s26], $0x40, s25, s26, $0xb8;
	[tilespmem:$0x18B80] =	vst v63  }
0x11a: {  	_ =	swait.ge [sflag:s30], $0x2000  }
0x11b: {  	[sflag:s30] =	ssyncset.done $0x0  }
.Ltmp5:
0x11c: {  	s25 =	sadd.s32 $0x300, s18;
	[sflag:s30] =	ssyncadd.s32 $0xFFFFE000;
	(pc) =	sbr.rel @p3 .LBB2_7-.Ltmp5, $4  }
0x11d: {  	[tilespmem:s31], [sflag:$0x3] =	stream.indirect.gather [hbm4b:s4+s26], $0x40, s25, s26, $0xb8;
	[tilespmem:$0x18B80] =	vst v63  }
0x11e: {  	_ =	swait.ge [sflag:s0], $0x2000  }
0x11f: {  	[sflag:s0] =	ssyncset.done $0x0  }
0x120: {  	s18 =	sadd.s32 $0x380, s18;
	[sflag:s0] =	ssyncadd.s32 $0xFFFFE000  }
0x121: {  	[tilespmem:s1], [sflag:$0x4] =	stream.indirect.gather [hbm4b:s4+s26], $0x40, s18, s26, $0xb8;
	[tilespmem:$0x18B80] =	vst v63  }
0x122: {  	_ =	swait.ge [sflag:s11], $0x2000  }
0x123: {  	[sflag:s11] =	ssyncset.done $0x0  }
0x124: {  	s17 =	simm.s32 $0x4E00;
	[sflag:s11] =	ssyncadd.s32 $0xFFFFE000  }
0x125: {  	[spmem:s2] =	stream.indirect.scatter.add.f32 [tilespmem:s28], [sflag:$0x5], $0x40, s17, s26, $0xb8;
	[tilespmem:$0x18B80] =	vst v63  }
0x126: {  	_ =	swait.ge [sflag:s12], $0x2000  }
0x127: {  	[sflag:s12] =	ssyncset.done $0x0  }
0x128: {  	s25 =	simm.s32 $0x4E80;
	[sflag:s12] =	ssyncadd.s32 $0xFFFFE000  }
0x129: {  	[spmem:s2] =	stream.indirect.scatter.add.f32 [tilespmem:s29], [sflag:$0x6], $0x40, s25, s26, $0xb8;
	[tilespmem:$0x18B80] =	vst v63  }
0x12a: {  	_ =	swait.ge [sflag:s13], $0x2000  }
0x12b: {  	[sflag:s13] =	ssyncset.done $0x0  }
0x12c: {  	s18 =	simm.s32 $0x4F00;
	[sflag:s13] =	ssyncadd.s32 $0xFFFFE000  }
0x12d: {  	[spmem:s2] =	stream.indirect.scatter.add.f32 [tilespmem:s31], [sflag:$0x7], $0x40, s18, s26, $0xb8;
	[tilespmem:$0x18B80] =	vst v63  }
0x12e: {  	_ =	swait.ge [sflag:s14], $0x2000  }
0x12f: {  	[sflag:s14] =	ssyncset.done $0x0  }
0x130: {  	s25 =	simm.s32 $0x4F80;
	[sflag:s14] =	ssyncadd.s32 $0xFFFFE000  }
0x131: {  	[spmem:s2] =	stream.indirect.scatter.add.f32 [tilespmem:s1], [sflag:$0x8], $0x40, s25, s26, $0xb8;
	[tilespmem:$0x18B80] =	vst v63  }
0x132: {  	_ =	swait.ge [sflag:s15], $0x2000  }
0x133: {  	[sflag:s15] =	ssyncset.done $0x0  }
0x134: {  	[sflag:s15] =	ssyncadd.s32 $0xFFFFE000  }
0x135: {  	_ =	swait.ge [sflag:s16], $0x2000  }
0x136: {  	[sflag:s16] =	ssyncset.done $0x0  }
0x137: {  	[sflag:s16] =	ssyncadd.s32 $0xFFFFE000  }
0x138: {  	_ =	swait.ge [sflag:s30], $0x2000  }
0x139: {  	[sflag:s30] =	ssyncset.done $0x0  }
0x13a: {  	[sflag:s30] =	ssyncadd.s32 $0xFFFFE000  }
0x13b: {  	_ =	swait.ge [sflag:s0], $0x2000  }
0x13c: {  	[sflag:s0] =	ssyncset.done $0x0  }
0x13d: {  	[sflag:s0] =	ssyncadd.s32 $0xFFFFE000  }
.LBB2_9:
.Ltmp6:
0x13e: {  	(pc) =	sbr.rel @!p1 .LBB2_11-.Ltmp6, $1  }
0x13f: {  	_ =	sdelay $0x3  }
0x140: {  	s17 =	rddreg [dreg:$0x8]  }
0x141: {  	[tilespmem:s3], [sflag:$0x9] =	stream.linear.gather [hbm4b:s17+s3], $0xA00, $0x38;
	[tilespmem:$0x18B80] =	vst v63  }
0x142: {  	_ =	swait.ge [sflag:s24], $0xA00  }
0x143: {  	[sflag:s24] =	ssyncset.done $0x0  }
0x144: {  	s18 =	simm.s32 $0x2800;
	s19 =	rddreg [dreg:$0x9];
	[sflag:s24] =	ssyncadd.s32 $0xFFFFF600  }
0x145: {  	[tilespmem:s18], [sflag:$0x9] =	stream.linear.gather [hbm4b:s19+s3], $0xA00, $0x38;
	[tilespmem:$0x18B80] =	vst v63  }
0x146: {  	_ =	swait.ge [sflag:s24], $0xA00  }
0x147: {  	[sflag:s24] =	ssyncset.done $0x0  }
0x148: {  	[sflag:s24] =	ssyncadd.s32 $0xFFFFF600  }
0x149: {  	[tilespmem:s28], [sflag:$0x1] =	stream.indirect.gather [hbm4b:s4+s26], $0x40, s3, s26, $0xb8;
	[tilespmem:$0x18B80] =	vst v63  }
0x14a: {  	_ = 	snop  }
0x14b: {  	[tilespmem:s29], [sflag:$0x2] =	stream.indirect.gather [hbm4b:s4+s26], $0x40, s26, s26, $0xb8;
	[tilespmem:$0x18B80] =	vst v63  }
0x14c: {  	s25 =	simm.s32 $0x100  }
0x14d: {  	[tilespmem:s31], [sflag:$0x3] =	stream.indirect.gather [hbm4b:s4+s26], $0x40, s25, s26, $0xb8;
	[tilespmem:$0x18B80] =	vst v63  }
0x14e: {  	s19 =	simm.s32 $0x180  }
0x14f: {  	[tilespmem:s1], [sflag:$0x4] =	stream.indirect.gather [hbm4b:s4+s26], $0x40, s19, s26, $0xb8;
	[tilespmem:$0x18B80] =	vst v63  }
0x150: {  	_ =	swait.ge [sflag:s11], $0x2000  }
0x151: {  	[sflag:s11] =	ssyncset.done $0x0  }
0x152: {  	[sflag:s11] =	ssyncadd.s32 $0xFFFFE000  }
0x153: {  	[spmem:s2] =	stream.indirect.scatter.add.f32 [tilespmem:s28], [sflag:$0x5], $0x40, s18, s26, $0xb8;
	[tilespmem:$0x18B80] =	vst v63  }
0x154: {  	_ =	swait.ge [sflag:s12], $0x2000  }
0x155: {  	[sflag:s12] =	ssyncset.done $0x0  }
0x156: {  	s25 =	simm.s32 $0x2880;
	[sflag:s12] =	ssyncadd.s32 $0xFFFFE000  }
0x157: {  	[spmem:s2] =	stream.indirect.scatter.add.f32 [tilespmem:s29], [sflag:$0x6], $0x40, s25, s26, $0xb8;
	[tilespmem:$0x18B80] =	vst v63  }
0x158: {  	_ =	swait.ge [sflag:s13], $0x2000  }
0x159: {  	[sflag:s13] =	ssyncset.done $0x0  }
0x15a: {  	s18 =	simm.s32 $0x2900;
	[sflag:s13] =	ssyncadd.s32 $0xFFFFE000  }
0x15b: {  	[spmem:s2] =	stream.indirect.scatter.add.f32 [tilespmem:s31], [sflag:$0x7], $0x40, s18, s26, $0xb8;
	[tilespmem:$0x18B80] =	vst v63  }
0x15c: {  	_ =	swait.ge [sflag:s14], $0x2000  }
0x15d: {  	[sflag:s14] =	ssyncset.done $0x0  }
0x15e: {  	s25 =	simm.s32 $0x2980;
	[sflag:s14] =	ssyncadd.s32 $0xFFFFE000  }
0x15f: {  	[spmem:s2] =	stream.indirect.scatter.add.f32 [tilespmem:s1], [sflag:$0x8], $0x40, s25, s26, $0xb8;
	[tilespmem:$0x18B80] =	vst v63  }
0x160: {  	_ =	swait.ge [sflag:s15], $0x2000  }
0x161: {  	[sflag:s15] =	ssyncset.done $0x0  }
0x162: {  	s18 =	simm.s32 $0x200;
	[sflag:s15] =	ssyncadd.s32 $0xFFFFE000  }
0x163: {  	[tilespmem:s28], [sflag:$0x1] =	stream.indirect.gather [hbm4b:s4+s26], $0x40, s18, s26, $0xb8;
	[tilespmem:$0x18B80] =	vst v63  }
0x164: {  	_ =	swait.ge [sflag:s16], $0x2000  }
0x165: {  	[sflag:s16] =	ssyncset.done $0x0  }
0x166: {  	s25 =	simm.s32 $0x280;
	[sflag:s16] =	ssyncadd.s32 $0xFFFFE000  }
0x167: {  	[tilespmem:s29], [sflag:$0x2] =	stream.indirect.gather [hbm4b:s4+s26], $0x40, s25, s26, $0xb8;
	[tilespmem:$0x18B80] =	vst v63  }
0x168: {  	_ =	swait.ge [sflag:s30], $0x2000  }
0x169: {  	[sflag:s30] =	ssyncset.done $0x0  }
0x16a: {  	s18 =	simm.s32 $0x300;
	[sflag:s30] =	ssyncadd.s32 $0xFFFFE000  }
0x16b: {  	[tilespmem:s31], [sflag:$0x3] =	stream.indirect.gather [hbm4b:s4+s26], $0x40, s18, s26, $0xb8;
	[tilespmem:$0x18B80] =	vst v63  }
0x16c: {  	_ =	swait.ge [sflag:s0], $0x2000  }
0x16d: {  	[sflag:s0] =	ssyncset.done $0x0  }
0x16e: {  	s25 =	simm.s32 $0x380;
	[sflag:s0] =	ssyncadd.s32 $0xFFFFE000  }
0x16f: {  	[tilespmem:s1], [sflag:$0x4] =	stream.indirect.gather [hbm4b:s4+s26], $0x40, s25, s26, $0xb8;
	[tilespmem:$0x18B80] =	vst v63  }
0x170: {  	_ =	swait.ge [sflag:s11], $0x2000  }
0x171: {  	[sflag:s11] =	ssyncset.done $0x0  }
0x172: {  	s18 =	simm.s32 $0x2A00;
	[sflag:s11] =	ssyncadd.s32 $0xFFFFE000  }
0x173: {  	[spmem:s2] =	stream.indirect.scatter.add.f32 [tilespmem:s28], [sflag:$0x5], $0x40, s18, s26, $0xb8;
	[tilespmem:$0x18B80] =	vst v63  }
0x174: {  	_ =	swait.ge [sflag:s12], $0x2000  }
0x175: {  	[sflag:s12] =	ssyncset.done $0x0  }
0x176: {  	s25 =	simm.s32 $0x2A80;
	[sflag:s12] =	ssyncadd.s32 $0xFFFFE000  }
0x177: {  	[spmem:s2] =	stream.indirect.scatter.add.f32 [tilespmem:s29], [sflag:$0x6], $0x40, s25, s26, $0xb8;
	[tilespmem:$0x18B80] =	vst v63  }
0x178: {  	_ =	swait.ge [sflag:s13], $0x2000  }
0x179: {  	[sflag:s13] =	ssyncset.done $0x0  }
0x17a: {  	s18 =	simm.s32 $0x2B00;
	[sflag:s13] =	ssyncadd.s32 $0xFFFFE000  }
0x17b: {  	[spmem:s2] =	stream.indirect.scatter.add.f32 [tilespmem:s31], [sflag:$0x7], $0x40, s18, s26, $0xb8;
	[tilespmem:$0x18B80] =	vst v63  }
0x17c: {  	_ =	swait.ge [sflag:s14], $0x2000  }
0x17d: {  	[sflag:s14] =	ssyncset.done $0x0  }
0x17e: {  	s25 =	simm.s32 $0x2B80;
	[sflag:s14] =	ssyncadd.s32 $0xFFFFE000  }
0x17f: {  	[spmem:s2] =	stream.indirect.scatter.add.f32 [tilespmem:s1], [sflag:$0x8], $0x40, s25, s26, $0xb8;
	[tilespmem:$0x18B80] =	vst v63  }
0x180: {  	_ =	swait.ge [sflag:s15], $0x2000  }
0x181: {  	[sflag:s15] =	ssyncset.done $0x0  }
0x182: {  	s18 =	simm.s32 $0x400;
	[sflag:s15] =	ssyncadd.s32 $0xFFFFE000  }
0x183: {  	[tilespmem:s28], [sflag:$0x1] =	stream.indirect.gather [hbm4b:s4+s26], $0x40, s18, s26, $0xb8;
	[tilespmem:$0x18B80] =	vst v63  }
0x184: {  	_ =	swait.ge [sflag:s16], $0x2000  }
0x185: {  	[sflag:s16] =	ssyncset.done $0x0  }
0x186: {  	s25 =	simm.s32 $0x480;
	[sflag:s16] =	ssyncadd.s32 $0xFFFFE000  }
0x187: {  	[tilespmem:s29], [sflag:$0x2] =	stream.indirect.gather [hbm4b:s4+s26], $0x40, s25, s26, $0xb8;
	[tilespmem:$0x18B80] =	vst v63  }
0x188: {  	_ =	swait.ge [sflag:s30], $0x2000  }
0x189: {  	[sflag:s30] =	ssyncset.done $0x0  }
0x18a: {  	s18 =	simm.s32 $0x500;
	[sflag:s30] =	ssyncadd.s32 $0xFFFFE000  }
0x18b: {  	[tilespmem:s31], [sflag:$0x3] =	stream.indirect.gather [hbm4b:s4+s26], $0x40, s18, s26, $0xb8;
	[tilespmem:$0x18B80] =	vst v63  }
0x18c: {  	_ =	swait.ge [sflag:s0], $0x2000  }
0x18d: {  	[sflag:s0] =	ssyncset.done $0x0  }
0x18e: {  	s25 =	simm.s32 $0x580;
	[sflag:s0] =	ssyncadd.s32 $0xFFFFE000  }
0x18f: {  	[tilespmem:s1], [sflag:$0x4] =	stream.indirect.gather [hbm4b:s4+s26], $0x40, s25, s26, $0xb8;
	[tilespmem:$0x18B80] =	vst v63  }
0x190: {  	_ =	swait.ge [sflag:s11], $0x2000  }
0x191: {  	[sflag:s11] =	ssyncset.done $0x0  }
0x192: {  	s18 =	simm.s32 $0x2C00;
	[sflag:s11] =	ssyncadd.s32 $0xFFFFE000  }
0x193: {  	[spmem:s2] =	stream.indirect.scatter.add.f32 [tilespmem:s28], [sflag:$0x5], $0x40, s18, s26, $0xb8;
	[tilespmem:$0x18B80] =	vst v63  }
0x194: {  	_ =	swait.ge [sflag:s12], $0x2000  }
0x195: {  	[sflag:s12] =	ssyncset.done $0x0  }
0x196: {  	s25 =	simm.s32 $0x2C80;
	[sflag:s12] =	ssyncadd.s32 $0xFFFFE000  }
0x197: {  	[spmem:s2] =	stream.indirect.scatter.add.f32 [tilespmem:s29], [sflag:$0x6], $0x40, s25, s26, $0xb8;
	[tilespmem:$0x18B80] =	vst v63  }
0x198: {  	_ =	swait.ge [sflag:s13], $0x2000  }
0x199: {  	[sflag:s13] =	ssyncset.done $0x0  }
0x19a: {  	s18 =	simm.s32 $0x2D00;
	[sflag:s13] =	ssyncadd.s32 $0xFFFFE000  }
0x19b: {  	[spmem:s2] =	stream.indirect.scatter.add.f32 [tilespmem:s31], [sflag:$0x7], $0x40, s18, s26, $0xb8;
	[tilespmem:$0x18B80] =	vst v63  }
0x19c: {  	_ =	swait.ge [sflag:s14], $0x2000  }
0x19d: {  	[sflag:s14] =	ssyncset.done $0x0  }
0x19e: {  	s25 =	simm.s32 $0x2D80;
	[sflag:s14] =	ssyncadd.s32 $0xFFFFE000  }
0x19f: {  	[spmem:s2] =	stream.indirect.scatter.add.f32 [tilespmem:s1], [sflag:$0x8], $0x40, s25, s26, $0xb8;
	[tilespmem:$0x18B80] =	vst v63  }
0x1a0: {  	_ =	swait.ge [sflag:s15], $0x2000  }
0x1a1: {  	[sflag:s15] =	ssyncset.done $0x0  }
0x1a2: {  	s18 =	simm.s32 $0x600;
	[sflag:s15] =	ssyncadd.s32 $0xFFFFE000  }
0x1a3: {  	[tilespmem:s28], [sflag:$0x1] =	stream.indirect.gather [hbm4b:s4+s26], $0x40, s18, s26, $0xb8;
	[tilespmem:$0x18B80] =	vst v63  }
0x1a4: {  	_ =	swait.ge [sflag:s16], $0x2000  }
0x1a5: {  	[sflag:s16] =	ssyncset.done $0x0  }
0x1a6: {  	s25 =	simm.s32 $0x680;
	[sflag:s16] =	ssyncadd.s32 $0xFFFFE000  }
0x1a7: {  	[tilespmem:s29], [sflag:$0x2] =	stream.indirect.gather [hbm4b:s4+s26], $0x40, s25, s26, $0xb8;
	[tilespmem:$0x18B80] =	vst v63  }
0x1a8: {  	_ =	swait.ge [sflag:s30], $0x2000  }
0x1a9: {  	[sflag:s30] =	ssyncset.done $0x0  }
0x1aa: {  	s18 =	simm.s32 $0x700;
	[sflag:s30] =	ssyncadd.s32 $0xFFFFE000  }
0x1ab: {  	[tilespmem:s31], [sflag:$0x3] =	stream.indirect.gather [hbm4b:s4+s26], $0x40, s18, s26, $0xb8;
	[tilespmem:$0x18B80] =	vst v63  }
0x1ac: {  	_ =	swait.ge [sflag:s0], $0x2000  }
0x1ad: {  	[sflag:s0] =	ssyncset.done $0x0  }
0x1ae: {  	s25 =	simm.s32 $0x780;
	[sflag:s0] =	ssyncadd.s32 $0xFFFFE000  }
0x1af: {  	[tilespmem:s1], [sflag:$0x4] =	stream.indirect.gather [hbm4b:s4+s26], $0x40, s25, s26, $0xb8;
	[tilespmem:$0x18B80] =	vst v63  }
0x1b0: {  	_ =	swait.ge [sflag:s11], $0x2000  }
0x1b1: {  	[sflag:s11] =	ssyncset.done $0x0  }
0x1b2: {  	s18 =	simm.s32 $0x2E00;
	[sflag:s11] =	ssyncadd.s32 $0xFFFFE000  }
0x1b3: {  	[spmem:s2] =	stream.indirect.scatter.add.f32 [tilespmem:s28], [sflag:$0x5], $0x40, s18, s26, $0xb8;
	[tilespmem:$0x18B80] =	vst v63  }
0x1b4: {  	_ =	swait.ge [sflag:s12], $0x2000  }
0x1b5: {  	[sflag:s12] =	ssyncset.done $0x0  }
0x1b6: {  	s25 =	simm.s32 $0x2E80;
	[sflag:s12] =	ssyncadd.s32 $0xFFFFE000  }
0x1b7: {  	[spmem:s2] =	stream.indirect.scatter.add.f32 [tilespmem:s29], [sflag:$0x6], $0x40, s25, s26, $0xb8;
	[tilespmem:$0x18B80] =	vst v63  }
0x1b8: {  	_ =	swait.ge [sflag:s13], $0x2000  }
0x1b9: {  	[sflag:s13] =	ssyncset.done $0x0  }
0x1ba: {  	s18 =	simm.s32 $0x2F00;
	[sflag:s13] =	ssyncadd.s32 $0xFFFFE000  }
0x1bb: {  	[spmem:s2] =	stream.indirect.scatter.add.f32 [tilespmem:s31], [sflag:$0x7], $0x40, s18, s26, $0xb8;
	[tilespmem:$0x18B80] =	vst v63  }
0x1bc: {  	_ =	swait.ge [sflag:s14], $0x2000  }
0x1bd: {  	[sflag:s14] =	ssyncset.done $0x0  }
0x1be: {  	s25 =	simm.s32 $0x2F80;
	[sflag:s14] =	ssyncadd.s32 $0xFFFFE000  }
0x1bf: {  	[spmem:s2] =	stream.indirect.scatter.add.f32 [tilespmem:s1], [sflag:$0x8], $0x40, s25, s26, $0xb8;
	[tilespmem:$0x18B80] =	vst v63  }
0x1c0: {  	_ =	swait.ge [sflag:s15], $0x2000  }
0x1c1: {  	[sflag:s15] =	ssyncset.done $0x0  }
0x1c2: {  	s18 =	simm.s32 $0x800;
	[sflag:s15] =	ssyncadd.s32 $0xFFFFE000  }
0x1c3: {  	[tilespmem:s28], [sflag:$0x1] =	stream.indirect.gather [hbm4b:s4+s26], $0x40, s18, s26, $0xb8;
	[tilespmem:$0x18B80] =	vst v63  }
0x1c4: {  	_ =	swait.ge [sflag:s16], $0x2000  }
0x1c5: {  	[sflag:s16] =	ssyncset.done $0x0  }
0x1c6: {  	s25 =	simm.s32 $0x880;
	[sflag:s16] =	ssyncadd.s32 $0xFFFFE000  }
0x1c7: {  	[tilespmem:s29], [sflag:$0x2] =	stream.indirect.gather [hbm4b:s4+s26], $0x40, s25, s26, $0xb8;
	[tilespmem:$0x18B80] =	vst v63  }
0x1c8: {  	_ =	swait.ge [sflag:s30], $0x2000  }
0x1c9: {  	[sflag:s30] =	ssyncset.done $0x0  }
0x1ca: {  	s18 =	simm.s32 $0x900;
	[sflag:s30] =	ssyncadd.s32 $0xFFFFE000  }
0x1cb: {  	[tilespmem:s31], [sflag:$0x3] =	stream.indirect.gather [hbm4b:s4+s26], $0x40, s18, s26, $0xb8;
	[tilespmem:$0x18B80] =	vst v63  }
0x1cc: {  	_ =	swait.ge [sflag:s0], $0x2000  }
0x1cd: {  	[sflag:s0] =	ssyncset.done $0x0  }
0x1ce: {  	s25 =	simm.s32 $0x980;
	[sflag:s0] =	ssyncadd.s32 $0xFFFFE000  }
0x1cf: {  	[tilespmem:s1], [sflag:$0x4] =	stream.indirect.gather [hbm4b:s4+s26], $0x40, s25, s26, $0xb8;
	[tilespmem:$0x18B80] =	vst v63  }
0x1d0: {  	_ =	swait.ge [sflag:s11], $0x2000  }
0x1d1: {  	[sflag:s11] =	ssyncset.done $0x0  }
0x1d2: {  	s18 =	simm.s32 $0x3000;
	[sflag:s11] =	ssyncadd.s32 $0xFFFFE000  }
0x1d3: {  	[spmem:s2] =	stream.indirect.scatter.add.f32 [tilespmem:s28], [sflag:$0x5], $0x40, s18, s26, $0xb8;
	[tilespmem:$0x18B80] =	vst v63  }
0x1d4: {  	_ =	swait.ge [sflag:s12], $0x2000  }
0x1d5: {  	[sflag:s12] =	ssyncset.done $0x0  }
0x1d6: {  	s25 =	simm.s32 $0x3080;
	[sflag:s12] =	ssyncadd.s32 $0xFFFFE000  }
0x1d7: {  	[spmem:s2] =	stream.indirect.scatter.add.f32 [tilespmem:s29], [sflag:$0x6], $0x40, s25, s26, $0xb8;
	[tilespmem:$0x18B80] =	vst v63  }
0x1d8: {  	_ =	swait.ge [sflag:s13], $0x2000  }
0x1d9: {  	[sflag:s13] =	ssyncset.done $0x0  }
0x1da: {  	s18 =	simm.s32 $0x3100;
	[sflag:s13] =	ssyncadd.s32 $0xFFFFE000  }
0x1db: {  	[spmem:s2] =	stream.indirect.scatter.add.f32 [tilespmem:s31], [sflag:$0x7], $0x40, s18, s26, $0xb8;
	[tilespmem:$0x18B80] =	vst v63  }
0x1dc: {  	_ =	swait.ge [sflag:s14], $0x2000  }
0x1dd: {  	[sflag:s14] =	ssyncset.done $0x0  }
0x1de: {  	s25 =	simm.s32 $0x3180;
	[sflag:s14] =	ssyncadd.s32 $0xFFFFE000  }
0x1df: {  	[spmem:s2] =	stream.indirect.scatter.add.f32 [tilespmem:s1], [sflag:$0x8], $0x40, s25, s26, $0xb8;
	[tilespmem:$0x18B80] =	vst v63  }
0x1e0: {  	_ =	swait.ge [sflag:s15], $0x2000  }
0x1e1: {  	[sflag:s15] =	ssyncset.done $0x0  }
0x1e2: {  	[sflag:s15] =	ssyncadd.s32 $0xFFFFE000  }
0x1e3: {  	_ =	swait.ge [sflag:s16], $0x2000  }
0x1e4: {  	[sflag:s16] =	ssyncset.done $0x0  }
0x1e5: {  	[sflag:s16] =	ssyncadd.s32 $0xFFFFE000  }
0x1e6: {  	_ =	swait.ge [sflag:s30], $0x2000  }
.Ltmp7:
0x1e7: {  	[sflag:s30] =	ssyncset.done $0x0;
	(pc) =	sbr.rel .LBB2_11-.Ltmp7, $4  }
0x1e8: {  	[sflag:s30] =	ssyncadd.s32 $0xFFFFE000  }
0x1e9: {  	_ =	swait.ge [sflag:s0], $0x2000  }
0x1ea: {  	[sflag:s0] =	ssyncset.done $0x0  }
0x1eb: {  	s19 =	simm.s32 $0x2800;
	[sflag:s0] =	ssyncadd.s32 $0xFFFFE000  }
.LBB2_12:
0x1ec: {  	_ =	sfence.sel $0x180000  }
0x1ed: {  	[bflag:$0x0] =	sbarrier.arrive $0xFFFF  }
0x1ee: {  	_ =	strace $0x90000047  }
0x1ef: {  	s0 =	stileid.u32;
	[bflag:$0x2] =	sbarrier.arrive $0xFFFF  }
0x1f0: {  	p0 =	sne.s32 s0, $0x0;
	s0 =	rddreg [dreg:$0x2]  }
0x1f1: {  	s0 =	sadd.s32 @!p0 $0x100000, s0  }
0x1f2: {  	[sflag:s0] =	ssyncadd.tile.s32 @!p0 $0x1;
	_ =	shalt  }
.Lfunc_end2:
_tile_overlayer_lowered:
.L_overlay_start_2:
0x1f3: {  	(tag) =	ssettag $0x2  }
0x1f4: {  	s0 =	rddreg [dreg:$0x0];
	s2 =	stileid.u32  }
0x1f5: {  	s1 =	rddreg [dreg:$0x1];
	p0 =	sne.s32 s2, $0x0  }
0x1f6: {  	s3 =	rddreg [dreg:$0x2];
	[bflag:$0x3] =	sbarrier.arrive $0xFFFF;
	s2 =	simm.s32 @!p0 $0x1C09  }
0x1f7: {  	[timem:s3], [sflag:s2] =	dma.local @!p0 [hbm:s0], s1  }
0x1f8: {  	s0 =	simm.s32 @!p0 $0x9  }
0x1f9: {  	_ =	swait.ge @!p0 [sflag:s0], s1  }
0x1fa: {  	s1 =	ssub.s32 @!p0 $0x0, s1;
	[sflag:s0] =	ssyncset.done @!p0 $0x0  }
0x1fb: {  	[sflag:s0] =	ssyncadd.s32 @!p0 s1  }
0x1fc: {  	[bflag:$0x3] =	sbarrier.arrive $0xFFFF  }
0x1fd: {  	_ =	shalt  }

</sc_bundles>
